<compile_context>
chip_gen: v7x
topology: tpu7x:2x2x1
jax: 0.10.2.dev20260603
libtpu: 0.0.44.dev20260713+nightly
codegen_flags: <defaults>
</compile_context>

<pallas_src>
import functools

import jax
import jax.numpy as jnp
from jax import lax
from jax.experimental import pallas as pl
from jax.experimental.pallas import tpu as pltpu
from jax.experimental.pallas import tpu_sc as plsc

_NC = 2
_NS = 16
_NW = _NC * _NS
_L = 16

_V = 1000
_D = 1000
_B = 1024
_S = 50

_NVG = _D // 8
_NBG = _B // 128
_NITEMS = _NVG * _S
_IPW = -(-_NITEMS // _NW)


def _gather_body(idx_hbm, table_hbm, y5_hbm, idx_v, slab_v, obuf0, obuf1,
                 ssem0, ssem1):
    wid = lax.axis_index("s") * _NC + lax.axis_index("c")
    start = wid * _IPW

    pltpu.sync_copy(idx_hbm, idx_v)

    obufs = (obuf0, obuf1)
    ssems = (ssem0, ssem1)

    def do_item(j, prev_vg, obuf, ssem):
        item = lax.min(start + j, _NITEMS - 1)
        vg = item // _S
        s = item - vg * _S

        @pl.when(vg != prev_vg)
        def _load_slab():
            pltpu.sync_copy(table_hbm.at[:, pl.ds(vg * 8, 8)], slab_v)

        for bg in range(_NBG):
            toks = [idx_v[s, bg, pl.ds(c * _L, _L)] for c in range(8)]

            @plsc.parallel_loop(0, 8, unroll=8)
            def _rows(vr):
                vrv = jnp.full((_L,), vr, dtype=jnp.int32)
                for c in range(8):
                    val = plsc.load_gather(slab_v, [toks[c], vrv])
                    obuf[bg, vr, pl.ds(c * _L, _L)] = val

        pltpu.async_copy(obuf, y5_hbm.at[s, vg], ssem)
        return vg

    def body(p, prev_vg):
        for b in range(2):
            j = 2 * p + b

            @pl.when(p >= 1)
            def _wait_prev():
                pltpu.make_async_copy(
                    obufs[b], y5_hbm.at[0, 0], ssems[b]
                ).wait()

            prev_vg = do_item(j, prev_vg, obufs[b], ssems[b])
        return prev_vg

    lax.fori_loop(0, _IPW // 2, body, jnp.int32(-1))

    pltpu.make_async_copy(obuf0, y5_hbm.at[0, 0], ssem0).wait()
    pltpu.make_async_copy(obuf1, y5_hbm.at[0, 0], ssem1).wait()


_mesh = plsc.VectorSubcoreMesh(
    core_axis_name="c", subcore_axis_name="s",
    num_cores=_NC, num_subcores=_NS,
)

_gather_call = functools.partial(
    pl.kernel,
    out_type=jax.ShapeDtypeStruct((_S, _NVG, _NBG, 8, 128), jnp.float32),
    mesh=_mesh,
    compiler_params=pltpu.CompilerParams(
        use_tc_tiling_on_sc=False, needs_layout_passes=False
    ),
    scratch_types=[
        pltpu.VMEM((_S, _NBG, 128), jnp.int32),
        pltpu.VMEM((_V, 8), jnp.float32),
        pltpu.VMEM((_NBG, 8, 128), jnp.float32),
        pltpu.VMEM((_NBG, 8, 128), jnp.float32),
        pltpu.SemaphoreType.DMA,
        pltpu.SemaphoreType.DMA,
    ],
)(_gather_body)


@jax.jit
def kernel(idx, table):
    idx_t = idx.T.reshape(_S, _NBG, 128).astype(jnp.int32)
    y5 = _gather_call(idx_t, table)
    return y5.transpose(2, 4, 0, 1, 3).reshape(_B, _S, _D)

# --- scband reference (transcript-rebuilt; emitter-appended) ---
"""Pipeline reference for scband-bigram-language-model-42932493091060 (READ-ONLY COPY).

The authoritative reference and input builder live on the scoring server;
editing this copy changes nothing except your own understanding.
"""

import jax, jax.numpy as jnp
import numpy as np

VOCAB = 1000
BATCH = 1024
SEQ = 50


def setup_inputs(seed: int = 0) -> dict:
    key = jax.random.key(seed)
    k_idx, k_tab = jax.random.split(key)
    idx = jax.random.randint(k_idx, (BATCH, SEQ), 0, VOCAB)
    # Learned parameter: token embedding table of shape [vocab_size, vocab_size]
    table = jax.random.normal(k_tab, (VOCAB, VOCAB), dtype=jnp.float32) * 0.02
    return {"idx": idx, "table": table}


def reference(idx, table):
    # nn.Embedding lookup: logits for next token given current token id.
    # Pure gather -> maps to SparseCore-friendly jnp.take.
    logits = jnp.take(table, idx, axis=0)  # [B, S, vocab]
    return logits

if __name__ == "__main__":
    import jax
    _d = setup_inputs()
    print(jax.jit(kernel)(*tuple(_d.values())))

</pallas_src>

<mosaic_0001>
#map = affine_map<(d0, d1) -> (0, 0, 0)>
#map1 = affine_map<(d0, d1) -> (0, 0)>
#map2 = affine_map<(d0, d1) -> (0, 0, 0, 0, 0)>
module attributes {stable_mosaic.version = 14 : i64} {
  func.func @_gather_body(%arg0: i32, %arg1: i32, %arg2: memref<50x8x128xi32, #tpu.memory_space<hbm>>, %arg3: memref<1000x1000xf32, #tpu.memory_space<hbm>>, %arg4: memref<50x125x8x8x128xf32, #tpu.memory_space<hbm>>, %arg5: memref<50x8x128xi32, #tpu.memory_space<vmem>>, %arg6: memref<1000x8xf32, #tpu.memory_space<vmem>>, %arg7: memref<8x8x128xf32, #tpu.memory_space<vmem>>, %arg8: memref<8x8x128xf32, #tpu.memory_space<vmem>>, %arg9: memref<!tpu.dma_semaphore, #tpu.memory_space<semaphore_mem>>, %arg10: memref<!tpu.dma_semaphore, #tpu.memory_space<semaphore_mem>>) attributes {dimension_semantics = [#tpu.dimension_semantics<core_parallel>, #tpu.dimension_semantics<subcore_parallel>], iteration_bounds = array<i64: 2, 16>, scalar_prefetch = 0 : i64, scratch_operands = 6 : i64, tpu.core_type = #tpu.core_type<sc_vector_subcore>, window_params = [{transform_indices = #map}, {transform_indices = #map1}, {transform_indices = #map2}]} {
    %mul3A = arith.constant 2 : i32
    %mul3A_0 = arith.muli %arg1, %mul3A : i32
    %add3A = arith.addi %mul3A_0, %arg0 : i32
    %mul3A_1 = arith.constant 196 : i32
    %mul3A_2 = arith.muli %add3A, %mul3A_1 : i32
    "tpu.region"() ({
      %run_scoped3A = tpu.sem_alloc : memref<!tpu.dma_semaphore, #tpu.memory_space<semaphore_mem>>
      tpu.enqueue_dma source(%arg2 : memref<50x8x128xi32, #tpu.memory_space<hbm>>) target(%arg5 : memref<50x8x128xi32, #tpu.memory_space<vmem>>) target_semaphore(%run_scoped3A : memref<!tpu.dma_semaphore, #tpu.memory_space<semaphore_mem>>)
      tpu.wait_dma2 semaphore(%run_scoped3A : memref<!tpu.dma_semaphore, #tpu.memory_space<semaphore_mem>>) src(%arg2 : memref<50x8x128xi32, #tpu.memory_space<hbm>>) dst(%arg5 : memref<50x8x128xi32, #tpu.memory_space<vmem>>)
      tpu.yield
    }) : () -> ()
    %scan3A = arith.constant -1 : i32
    %scan3A_3 = arith.constant 0 : i32
    %scan3A_4 = arith.constant 98 : i32
    %scan3A_5 = arith.addi %scan3A_3, %scan3A_4 : i32
    %scan3A_6 = arith.constant 1 : i32
    %scan3A_7 = scf.for %scan3A_32 = %scan3A_3 to %scan3A_5 step %scan3A_6 iter_args(%scan3A_33 = %scan3A) -> (i32)  : i32 {
      %mul3A_34 = arith.constant 2 : i32
      %mul3A_35 = arith.muli %mul3A_34, %scan3A_32 : i32
      %add3A_36 = arith.constant 0 : i32
      %add3A_37 = arith.addi %mul3A_35, %add3A_36 : i32
      %ge3A = arith.constant 1 : i32
      %ge3A_38 = arith.cmpi sge, %scan3A_32, %ge3A : i32
      %convert_element_type3A = arith.extui %ge3A_38 : i1 to i32
      %cond3A = arith.constant 0 : i32
      %cond3A_39 = arith.cmpi ne, %convert_element_type3A, %cond3A : i32
      scf.if %cond3A_39 {
        %dma_wait3A_813 = arith.constant 0 : i32
        %dma_wait3A_814 = arith.constant 0 : i32
        %dma_wait3A_815 = arith.constant 0 : i32
        %dma_wait3A_816 = arith.constant 0 : i32
        %dma_wait3A_817 = arith.constant 0 : i32
        %dma_wait3A_818 = tpu.memref_slice %arg4[%dma_wait3A_813, %dma_wait3A_814, %dma_wait3A_815, %dma_wait3A_816, %dma_wait3A_817] : memref<50x125x8x8x128xf32, #tpu.memory_space<hbm>> -> memref<1x1x8x8x128xf32, #tpu.memory_space<hbm>>
        %dma_wait3A_819 = tpu.memref_squeeze %dma_wait3A_818 : memref<1x1x8x8x128xf32, #tpu.memory_space<hbm>> -> memref<8x8x128xf32, #tpu.memory_space<hbm>>
        %dma_wait3A_820 = arith.constant 0 : i32
        %dma_wait3A_821 = arith.constant 0 : i32
        %dma_wait3A_822 = arith.constant 0 : i32
        %dma_wait3A_823 = tpu.memref_slice %arg4[%dma_wait3A_813, %dma_wait3A_814, %dma_wait3A_820, %dma_wait3A_821, %dma_wait3A_822] : memref<50x125x8x8x128xf32, #tpu.memory_space<hbm>> -> memref<1x1x8x8x128xf32, #tpu.memory_space<hbm>>
        %dma_wait3A_824 = tpu.memref_squeeze %dma_wait3A_823 : memref<1x1x8x8x128xf32, #tpu.memory_space<hbm>> -> memref<8x8x128xf32, #tpu.memory_space<hbm>>
        tpu.wait_dma2 semaphore(%arg9 : memref<!tpu.dma_semaphore, #tpu.memory_space<semaphore_mem>>) src(%arg7 : memref<8x8x128xf32, #tpu.memory_space<vmem>>) dst(%dma_wait3A_824 : memref<8x8x128xf32, #tpu.memory_space<hbm>>)
      } else {
      }
      %add3A_40 = arith.addi %mul3A_2, %add3A_37 : i32
      %min3A = arith.constant 6249 : i32
      %min3A_41 = arith.minsi %add3A_40, %min3A : i32
      %jit3A = arith.constant 50 : i32
      %div3A = arith.divsi %min3A_41, %jit3A : i32
      %sign3A = arith.constant 0 : i32
      %sign3A_42 = arith.cmpi sgt, %min3A_41, %sign3A : i32
      %sign3A_43 = arith.extui %sign3A_42 : i1 to i32
      %sign3A_44 = arith.constant 0 : i32
      %sign3A_45 = arith.cmpi slt, %min3A_41, %sign3A_44 : i32
      %sign3A_46 = arith.extui %sign3A_45 : i1 to i32
      %sign3A_47 = arith.subi %sign3A_43, %sign3A_46 : i32
      %sign3A_48 = arith.constant 0 : i32
      %sign3A_49 = arith.cmpi sgt, %jit3A, %sign3A_48 : i32
      %sign3A_50 = arith.extui %sign3A_49 : i1 to i32
      %sign3A_51 = arith.constant 0 : i32
      %sign3A_52 = arith.cmpi slt, %jit3A, %sign3A_51 : i32
      %sign3A_53 = arith.extui %sign3A_52 : i1 to i32
      %sign3A_54 = arith.subi %sign3A_50, %sign3A_53 : i32
      %ne3A = arith.cmpi ne, %sign3A_47, %sign3A_54 : i32
      %rem3A = arith.remsi %min3A_41, %jit3A : i32
      %ne3A_55 = arith.constant 0 : i32
      %ne3A_56 = arith.cmpi ne, %rem3A, %ne3A_55 : i32
      %and3A = arith.andi %ne3A, %ne3A_56 : i1
      %sub3A = arith.constant 1 : i32
      %sub3A_57 = arith.subi %div3A, %sub3A : i32
      %select_n3A = arith.select %and3A, %sub3A_57, %div3A : i32
      %mul3A_58 = arith.constant 50 : i32
      %mul3A_59 = arith.muli %select_n3A, %mul3A_58 : i32
      %sub3A_60 = arith.subi %min3A_41, %mul3A_59 : i32
      %ne3A_61 = arith.cmpi ne, %select_n3A, %scan3A_33 : i32
      %convert_element_type3A_62 = arith.extui %ne3A_61 : i1 to i32
      %cond3A_63 = arith.constant 0 : i32
      %cond3A_64 = arith.cmpi ne, %convert_element_type3A_62, %cond3A_63 : i32
      scf.if %cond3A_64 {
        %mul3A_813 = arith.constant 8 : i32
        %mul3A_814 = arith.muli %select_n3A, %mul3A_813 : i32
        "tpu.region"() ({
          %run_scoped3A = tpu.sem_alloc : memref<!tpu.dma_semaphore, #tpu.memory_space<semaphore_mem>>
          %dma_start3A_815 = arith.constant 0 : i32
          %dma_start3A_816 = tpu.memref_slice %arg3[%dma_start3A_815, %mul3A_814] : memref<1000x1000xf32, #tpu.memory_space<hbm>> -> memref<1000x8xf32, #tpu.memory_space<hbm>>
          %dma_start3A_817 = arith.constant 0 : i32
          %dma_start3A_818 = tpu.memref_slice %arg3[%dma_start3A_817, %mul3A_814] : memref<1000x1000xf32, #tpu.memory_space<hbm>> -> memref<1000x8xf32, #tpu.memory_space<hbm>>
          tpu.enqueue_dma source(%dma_start3A_818 : memref<1000x8xf32, #tpu.memory_space<hbm>>) target(%arg6 : memref<1000x8xf32, #tpu.memory_space<vmem>>) target_semaphore(%run_scoped3A : memref<!tpu.dma_semaphore, #tpu.memory_space<semaphore_mem>>)
          %dma_wait3A_819 = arith.constant 0 : i32
          %dma_wait3A_820 = tpu.memref_slice %arg3[%dma_wait3A_819, %mul3A_814] : memref<1000x1000xf32, #tpu.memory_space<hbm>> -> memref<1000x8xf32, #tpu.memory_space<hbm>>
          %dma_wait3A_821 = arith.constant 0 : i32
          %dma_wait3A_822 = tpu.memref_slice %arg3[%dma_wait3A_821, %mul3A_814] : memref<1000x1000xf32, #tpu.memory_space<hbm>> -> memref<1000x8xf32, #tpu.memory_space<hbm>>
          tpu.wait_dma2 semaphore(%run_scoped3A : memref<!tpu.dma_semaphore, #tpu.memory_space<semaphore_mem>>) src(%dma_wait3A_822 : memref<1000x8xf32, #tpu.memory_space<hbm>>) dst(%arg6 : memref<1000x8xf32, #tpu.memory_space<vmem>>)
          tpu.yield
        }) : () -> ()
      } else {
      }
      %get3A = arith.constant 0 : i32
      %get3A_65 = arith.index_cast %sub3A_60 : i32 to index
      %get3A_66 = arith.index_cast %get3A : i32 to index
      %get3A_67 = arith.constant 0 : index
      %get3A_68 = tpu.vector_load %arg5[%get3A_65, %get3A_66, %get3A_67] {strides = array<i32>} : memref<50x8x128xi32, #tpu.memory_space<vmem>>, vector<16xi32>,
      %get3A_69 = arith.constant 0 : i32
      %get3A_70 = arith.index_cast %sub3A_60 : i32 to index
      %get3A_71 = arith.index_cast %get3A_69 : i32 to index
      %get3A_72 = arith.constant 16 : index
      %get3A_73 = tpu.vector_load %arg5[%get3A_70, %get3A_71, %get3A_72] {strides = array<i32>} : memref<50x8x128xi32, #tpu.memory_space<vmem>>, vector<16xi32>,
      %get3A_74 = arith.constant 0 : i32
      %get3A_75 = arith.index_cast %sub3A_60 : i32 to index
      %get3A_76 = arith.index_cast %get3A_74 : i32 to index
      %get3A_77 = arith.constant 32 : index
      %get3A_78 = tpu.vector_load %arg5[%get3A_75, %get3A_76, %get3A_77] {strides = array<i32>} : memref<50x8x128xi32, #tpu.memory_space<vmem>>, vector<16xi32>,
      %get3A_79 = arith.constant 0 : i32
      %get3A_80 = arith.index_cast %sub3A_60 : i32 to index
      %get3A_81 = arith.index_cast %get3A_79 : i32 to index
      %get3A_82 = arith.constant 48 : index
      %get3A_83 = tpu.vector_load %arg5[%get3A_80, %get3A_81, %get3A_82] {strides = array<i32>} : memref<50x8x128xi32, #tpu.memory_space<vmem>>, vector<16xi32>,
      %get3A_84 = arith.constant 0 : i32
      %get3A_85 = arith.index_cast %sub3A_60 : i32 to index
      %get3A_86 = arith.index_cast %get3A_84 : i32 to index
      %get3A_87 = arith.constant 64 : index
      %get3A_88 = tpu.vector_load %arg5[%get3A_85, %get3A_86, %get3A_87] {strides = array<i32>} : memref<50x8x128xi32, #tpu.memory_space<vmem>>, vector<16xi32>,
      %get3A_89 = arith.constant 0 : i32
      %get3A_90 = arith.index_cast %sub3A_60 : i32 to index
      %get3A_91 = arith.index_cast %get3A_89 : i32 to index
      %get3A_92 = arith.constant 80 : index
      %get3A_93 = tpu.vector_load %arg5[%get3A_90, %get3A_91, %get3A_92] {strides = array<i32>} : memref<50x8x128xi32, #tpu.memory_space<vmem>>, vector<16xi32>,
      %get3A_94 = arith.constant 0 : i32
      %get3A_95 = arith.index_cast %sub3A_60 : i32 to index
      %get3A_96 = arith.index_cast %get3A_94 : i32 to index
      %get3A_97 = arith.constant 96 : index
      %get3A_98 = tpu.vector_load %arg5[%get3A_95, %get3A_96, %get3A_97] {strides = array<i32>} : memref<50x8x128xi32, #tpu.memory_space<vmem>>, vector<16xi32>,
      %get3A_99 = arith.constant 0 : i32
      %get3A_100 = arith.index_cast %sub3A_60 : i32 to index
      %get3A_101 = arith.index_cast %get3A_99 : i32 to index
      %get3A_102 = arith.constant 112 : index
      %get3A_103 = tpu.vector_load %arg5[%get3A_100, %get3A_101, %get3A_102] {strides = array<i32>} : memref<50x8x128xi32, #tpu.memory_space<vmem>>, vector<16xi32>,
      %parallel_loop3A = arith.constant 0 : i32
      %parallel_loop3A_104 = arith.constant 8 : i32
      %parallel_loop3A_105 = arith.constant 1 : i32
      scf.for %parallel_loop3A_813 = %parallel_loop3A to %parallel_loop3A_104 step %parallel_loop3A_105  : i32 {
        %parallel_loop3A_814 = vector.broadcast %parallel_loop3A_813 : i32 to vector<16xi32>
        %parallel_loop3A_815 = tpu.vector_load_idx %arg6[%get3A_68, %parallel_loop3A_814] : memref<1000x8xf32, #tpu.memory_space<vmem>>[vector<16xi32>, vector<16xi32>], vector<16xf32>,
        %parallel_loop3A_816 = arith.constant 0 : i32
        %parallel_loop3A_817 = arith.index_cast %parallel_loop3A_816 : i32 to index
        %parallel_loop3A_818 = arith.index_cast %parallel_loop3A_813 : i32 to index
        %parallel_loop3A_819 = arith.constant 0 : index
        %parallel_loop3A_820 = tpu.vector_load %arg7[%parallel_loop3A_817, %parallel_loop3A_818, %parallel_loop3A_819] {strides = array<i32>} : memref<8x8x128xf32, #tpu.memory_space<vmem>>, vector<16xf32>,
        tpu.vector_store %arg7[%parallel_loop3A_817, %parallel_loop3A_818, %parallel_loop3A_819], %parallel_loop3A_815 {strides = array<i32>} : memref<8x8x128xf32, #tpu.memory_space<vmem>>, vector<16xf32>,
        %parallel_loop3A_821 = tpu.vector_load_idx %arg6[%get3A_73, %parallel_loop3A_814] : memref<1000x8xf32, #tpu.memory_space<vmem>>[vector<16xi32>, vector<16xi32>], vector<16xf32>,
        %parallel_loop3A_822 = arith.constant 0 : i32
        %parallel_loop3A_823 = arith.index_cast %parallel_loop3A_822 : i32 to index
        %parallel_loop3A_824 = arith.index_cast %parallel_loop3A_813 : i32 to index
        %parallel_loop3A_825 = arith.constant 16 : index
        %parallel_loop3A_826 = tpu.vector_load %arg7[%parallel_loop3A_823, %parallel_loop3A_824, %parallel_loop3A_825] {strides = array<i32>} : memref<8x8x128xf32, #tpu.memory_space<vmem>>, vector<16xf32>,
        tpu.vector_store %arg7[%parallel_loop3A_823, %parallel_loop3A_824, %parallel_loop3A_825], %parallel_loop3A_821 {strides = array<i32>} : memref<8x8x128xf32, #tpu.memory_space<vmem>>, vector<16xf32>,
        %parallel_loop3A_827 = tpu.vector_load_idx %arg6[%get3A_78, %parallel_loop3A_814] : memref<1000x8xf32, #tpu.memory_space<vmem>>[vector<16xi32>, vector<16xi32>], vector<16xf32>,
        %parallel_loop3A_828 = arith.constant 0 : i32
        %parallel_loop3A_829 = arith.index_cast %parallel_loop3A_828 : i32 to index
        %parallel_loop3A_830 = arith.index_cast %parallel_loop3A_813 : i32 to index
        %parallel_loop3A_831 = arith.constant 32 : index
        %parallel_loop3A_832 = tpu.vector_load %arg7[%parallel_loop3A_829, %parallel_loop3A_830, %parallel_loop3A_831] {strides = array<i32>} : memref<8x8x128xf32, #tpu.memory_space<vmem>>, vector<16xf32>,
        tpu.vector_store %arg7[%parallel_loop3A_829, %parallel_loop3A_830, %parallel_loop3A_831], %parallel_loop3A_827 {strides = array<i32>} : memref<8x8x128xf32, #tpu.memory_space<vmem>>, vector<16xf32>,
        %parallel_loop3A_833 = tpu.vector_load_idx %arg6[%get3A_83, %parallel_loop3A_814] : memref<1000x8xf32, #tpu.memory_space<vmem>>[vector<16xi32>, vector<16xi32>], vector<16xf32>,
        %parallel_loop3A_834 = arith.constant 0 : i32
        %parallel_loop3A_835 = arith.index_cast %parallel_loop3A_834 : i32 to index
        %parallel_loop3A_836 = arith.index_cast %parallel_loop3A_813 : i32 to index
        %parallel_loop3A_837 = arith.constant 48 : index
        %parallel_loop3A_838 = tpu.vector_load %arg7[%parallel_loop3A_835, %parallel_loop3A_836, %parallel_loop3A_837] {strides = array<i32>} : memref<8x8x128xf32, #tpu.memory_space<vmem>>, vector<16xf32>,
        tpu.vector_store %arg7[%parallel_loop3A_835, %parallel_loop3A_836, %parallel_loop3A_837], %parallel_loop3A_833 {strides = array<i32>} : memref<8x8x128xf32, #tpu.memory_space<vmem>>, vector<16xf32>,
        %parallel_loop3A_839 = tpu.vector_load_idx %arg6[%get3A_88, %parallel_loop3A_814] : memref<1000x8xf32, #tpu.memory_space<vmem>>[vector<16xi32>, vector<16xi32>], vector<16xf32>,
        %parallel_loop3A_840 = arith.constant 0 : i32
        %parallel_loop3A_841 = arith.index_cast %parallel_loop3A_840 : i32 to index
        %parallel_loop3A_842 = arith.index_cast %parallel_loop3A_813 : i32 to index
        %parallel_loop3A_843 = arith.constant 64 : index
        %parallel_loop3A_844 = tpu.vector_load %arg7[%parallel_loop3A_841, %parallel_loop3A_842, %parallel_loop3A_843] {strides = array<i32>} : memref<8x8x128xf32, #tpu.memory_space<vmem>>, vector<16xf32>,
        tpu.vector_store %arg7[%parallel_loop3A_841, %parallel_loop3A_842, %parallel_loop3A_843], %parallel_loop3A_839 {strides = array<i32>} : memref<8x8x128xf32, #tpu.memory_space<vmem>>, vector<16xf32>,
        %parallel_loop3A_845 = tpu.vector_load_idx %arg6[%get3A_93, %parallel_loop3A_814] : memref<1000x8xf32, #tpu.memory_space<vmem>>[vector<16xi32>, vector<16xi32>], vector<16xf32>,
        %parallel_loop3A_846 = arith.constant 0 : i32
        %parallel_loop3A_847 = arith.index_cast %parallel_loop3A_846 : i32 to index
        %parallel_loop3A_848 = arith.index_cast %parallel_loop3A_813 : i32 to index
        %parallel_loop3A_849 = arith.constant 80 : index
        %parallel_loop3A_850 = tpu.vector_load %arg7[%parallel_loop3A_847, %parallel_loop3A_848, %parallel_loop3A_849] {strides = array<i32>} : memref<8x8x128xf32, #tpu.memory_space<vmem>>, vector<16xf32>,
        tpu.vector_store %arg7[%parallel_loop3A_847, %parallel_loop3A_848, %parallel_loop3A_849], %parallel_loop3A_845 {strides = array<i32>} : memref<8x8x128xf32, #tpu.memory_space<vmem>>, vector<16xf32>,
        %parallel_loop3A_851 = tpu.vector_load_idx %arg6[%get3A_98, %parallel_loop3A_814] : memref<1000x8xf32, #tpu.memory_space<vmem>>[vector<16xi32>, vector<16xi32>], vector<16xf32>,
        %parallel_loop3A_852 = arith.constant 0 : i32
        %parallel_loop3A_853 = arith.index_cast %parallel_loop3A_852 : i32 to index
        %parallel_loop3A_854 = arith.index_cast %parallel_loop3A_813 : i32 to index
        %parallel_loop3A_855 = arith.constant 96 : index
        %parallel_loop3A_856 = tpu.vector_load %arg7[%parallel_loop3A_853, %parallel_loop3A_854, %parallel_loop3A_855] {strides = array<i32>} : memref<8x8x128xf32, #tpu.memory_space<vmem>>, vector<16xf32>,
        tpu.vector_store %arg7[%parallel_loop3A_853, %parallel_loop3A_854, %parallel_loop3A_855], %parallel_loop3A_851 {strides = array<i32>} : memref<8x8x128xf32, #tpu.memory_space<vmem>>, vector<16xf32>,
        %parallel_loop3A_857 = tpu.vector_load_idx %arg6[%get3A_103, %parallel_loop3A_814] : memref<1000x8xf32, #tpu.memory_space<vmem>>[vector<16xi32>, vector<16xi32>], vector<16xf32>,
        %parallel_loop3A_858 = arith.constant 0 : i32
        %parallel_loop3A_859 = arith.index_cast %parallel_loop3A_858 : i32 to index
        %parallel_loop3A_860 = arith.index_cast %parallel_loop3A_813 : i32 to index
        %parallel_loop3A_861 = arith.constant 112 : index
        %parallel_loop3A_862 = tpu.vector_load %arg7[%parallel_loop3A_859, %parallel_loop3A_860, %parallel_loop3A_861] {strides = array<i32>} : memref<8x8x128xf32, #tpu.memory_space<vmem>>, vector<16xf32>,
        tpu.vector_store %arg7[%parallel_loop3A_859, %parallel_loop3A_860, %parallel_loop3A_861], %parallel_loop3A_857 {strides = array<i32>} : memref<8x8x128xf32, #tpu.memory_space<vmem>>, vector<16xf32>,
      } {sc.loop_unroll_factor = 8 : i64, sc.parallel_access}
      %get3A_106 = arith.constant 1 : i32
      %get3A_107 = arith.index_cast %sub3A_60 : i32 to index
      %get3A_108 = arith.index_cast %get3A_106 : i32 to index
      %get3A_109 = arith.constant 0 : index
      %get3A_110 = tpu.vector_load %arg5[%get3A_107, %get3A_108, %get3A_109] {strides = array<i32>} : memref<50x8x128xi32, #tpu.memory_space<vmem>>, vector<16xi32>,
      %get3A_111 = arith.constant 1 : i32
      %get3A_112 = arith.index_cast %sub3A_60 : i32 to index
      %get3A_113 = arith.index_cast %get3A_111 : i32 to index
      %get3A_114 = arith.constant 16 : index
      %get3A_115 = tpu.vector_load %arg5[%get3A_112, %get3A_113, %get3A_114] {strides = array<i32>} : memref<50x8x128xi32, #tpu.memory_space<vmem>>, vector<16xi32>,
      %get3A_116 = arith.constant 1 : i32
      %get3A_117 = arith.index_cast %sub3A_60 : i32 to index
      %get3A_118 = arith.index_cast %get3A_116 : i32 to index
      %get3A_119 = arith.constant 32 : index
      %get3A_120 = tpu.vector_load %arg5[%get3A_117, %get3A_118, %get3A_119] {strides = array<i32>} : memref<50x8x128xi32, #tpu.memory_space<vmem>>, vector<16xi32>,
      %get3A_121 = arith.constant 1 : i32
      %get3A_122 = arith.index_cast %sub3A_60 : i32 to index
      %get3A_123 = arith.index_cast %get3A_121 : i32 to index
      %get3A_124 = arith.constant 48 : index
      %get3A_125 = tpu.vector_load %arg5[%get3A_122, %get3A_123, %get3A_124] {strides = array<i32>} : memref<50x8x128xi32, #tpu.memory_space<vmem>>, vector<16xi32>,
      %get3A_126 = arith.constant 1 : i32
      %get3A_127 = arith.index_cast %sub3A_60 : i32 to index
      %get3A_128 = arith.index_cast %get3A_126 : i32 to index
      %get3A_129 = arith.constant 64 : index
      %get3A_130 = tpu.vector_load %arg5[%get3A_127, %get3A_128, %get3A_129] {strides = array<i32>} : memref<50x8x128xi32, #tpu.memory_space<vmem>>, vector<16xi32>,
      %get3A_131 = arith.constant 1 : i32
      %get3A_132 = arith.index_cast %sub3A_60 : i32 to index
      %get3A_133 = arith.index_cast %get3A_131 : i32 to index
      %get3A_134 = arith.constant 80 : index
      %get3A_135 = tpu.vector_load %arg5[%get3A_132, %get3A_133, %get3A_134] {strides = array<i32>} : memref<50x8x128xi32, #tpu.memory_space<vmem>>, vector<16xi32>,
      %get3A_136 = arith.constant 1 : i32
      %get3A_137 = arith.index_cast %sub3A_60 : i32 to index
      %get3A_138 = arith.index_cast %get3A_136 : i32 to index
      %get3A_139 = arith.constant 96 : index
      %get3A_140 = tpu.vector_load %arg5[%get3A_137, %get3A_138, %get3A_139] {strides = array<i32>} : memref<50x8x128xi32, #tpu.memory_space<vmem>>, vector<16xi32>,
      %get3A_141 = arith.constant 1 : i32
      %get3A_142 = arith.index_cast %sub3A_60 : i32 to index
      %get3A_143 = arith.index_cast %get3A_141 : i32 to index
      %get3A_144 = arith.constant 112 : index
      %get3A_145 = tpu.vector_load %arg5[%get3A_142, %get3A_143, %get3A_144] {strides = array<i32>} : memref<50x8x128xi32, #tpu.memory_space<vmem>>, vector<16xi32>,
      %parallel_loop3A_146 = arith.constant 0 : i32
      %parallel_loop3A_147 = arith.constant 8 : i32
      %parallel_loop3A_148 = arith.constant 1 : i32
      scf.for %parallel_loop3A_813 = %parallel_loop3A_146 to %parallel_loop3A_147 step %parallel_loop3A_148  : i32 {
        %parallel_loop3A_814 = vector.broadcast %parallel_loop3A_813 : i32 to vector<16xi32>
        %parallel_loop3A_815 = tpu.vector_load_idx %arg6[%get3A_110, %parallel_loop3A_814] : memref<1000x8xf32, #tpu.memory_space<vmem>>[vector<16xi32>, vector<16xi32>], vector<16xf32>,
        %parallel_loop3A_816 = arith.constant 1 : i32
        %parallel_loop3A_817 = arith.index_cast %parallel_loop3A_816 : i32 to index
        %parallel_loop3A_818 = arith.index_cast %parallel_loop3A_813 : i32 to index
        %parallel_loop3A_819 = arith.constant 0 : index
        %parallel_loop3A_820 = tpu.vector_load %arg7[%parallel_loop3A_817, %parallel_loop3A_818, %parallel_loop3A_819] {strides = array<i32>} : memref<8x8x128xf32, #tpu.memory_space<vmem>>, vector<16xf32>,
        tpu.vector_store %arg7[%parallel_loop3A_817, %parallel_loop3A_818, %parallel_loop3A_819], %parallel_loop3A_815 {strides = array<i32>} : memref<8x8x128xf32, #tpu.memory_space<vmem>>, vector<16xf32>,
        %parallel_loop3A_821 = tpu.vector_load_idx %arg6[%get3A_115, %parallel_loop3A_814] : memref<1000x8xf32, #tpu.memory_space<vmem>>[vector<16xi32>, vector<16xi32>], vector<16xf32>,
        %parallel_loop3A_822 = arith.constant 1 : i32
        %parallel_loop3A_823 = arith.index_cast %parallel_loop3A_822 : i32 to index
        %parallel_loop3A_824 = arith.index_cast %parallel_loop3A_813 : i32 to index
        %parallel_loop3A_825 = arith.constant 16 : index
        %parallel_loop3A_826 = tpu.vector_load %arg7[%parallel_loop3A_823, %parallel_loop3A_824, %parallel_loop3A_825] {strides = array<i32>} : memref<8x8x128xf32, #tpu.memory_space<vmem>>, vector<16xf32>,
        tpu.vector_store %arg7[%parallel_loop3A_823, %parallel_loop3A_824, %parallel_loop3A_825], %parallel_loop3A_821 {strides = array<i32>} : memref<8x8x128xf32, #tpu.memory_space<vmem>>, vector<16xf32>,
        %parallel_loop3A_827 = tpu.vector_load_idx %arg6[%get3A_120, %parallel_loop3A_814] : memref<1000x8xf32, #tpu.memory_space<vmem>>[vector<16xi32>, vector<16xi32>], vector<16xf32>,
        %parallel_loop3A_828 = arith.constant 1 : i32
        %parallel_loop3A_829 = arith.index_cast %parallel_loop3A_828 : i32 to index
        %parallel_loop3A_830 = arith.index_cast %parallel_loop3A_813 : i32 to index
        %parallel_loop3A_831 = arith.constant 32 : index
        %parallel_loop3A_832 = tpu.vector_load %arg7[%parallel_loop3A_829, %parallel_loop3A_830, %parallel_loop3A_831] {strides = array<i32>} : memref<8x8x128xf32, #tpu.memory_space<vmem>>, vector<16xf32>,
        tpu.vector_store %arg7[%parallel_loop3A_829, %parallel_loop3A_830, %parallel_loop3A_831], %parallel_loop3A_827 {strides = array<i32>} : memref<8x8x128xf32, #tpu.memory_space<vmem>>, vector<16xf32>,
        %parallel_loop3A_833 = tpu.vector_load_idx %arg6[%get3A_125, %parallel_loop3A_814] : memref<1000x8xf32, #tpu.memory_space<vmem>>[vector<16xi32>, vector<16xi32>], vector<16xf32>,
        %parallel_loop3A_834 = arith.constant 1 : i32
        %parallel_loop3A_835 = arith.index_cast %parallel_loop3A_834 : i32 to index
        %parallel_loop3A_836 = arith.index_cast %parallel_loop3A_813 : i32 to index
        %parallel_loop3A_837 = arith.constant 48 : index
        %parallel_loop3A_838 = tpu.vector_load %arg7[%parallel_loop3A_835, %parallel_loop3A_836, %parallel_loop3A_837] {strides = array<i32>} : memref<8x8x128xf32, #tpu.memory_space<vmem>>, vector<16xf32>,
        tpu.vector_store %arg7[%parallel_loop3A_835, %parallel_loop3A_836, %parallel_loop3A_837], %parallel_loop3A_833 {strides = array<i32>} : memref<8x8x128xf32, #tpu.memory_space<vmem>>, vector<16xf32>,
        %parallel_loop3A_839 = tpu.vector_load_idx %arg6[%get3A_130, %parallel_loop3A_814] : memref<1000x8xf32, #tpu.memory_space<vmem>>[vector<16xi32>, vector<16xi32>], vector<16xf32>,
        %parallel_loop3A_840 = arith.constant 1 : i32
        %parallel_loop3A_841 = arith.index_cast %parallel_loop3A_840 : i32 to index
        %parallel_loop3A_842 = arith.index_cast %parallel_loop3A_813 : i32 to index
        %parallel_loop3A_843 = arith.constant 64 : index
        %parallel_loop3A_844 = tpu.vector_load %arg7[%parallel_loop3A_841, %parallel_loop3A_842, %parallel_loop3A_843] {strides = array<i32>} : memref<8x8x128xf32, #tpu.memory_space<vmem>>, vector<16xf32>,
        tpu.vector_store %arg7[%parallel_loop3A_841, %parallel_loop3A_842, %parallel_loop3A_843], %parallel_loop3A_839 {strides = array<i32>} : memref<8x8x128xf32, #tpu.memory_space<vmem>>, vector<16xf32>,
        %parallel_loop3A_845 = tpu.vector_load_idx %arg6[%get3A_135, %parallel_loop3A_814] : memref<1000x8xf32, #tpu.memory_space<vmem>>[vector<16xi32>, vector<16xi32>], vector<16xf32>,
        %parallel_loop3A_846 = arith.constant 1 : i32
        %parallel_loop3A_847 = arith.index_cast %parallel_loop3A_846 : i32 to index
        %parallel_loop3A_848 = arith.index_cast %parallel_loop3A_813 : i32 to index
        %parallel_loop3A_849 = arith.constant 80 : index
        %parallel_loop3A_850 = tpu.vector_load %arg7[%parallel_loop3A_847, %parallel_loop3A_848, %parallel_loop3A_849] {strides = array<i32>} : memref<8x8x128xf32, #tpu.memory_space<vmem>>, vector<16xf32>,
        tpu.vector_store %arg7[%parallel_loop3A_847, %parallel_loop3A_848, %parallel_loop3A_849], %parallel_loop3A_845 {strides = array<i32>} : memref<8x8x128xf32, #tpu.memory_space<vmem>>, vector<16xf32>,
        %parallel_loop3A_851 = tpu.vector_load_idx %arg6[%get3A_140, %parallel_loop3A_814] : memref<1000x8xf32, #tpu.memory_space<vmem>>[vector<16xi32>, vector<16xi32>], vector<16xf32>,
        %parallel_loop3A_852 = arith.constant 1 : i32
        %parallel_loop3A_853 = arith.index_cast %parallel_loop3A_852 : i32 to index
        %parallel_loop3A_854 = arith.index_cast %parallel_loop3A_813 : i32 to index
        %parallel_loop3A_855 = arith.constant 96 : index
        %parallel_loop3A_856 = tpu.vector_load %arg7[%parallel_loop3A_853, %parallel_loop3A_854, %parallel_loop3A_855] {strides = array<i32>} : memref<8x8x128xf32, #tpu.memory_space<vmem>>, vector<16xf32>,
        tpu.vector_store %arg7[%parallel_loop3A_853, %parallel_loop3A_854, %parallel_loop3A_855], %parallel_loop3A_851 {strides = array<i32>} : memref<8x8x128xf32, #tpu.memory_space<vmem>>, vector<16xf32>,
        %parallel_loop3A_857 = tpu.vector_load_idx %arg6[%get3A_145, %parallel_loop3A_814] : memref<1000x8xf32, #tpu.memory_space<vmem>>[vector<16xi32>, vector<16xi32>], vector<16xf32>,
        %parallel_loop3A_858 = arith.constant 1 : i32
        %parallel_loop3A_859 = arith.index_cast %parallel_loop3A_858 : i32 to index
        %parallel_loop3A_860 = arith.index_cast %parallel_loop3A_813 : i32 to index
        %parallel_loop3A_861 = arith.constant 112 : index
        %parallel_loop3A_862 = tpu.vector_load %arg7[%parallel_loop3A_859, %parallel_loop3A_860, %parallel_loop3A_861] {strides = array<i32>} : memref<8x8x128xf32, #tpu.memory_space<vmem>>, vector<16xf32>,
        tpu.vector_store %arg7[%parallel_loop3A_859, %parallel_loop3A_860, %parallel_loop3A_861], %parallel_loop3A_857 {strides = array<i32>} : memref<8x8x128xf32, #tpu.memory_space<vmem>>, vector<16xf32>,
      } {sc.loop_unroll_factor = 8 : i64, sc.parallel_access}
      %get3A_149 = arith.constant 2 : i32
      %get3A_150 = arith.index_cast %sub3A_60 : i32 to index
      %get3A_151 = arith.index_cast %get3A_149 : i32 to index
      %get3A_152 = arith.constant 0 : index
      %get3A_153 = tpu.vector_load %arg5[%get3A_150, %get3A_151, %get3A_152] {strides = array<i32>} : memref<50x8x128xi32, #tpu.memory_space<vmem>>, vector<16xi32>,
      %get3A_154 = arith.constant 2 : i32
      %get3A_155 = arith.index_cast %sub3A_60 : i32 to index
      %get3A_156 = arith.index_cast %get3A_154 : i32 to index
      %get3A_157 = arith.constant 16 : index
      %get3A_158 = tpu.vector_load %arg5[%get3A_155, %get3A_156, %get3A_157] {strides = array<i32>} : memref<50x8x128xi32, #tpu.memory_space<vmem>>, vector<16xi32>,
      %get3A_159 = arith.constant 2 : i32
      %get3A_160 = arith.index_cast %sub3A_60 : i32 to index
      %get3A_161 = arith.index_cast %get3A_159 : i32 to index
      %get3A_162 = arith.constant 32 : index
      %get3A_163 = tpu.vector_load %arg5[%get3A_160, %get3A_161, %get3A_162] {strides = array<i32>} : memref<50x8x128xi32, #tpu.memory_space<vmem>>, vector<16xi32>,
      %get3A_164 = arith.constant 2 : i32
      %get3A_165 = arith.index_cast %sub3A_60 : i32 to index
      %get3A_166 = arith.index_cast %get3A_164 : i32 to index
      %get3A_167 = arith.constant 48 : index
      %get3A_168 = tpu.vector_load %arg5[%get3A_165, %get3A_166, %get3A_167] {strides = array<i32>} : memref<50x8x128xi32, #tpu.memory_space<vmem>>, vector<16xi32>,
      %get3A_169 = arith.constant 2 : i32
      %get3A_170 = arith.index_cast %sub3A_60 : i32 to index
      %get3A_171 = arith.index_cast %get3A_169 : i32 to index
      %get3A_172 = arith.constant 64 : index
      %get3A_173 = tpu.vector_load %arg5[%get3A_170, %get3A_171, %get3A_172] {strides = array<i32>} : memref<50x8x128xi32, #tpu.memory_space<vmem>>, vector<16xi32>,
      %get3A_174 = arith.constant 2 : i32
      %get3A_175 = arith.index_cast %sub3A_60 : i32 to index
      %get3A_176 = arith.index_cast %get3A_174 : i32 to index
      %get3A_177 = arith.constant 80 : index
      %get3A_178 = tpu.vector_load %arg5[%get3A_175, %get3A_176, %get3A_177] {strides = array<i32>} : memref<50x8x128xi32, #tpu.memory_space<vmem>>, vector<16xi32>,
      %get3A_179 = arith.constant 2 : i32
      %get3A_180 = arith.index_cast %sub3A_60 : i32 to index
      %get3A_181 = arith.index_cast %get3A_179 : i32 to index
      %get3A_182 = arith.constant 96 : index
      %get3A_183 = tpu.vector_load %arg5[%get3A_180, %get3A_181, %get3A_182] {strides = array<i32>} : memref<50x8x128xi32, #tpu.memory_space<vmem>>, vector<16xi32>,
      %get3A_184 = arith.constant 2 : i32
      %get3A_185 = arith.index_cast %sub3A_60 : i32 to index
      %get3A_186 = arith.index_cast %get3A_184 : i32 to index
      %get3A_187 = arith.constant 112 : index
      %get3A_188 = tpu.vector_load %arg5[%get3A_185, %get3A_186, %get3A_187] {strides = array<i32>} : memref<50x8x128xi32, #tpu.memory_space<vmem>>, vector<16xi32>,
      %parallel_loop3A_189 = arith.constant 0 : i32
      %parallel_loop3A_190 = arith.constant 8 : i32
      %parallel_loop3A_191 = arith.constant 1 : i32
      scf.for %parallel_loop3A_813 = %parallel_loop3A_189 to %parallel_loop3A_190 step %parallel_loop3A_191  : i32 {
        %parallel_loop3A_814 = vector.broadcast %parallel_loop3A_813 : i32 to vector<16xi32>
        %parallel_loop3A_815 = tpu.vector_load_idx %arg6[%get3A_153, %parallel_loop3A_814] : memref<1000x8xf32, #tpu.memory_space<vmem>>[vector<16xi32>, vector<16xi32>], vector<16xf32>,
        %parallel_loop3A_816 = arith.constant 2 : i32
        %parallel_loop3A_817 = arith.index_cast %parallel_loop3A_816 : i32 to index
        %parallel_loop3A_818 = arith.index_cast %parallel_loop3A_813 : i32 to index
        %parallel_loop3A_819 = arith.constant 0 : index
        %parallel_loop3A_820 = tpu.vector_load %arg7[%parallel_loop3A_817, %parallel_loop3A_818, %parallel_loop3A_819] {strides = array<i32>} : memref<8x8x128xf32, #tpu.memory_space<vmem>>, vector<16xf32>,
        tpu.vector_store %arg7[%parallel_loop3A_817, %parallel_loop3A_818, %parallel_loop3A_819], %parallel_loop3A_815 {strides = array<i32>} : memref<8x8x128xf32, #tpu.memory_space<vmem>>, vector<16xf32>,
        %parallel_loop3A_821 = tpu.vector_load_idx %arg6[%get3A_158, %parallel_loop3A_814] : memref<1000x8xf32, #tpu.memory_space<vmem>>[vector<16xi32>, vector<16xi32>], vector<16xf32>,
        %parallel_loop3A_822 = arith.constant 2 : i32
        %parallel_loop3A_823 = arith.index_cast %parallel_loop3A_822 : i32 to index
        %parallel_loop3A_824 = arith.index_cast %parallel_loop3A_813 : i32 to index
        %parallel_loop3A_825 = arith.constant 16 : index
        %parallel_loop3A_826 = tpu.vector_load %arg7[%parallel_loop3A_823, %parallel_loop3A_824, %parallel_loop3A_825] {strides = array<i32>} : memref<8x8x128xf32, #tpu.memory_space<vmem>>, vector<16xf32>,
        tpu.vector_store %arg7[%parallel_loop3A_823, %parallel_loop3A_824, %parallel_loop3A_825], %parallel_loop3A_821 {strides = array<i32>} : memref<8x8x128xf32, #tpu.memory_space<vmem>>, vector<16xf32>,
        %parallel_loop3A_827 = tpu.vector_load_idx %arg6[%get3A_163, %parallel_loop3A_814] : memref<1000x8xf32, #tpu.memory_space<vmem>>[vector<16xi32>, vector<16xi32>], vector<16xf32>,
        %parallel_loop3A_828 = arith.constant 2 : i32
        %parallel_loop3A_829 = arith.index_cast %parallel_loop3A_828 : i32 to index
        %parallel_loop3A_830 = arith.index_cast %parallel_loop3A_813 : i32 to index
        %parallel_loop3A_831 = arith.constant 32 : index
        %parallel_loop3A_832 = tpu.vector_load %arg7[%parallel_loop3A_829, %parallel_loop3A_830, %parallel_loop3A_831] {strides = array<i32>} : memref<8x8x128xf32, #tpu.memory_space<vmem>>, vector<16xf32>,
        tpu.vector_store %arg7[%parallel_loop3A_829, %parallel_loop3A_830, %parallel_loop3A_831], %parallel_loop3A_827 {strides = array<i32>} : memref<8x8x128xf32, #tpu.memory_space<vmem>>, vector<16xf32>,
        %parallel_loop3A_833 = tpu.vector_load_idx %arg6[%get3A_168, %parallel_loop3A_814] : memref<1000x8xf32, #tpu.memory_space<vmem>>[vector<16xi32>, vector<16xi32>], vector<16xf32>,
        %parallel_loop3A_834 = arith.constant 2 : i32
        %parallel_loop3A_835 = arith.index_cast %parallel_loop3A_834 : i32 to index
        %parallel_loop3A_836 = arith.index_cast %parallel_loop3A_813 : i32 to index
        %parallel_loop3A_837 = arith.constant 48 : index
        %parallel_loop3A_838 = tpu.vector_load %arg7[%parallel_loop3A_835, %parallel_loop3A_836, %parallel_loop3A_837] {strides = array<i32>} : memref<8x8x128xf32, #tpu.memory_space<vmem>>, vector<16xf32>,
        tpu.vector_store %arg7[%parallel_loop3A_835, %parallel_loop3A_836, %parallel_loop3A_837], %parallel_loop3A_833 {strides = array<i32>} : memref<8x8x128xf32, #tpu.memory_space<vmem>>, vector<16xf32>,
        %parallel_loop3A_839 = tpu.vector_load_idx %arg6[%get3A_173, %parallel_loop3A_814] : memref<1000x8xf32, #tpu.memory_space<vmem>>[vector<16xi32>, vector<16xi32>], vector<16xf32>,
        %parallel_loop3A_840 = arith.constant 2 : i32
        %parallel_loop3A_841 = arith.index_cast %parallel_loop3A_840 : i32 to index
        %parallel_loop3A_842 = arith.index_cast %parallel_loop3A_813 : i32 to index
        %parallel_loop3A_843 = arith.constant 64 : index
        %parallel_loop3A_844 = tpu.vector_load %arg7[%parallel_loop3A_841, %parallel_loop3A_842, %parallel_loop3A_843] {strides = array<i32>} : memref<8x8x128xf32, #tpu.memory_space<vmem>>, vector<16xf32>,
        tpu.vector_store %arg7[%parallel_loop3A_841, %parallel_loop3A_842, %parallel_loop3A_843], %parallel_loop3A_839 {strides = array<i32>} : memref<8x8x128xf32, #tpu.memory_space<vmem>>, vector<16xf32>,
        %parallel_loop3A_845 = tpu.vector_load_idx %arg6[%get3A_178, %parallel_loop3A_814] : memref<1000x8xf32, #tpu.memory_space<vmem>>[vector<16xi32>, vector<16xi32>], vector<16xf32>,
        %parallel_loop3A_846 = arith.constant 2 : i32
        %parallel_loop3A_847 = arith.index_cast %parallel_loop3A_846 : i32 to index
        %parallel_loop3A_848 = arith.index_cast %parallel_loop3A_813 : i32 to index
        %parallel_loop3A_849 = arith.constant 80 : index
        %parallel_loop3A_850 = tpu.vector_load %arg7[%parallel_loop3A_847, %parallel_loop3A_848, %parallel_loop3A_849] {strides = array<i32>} : memref<8x8x128xf32, #tpu.memory_space<vmem>>, vector<16xf32>,
        tpu.vector_store %arg7[%parallel_loop3A_847, %parallel_loop3A_848, %parallel_loop3A_849], %parallel_loop3A_845 {strides = array<i32>} : memref<8x8x128xf32, #tpu.memory_space<vmem>>, vector<16xf32>,
        %parallel_loop3A_851 = tpu.vector_load_idx %arg6[%get3A_183, %parallel_loop3A_814] : memref<1000x8xf32, #tpu.memory_space<vmem>>[vector<16xi32>, vector<16xi32>], vector<16xf32>,
        %parallel_loop3A_852 = arith.constant 2 : i32
        %parallel_loop3A_853 = arith.index_cast %parallel_loop3A_852 : i32 to index
        %parallel_loop3A_854 = arith.index_cast %parallel_loop3A_813 : i32 to index
        %parallel_loop3A_855 = arith.constant 96 : index
        %parallel_loop3A_856 = tpu.vector_load %arg7[%parallel_loop3A_853, %parallel_loop3A_854, %parallel_loop3A_855] {strides = array<i32>} : memref<8x8x128xf32, #tpu.memory_space<vmem>>, vector<16xf32>,
        tpu.vector_store %arg7[%parallel_loop3A_853, %parallel_loop3A_854, %parallel_loop3A_855], %parallel_loop3A_851 {strides = array<i32>} : memref<8x8x128xf32, #tpu.memory_space<vmem>>, vector<16xf32>,
        %parallel_loop3A_857 = tpu.vector_load_idx %arg6[%get3A_188, %parallel_loop3A_814] : memref<1000x8xf32, #tpu.memory_space<vmem>>[vector<16xi32>, vector<16xi32>], vector<16xf32>,
        %parallel_loop3A_858 = arith.constant 2 : i32
        %parallel_loop3A_859 = arith.index_cast %parallel_loop3A_858 : i32 to index
        %parallel_loop3A_860 = arith.index_cast %parallel_loop3A_813 : i32 to index
        %parallel_loop3A_861 = arith.constant 112 : index
        %parallel_loop3A_862 = tpu.vector_load %arg7[%parallel_loop3A_859, %parallel_loop3A_860, %parallel_loop3A_861] {strides = array<i32>} : memref<8x8x128xf32, #tpu.memory_space<vmem>>, vector<16xf32>,
        tpu.vector_store %arg7[%parallel_loop3A_859, %parallel_loop3A_860, %parallel_loop3A_861], %parallel_loop3A_857 {strides = array<i32>} : memref<8x8x128xf32, #tpu.memory_space<vmem>>, vector<16xf32>,
      } {sc.loop_unroll_factor = 8 : i64, sc.parallel_access}
      %get3A_192 = arith.constant 3 : i32
      %get3A_193 = arith.index_cast %sub3A_60 : i32 to index
      %get3A_194 = arith.index_cast %get3A_192 : i32 to index
      %get3A_195 = arith.constant 0 : index
      %get3A_196 = tpu.vector_load %arg5[%get3A_193, %get3A_194, %get3A_195] {strides = array<i32>} : memref<50x8x128xi32, #tpu.memory_space<vmem>>, vector<16xi32>,
      %get3A_197 = arith.constant 3 : i32
      %get3A_198 = arith.index_cast %sub3A_60 : i32 to index
      %get3A_199 = arith.index_cast %get3A_197 : i32 to index
      %get3A_200 = arith.constant 16 : index
      %get3A_201 = tpu.vector_load %arg5[%get3A_198, %get3A_199, %get3A_200] {strides = array<i32>} : memref<50x8x128xi32, #tpu.memory_space<vmem>>, vector<16xi32>,
      %get3A_202 = arith.constant 3 : i32
      %get3A_203 = arith.index_cast %sub3A_60 : i32 to index
      %get3A_204 = arith.index_cast %get3A_202 : i32 to index
      %get3A_205 = arith.constant 32 : index
      %get3A_206 = tpu.vector_load %arg5[%get3A_203, %get3A_204, %get3A_205] {strides = array<i32>} : memref<50x8x128xi32, #tpu.memory_space<vmem>>, vector<16xi32>,
      %get3A_207 = arith.constant 3 : i32
      %get3A_208 = arith.index_cast %sub3A_60 : i32 to index
      %get3A_209 = arith.index_cast %get3A_207 : i32 to index
      %get3A_210 = arith.constant 48 : index
      %get3A_211 = tpu.vector_load %arg5[%get3A_208, %get3A_209, %get3A_210] {strides = array<i32>} : memref<50x8x128xi32, #tpu.memory_space<vmem>>, vector<16xi32>,
      %get3A_212 = arith.constant 3 : i32
      %get3A_213 = arith.index_cast %sub3A_60 : i32 to index
      %get3A_214 = arith.index_cast %get3A_212 : i32 to index
      %get3A_215 = arith.constant 64 : index
      %get3A_216 = tpu.vector_load %arg5[%get3A_213, %get3A_214, %get3A_215] {strides = array<i32>} : memref<50x8x128xi32, #tpu.memory_space<vmem>>, vector<16xi32>,
      %get3A_217 = arith.constant 3 : i32
      %get3A_218 = arith.index_cast %sub3A_60 : i32 to index
      %get3A_219 = arith.index_cast %get3A_217 : i32 to index
      %get3A_220 = arith.constant 80 : index
      %get3A_221 = tpu.vector_load %arg5[%get3A_218, %get3A_219, %get3A_220] {strides = array<i32>} : memref<50x8x128xi32, #tpu.memory_space<vmem>>, vector<16xi32>,
      %get3A_222 = arith.constant 3 : i32
      %get3A_223 = arith.index_cast %sub3A_60 : i32 to index
      %get3A_224 = arith.index_cast %get3A_222 : i32 to index
      %get3A_225 = arith.constant 96 : index
      %get3A_226 = tpu.vector_load %arg5[%get3A_223, %get3A_224, %get3A_225] {strides = array<i32>} : memref<50x8x128xi32, #tpu.memory_space<vmem>>, vector<16xi32>,
      %get3A_227 = arith.constant 3 : i32
      %get3A_228 = arith.index_cast %sub3A_60 : i32 to index
      %get3A_229 = arith.index_cast %get3A_227 : i32 to index
      %get3A_230 = arith.constant 112 : index
      %get3A_231 = tpu.vector_load %arg5[%get3A_228, %get3A_229, %get3A_230] {strides = array<i32>} : memref<50x8x128xi32, #tpu.memory_space<vmem>>, vector<16xi32>,
      %parallel_loop3A_232 = arith.constant 0 : i32
      %parallel_loop3A_233 = arith.constant 8 : i32
      %parallel_loop3A_234 = arith.constant 1 : i32
      scf.for %parallel_loop3A_813 = %parallel_loop3A_232 to %parallel_loop3A_233 step %parallel_loop3A_234  : i32 {
        %parallel_loop3A_814 = vector.broadcast %parallel_loop3A_813 : i32 to vector<16xi32>
        %parallel_loop3A_815 = tpu.vector_load_idx %arg6[%get3A_196, %parallel_loop3A_814] : memref<1000x8xf32, #tpu.memory_space<vmem>>[vector<16xi32>, vector<16xi32>], vector<16xf32>,
        %parallel_loop3A_816 = arith.constant 3 : i32
        %parallel_loop3A_817 = arith.index_cast %parallel_loop3A_816 : i32 to index
        %parallel_loop3A_818 = arith.index_cast %parallel_loop3A_813 : i32 to index
        %parallel_loop3A_819 = arith.constant 0 : index
        %parallel_loop3A_820 = tpu.vector_load %arg7[%parallel_loop3A_817, %parallel_loop3A_818, %parallel_loop3A_819] {strides = array<i32>} : memref<8x8x128xf32, #tpu.memory_space<vmem>>, vector<16xf32>,
        tpu.vector_store %arg7[%parallel_loop3A_817, %parallel_loop3A_818, %parallel_loop3A_819], %parallel_loop3A_815 {strides = array<i32>} : memref<8x8x128xf32, #tpu.memory_space<vmem>>, vector<16xf32>,
        %parallel_loop3A_821 = tpu.vector_load_idx %arg6[%get3A_201, %parallel_loop3A_814] : memref<1000x8xf32, #tpu.memory_space<vmem>>[vector<16xi32>, vector<16xi32>], vector<16xf32>,
        %parallel_loop3A_822 = arith.constant 3 : i32
        %parallel_loop3A_823 = arith.index_cast %parallel_loop3A_822 : i32 to index
        %parallel_loop3A_824 = arith.index_cast %parallel_loop3A_813 : i32 to index
        %parallel_loop3A_825 = arith.constant 16 : index
        %parallel_loop3A_826 = tpu.vector_load %arg7[%parallel_loop3A_823, %parallel_loop3A_824, %parallel_loop3A_825] {strides = array<i32>} : memref<8x8x128xf32, #tpu.memory_space<vmem>>, vector<16xf32>,
        tpu.vector_store %arg7[%parallel_loop3A_823, %parallel_loop3A_824, %parallel_loop3A_825], %parallel_loop3A_821 {strides = array<i32>} : memref<8x8x128xf32, #tpu.memory_space<vmem>>, vector<16xf32>,
        %parallel_loop3A_827 = tpu.vector_load_idx %arg6[%get3A_206, %parallel_loop3A_814] : memref<1000x8xf32, #tpu.memory_space<vmem>>[vector<16xi32>, vector<16xi32>], vector<16xf32>,
        %parallel_loop3A_828 = arith.constant 3 : i32
        %parallel_loop3A_829 = arith.index_cast %parallel_loop3A_828 : i32 to index
        %parallel_loop3A_830 = arith.index_cast %parallel_loop3A_813 : i32 to index
        %parallel_loop3A_831 = arith.constant 32 : index
        %parallel_loop3A_832 = tpu.vector_load %arg7[%parallel_loop3A_829, %parallel_loop3A_830, %parallel_loop3A_831] {strides = array<i32>} : memref<8x8x128xf32, #tpu.memory_space<vmem>>, vector<16xf32>,
        tpu.vector_store %arg7[%parallel_loop3A_829, %parallel_loop3A_830, %parallel_loop3A_831], %parallel_loop3A_827 {strides = array<i32>} : memref<8x8x128xf32, #tpu.memory_space<vmem>>, vector<16xf32>,
        %parallel_loop3A_833 = tpu.vector_load_idx %arg6[%get3A_211, %parallel_loop3A_814] : memref<1000x8xf32, #tpu.memory_space<vmem>>[vector<16xi32>, vector<16xi32>], vector<16xf32>,
        %parallel_loop3A_834 = arith.constant 3 : i32
        %parallel_loop3A_835 = arith.index_cast %parallel_loop3A_834 : i32 to index
        %parallel_loop3A_836 = arith.index_cast %parallel_loop3A_813 : i32 to index
        %parallel_loop3A_837 = arith.constant 48 : index
        %parallel_loop3A_838 = tpu.vector_load %arg7[%parallel_loop3A_835, %parallel_loop3A_836, %parallel_loop3A_837] {strides = array<i32>} : memref<8x8x128xf32, #tpu.memory_space<vmem>>, vector<16xf32>,
        tpu.vector_store %arg7[%parallel_loop3A_835, %parallel_loop3A_836, %parallel_loop3A_837], %parallel_loop3A_833 {strides = array<i32>} : memref<8x8x128xf32, #tpu.memory_space<vmem>>, vector<16xf32>,
        %parallel_loop3A_839 = tpu.vector_load_idx %arg6[%get3A_216, %parallel_loop3A_814] : memref<1000x8xf32, #tpu.memory_space<vmem>>[vector<16xi32>, vector<16xi32>], vector<16xf32>,
        %parallel_loop3A_840 = arith.constant 3 : i32
        %parallel_loop3A_841 = arith.index_cast %parallel_loop3A_840 : i32 to index
        %parallel_loop3A_842 = arith.index_cast %parallel_loop3A_813 : i32 to index
        %parallel_loop3A_843 = arith.constant 64 : index
        %parallel_loop3A_844 = tpu.vector_load %arg7[%parallel_loop3A_841, %parallel_loop3A_842, %parallel_loop3A_843] {strides = array<i32>} : memref<8x8x128xf32, #tpu.memory_space<vmem>>, vector<16xf32>,
        tpu.vector_store %arg7[%parallel_loop3A_841, %parallel_loop3A_842, %parallel_loop3A_843], %parallel_loop3A_839 {strides = array<i32>} : memref<8x8x128xf32, #tpu.memory_space<vmem>>, vector<16xf32>,
        %parallel_loop3A_845 = tpu.vector_load_idx %arg6[%get3A_221, %parallel_loop3A_814] : memref<1000x8xf32, #tpu.memory_space<vmem>>[vector<16xi32>, vector<16xi32>], vector<16xf32>,
        %parallel_loop3A_846 = arith.constant 3 : i32
        %parallel_loop3A_847 = arith.index_cast %parallel_loop3A_846 : i32 to index
        %parallel_loop3A_848 = arith.index_cast %parallel_loop3A_813 : i32 to index
        %parallel_loop3A_849 = arith.constant 80 : index
        %parallel_loop3A_850 = tpu.vector_load %arg7[%parallel_loop3A_847, %parallel_loop3A_848, %parallel_loop3A_849] {strides = array<i32>} : memref<8x8x128xf32, #tpu.memory_space<vmem>>, vector<16xf32>,
        tpu.vector_store %arg7[%parallel_loop3A_847, %parallel_loop3A_848, %parallel_loop3A_849], %parallel_loop3A_845 {strides = array<i32>} : memref<8x8x128xf32, #tpu.memory_space<vmem>>, vector<16xf32>,
        %parallel_loop3A_851 = tpu.vector_load_idx %arg6[%get3A_226, %parallel_loop3A_814] : memref<1000x8xf32, #tpu.memory_space<vmem>>[vector<16xi32>, vector<16xi32>], vector<16xf32>,
        %parallel_loop3A_852 = arith.constant 3 : i32
        %parallel_loop3A_853 = arith.index_cast %parallel_loop3A_852 : i32 to index
        %parallel_loop3A_854 = arith.index_cast %parallel_loop3A_813 : i32 to index
        %parallel_loop3A_855 = arith.constant 96 : index
        %parallel_loop3A_856 = tpu.vector_load %arg7[%parallel_loop3A_853, %parallel_loop3A_854, %parallel_loop3A_855] {strides = array<i32>} : memref<8x8x128xf32, #tpu.memory_space<vmem>>, vector<16xf32>,
        tpu.vector_store %arg7[%parallel_loop3A_853, %parallel_loop3A_854, %parallel_loop3A_855], %parallel_loop3A_851 {strides = array<i32>} : memref<8x8x128xf32, #tpu.memory_space<vmem>>, vector<16xf32>,
        %parallel_loop3A_857 = tpu.vector_load_idx %arg6[%get3A_231, %parallel_loop3A_814] : memref<1000x8xf32, #tpu.memory_space<vmem>>[vector<16xi32>, vector<16xi32>], vector<16xf32>,
        %parallel_loop3A_858 = arith.constant 3 : i32
        %parallel_loop3A_859 = arith.index_cast %parallel_loop3A_858 : i32 to index
        %parallel_loop3A_860 = arith.index_cast %parallel_loop3A_813 : i32 to index
        %parallel_loop3A_861 = arith.constant 112 : index
        %parallel_loop3A_862 = tpu.vector_load %arg7[%parallel_loop3A_859, %parallel_loop3A_860, %parallel_loop3A_861] {strides = array<i32>} : memref<8x8x128xf32, #tpu.memory_space<vmem>>, vector<16xf32>,
        tpu.vector_store %arg7[%parallel_loop3A_859, %parallel_loop3A_860, %parallel_loop3A_861], %parallel_loop3A_857 {strides = array<i32>} : memref<8x8x128xf32, #tpu.memory_space<vmem>>, vector<16xf32>,
      } {sc.loop_unroll_factor = 8 : i64, sc.parallel_access}
      %get3A_235 = arith.constant 4 : i32
      %get3A_236 = arith.index_cast %sub3A_60 : i32 to index
      %get3A_237 = arith.index_cast %get3A_235 : i32 to index
      %get3A_238 = arith.constant 0 : index
      %get3A_239 = tpu.vector_load %arg5[%get3A_236, %get3A_237, %get3A_238] {strides = array<i32>} : memref<50x8x128xi32, #tpu.memory_space<vmem>>, vector<16xi32>,
      %get3A_240 = arith.constant 4 : i32
      %get3A_241 = arith.index_cast %sub3A_60 : i32 to index
      %get3A_242 = arith.index_cast %get3A_240 : i32 to index
      %get3A_243 = arith.constant 16 : index
      %get3A_244 = tpu.vector_load %arg5[%get3A_241, %get3A_242, %get3A_243] {strides = array<i32>} : memref<50x8x128xi32, #tpu.memory_space<vmem>>, vector<16xi32>,
      %get3A_245 = arith.constant 4 : i32
      %get3A_246 = arith.index_cast %sub3A_60 : i32 to index
      %get3A_247 = arith.index_cast %get3A_245 : i32 to index
      %get3A_248 = arith.constant 32 : index
      %get3A_249 = tpu.vector_load %arg5[%get3A_246, %get3A_247, %get3A_248] {strides = array<i32>} : memref<50x8x128xi32, #tpu.memory_space<vmem>>, vector<16xi32>,
      %get3A_250 = arith.constant 4 : i32
      %get3A_251 = arith.index_cast %sub3A_60 : i32 to index
      %get3A_252 = arith.index_cast %get3A_250 : i32 to index
      %get3A_253 = arith.constant 48 : index
      %get3A_254 = tpu.vector_load %arg5[%get3A_251, %get3A_252, %get3A_253] {strides = array<i32>} : memref<50x8x128xi32, #tpu.memory_space<vmem>>, vector<16xi32>,
      %get3A_255 = arith.constant 4 : i32
      %get3A_256 = arith.index_cast %sub3A_60 : i32 to index
      %get3A_257 = arith.index_cast %get3A_255 : i32 to index
      %get3A_258 = arith.constant 64 : index
      %get3A_259 = tpu.vector_load %arg5[%get3A_256, %get3A_257, %get3A_258] {strides = array<i32>} : memref<50x8x128xi32, #tpu.memory_space<vmem>>, vector<16xi32>,
      %get3A_260 = arith.constant 4 : i32
      %get3A_261 = arith.index_cast %sub3A_60 : i32 to index
      %get3A_262 = arith.index_cast %get3A_260 : i32 to index
      %get3A_263 = arith.constant 80 : index
      %get3A_264 = tpu.vector_load %arg5[%get3A_261, %get3A_262, %get3A_263] {strides = array<i32>} : memref<50x8x128xi32, #tpu.memory_space<vmem>>, vector<16xi32>,
      %get3A_265 = arith.constant 4 : i32
      %get3A_266 = arith.index_cast %sub3A_60 : i32 to index
      %get3A_267 = arith.index_cast %get3A_265 : i32 to index
      %get3A_268 = arith.constant 96 : index
      %get3A_269 = tpu.vector_load %arg5[%get3A_266, %get3A_267, %get3A_268] {strides = array<i32>} : memref<50x8x128xi32, #tpu.memory_space<vmem>>, vector<16xi32>,
      %get3A_270 = arith.constant 4 : i32
      %get3A_271 = arith.index_cast %sub3A_60 : i32 to index
      %get3A_272 = arith.index_cast %get3A_270 : i32 to index
      %get3A_273 = arith.constant 112 : index
      %get3A_274 = tpu.vector_load %arg5[%get3A_271, %get3A_272, %get3A_273] {strides = array<i32>} : memref<50x8x128xi32, #tpu.memory_space<vmem>>, vector<16xi32>,
      %parallel_loop3A_275 = arith.constant 0 : i32
      %parallel_loop3A_276 = arith.constant 8 : i32
      %parallel_loop3A_277 = arith.constant 1 : i32
      scf.for %parallel_loop3A_813 = %parallel_loop3A_275 to %parallel_loop3A_276 step %parallel_loop3A_277  : i32 {
        %parallel_loop3A_814 = vector.broadcast %parallel_loop3A_813 : i32 to vector<16xi32>
        %parallel_loop3A_815 = tpu.vector_load_idx %arg6[%get3A_239, %parallel_loop3A_814] : memref<1000x8xf32, #tpu.memory_space<vmem>>[vector<16xi32>, vector<16xi32>], vector<16xf32>,
        %parallel_loop3A_816 = arith.constant 4 : i32
        %parallel_loop3A_817 = arith.index_cast %parallel_loop3A_816 : i32 to index
        %parallel_loop3A_818 = arith.index_cast %parallel_loop3A_813 : i32 to index
        %parallel_loop3A_819 = arith.constant 0 : index
        %parallel_loop3A_820 = tpu.vector_load %arg7[%parallel_loop3A_817, %parallel_loop3A_818, %parallel_loop3A_819] {strides = array<i32>} : memref<8x8x128xf32, #tpu.memory_space<vmem>>, vector<16xf32>,
        tpu.vector_store %arg7[%parallel_loop3A_817, %parallel_loop3A_818, %parallel_loop3A_819], %parallel_loop3A_815 {strides = array<i32>} : memref<8x8x128xf32, #tpu.memory_space<vmem>>, vector<16xf32>,
        %parallel_loop3A_821 = tpu.vector_load_idx %arg6[%get3A_244, %parallel_loop3A_814] : memref<1000x8xf32, #tpu.memory_space<vmem>>[vector<16xi32>, vector<16xi32>], vector<16xf32>,
        %parallel_loop3A_822 = arith.constant 4 : i32
        %parallel_loop3A_823 = arith.index_cast %parallel_loop3A_822 : i32 to index
        %parallel_loop3A_824 = arith.index_cast %parallel_loop3A_813 : i32 to index
        %parallel_loop3A_825 = arith.constant 16 : index
        %parallel_loop3A_826 = tpu.vector_load %arg7[%parallel_loop3A_823, %parallel_loop3A_824, %parallel_loop3A_825] {strides = array<i32>} : memref<8x8x128xf32, #tpu.memory_space<vmem>>, vector<16xf32>,
        tpu.vector_store %arg7[%parallel_loop3A_823, %parallel_loop3A_824, %parallel_loop3A_825], %parallel_loop3A_821 {strides = array<i32>} : memref<8x8x128xf32, #tpu.memory_space<vmem>>, vector<16xf32>,
        %parallel_loop3A_827 = tpu.vector_load_idx %arg6[%get3A_249, %parallel_loop3A_814] : memref<1000x8xf32, #tpu.memory_space<vmem>>[vector<16xi32>, vector<16xi32>], vector<16xf32>,
        %parallel_loop3A_828 = arith.constant 4 : i32
        %parallel_loop3A_829 = arith.index_cast %parallel_loop3A_828 : i32 to index
        %parallel_loop3A_830 = arith.index_cast %parallel_loop3A_813 : i32 to index
        %parallel_loop3A_831 = arith.constant 32 : index
        %parallel_loop3A_832 = tpu.vector_load %arg7[%parallel_loop3A_829, %parallel_loop3A_830, %parallel_loop3A_831] {strides = array<i32>} : memref<8x8x128xf32, #tpu.memory_space<vmem>>, vector<16xf32>,
        tpu.vector_store %arg7[%parallel_loop3A_829, %parallel_loop3A_830, %parallel_loop3A_831], %parallel_loop3A_827 {strides = array<i32>} : memref<8x8x128xf32, #tpu.memory_space<vmem>>, vector<16xf32>,
        %parallel_loop3A_833 = tpu.vector_load_idx %arg6[%get3A_254, %parallel_loop3A_814] : memref<1000x8xf32, #tpu.memory_space<vmem>>[vector<16xi32>, vector<16xi32>], vector<16xf32>,
        %parallel_loop3A_834 = arith.constant 4 : i32
        %parallel_loop3A_835 = arith.index_cast %parallel_loop3A_834 : i32 to index
        %parallel_loop3A_836 = arith.index_cast %parallel_loop3A_813 : i32 to index
        %parallel_loop3A_837 = arith.constant 48 : index
        %parallel_loop3A_838 = tpu.vector_load %arg7[%parallel_loop3A_835, %parallel_loop3A_836, %parallel_loop3A_837] {strides = array<i32>} : memref<8x8x128xf32, #tpu.memory_space<vmem>>, vector<16xf32>,
        tpu.vector_store %arg7[%parallel_loop3A_835, %parallel_loop3A_836, %parallel_loop3A_837], %parallel_loop3A_833 {strides = array<i32>} : memref<8x8x128xf32, #tpu.memory_space<vmem>>, vector<16xf32>,
        %parallel_loop3A_839 = tpu.vector_load_idx %arg6[%get3A_259, %parallel_loop3A_814] : memref<1000x8xf32, #tpu.memory_space<vmem>>[vector<16xi32>, vector<16xi32>], vector<16xf32>,
        %parallel_loop3A_840 = arith.constant 4 : i32
        %parallel_loop3A_841 = arith.index_cast %parallel_loop3A_840 : i32 to index
        %parallel_loop3A_842 = arith.index_cast %parallel_loop3A_813 : i32 to index
        %parallel_loop3A_843 = arith.constant 64 : index
        %parallel_loop3A_844 = tpu.vector_load %arg7[%parallel_loop3A_841, %parallel_loop3A_842, %parallel_loop3A_843] {strides = array<i32>} : memref<8x8x128xf32, #tpu.memory_space<vmem>>, vector<16xf32>,
        tpu.vector_store %arg7[%parallel_loop3A_841, %parallel_loop3A_842, %parallel_loop3A_843], %parallel_loop3A_839 {strides = array<i32>} : memref<8x8x128xf32, #tpu.memory_space<vmem>>, vector<16xf32>,
        %parallel_loop3A_845 = tpu.vector_load_idx %arg6[%get3A_264, %parallel_loop3A_814] : memref<1000x8xf32, #tpu.memory_space<vmem>>[vector<16xi32>, vector<16xi32>], vector<16xf32>,
        %parallel_loop3A_846 = arith.constant 4 : i32
        %parallel_loop3A_847 = arith.index_cast %parallel_loop3A_846 : i32 to index
        %parallel_loop3A_848 = arith.index_cast %parallel_loop3A_813 : i32 to index
        %parallel_loop3A_849 = arith.constant 80 : index
        %parallel_loop3A_850 = tpu.vector_load %arg7[%parallel_loop3A_847, %parallel_loop3A_848, %parallel_loop3A_849] {strides = array<i32>} : memref<8x8x128xf32, #tpu.memory_space<vmem>>, vector<16xf32>,
        tpu.vector_store %arg7[%parallel_loop3A_847, %parallel_loop3A_848, %parallel_loop3A_849], %parallel_loop3A_845 {strides = array<i32>} : memref<8x8x128xf32, #tpu.memory_space<vmem>>, vector<16xf32>,
        %parallel_loop3A_851 = tpu.vector_load_idx %arg6[%get3A_269, %parallel_loop3A_814] : memref<1000x8xf32, #tpu.memory_space<vmem>>[vector<16xi32>, vector<16xi32>], vector<16xf32>,
        %parallel_loop3A_852 = arith.constant 4 : i32
        %parallel_loop3A_853 = arith.index_cast %parallel_loop3A_852 : i32 to index
        %parallel_loop3A_854 = arith.index_cast %parallel_loop3A_813 : i32 to index
        %parallel_loop3A_855 = arith.constant 96 : index
        %parallel_loop3A_856 = tpu.vector_load %arg7[%parallel_loop3A_853, %parallel_loop3A_854, %parallel_loop3A_855] {strides = array<i32>} : memref<8x8x128xf32, #tpu.memory_space<vmem>>, vector<16xf32>,
        tpu.vector_store %arg7[%parallel_loop3A_853, %parallel_loop3A_854, %parallel_loop3A_855], %parallel_loop3A_851 {strides = array<i32>} : memref<8x8x128xf32, #tpu.memory_space<vmem>>, vector<16xf32>,
        %parallel_loop3A_857 = tpu.vector_load_idx %arg6[%get3A_274, %parallel_loop3A_814] : memref<1000x8xf32, #tpu.memory_space<vmem>>[vector<16xi32>, vector<16xi32>], vector<16xf32>,
        %parallel_loop3A_858 = arith.constant 4 : i32
        %parallel_loop3A_859 = arith.index_cast %parallel_loop3A_858 : i32 to index
        %parallel_loop3A_860 = arith.index_cast %parallel_loop3A_813 : i32 to index
        %parallel_loop3A_861 = arith.constant 112 : index
        %parallel_loop3A_862 = tpu.vector_load %arg7[%parallel_loop3A_859, %parallel_loop3A_860, %parallel_loop3A_861] {strides = array<i32>} : memref<8x8x128xf32, #tpu.memory_space<vmem>>, vector<16xf32>,
        tpu.vector_store %arg7[%parallel_loop3A_859, %parallel_loop3A_860, %parallel_loop3A_861], %parallel_loop3A_857 {strides = array<i32>} : memref<8x8x128xf32, #tpu.memory_space<vmem>>, vector<16xf32>,
      } {sc.loop_unroll_factor = 8 : i64, sc.parallel_access}
      %get3A_278 = arith.constant 5 : i32
      %get3A_279 = arith.index_cast %sub3A_60 : i32 to index
      %get3A_280 = arith.index_cast %get3A_278 : i32 to index
      %get3A_281 = arith.constant 0 : index
      %get3A_282 = tpu.vector_load %arg5[%get3A_279, %get3A_280, %get3A_281] {strides = array<i32>} : memref<50x8x128xi32, #tpu.memory_space<vmem>>, vector<16xi32>,
      %get3A_283 = arith.constant 5 : i32
      %get3A_284 = arith.index_cast %sub3A_60 : i32 to index
      %get3A_285 = arith.index_cast %get3A_283 : i32 to index
      %get3A_286 = arith.constant 16 : index
      %get3A_287 = tpu.vector_load %arg5[%get3A_284, %get3A_285, %get3A_286] {strides = array<i32>} : memref<50x8x128xi32, #tpu.memory_space<vmem>>, vector<16xi32>,
      %get3A_288 = arith.constant 5 : i32
      %get3A_289 = arith.index_cast %sub3A_60 : i32 to index
      %get3A_290 = arith.index_cast %get3A_288 : i32 to index
      %get3A_291 = arith.constant 32 : index
      %get3A_292 = tpu.vector_load %arg5[%get3A_289, %get3A_290, %get3A_291] {strides = array<i32>} : memref<50x8x128xi32, #tpu.memory_space<vmem>>, vector<16xi32>,
      %get3A_293 = arith.constant 5 : i32
      %get3A_294 = arith.index_cast %sub3A_60 : i32 to index
      %get3A_295 = arith.index_cast %get3A_293 : i32 to index
      %get3A_296 = arith.constant 48 : index
      %get3A_297 = tpu.vector_load %arg5[%get3A_294, %get3A_295, %get3A_296] {strides = array<i32>} : memref<50x8x128xi32, #tpu.memory_space<vmem>>, vector<16xi32>,
      %get3A_298 = arith.constant 5 : i32
      %get3A_299 = arith.index_cast %sub3A_60 : i32 to index
      %get3A_300 = arith.index_cast %get3A_298 : i32 to index
      %get3A_301 = arith.constant 64 : index
      %get3A_302 = tpu.vector_load %arg5[%get3A_299, %get3A_300, %get3A_301] {strides = array<i32>} : memref<50x8x128xi32, #tpu.memory_space<vmem>>, vector<16xi32>,
      %get3A_303 = arith.constant 5 : i32
      %get3A_304 = arith.index_cast %sub3A_60 : i32 to index
      %get3A_305 = arith.index_cast %get3A_303 : i32 to index
      %get3A_306 = arith.constant 80 : index
      %get3A_307 = tpu.vector_load %arg5[%get3A_304, %get3A_305, %get3A_306] {strides = array<i32>} : memref<50x8x128xi32, #tpu.memory_space<vmem>>, vector<16xi32>,
      %get3A_308 = arith.constant 5 : i32
      %get3A_309 = arith.index_cast %sub3A_60 : i32 to index
      %get3A_310 = arith.index_cast %get3A_308 : i32 to index
      %get3A_311 = arith.constant 96 : index
      %get3A_312 = tpu.vector_load %arg5[%get3A_309, %get3A_310, %get3A_311] {strides = array<i32>} : memref<50x8x128xi32, #tpu.memory_space<vmem>>, vector<16xi32>,
      %get3A_313 = arith.constant 5 : i32
      %get3A_314 = arith.index_cast %sub3A_60 : i32 to index
      %get3A_315 = arith.index_cast %get3A_313 : i32 to index
      %get3A_316 = arith.constant 112 : index
      %get3A_317 = tpu.vector_load %arg5[%get3A_314, %get3A_315, %get3A_316] {strides = array<i32>} : memref<50x8x128xi32, #tpu.memory_space<vmem>>, vector<16xi32>,
      %parallel_loop3A_318 = arith.constant 0 : i32
      %parallel_loop3A_319 = arith.constant 8 : i32
      %parallel_loop3A_320 = arith.constant 1 : i32
      scf.for %parallel_loop3A_813 = %parallel_loop3A_318 to %parallel_loop3A_319 step %parallel_loop3A_320  : i32 {
        %parallel_loop3A_814 = vector.broadcast %parallel_loop3A_813 : i32 to vector<16xi32>
        %parallel_loop3A_815 = tpu.vector_load_idx %arg6[%get3A_282, %parallel_loop3A_814] : memref<1000x8xf32, #tpu.memory_space<vmem>>[vector<16xi32>, vector<16xi32>], vector<16xf32>,
        %parallel_loop3A_816 = arith.constant 5 : i32
        %parallel_loop3A_817 = arith.index_cast %parallel_loop3A_816 : i32 to index
        %parallel_loop3A_818 = arith.index_cast %parallel_loop3A_813 : i32 to index
        %parallel_loop3A_819 = arith.constant 0 : index
        %parallel_loop3A_820 = tpu.vector_load %arg7[%parallel_loop3A_817, %parallel_loop3A_818, %parallel_loop3A_819] {strides = array<i32>} : memref<8x8x128xf32, #tpu.memory_space<vmem>>, vector<16xf32>,
        tpu.vector_store %arg7[%parallel_loop3A_817, %parallel_loop3A_818, %parallel_loop3A_819], %parallel_loop3A_815 {strides = array<i32>} : memref<8x8x128xf32, #tpu.memory_space<vmem>>, vector<16xf32>,
        %parallel_loop3A_821 = tpu.vector_load_idx %arg6[%get3A_287, %parallel_loop3A_814] : memref<1000x8xf32, #tpu.memory_space<vmem>>[vector<16xi32>, vector<16xi32>], vector<16xf32>,
        %parallel_loop3A_822 = arith.constant 5 : i32
        %parallel_loop3A_823 = arith.index_cast %parallel_loop3A_822 : i32 to index
        %parallel_loop3A_824 = arith.index_cast %parallel_loop3A_813 : i32 to index
        %parallel_loop3A_825 = arith.constant 16 : index
        %parallel_loop3A_826 = tpu.vector_load %arg7[%parallel_loop3A_823, %parallel_loop3A_824, %parallel_loop3A_825] {strides = array<i32>} : memref<8x8x128xf32, #tpu.memory_space<vmem>>, vector<16xf32>,
        tpu.vector_store %arg7[%parallel_loop3A_823, %parallel_loop3A_824, %parallel_loop3A_825], %parallel_loop3A_821 {strides = array<i32>} : memref<8x8x128xf32, #tpu.memory_space<vmem>>, vector<16xf32>,
        %parallel_loop3A_827 = tpu.vector_load_idx %arg6[%get3A_292, %parallel_loop3A_814] : memref<1000x8xf32, #tpu.memory_space<vmem>>[vector<16xi32>, vector<16xi32>], vector<16xf32>,
        %parallel_loop3A_828 = arith.constant 5 : i32
        %parallel_loop3A_829 = arith.index_cast %parallel_loop3A_828 : i32 to index
        %parallel_loop3A_830 = arith.index_cast %parallel_loop3A_813 : i32 to index
        %parallel_loop3A_831 = arith.constant 32 : index
        %parallel_loop3A_832 = tpu.vector_load %arg7[%parallel_loop3A_829, %parallel_loop3A_830, %parallel_loop3A_831] {strides = array<i32>} : memref<8x8x128xf32, #tpu.memory_space<vmem>>, vector<16xf32>,
        tpu.vector_store %arg7[%parallel_loop3A_829, %parallel_loop3A_830, %parallel_loop3A_831], %parallel_loop3A_827 {strides = array<i32>} : memref<8x8x128xf32, #tpu.memory_space<vmem>>, vector<16xf32>,
        %parallel_loop3A_833 = tpu.vector_load_idx %arg6[%get3A_297, %parallel_loop3A_814] : memref<1000x8xf32, #tpu.memory_space<vmem>>[vector<16xi32>, vector<16xi32>], vector<16xf32>,
        %parallel_loop3A_834 = arith.constant 5 : i32
        %parallel_loop3A_835 = arith.index_cast %parallel_loop3A_834 : i32 to index
        %parallel_loop3A_836 = arith.index_cast %parallel_loop3A_813 : i32 to index
        %parallel_loop3A_837 = arith.constant 48 : index
        %parallel_loop3A_838 = tpu.vector_load %arg7[%parallel_loop3A_835, %parallel_loop3A_836, %parallel_loop3A_837] {strides = array<i32>} : memref<8x8x128xf32, #tpu.memory_space<vmem>>, vector<16xf32>,
        tpu.vector_store %arg7[%parallel_loop3A_835, %parallel_loop3A_836, %parallel_loop3A_837], %parallel_loop3A_833 {strides = array<i32>} : memref<8x8x128xf32, #tpu.memory_space<vmem>>, vector<16xf32>,
        %parallel_loop3A_839 = tpu.vector_load_idx %arg6[%get3A_302, %parallel_loop3A_814] : memref<1000x8xf32, #tpu.memory_space<vmem>>[vector<16xi32>, vector<16xi32>], vector<16xf32>,
        %parallel_loop3A_840 = arith.constant 5 : i32
        %parallel_loop3A_841 = arith.index_cast %parallel_loop3A_840 : i32 to index
        %parallel_loop3A_842 = arith.index_cast %parallel_loop3A_813 : i32 to index
        %parallel_loop3A_843 = arith.constant 64 : index
        %parallel_loop3A_844 = tpu.vector_load %arg7[%parallel_loop3A_841, %parallel_loop3A_842, %parallel_loop3A_843] {strides = array<i32>} : memref<8x8x128xf32, #tpu.memory_space<vmem>>, vector<16xf32>,
        tpu.vector_store %arg7[%parallel_loop3A_841, %parallel_loop3A_842, %parallel_loop3A_843], %parallel_loop3A_839 {strides = array<i32>} : memref<8x8x128xf32, #tpu.memory_space<vmem>>, vector<16xf32>,
        %parallel_loop3A_845 = tpu.vector_load_idx %arg6[%get3A_307, %parallel_loop3A_814] : memref<1000x8xf32, #tpu.memory_space<vmem>>[vector<16xi32>, vector<16xi32>], vector<16xf32>,
        %parallel_loop3A_846 = arith.constant 5 : i32
        %parallel_loop3A_847 = arith.index_cast %parallel_loop3A_846 : i32 to index
        %parallel_loop3A_848 = arith.index_cast %parallel_loop3A_813 : i32 to index
        %parallel_loop3A_849 = arith.constant 80 : index
        %parallel_loop3A_850 = tpu.vector_load %arg7[%parallel_loop3A_847, %parallel_loop3A_848, %parallel_loop3A_849] {strides = array<i32>} : memref<8x8x128xf32, #tpu.memory_space<vmem>>, vector<16xf32>,
        tpu.vector_store %arg7[%parallel_loop3A_847, %parallel_loop3A_848, %parallel_loop3A_849], %parallel_loop3A_845 {strides = array<i32>} : memref<8x8x128xf32, #tpu.memory_space<vmem>>, vector<16xf32>,
        %parallel_loop3A_851 = tpu.vector_load_idx %arg6[%get3A_312, %parallel_loop3A_814] : memref<1000x8xf32, #tpu.memory_space<vmem>>[vector<16xi32>, vector<16xi32>], vector<16xf32>,
        %parallel_loop3A_852 = arith.constant 5 : i32
        %parallel_loop3A_853 = arith.index_cast %parallel_loop3A_852 : i32 to index
        %parallel_loop3A_854 = arith.index_cast %parallel_loop3A_813 : i32 to index
        %parallel_loop3A_855 = arith.constant 96 : index
        %parallel_loop3A_856 = tpu.vector_load %arg7[%parallel_loop3A_853, %parallel_loop3A_854, %parallel_loop3A_855] {strides = array<i32>} : memref<8x8x128xf32, #tpu.memory_space<vmem>>, vector<16xf32>,
        tpu.vector_store %arg7[%parallel_loop3A_853, %parallel_loop3A_854, %parallel_loop3A_855], %parallel_loop3A_851 {strides = array<i32>} : memref<8x8x128xf32, #tpu.memory_space<vmem>>, vector<16xf32>,
        %parallel_loop3A_857 = tpu.vector_load_idx %arg6[%get3A_317, %parallel_loop3A_814] : memref<1000x8xf32, #tpu.memory_space<vmem>>[vector<16xi32>, vector<16xi32>], vector<16xf32>,
        %parallel_loop3A_858 = arith.constant 5 : i32
        %parallel_loop3A_859 = arith.index_cast %parallel_loop3A_858 : i32 to index
        %parallel_loop3A_860 = arith.index_cast %parallel_loop3A_813 : i32 to index
        %parallel_loop3A_861 = arith.constant 112 : index
        %parallel_loop3A_862 = tpu.vector_load %arg7[%parallel_loop3A_859, %parallel_loop3A_860, %parallel_loop3A_861] {strides = array<i32>} : memref<8x8x128xf32, #tpu.memory_space<vmem>>, vector<16xf32>,
        tpu.vector_store %arg7[%parallel_loop3A_859, %parallel_loop3A_860, %parallel_loop3A_861], %parallel_loop3A_857 {strides = array<i32>} : memref<8x8x128xf32, #tpu.memory_space<vmem>>, vector<16xf32>,
      } {sc.loop_unroll_factor = 8 : i64, sc.parallel_access}
      %get3A_321 = arith.constant 6 : i32
      %get3A_322 = arith.index_cast %sub3A_60 : i32 to index
      %get3A_323 = arith.index_cast %get3A_321 : i32 to index
      %get3A_324 = arith.constant 0 : index
      %get3A_325 = tpu.vector_load %arg5[%get3A_322, %get3A_323, %get3A_324] {strides = array<i32>} : memref<50x8x128xi32, #tpu.memory_space<vmem>>, vector<16xi32>,
      %get3A_326 = arith.constant 6 : i32
      %get3A_327 = arith.index_cast %sub3A_60 : i32 to index
      %get3A_328 = arith.index_cast %get3A_326 : i32 to index
      %get3A_329 = arith.constant 16 : index
      %get3A_330 = tpu.vector_load %arg5[%get3A_327, %get3A_328, %get3A_329] {strides = array<i32>} : memref<50x8x128xi32, #tpu.memory_space<vmem>>, vector<16xi32>,
      %get3A_331 = arith.constant 6 : i32
      %get3A_332 = arith.index_cast %sub3A_60 : i32 to index
      %get3A_333 = arith.index_cast %get3A_331 : i32 to index
      %get3A_334 = arith.constant 32 : index
      %get3A_335 = tpu.vector_load %arg5[%get3A_332, %get3A_333, %get3A_334] {strides = array<i32>} : memref<50x8x128xi32, #tpu.memory_space<vmem>>, vector<16xi32>,
      %get3A_336 = arith.constant 6 : i32
      %get3A_337 = arith.index_cast %sub3A_60 : i32 to index
      %get3A_338 = arith.index_cast %get3A_336 : i32 to index
      %get3A_339 = arith.constant 48 : index
      %get3A_340 = tpu.vector_load %arg5[%get3A_337, %get3A_338, %get3A_339] {strides = array<i32>} : memref<50x8x128xi32, #tpu.memory_space<vmem>>, vector<16xi32>,
      %get3A_341 = arith.constant 6 : i32
      %get3A_342 = arith.index_cast %sub3A_60 : i32 to index
      %get3A_343 = arith.index_cast %get3A_341 : i32 to index
      %get3A_344 = arith.constant 64 : index
      %get3A_345 = tpu.vector_load %arg5[%get3A_342, %get3A_343, %get3A_344] {strides = array<i32>} : memref<50x8x128xi32, #tpu.memory_space<vmem>>, vector<16xi32>,
      %get3A_346 = arith.constant 6 : i32
      %get3A_347 = arith.index_cast %sub3A_60 : i32 to index
      %get3A_348 = arith.index_cast %get3A_346 : i32 to index
      %get3A_349 = arith.constant 80 : index
      %get3A_350 = tpu.vector_load %arg5[%get3A_347, %get3A_348, %get3A_349] {strides = array<i32>} : memref<50x8x128xi32, #tpu.memory_space<vmem>>, vector<16xi32>,
      %get3A_351 = arith.constant 6 : i32
      %get3A_352 = arith.index_cast %sub3A_60 : i32 to index
      %get3A_353 = arith.index_cast %get3A_351 : i32 to index
      %get3A_354 = arith.constant 96 : index
      %get3A_355 = tpu.vector_load %arg5[%get3A_352, %get3A_353, %get3A_354] {strides = array<i32>} : memref<50x8x128xi32, #tpu.memory_space<vmem>>, vector<16xi32>,
      %get3A_356 = arith.constant 6 : i32
      %get3A_357 = arith.index_cast %sub3A_60 : i32 to index
      %get3A_358 = arith.index_cast %get3A_356 : i32 to index
      %get3A_359 = arith.constant 112 : index
      %get3A_360 = tpu.vector_load %arg5[%get3A_357, %get3A_358, %get3A_359] {strides = array<i32>} : memref<50x8x128xi32, #tpu.memory_space<vmem>>, vector<16xi32>,
      %parallel_loop3A_361 = arith.constant 0 : i32
      %parallel_loop3A_362 = arith.constant 8 : i32
      %parallel_loop3A_363 = arith.constant 1 : i32
      scf.for %parallel_loop3A_813 = %parallel_loop3A_361 to %parallel_loop3A_362 step %parallel_loop3A_363  : i32 {
        %parallel_loop3A_814 = vector.broadcast %parallel_loop3A_813 : i32 to vector<16xi32>
        %parallel_loop3A_815 = tpu.vector_load_idx %arg6[%get3A_325, %parallel_loop3A_814] : memref<1000x8xf32, #tpu.memory_space<vmem>>[vector<16xi32>, vector<16xi32>], vector<16xf32>,
        %parallel_loop3A_816 = arith.constant 6 : i32
        %parallel_loop3A_817 = arith.index_cast %parallel_loop3A_816 : i32 to index
        %parallel_loop3A_818 = arith.index_cast %parallel_loop3A_813 : i32 to index
        %parallel_loop3A_819 = arith.constant 0 : index
        %parallel_loop3A_820 = tpu.vector_load %arg7[%parallel_loop3A_817, %parallel_loop3A_818, %parallel_loop3A_819] {strides = array<i32>} : memref<8x8x128xf32, #tpu.memory_space<vmem>>, vector<16xf32>,
        tpu.vector_store %arg7[%parallel_loop3A_817, %parallel_loop3A_818, %parallel_loop3A_819], %parallel_loop3A_815 {strides = array<i32>} : memref<8x8x128xf32, #tpu.memory_space<vmem>>, vector<16xf32>,
        %parallel_loop3A_821 = tpu.vector_load_idx %arg6[%get3A_330, %parallel_loop3A_814] : memref<1000x8xf32, #tpu.memory_space<vmem>>[vector<16xi32>, vector<16xi32>], vector<16xf32>,
        %parallel_loop3A_822 = arith.constant 6 : i32
        %parallel_loop3A_823 = arith.index_cast %parallel_loop3A_822 : i32 to index
        %parallel_loop3A_824 = arith.index_cast %parallel_loop3A_813 : i32 to index
        %parallel_loop3A_825 = arith.constant 16 : index
        %parallel_loop3A_826 = tpu.vector_load %arg7[%parallel_loop3A_823, %parallel_loop3A_824, %parallel_loop3A_825] {strides = array<i32>} : memref<8x8x128xf32, #tpu.memory_space<vmem>>, vector<16xf32>,
        tpu.vector_store %arg7[%parallel_loop3A_823, %parallel_loop3A_824, %parallel_loop3A_825], %parallel_loop3A_821 {strides = array<i32>} : memref<8x8x128xf32, #tpu.memory_space<vmem>>, vector<16xf32>,
        %parallel_loop3A_827 = tpu.vector_load_idx %arg6[%get3A_335, %parallel_loop3A_814] : memref<1000x8xf32, #tpu.memory_space<vmem>>[vector<16xi32>, vector<16xi32>], vector<16xf32>,
        %parallel_loop3A_828 = arith.constant 6 : i32
        %parallel_loop3A_829 = arith.index_cast %parallel_loop3A_828 : i32 to index
        %parallel_loop3A_830 = arith.index_cast %parallel_loop3A_813 : i32 to index
        %parallel_loop3A_831 = arith.constant 32 : index
        %parallel_loop3A_832 = tpu.vector_load %arg7[%parallel_loop3A_829, %parallel_loop3A_830, %parallel_loop3A_831] {strides = array<i32>} : memref<8x8x128xf32, #tpu.memory_space<vmem>>, vector<16xf32>,
        tpu.vector_store %arg7[%parallel_loop3A_829, %parallel_loop3A_830, %parallel_loop3A_831], %parallel_loop3A_827 {strides = array<i32>} : memref<8x8x128xf32, #tpu.memory_space<vmem>>, vector<16xf32>,
        %parallel_loop3A_833 = tpu.vector_load_idx %arg6[%get3A_340, %parallel_loop3A_814] : memref<1000x8xf32, #tpu.memory_space<vmem>>[vector<16xi32>, vector<16xi32>], vector<16xf32>,
        %parallel_loop3A_834 = arith.constant 6 : i32
        %parallel_loop3A_835 = arith.index_cast %parallel_loop3A_834 : i32 to index
        %parallel_loop3A_836 = arith.index_cast %parallel_loop3A_813 : i32 to index
        %parallel_loop3A_837 = arith.constant 48 : index
        %parallel_loop3A_838 = tpu.vector_load %arg7[%parallel_loop3A_835, %parallel_loop3A_836, %parallel_loop3A_837] {strides = array<i32>} : memref<8x8x128xf32, #tpu.memory_space<vmem>>, vector<16xf32>,
        tpu.vector_store %arg7[%parallel_loop3A_835, %parallel_loop3A_836, %parallel_loop3A_837], %parallel_loop3A_833 {strides = array<i32>} : memref<8x8x128xf32, #tpu.memory_space<vmem>>, vector<16xf32>,
        %parallel_loop3A_839 = tpu.vector_load_idx %arg6[%get3A_345, %parallel_loop3A_814] : memref<1000x8xf32, #tpu.memory_space<vmem>>[vector<16xi32>, vector<16xi32>], vector<16xf32>,
        %parallel_loop3A_840 = arith.constant 6 : i32
        %parallel_loop3A_841 = arith.index_cast %parallel_loop3A_840 : i32 to index
        %parallel_loop3A_842 = arith.index_cast %parallel_loop3A_813 : i32 to index
        %parallel_loop3A_843 = arith.constant 64 : index
        %parallel_loop3A_844 = tpu.vector_load %arg7[%parallel_loop3A_841, %parallel_loop3A_842, %parallel_loop3A_843] {strides = array<i32>} : memref<8x8x128xf32, #tpu.memory_space<vmem>>, vector<16xf32>,
        tpu.vector_store %arg7[%parallel_loop3A_841, %parallel_loop3A_842, %parallel_loop3A_843], %parallel_loop3A_839 {strides = array<i32>} : memref<8x8x128xf32, #tpu.memory_space<vmem>>, vector<16xf32>,
        %parallel_loop3A_845 = tpu.vector_load_idx %arg6[%get3A_350, %parallel_loop3A_814] : memref<1000x8xf32, #tpu.memory_space<vmem>>[vector<16xi32>, vector<16xi32>], vector<16xf32>,
        %parallel_loop3A_846 = arith.constant 6 : i32
        %parallel_loop3A_847 = arith.index_cast %parallel_loop3A_846 : i32 to index
        %parallel_loop3A_848 = arith.index_cast %parallel_loop3A_813 : i32 to index
        %parallel_loop3A_849 = arith.constant 80 : index
        %parallel_loop3A_850 = tpu.vector_load %arg7[%parallel_loop3A_847, %parallel_loop3A_848, %parallel_loop3A_849] {strides = array<i32>} : memref<8x8x128xf32, #tpu.memory_space<vmem>>, vector<16xf32>,
        tpu.vector_store %arg7[%parallel_loop3A_847, %parallel_loop3A_848, %parallel_loop3A_849], %parallel_loop3A_845 {strides = array<i32>} : memref<8x8x128xf32, #tpu.memory_space<vmem>>, vector<16xf32>,
        %parallel_loop3A_851 = tpu.vector_load_idx %arg6[%get3A_355, %parallel_loop3A_814] : memref<1000x8xf32, #tpu.memory_space<vmem>>[vector<16xi32>, vector<16xi32>], vector<16xf32>,
        %parallel_loop3A_852 = arith.constant 6 : i32
        %parallel_loop3A_853 = arith.index_cast %parallel_loop3A_852 : i32 to index
        %parallel_loop3A_854 = arith.index_cast %parallel_loop3A_813 : i32 to index
        %parallel_loop3A_855 = arith.constant 96 : index
        %parallel_loop3A_856 = tpu.vector_load %arg7[%parallel_loop3A_853, %parallel_loop3A_854, %parallel_loop3A_855] {strides = array<i32>} : memref<8x8x128xf32, #tpu.memory_space<vmem>>, vector<16xf32>,
        tpu.vector_store %arg7[%parallel_loop3A_853, %parallel_loop3A_854, %parallel_loop3A_855], %parallel_loop3A_851 {strides = array<i32>} : memref<8x8x128xf32, #tpu.memory_space<vmem>>, vector<16xf32>,
        %parallel_loop3A_857 = tpu.vector_load_idx %arg6[%get3A_360, %parallel_loop3A_814] : memref<1000x8xf32, #tpu.memory_space<vmem>>[vector<16xi32>, vector<16xi32>], vector<16xf32>,
        %parallel_loop3A_858 = arith.constant 6 : i32
        %parallel_loop3A_859 = arith.index_cast %parallel_loop3A_858 : i32 to index
        %parallel_loop3A_860 = arith.index_cast %parallel_loop3A_813 : i32 to index
        %parallel_loop3A_861 = arith.constant 112 : index
        %parallel_loop3A_862 = tpu.vector_load %arg7[%parallel_loop3A_859, %parallel_loop3A_860, %parallel_loop3A_861] {strides = array<i32>} : memref<8x8x128xf32, #tpu.memory_space<vmem>>, vector<16xf32>,
        tpu.vector_store %arg7[%parallel_loop3A_859, %parallel_loop3A_860, %parallel_loop3A_861], %parallel_loop3A_857 {strides = array<i32>} : memref<8x8x128xf32, #tpu.memory_space<vmem>>, vector<16xf32>,
      } {sc.loop_unroll_factor = 8 : i64, sc.parallel_access}
      %get3A_364 = arith.constant 7 : i32
      %get3A_365 = arith.index_cast %sub3A_60 : i32 to index
      %get3A_366 = arith.index_cast %get3A_364 : i32 to index
      %get3A_367 = arith.constant 0 : index
      %get3A_368 = tpu.vector_load %arg5[%get3A_365, %get3A_366, %get3A_367] {strides = array<i32>} : memref<50x8x128xi32, #tpu.memory_space<vmem>>, vector<16xi32>,
      %get3A_369 = arith.constant 7 : i32
      %get3A_370 = arith.index_cast %sub3A_60 : i32 to index
      %get3A_371 = arith.index_cast %get3A_369 : i32 to index
      %get3A_372 = arith.constant 16 : index
      %get3A_373 = tpu.vector_load %arg5[%get3A_370, %get3A_371, %get3A_372] {strides = array<i32>} : memref<50x8x128xi32, #tpu.memory_space<vmem>>, vector<16xi32>,
      %get3A_374 = arith.constant 7 : i32
      %get3A_375 = arith.index_cast %sub3A_60 : i32 to index
      %get3A_376 = arith.index_cast %get3A_374 : i32 to index
      %get3A_377 = arith.constant 32 : index
      %get3A_378 = tpu.vector_load %arg5[%get3A_375, %get3A_376, %get3A_377] {strides = array<i32>} : memref<50x8x128xi32, #tpu.memory_space<vmem>>, vector<16xi32>,
      %get3A_379 = arith.constant 7 : i32
      %get3A_380 = arith.index_cast %sub3A_60 : i32 to index
      %get3A_381 = arith.index_cast %get3A_379 : i32 to index
      %get3A_382 = arith.constant 48 : index
      %get3A_383 = tpu.vector_load %arg5[%get3A_380, %get3A_381, %get3A_382] {strides = array<i32>} : memref<50x8x128xi32, #tpu.memory_space<vmem>>, vector<16xi32>,
      %get3A_384 = arith.constant 7 : i32
      %get3A_385 = arith.index_cast %sub3A_60 : i32 to index
      %get3A_386 = arith.index_cast %get3A_384 : i32 to index
      %get3A_387 = arith.constant 64 : index
      %get3A_388 = tpu.vector_load %arg5[%get3A_385, %get3A_386, %get3A_387] {strides = array<i32>} : memref<50x8x128xi32, #tpu.memory_space<vmem>>, vector<16xi32>,
      %get3A_389 = arith.constant 7 : i32
      %get3A_390 = arith.index_cast %sub3A_60 : i32 to index
      %get3A_391 = arith.index_cast %get3A_389 : i32 to index
      %get3A_392 = arith.constant 80 : index
      %get3A_393 = tpu.vector_load %arg5[%get3A_390, %get3A_391, %get3A_392] {strides = array<i32>} : memref<50x8x128xi32, #tpu.memory_space<vmem>>, vector<16xi32>,
      %get3A_394 = arith.constant 7 : i32
      %get3A_395 = arith.index_cast %sub3A_60 : i32 to index
      %get3A_396 = arith.index_cast %get3A_394 : i32 to index
      %get3A_397 = arith.constant 96 : index
      %get3A_398 = tpu.vector_load %arg5[%get3A_395, %get3A_396, %get3A_397] {strides = array<i32>} : memref<50x8x128xi32, #tpu.memory_space<vmem>>, vector<16xi32>,
      %get3A_399 = arith.constant 7 : i32
      %get3A_400 = arith.index_cast %sub3A_60 : i32 to index
      %get3A_401 = arith.index_cast %get3A_399 : i32 to index
      %get3A_402 = arith.constant 112 : index
      %get3A_403 = tpu.vector_load %arg5[%get3A_400, %get3A_401, %get3A_402] {strides = array<i32>} : memref<50x8x128xi32, #tpu.memory_space<vmem>>, vector<16xi32>,
      %parallel_loop3A_404 = arith.constant 0 : i32
      %parallel_loop3A_405 = arith.constant 8 : i32
      %parallel_loop3A_406 = arith.constant 1 : i32
      scf.for %parallel_loop3A_813 = %parallel_loop3A_404 to %parallel_loop3A_405 step %parallel_loop3A_406  : i32 {
        %parallel_loop3A_814 = vector.broadcast %parallel_loop3A_813 : i32 to vector<16xi32>
        %parallel_loop3A_815 = tpu.vector_load_idx %arg6[%get3A_368, %parallel_loop3A_814] : memref<1000x8xf32, #tpu.memory_space<vmem>>[vector<16xi32>, vector<16xi32>], vector<16xf32>,
        %parallel_loop3A_816 = arith.constant 7 : i32
        %parallel_loop3A_817 = arith.index_cast %parallel_loop3A_816 : i32 to index
        %parallel_loop3A_818 = arith.index_cast %parallel_loop3A_813 : i32 to index
        %parallel_loop3A_819 = arith.constant 0 : index
        %parallel_loop3A_820 = tpu.vector_load %arg7[%parallel_loop3A_817, %parallel_loop3A_818, %parallel_loop3A_819] {strides = array<i32>} : memref<8x8x128xf32, #tpu.memory_space<vmem>>, vector<16xf32>,
        tpu.vector_store %arg7[%parallel_loop3A_817, %parallel_loop3A_818, %parallel_loop3A_819], %parallel_loop3A_815 {strides = array<i32>} : memref<8x8x128xf32, #tpu.memory_space<vmem>>, vector<16xf32>,
        %parallel_loop3A_821 = tpu.vector_load_idx %arg6[%get3A_373, %parallel_loop3A_814] : memref<1000x8xf32, #tpu.memory_space<vmem>>[vector<16xi32>, vector<16xi32>], vector<16xf32>,
        %parallel_loop3A_822 = arith.constant 7 : i32
        %parallel_loop3A_823 = arith.index_cast %parallel_loop3A_822 : i32 to index
        %parallel_loop3A_824 = arith.index_cast %parallel_loop3A_813 : i32 to index
        %parallel_loop3A_825 = arith.constant 16 : index
        %parallel_loop3A_826 = tpu.vector_load %arg7[%parallel_loop3A_823, %parallel_loop3A_824, %parallel_loop3A_825] {strides = array<i32>} : memref<8x8x128xf32, #tpu.memory_space<vmem>>, vector<16xf32>,
        tpu.vector_store %arg7[%parallel_loop3A_823, %parallel_loop3A_824, %parallel_loop3A_825], %parallel_loop3A_821 {strides = array<i32>} : memref<8x8x128xf32, #tpu.memory_space<vmem>>, vector<16xf32>,
        %parallel_loop3A_827 = tpu.vector_load_idx %arg6[%get3A_378, %parallel_loop3A_814] : memref<1000x8xf32, #tpu.memory_space<vmem>>[vector<16xi32>, vector<16xi32>], vector<16xf32>,
        %parallel_loop3A_828 = arith.constant 7 : i32
        %parallel_loop3A_829 = arith.index_cast %parallel_loop3A_828 : i32 to index
        %parallel_loop3A_830 = arith.index_cast %parallel_loop3A_813 : i32 to index
        %parallel_loop3A_831 = arith.constant 32 : index
        %parallel_loop3A_832 = tpu.vector_load %arg7[%parallel_loop3A_829, %parallel_loop3A_830, %parallel_loop3A_831] {strides = array<i32>} : memref<8x8x128xf32, #tpu.memory_space<vmem>>, vector<16xf32>,
        tpu.vector_store %arg7[%parallel_loop3A_829, %parallel_loop3A_830, %parallel_loop3A_831], %parallel_loop3A_827 {strides = array<i32>} : memref<8x8x128xf32, #tpu.memory_space<vmem>>, vector<16xf32>,
        %parallel_loop3A_833 = tpu.vector_load_idx %arg6[%get3A_383, %parallel_loop3A_814] : memref<1000x8xf32, #tpu.memory_space<vmem>>[vector<16xi32>, vector<16xi32>], vector<16xf32>,
        %parallel_loop3A_834 = arith.constant 7 : i32
        %parallel_loop3A_835 = arith.index_cast %parallel_loop3A_834 : i32 to index
        %parallel_loop3A_836 = arith.index_cast %parallel_loop3A_813 : i32 to index
        %parallel_loop3A_837 = arith.constant 48 : index
        %parallel_loop3A_838 = tpu.vector_load %arg7[%parallel_loop3A_835, %parallel_loop3A_836, %parallel_loop3A_837] {strides = array<i32>} : memref<8x8x128xf32, #tpu.memory_space<vmem>>, vector<16xf32>,
        tpu.vector_store %arg7[%parallel_loop3A_835, %parallel_loop3A_836, %parallel_loop3A_837], %parallel_loop3A_833 {strides = array<i32>} : memref<8x8x128xf32, #tpu.memory_space<vmem>>, vector<16xf32>,
        %parallel_loop3A_839 = tpu.vector_load_idx %arg6[%get3A_388, %parallel_loop3A_814] : memref<1000x8xf32, #tpu.memory_space<vmem>>[vector<16xi32>, vector<16xi32>], vector<16xf32>,
        %parallel_loop3A_840 = arith.constant 7 : i32
        %parallel_loop3A_841 = arith.index_cast %parallel_loop3A_840 : i32 to index
        %parallel_loop3A_842 = arith.index_cast %parallel_loop3A_813 : i32 to index
        %parallel_loop3A_843 = arith.constant 64 : index
        %parallel_loop3A_844 = tpu.vector_load %arg7[%parallel_loop3A_841, %parallel_loop3A_842, %parallel_loop3A_843] {strides = array<i32>} : memref<8x8x128xf32, #tpu.memory_space<vmem>>, vector<16xf32>,
        tpu.vector_store %arg7[%parallel_loop3A_841, %parallel_loop3A_842, %parallel_loop3A_843], %parallel_loop3A_839 {strides = array<i32>} : memref<8x8x128xf32, #tpu.memory_space<vmem>>, vector<16xf32>,
        %parallel_loop3A_845 = tpu.vector_load_idx %arg6[%get3A_393, %parallel_loop3A_814] : memref<1000x8xf32, #tpu.memory_space<vmem>>[vector<16xi32>, vector<16xi32>], vector<16xf32>,
        %parallel_loop3A_846 = arith.constant 7 : i32
        %parallel_loop3A_847 = arith.index_cast %parallel_loop3A_846 : i32 to index
        %parallel_loop3A_848 = arith.index_cast %parallel_loop3A_813 : i32 to index
        %parallel_loop3A_849 = arith.constant 80 : index
        %parallel_loop3A_850 = tpu.vector_load %arg7[%parallel_loop3A_847, %parallel_loop3A_848, %parallel_loop3A_849] {strides = array<i32>} : memref<8x8x128xf32, #tpu.memory_space<vmem>>, vector<16xf32>,
        tpu.vector_store %arg7[%parallel_loop3A_847, %parallel_loop3A_848, %parallel_loop3A_849], %parallel_loop3A_845 {strides = array<i32>} : memref<8x8x128xf32, #tpu.memory_space<vmem>>, vector<16xf32>,
        %parallel_loop3A_851 = tpu.vector_load_idx %arg6[%get3A_398, %parallel_loop3A_814] : memref<1000x8xf32, #tpu.memory_space<vmem>>[vector<16xi32>, vector<16xi32>], vector<16xf32>,
        %parallel_loop3A_852 = arith.constant 7 : i32
        %parallel_loop3A_853 = arith.index_cast %parallel_loop3A_852 : i32 to index
        %parallel_loop3A_854 = arith.index_cast %parallel_loop3A_813 : i32 to index
        %parallel_loop3A_855 = arith.constant 96 : index
        %parallel_loop3A_856 = tpu.vector_load %arg7[%parallel_loop3A_853, %parallel_loop3A_854, %parallel_loop3A_855] {strides = array<i32>} : memref<8x8x128xf32, #tpu.memory_space<vmem>>, vector<16xf32>,
        tpu.vector_store %arg7[%parallel_loop3A_853, %parallel_loop3A_854, %parallel_loop3A_855], %parallel_loop3A_851 {strides = array<i32>} : memref<8x8x128xf32, #tpu.memory_space<vmem>>, vector<16xf32>,
        %parallel_loop3A_857 = tpu.vector_load_idx %arg6[%get3A_403, %parallel_loop3A_814] : memref<1000x8xf32, #tpu.memory_space<vmem>>[vector<16xi32>, vector<16xi32>], vector<16xf32>,
        %parallel_loop3A_858 = arith.constant 7 : i32
        %parallel_loop3A_859 = arith.index_cast %parallel_loop3A_858 : i32 to index
        %parallel_loop3A_860 = arith.index_cast %parallel_loop3A_813 : i32 to index
        %parallel_loop3A_861 = arith.constant 112 : index
        %parallel_loop3A_862 = tpu.vector_load %arg7[%parallel_loop3A_859, %parallel_loop3A_860, %parallel_loop3A_861] {strides = array<i32>} : memref<8x8x128xf32, #tpu.memory_space<vmem>>, vector<16xf32>,
        tpu.vector_store %arg7[%parallel_loop3A_859, %parallel_loop3A_860, %parallel_loop3A_861], %parallel_loop3A_857 {strides = array<i32>} : memref<8x8x128xf32, #tpu.memory_space<vmem>>, vector<16xf32>,
      } {sc.loop_unroll_factor = 8 : i64, sc.parallel_access}
      %dma_start3A = arith.constant 0 : i32
      %dma_start3A_407 = arith.constant 0 : i32
      %dma_start3A_408 = arith.constant 0 : i32
      %dma_start3A_409 = tpu.memref_slice %arg4[%sub3A_60, %select_n3A, %dma_start3A, %dma_start3A_407, %dma_start3A_408] : memref<50x125x8x8x128xf32, #tpu.memory_space<hbm>> -> memref<1x1x8x8x128xf32, #tpu.memory_space<hbm>>
      %dma_start3A_410 = tpu.memref_squeeze %dma_start3A_409 : memref<1x1x8x8x128xf32, #tpu.memory_space<hbm>> -> memref<8x8x128xf32, #tpu.memory_space<hbm>>
      %dma_start3A_411 = arith.constant 0 : i32
      %dma_start3A_412 = arith.constant 0 : i32
      %dma_start3A_413 = arith.constant 0 : i32
      %dma_start3A_414 = tpu.memref_slice %arg4[%sub3A_60, %select_n3A, %dma_start3A_411, %dma_start3A_412, %dma_start3A_413] : memref<50x125x8x8x128xf32, #tpu.memory_space<hbm>> -> memref<1x1x8x8x128xf32, #tpu.memory_space<hbm>>
      %dma_start3A_415 = tpu.memref_squeeze %dma_start3A_414 : memref<1x1x8x8x128xf32, #tpu.memory_space<hbm>> -> memref<8x8x128xf32, #tpu.memory_space<hbm>>
      tpu.enqueue_dma source(%arg7 : memref<8x8x128xf32, #tpu.memory_space<vmem>>) target(%dma_start3A_415 : memref<8x8x128xf32, #tpu.memory_space<hbm>>) target_semaphore(%arg9 : memref<!tpu.dma_semaphore, #tpu.memory_space<semaphore_mem>>)
      %mul3A_416 = arith.constant 2 : i32
      %mul3A_417 = arith.muli %mul3A_416, %scan3A_32 : i32
      %add3A_418 = arith.constant 1 : i32
      %add3A_419 = arith.addi %mul3A_417, %add3A_418 : i32
      %ge3A_420 = arith.constant 1 : i32
      %ge3A_421 = arith.cmpi sge, %scan3A_32, %ge3A_420 : i32
      %convert_element_type3A_422 = arith.extui %ge3A_421 : i1 to i32
      %cond3A_423 = arith.constant 0 : i32
      %cond3A_424 = arith.cmpi ne, %convert_element_type3A_422, %cond3A_423 : i32
      scf.if %cond3A_424 {
        %dma_wait3A_813 = arith.constant 0 : i32
        %dma_wait3A_814 = arith.constant 0 : i32
        %dma_wait3A_815 = arith.constant 0 : i32
        %dma_wait3A_816 = arith.constant 0 : i32
        %dma_wait3A_817 = arith.constant 0 : i32
        %dma_wait3A_818 = tpu.memref_slice %arg4[%dma_wait3A_813, %dma_wait3A_814, %dma_wait3A_815, %dma_wait3A_816, %dma_wait3A_817] : memref<50x125x8x8x128xf32, #tpu.memory_space<hbm>> -> memref<1x1x8x8x128xf32, #tpu.memory_space<hbm>>
        %dma_wait3A_819 = tpu.memref_squeeze %dma_wait3A_818 : memref<1x1x8x8x128xf32, #tpu.memory_space<hbm>> -> memref<8x8x128xf32, #tpu.memory_space<hbm>>
        %dma_wait3A_820 = arith.constant 0 : i32
        %dma_wait3A_821 = arith.constant 0 : i32
        %dma_wait3A_822 = arith.constant 0 : i32
        %dma_wait3A_823 = tpu.memref_slice %arg4[%dma_wait3A_813, %dma_wait3A_814, %dma_wait3A_820, %dma_wait3A_821, %dma_wait3A_822] : memref<50x125x8x8x128xf32, #tpu.memory_space<hbm>> -> memref<1x1x8x8x128xf32, #tpu.memory_space<hbm>>
        %dma_wait3A_824 = tpu.memref_squeeze %dma_wait3A_823 : memref<1x1x8x8x128xf32, #tpu.memory_space<hbm>> -> memref<8x8x128xf32, #tpu.memory_space<hbm>>
        tpu.wait_dma2 semaphore(%arg10 : memref<!tpu.dma_semaphore, #tpu.memory_space<semaphore_mem>>) src(%arg8 : memref<8x8x128xf32, #tpu.memory_space<vmem>>) dst(%dma_wait3A_824 : memref<8x8x128xf32, #tpu.memory_space<hbm>>)
      } else {
      }
      %add3A_425 = arith.addi %mul3A_2, %add3A_419 : i32
      %min3A_426 = arith.constant 6249 : i32
      %min3A_427 = arith.minsi %add3A_425, %min3A_426 : i32
      %jit3A_428 = arith.constant 50 : i32
      %div3A_429 = arith.divsi %min3A_427, %jit3A_428 : i32
      %sign3A_430 = arith.constant 0 : i32
      %sign3A_431 = arith.cmpi sgt, %min3A_427, %sign3A_430 : i32
      %sign3A_432 = arith.extui %sign3A_431 : i1 to i32
      %sign3A_433 = arith.constant 0 : i32
      %sign3A_434 = arith.cmpi slt, %min3A_427, %sign3A_433 : i32
      %sign3A_435 = arith.extui %sign3A_434 : i1 to i32
      %sign3A_436 = arith.subi %sign3A_432, %sign3A_435 : i32
      %sign3A_437 = arith.constant 0 : i32
      %sign3A_438 = arith.cmpi sgt, %jit3A_428, %sign3A_437 : i32
      %sign3A_439 = arith.extui %sign3A_438 : i1 to i32
      %sign3A_440 = arith.constant 0 : i32
      %sign3A_441 = arith.cmpi slt, %jit3A_428, %sign3A_440 : i32
      %sign3A_442 = arith.extui %sign3A_441 : i1 to i32
      %sign3A_443 = arith.subi %sign3A_439, %sign3A_442 : i32
      %ne3A_444 = arith.cmpi ne, %sign3A_436, %sign3A_443 : i32
      %rem3A_445 = arith.remsi %min3A_427, %jit3A_428 : i32
      %ne3A_446 = arith.constant 0 : i32
      %ne3A_447 = arith.cmpi ne, %rem3A_445, %ne3A_446 : i32
      %and3A_448 = arith.andi %ne3A_444, %ne3A_447 : i1
      %sub3A_449 = arith.constant 1 : i32
      %sub3A_450 = arith.subi %div3A_429, %sub3A_449 : i32
      %select_n3A_451 = arith.select %and3A_448, %sub3A_450, %div3A_429 : i32
      %mul3A_452 = arith.constant 50 : i32
      %mul3A_453 = arith.muli %select_n3A_451, %mul3A_452 : i32
      %sub3A_454 = arith.subi %min3A_427, %mul3A_453 : i32
      %ne3A_455 = arith.cmpi ne, %select_n3A_451, %select_n3A : i32
      %convert_element_type3A_456 = arith.extui %ne3A_455 : i1 to i32
      %cond3A_457 = arith.constant 0 : i32
      %cond3A_458 = arith.cmpi ne, %convert_element_type3A_456, %cond3A_457 : i32
      scf.if %cond3A_458 {
        %mul3A_813 = arith.constant 8 : i32
        %mul3A_814 = arith.muli %select_n3A_451, %mul3A_813 : i32
        "tpu.region"() ({
          %run_scoped3A = tpu.sem_alloc : memref<!tpu.dma_semaphore, #tpu.memory_space<semaphore_mem>>
          %dma_start3A_815 = arith.constant 0 : i32
          %dma_start3A_816 = tpu.memref_slice %arg3[%dma_start3A_815, %mul3A_814] : memref<1000x1000xf32, #tpu.memory_space<hbm>> -> memref<1000x8xf32, #tpu.memory_space<hbm>>
          %dma_start3A_817 = arith.constant 0 : i32
          %dma_start3A_818 = tpu.memref_slice %arg3[%dma_start3A_817, %mul3A_814] : memref<1000x1000xf32, #tpu.memory_space<hbm>> -> memref<1000x8xf32, #tpu.memory_space<hbm>>
          tpu.enqueue_dma source(%dma_start3A_818 : memref<1000x8xf32, #tpu.memory_space<hbm>>) target(%arg6 : memref<1000x8xf32, #tpu.memory_space<vmem>>) target_semaphore(%run_scoped3A : memref<!tpu.dma_semaphore, #tpu.memory_space<semaphore_mem>>)
          %dma_wait3A_819 = arith.constant 0 : i32
          %dma_wait3A_820 = tpu.memref_slice %arg3[%dma_wait3A_819, %mul3A_814] : memref<1000x1000xf32, #tpu.memory_space<hbm>> -> memref<1000x8xf32, #tpu.memory_space<hbm>>
          %dma_wait3A_821 = arith.constant 0 : i32
          %dma_wait3A_822 = tpu.memref_slice %arg3[%dma_wait3A_821, %mul3A_814] : memref<1000x1000xf32, #tpu.memory_space<hbm>> -> memref<1000x8xf32, #tpu.memory_space<hbm>>
          tpu.wait_dma2 semaphore(%run_scoped3A : memref<!tpu.dma_semaphore, #tpu.memory_space<semaphore_mem>>) src(%dma_wait3A_822 : memref<1000x8xf32, #tpu.memory_space<hbm>>) dst(%arg6 : memref<1000x8xf32, #tpu.memory_space<vmem>>)
          tpu.yield
        }) : () -> ()
      } else {
      }
      %get3A_459 = arith.constant 0 : i32
      %get3A_460 = arith.index_cast %sub3A_454 : i32 to index
      %get3A_461 = arith.index_cast %get3A_459 : i32 to index
      %get3A_462 = arith.constant 0 : index
      %get3A_463 = tpu.vector_load %arg5[%get3A_460, %get3A_461, %get3A_462] {strides = array<i32>} : memref<50x8x128xi32, #tpu.memory_space<vmem>>, vector<16xi32>,
      %get3A_464 = arith.constant 0 : i32
      %get3A_465 = arith.index_cast %sub3A_454 : i32 to index
      %get3A_466 = arith.index_cast %get3A_464 : i32 to index
      %get3A_467 = arith.constant 16 : index
      %get3A_468 = tpu.vector_load %arg5[%get3A_465, %get3A_466, %get3A_467] {strides = array<i32>} : memref<50x8x128xi32, #tpu.memory_space<vmem>>, vector<16xi32>,
      %get3A_469 = arith.constant 0 : i32
      %get3A_470 = arith.index_cast %sub3A_454 : i32 to index
      %get3A_471 = arith.index_cast %get3A_469 : i32 to index
      %get3A_472 = arith.constant 32 : index
      %get3A_473 = tpu.vector_load %arg5[%get3A_470, %get3A_471, %get3A_472] {strides = array<i32>} : memref<50x8x128xi32, #tpu.memory_space<vmem>>, vector<16xi32>,
      %get3A_474 = arith.constant 0 : i32
      %get3A_475 = arith.index_cast %sub3A_454 : i32 to index
      %get3A_476 = arith.index_cast %get3A_474 : i32 to index
      %get3A_477 = arith.constant 48 : index
      %get3A_478 = tpu.vector_load %arg5[%get3A_475, %get3A_476, %get3A_477] {strides = array<i32>} : memref<50x8x128xi32, #tpu.memory_space<vmem>>, vector<16xi32>,
      %get3A_479 = arith.constant 0 : i32
      %get3A_480 = arith.index_cast %sub3A_454 : i32 to index
      %get3A_481 = arith.index_cast %get3A_479 : i32 to index
      %get3A_482 = arith.constant 64 : index
      %get3A_483 = tpu.vector_load %arg5[%get3A_480, %get3A_481, %get3A_482] {strides = array<i32>} : memref<50x8x128xi32, #tpu.memory_space<vmem>>, vector<16xi32>,
      %get3A_484 = arith.constant 0 : i32
      %get3A_485 = arith.index_cast %sub3A_454 : i32 to index
      %get3A_486 = arith.index_cast %get3A_484 : i32 to index
      %get3A_487 = arith.constant 80 : index
      %get3A_488 = tpu.vector_load %arg5[%get3A_485, %get3A_486, %get3A_487] {strides = array<i32>} : memref<50x8x128xi32, #tpu.memory_space<vmem>>, vector<16xi32>,
      %get3A_489 = arith.constant 0 : i32
      %get3A_490 = arith.index_cast %sub3A_454 : i32 to index
      %get3A_491 = arith.index_cast %get3A_489 : i32 to index
      %get3A_492 = arith.constant 96 : index
      %get3A_493 = tpu.vector_load %arg5[%get3A_490, %get3A_491, %get3A_492] {strides = array<i32>} : memref<50x8x128xi32, #tpu.memory_space<vmem>>, vector<16xi32>,
      %get3A_494 = arith.constant 0 : i32
      %get3A_495 = arith.index_cast %sub3A_454 : i32 to index
      %get3A_496 = arith.index_cast %get3A_494 : i32 to index
      %get3A_497 = arith.constant 112 : index
      %get3A_498 = tpu.vector_load %arg5[%get3A_495, %get3A_496, %get3A_497] {strides = array<i32>} : memref<50x8x128xi32, #tpu.memory_space<vmem>>, vector<16xi32>,
      %parallel_loop3A_499 = arith.constant 0 : i32
      %parallel_loop3A_500 = arith.constant 8 : i32
      %parallel_loop3A_501 = arith.constant 1 : i32
      scf.for %parallel_loop3A_813 = %parallel_loop3A_499 to %parallel_loop3A_500 step %parallel_loop3A_501  : i32 {
        %parallel_loop3A_814 = vector.broadcast %parallel_loop3A_813 : i32 to vector<16xi32>
        %parallel_loop3A_815 = tpu.vector_load_idx %arg6[%get3A_463, %parallel_loop3A_814] : memref<1000x8xf32, #tpu.memory_space<vmem>>[vector<16xi32>, vector<16xi32>], vector<16xf32>,
        %parallel_loop3A_816 = arith.constant 0 : i32
        %parallel_loop3A_817 = arith.index_cast %parallel_loop3A_816 : i32 to index
        %parallel_loop3A_818 = arith.index_cast %parallel_loop3A_813 : i32 to index
        %parallel_loop3A_819 = arith.constant 0 : index
        %parallel_loop3A_820 = tpu.vector_load %arg8[%parallel_loop3A_817, %parallel_loop3A_818, %parallel_loop3A_819] {strides = array<i32>} : memref<8x8x128xf32, #tpu.memory_space<vmem>>, vector<16xf32>,
        tpu.vector_store %arg8[%parallel_loop3A_817, %parallel_loop3A_818, %parallel_loop3A_819], %parallel_loop3A_815 {strides = array<i32>} : memref<8x8x128xf32, #tpu.memory_space<vmem>>, vector<16xf32>,
        %parallel_loop3A_821 = tpu.vector_load_idx %arg6[%get3A_468, %parallel_loop3A_814] : memref<1000x8xf32, #tpu.memory_space<vmem>>[vector<16xi32>, vector<16xi32>], vector<16xf32>,
        %parallel_loop3A_822 = arith.constant 0 : i32
        %parallel_loop3A_823 = arith.index_cast %parallel_loop3A_822 : i32 to index
        %parallel_loop3A_824 = arith.index_cast %parallel_loop3A_813 : i32 to index
        %parallel_loop3A_825 = arith.constant 16 : index
        %parallel_loop3A_826 = tpu.vector_load %arg8[%parallel_loop3A_823, %parallel_loop3A_824, %parallel_loop3A_825] {strides = array<i32>} : memref<8x8x128xf32, #tpu.memory_space<vmem>>, vector<16xf32>,
        tpu.vector_store %arg8[%parallel_loop3A_823, %parallel_loop3A_824, %parallel_loop3A_825], %parallel_loop3A_821 {strides = array<i32>} : memref<8x8x128xf32, #tpu.memory_space<vmem>>, vector<16xf32>,
        %parallel_loop3A_827 = tpu.vector_load_idx %arg6[%get3A_473, %parallel_loop3A_814] : memref<1000x8xf32, #tpu.memory_space<vmem>>[vector<16xi32>, vector<16xi32>], vector<16xf32>,
        %parallel_loop3A_828 = arith.constant 0 : i32
        %parallel_loop3A_829 = arith.index_cast %parallel_loop3A_828 : i32 to index
        %parallel_loop3A_830 = arith.index_cast %parallel_loop3A_813 : i32 to index
        %parallel_loop3A_831 = arith.constant 32 : index
        %parallel_loop3A_832 = tpu.vector_load %arg8[%parallel_loop3A_829, %parallel_loop3A_830, %parallel_loop3A_831] {strides = array<i32>} : memref<8x8x128xf32, #tpu.memory_space<vmem>>, vector<16xf32>,
        tpu.vector_store %arg8[%parallel_loop3A_829, %parallel_loop3A_830, %parallel_loop3A_831], %parallel_loop3A_827 {strides = array<i32>} : memref<8x8x128xf32, #tpu.memory_space<vmem>>, vector<16xf32>,
        %parallel_loop3A_833 = tpu.vector_load_idx %arg6[%get3A_478, %parallel_loop3A_814] : memref<1000x8xf32, #tpu.memory_space<vmem>>[vector<16xi32>, vector<16xi32>], vector<16xf32>,
        %parallel_loop3A_834 = arith.constant 0 : i32
        %parallel_loop3A_835 = arith.index_cast %parallel_loop3A_834 : i32 to index
        %parallel_loop3A_836 = arith.index_cast %parallel_loop3A_813 : i32 to index
        %parallel_loop3A_837 = arith.constant 48 : index
        %parallel_loop3A_838 = tpu.vector_load %arg8[%parallel_loop3A_835, %parallel_loop3A_836, %parallel_loop3A_837] {strides = array<i32>} : memref<8x8x128xf32, #tpu.memory_space<vmem>>, vector<16xf32>,
        tpu.vector_store %arg8[%parallel_loop3A_835, %parallel_loop3A_836, %parallel_loop3A_837], %parallel_loop3A_833 {strides = array<i32>} : memref<8x8x128xf32, #tpu.memory_space<vmem>>, vector<16xf32>,
        %parallel_loop3A_839 = tpu.vector_load_idx %arg6[%get3A_483, %parallel_loop3A_814] : memref<1000x8xf32, #tpu.memory_space<vmem>>[vector<16xi32>, vector<16xi32>], vector<16xf32>,
        %parallel_loop3A_840 = arith.constant 0 : i32
        %parallel_loop3A_841 = arith.index_cast %parallel_loop3A_840 : i32 to index
        %parallel_loop3A_842 = arith.index_cast %parallel_loop3A_813 : i32 to index
        %parallel_loop3A_843 = arith.constant 64 : index
        %parallel_loop3A_844 = tpu.vector_load %arg8[%parallel_loop3A_841, %parallel_loop3A_842, %parallel_loop3A_843] {strides = array<i32>} : memref<8x8x128xf32, #tpu.memory_space<vmem>>, vector<16xf32>,
        tpu.vector_store %arg8[%parallel_loop3A_841, %parallel_loop3A_842, %parallel_loop3A_843], %parallel_loop3A_839 {strides = array<i32>} : memref<8x8x128xf32, #tpu.memory_space<vmem>>, vector<16xf32>,
        %parallel_loop3A_845 = tpu.vector_load_idx %arg6[%get3A_488, %parallel_loop3A_814] : memref<1000x8xf32, #tpu.memory_space<vmem>>[vector<16xi32>, vector<16xi32>], vector<16xf32>,
        %parallel_loop3A_846 = arith.constant 0 : i32
        %parallel_loop3A_847 = arith.index_cast %parallel_loop3A_846 : i32 to index
        %parallel_loop3A_848 = arith.index_cast %parallel_loop3A_813 : i32 to index
        %parallel_loop3A_849 = arith.constant 80 : index
        %parallel_loop3A_850 = tpu.vector_load %arg8[%parallel_loop3A_847, %parallel_loop3A_848, %parallel_loop3A_849] {strides = array<i32>} : memref<8x8x128xf32, #tpu.memory_space<vmem>>, vector<16xf32>,
        tpu.vector_store %arg8[%parallel_loop3A_847, %parallel_loop3A_848, %parallel_loop3A_849], %parallel_loop3A_845 {strides = array<i32>} : memref<8x8x128xf32, #tpu.memory_space<vmem>>, vector<16xf32>,
        %parallel_loop3A_851 = tpu.vector_load_idx %arg6[%get3A_493, %parallel_loop3A_814] : memref<1000x8xf32, #tpu.memory_space<vmem>>[vector<16xi32>, vector<16xi32>], vector<16xf32>,
        %parallel_loop3A_852 = arith.constant 0 : i32
        %parallel_loop3A_853 = arith.index_cast %parallel_loop3A_852 : i32 to index
        %parallel_loop3A_854 = arith.index_cast %parallel_loop3A_813 : i32 to index
        %parallel_loop3A_855 = arith.constant 96 : index
        %parallel_loop3A_856 = tpu.vector_load %arg8[%parallel_loop3A_853, %parallel_loop3A_854, %parallel_loop3A_855] {strides = array<i32>} : memref<8x8x128xf32, #tpu.memory_space<vmem>>, vector<16xf32>,
        tpu.vector_store %arg8[%parallel_loop3A_853, %parallel_loop3A_854, %parallel_loop3A_855], %parallel_loop3A_851 {strides = array<i32>} : memref<8x8x128xf32, #tpu.memory_space<vmem>>, vector<16xf32>,
        %parallel_loop3A_857 = tpu.vector_load_idx %arg6[%get3A_498, %parallel_loop3A_814] : memref<1000x8xf32, #tpu.memory_space<vmem>>[vector<16xi32>, vector<16xi32>], vector<16xf32>,
        %parallel_loop3A_858 = arith.constant 0 : i32
        %parallel_loop3A_859 = arith.index_cast %parallel_loop3A_858 : i32 to index
        %parallel_loop3A_860 = arith.index_cast %parallel_loop3A_813 : i32 to index
        %parallel_loop3A_861 = arith.constant 112 : index
        %parallel_loop3A_862 = tpu.vector_load %arg8[%parallel_loop3A_859, %parallel_loop3A_860, %parallel_loop3A_861] {strides = array<i32>} : memref<8x8x128xf32, #tpu.memory_space<vmem>>, vector<16xf32>,
        tpu.vector_store %arg8[%parallel_loop3A_859, %parallel_loop3A_860, %parallel_loop3A_861], %parallel_loop3A_857 {strides = array<i32>} : memref<8x8x128xf32, #tpu.memory_space<vmem>>, vector<16xf32>,
      } {sc.loop_unroll_factor = 8 : i64, sc.parallel_access}
      %get3A_502 = arith.constant 1 : i32
      %get3A_503 = arith.index_cast %sub3A_454 : i32 to index
      %get3A_504 = arith.index_cast %get3A_502 : i32 to index
      %get3A_505 = arith.constant 0 : index
      %get3A_506 = tpu.vector_load %arg5[%get3A_503, %get3A_504, %get3A_505] {strides = array<i32>} : memref<50x8x128xi32, #tpu.memory_space<vmem>>, vector<16xi32>,
      %get3A_507 = arith.constant 1 : i32
      %get3A_508 = arith.index_cast %sub3A_454 : i32 to index
      %get3A_509 = arith.index_cast %get3A_507 : i32 to index
      %get3A_510 = arith.constant 16 : index
      %get3A_511 = tpu.vector_load %arg5[%get3A_508, %get3A_509, %get3A_510] {strides = array<i32>} : memref<50x8x128xi32, #tpu.memory_space<vmem>>, vector<16xi32>,
      %get3A_512 = arith.constant 1 : i32
      %get3A_513 = arith.index_cast %sub3A_454 : i32 to index
      %get3A_514 = arith.index_cast %get3A_512 : i32 to index
      %get3A_515 = arith.constant 32 : index
      %get3A_516 = tpu.vector_load %arg5[%get3A_513, %get3A_514, %get3A_515] {strides = array<i32>} : memref<50x8x128xi32, #tpu.memory_space<vmem>>, vector<16xi32>,
      %get3A_517 = arith.constant 1 : i32
      %get3A_518 = arith.index_cast %sub3A_454 : i32 to index
      %get3A_519 = arith.index_cast %get3A_517 : i32 to index
      %get3A_520 = arith.constant 48 : index
      %get3A_521 = tpu.vector_load %arg5[%get3A_518, %get3A_519, %get3A_520] {strides = array<i32>} : memref<50x8x128xi32, #tpu.memory_space<vmem>>, vector<16xi32>,
      %get3A_522 = arith.constant 1 : i32
      %get3A_523 = arith.index_cast %sub3A_454 : i32 to index
      %get3A_524 = arith.index_cast %get3A_522 : i32 to index
      %get3A_525 = arith.constant 64 : index
      %get3A_526 = tpu.vector_load %arg5[%get3A_523, %get3A_524, %get3A_525] {strides = array<i32>} : memref<50x8x128xi32, #tpu.memory_space<vmem>>, vector<16xi32>,
      %get3A_527 = arith.constant 1 : i32
      %get3A_528 = arith.index_cast %sub3A_454 : i32 to index
      %get3A_529 = arith.index_cast %get3A_527 : i32 to index
      %get3A_530 = arith.constant 80 : index
      %get3A_531 = tpu.vector_load %arg5[%get3A_528, %get3A_529, %get3A_530] {strides = array<i32>} : memref<50x8x128xi32, #tpu.memory_space<vmem>>, vector<16xi32>,
      %get3A_532 = arith.constant 1 : i32
      %get3A_533 = arith.index_cast %sub3A_454 : i32 to index
      %get3A_534 = arith.index_cast %get3A_532 : i32 to index
      %get3A_535 = arith.constant 96 : index
      %get3A_536 = tpu.vector_load %arg5[%get3A_533, %get3A_534, %get3A_535] {strides = array<i32>} : memref<50x8x128xi32, #tpu.memory_space<vmem>>, vector<16xi32>,
      %get3A_537 = arith.constant 1 : i32
      %get3A_538 = arith.index_cast %sub3A_454 : i32 to index
      %get3A_539 = arith.index_cast %get3A_537 : i32 to index
      %get3A_540 = arith.constant 112 : index
      %get3A_541 = tpu.vector_load %arg5[%get3A_538, %get3A_539, %get3A_540] {strides = array<i32>} : memref<50x8x128xi32, #tpu.memory_space<vmem>>, vector<16xi32>,
      %parallel_loop3A_542 = arith.constant 0 : i32
      %parallel_loop3A_543 = arith.constant 8 : i32
      %parallel_loop3A_544 = arith.constant 1 : i32
      scf.for %parallel_loop3A_813 = %parallel_loop3A_542 to %parallel_loop3A_543 step %parallel_loop3A_544  : i32 {
        %parallel_loop3A_814 = vector.broadcast %parallel_loop3A_813 : i32 to vector<16xi32>
        %parallel_loop3A_815 = tpu.vector_load_idx %arg6[%get3A_506, %parallel_loop3A_814] : memref<1000x8xf32, #tpu.memory_space<vmem>>[vector<16xi32>, vector<16xi32>], vector<16xf32>,
        %parallel_loop3A_816 = arith.constant 1 : i32
        %parallel_loop3A_817 = arith.index_cast %parallel_loop3A_816 : i32 to index
        %parallel_loop3A_818 = arith.index_cast %parallel_loop3A_813 : i32 to index
        %parallel_loop3A_819 = arith.constant 0 : index
        %parallel_loop3A_820 = tpu.vector_load %arg8[%parallel_loop3A_817, %parallel_loop3A_818, %parallel_loop3A_819] {strides = array<i32>} : memref<8x8x128xf32, #tpu.memory_space<vmem>>, vector<16xf32>,
        tpu.vector_store %arg8[%parallel_loop3A_817, %parallel_loop3A_818, %parallel_loop3A_819], %parallel_loop3A_815 {strides = array<i32>} : memref<8x8x128xf32, #tpu.memory_space<vmem>>, vector<16xf32>,
        %parallel_loop3A_821 = tpu.vector_load_idx %arg6[%get3A_511, %parallel_loop3A_814] : memref<1000x8xf32, #tpu.memory_space<vmem>>[vector<16xi32>, vector<16xi32>], vector<16xf32>,
        %parallel_loop3A_822 = arith.constant 1 : i32
        %parallel_loop3A_823 = arith.index_cast %parallel_loop3A_822 : i32 to index
        %parallel_loop3A_824 = arith.index_cast %parallel_loop3A_813 : i32 to index
        %parallel_loop3A_825 = arith.constant 16 : index
        %parallel_loop3A_826 = tpu.vector_load %arg8[%parallel_loop3A_823, %parallel_loop3A_824, %parallel_loop3A_825] {strides = array<i32>} : memref<8x8x128xf32, #tpu.memory_space<vmem>>, vector<16xf32>,
        tpu.vector_store %arg8[%parallel_loop3A_823, %parallel_loop3A_824, %parallel_loop3A_825], %parallel_loop3A_821 {strides = array<i32>} : memref<8x8x128xf32, #tpu.memory_space<vmem>>, vector<16xf32>,
        %parallel_loop3A_827 = tpu.vector_load_idx %arg6[%get3A_516, %parallel_loop3A_814] : memref<1000x8xf32, #tpu.memory_space<vmem>>[vector<16xi32>, vector<16xi32>], vector<16xf32>,
        %parallel_loop3A_828 = arith.constant 1 : i32
        %parallel_loop3A_829 = arith.index_cast %parallel_loop3A_828 : i32 to index
        %parallel_loop3A_830 = arith.index_cast %parallel_loop3A_813 : i32 to index
        %parallel_loop3A_831 = arith.constant 32 : index
        %parallel_loop3A_832 = tpu.vector_load %arg8[%parallel_loop3A_829, %parallel_loop3A_830, %parallel_loop3A_831] {strides = array<i32>} : memref<8x8x128xf32, #tpu.memory_space<vmem>>, vector<16xf32>,
        tpu.vector_store %arg8[%parallel_loop3A_829, %parallel_loop3A_830, %parallel_loop3A_831], %parallel_loop3A_827 {strides = array<i32>} : memref<8x8x128xf32, #tpu.memory_space<vmem>>, vector<16xf32>,
        %parallel_loop3A_833 = tpu.vector_load_idx %arg6[%get3A_521, %parallel_loop3A_814] : memref<1000x8xf32, #tpu.memory_space<vmem>>[vector<16xi32>, vector<16xi32>], vector<16xf32>,
        %parallel_loop3A_834 = arith.constant 1 : i32
        %parallel_loop3A_835 = arith.index_cast %parallel_loop3A_834 : i32 to index
        %parallel_loop3A_836 = arith.index_cast %parallel_loop3A_813 : i32 to index
        %parallel_loop3A_837 = arith.constant 48 : index
        %parallel_loop3A_838 = tpu.vector_load %arg8[%parallel_loop3A_835, %parallel_loop3A_836, %parallel_loop3A_837] {strides = array<i32>} : memref<8x8x128xf32, #tpu.memory_space<vmem>>, vector<16xf32>,
        tpu.vector_store %arg8[%parallel_loop3A_835, %parallel_loop3A_836, %parallel_loop3A_837], %parallel_loop3A_833 {strides = array<i32>} : memref<8x8x128xf32, #tpu.memory_space<vmem>>, vector<16xf32>,
        %parallel_loop3A_839 = tpu.vector_load_idx %arg6[%get3A_526, %parallel_loop3A_814] : memref<1000x8xf32, #tpu.memory_space<vmem>>[vector<16xi32>, vector<16xi32>], vector<16xf32>,
        %parallel_loop3A_840 = arith.constant 1 : i32
        %parallel_loop3A_841 = arith.index_cast %parallel_loop3A_840 : i32 to index
        %parallel_loop3A_842 = arith.index_cast %parallel_loop3A_813 : i32 to index
        %parallel_loop3A_843 = arith.constant 64 : index
        %parallel_loop3A_844 = tpu.vector_load %arg8[%parallel_loop3A_841, %parallel_loop3A_842, %parallel_loop3A_843] {strides = array<i32>} : memref<8x8x128xf32, #tpu.memory_space<vmem>>, vector<16xf32>,
        tpu.vector_store %arg8[%parallel_loop3A_841, %parallel_loop3A_842, %parallel_loop3A_843], %parallel_loop3A_839 {strides = array<i32>} : memref<8x8x128xf32, #tpu.memory_space<vmem>>, vector<16xf32>,
        %parallel_loop3A_845 = tpu.vector_load_idx %arg6[%get3A_531, %parallel_loop3A_814] : memref<1000x8xf32, #tpu.memory_space<vmem>>[vector<16xi32>, vector<16xi32>], vector<16xf32>,
        %parallel_loop3A_846 = arith.constant 1 : i32
        %parallel_loop3A_847 = arith.index_cast %parallel_loop3A_846 : i32 to index
        %parallel_loop3A_848 = arith.index_cast %parallel_loop3A_813 : i32 to index
        %parallel_loop3A_849 = arith.constant 80 : index
        %parallel_loop3A_850 = tpu.vector_load %arg8[%parallel_loop3A_847, %parallel_loop3A_848, %parallel_loop3A_849] {strides = array<i32>} : memref<8x8x128xf32, #tpu.memory_space<vmem>>, vector<16xf32>,
        tpu.vector_store %arg8[%parallel_loop3A_847, %parallel_loop3A_848, %parallel_loop3A_849], %parallel_loop3A_845 {strides = array<i32>} : memref<8x8x128xf32, #tpu.memory_space<vmem>>, vector<16xf32>,
        %parallel_loop3A_851 = tpu.vector_load_idx %arg6[%get3A_536, %parallel_loop3A_814] : memref<1000x8xf32, #tpu.memory_space<vmem>>[vector<16xi32>, vector<16xi32>], vector<16xf32>,
        %parallel_loop3A_852 = arith.constant 1 : i32
        %parallel_loop3A_853 = arith.index_cast %parallel_loop3A_852 : i32 to index
        %parallel_loop3A_854 = arith.index_cast %parallel_loop3A_813 : i32 to index
        %parallel_loop3A_855 = arith.constant 96 : index
        %parallel_loop3A_856 = tpu.vector_load %arg8[%parallel_loop3A_853, %parallel_loop3A_854, %parallel_loop3A_855] {strides = array<i32>} : memref<8x8x128xf32, #tpu.memory_space<vmem>>, vector<16xf32>,
        tpu.vector_store %arg8[%parallel_loop3A_853, %parallel_loop3A_854, %parallel_loop3A_855], %parallel_loop3A_851 {strides = array<i32>} : memref<8x8x128xf32, #tpu.memory_space<vmem>>, vector<16xf32>,
        %parallel_loop3A_857 = tpu.vector_load_idx %arg6[%get3A_541, %parallel_loop3A_814] : memref<1000x8xf32, #tpu.memory_space<vmem>>[vector<16xi32>, vector<16xi32>], vector<16xf32>,
        %parallel_loop3A_858 = arith.constant 1 : i32
        %parallel_loop3A_859 = arith.index_cast %parallel_loop3A_858 : i32 to index
        %parallel_loop3A_860 = arith.index_cast %parallel_loop3A_813 : i32 to index
        %parallel_loop3A_861 = arith.constant 112 : index
        %parallel_loop3A_862 = tpu.vector_load %arg8[%parallel_loop3A_859, %parallel_loop3A_860, %parallel_loop3A_861] {strides = array<i32>} : memref<8x8x128xf32, #tpu.memory_space<vmem>>, vector<16xf32>,
        tpu.vector_store %arg8[%parallel_loop3A_859, %parallel_loop3A_860, %parallel_loop3A_861], %parallel_loop3A_857 {strides = array<i32>} : memref<8x8x128xf32, #tpu.memory_space<vmem>>, vector<16xf32>,
      } {sc.loop_unroll_factor = 8 : i64, sc.parallel_access}
      %get3A_545 = arith.constant 2 : i32
      %get3A_546 = arith.index_cast %sub3A_454 : i32 to index
      %get3A_547 = arith.index_cast %get3A_545 : i32 to index
      %get3A_548 = arith.constant 0 : index
      %get3A_549 = tpu.vector_load %arg5[%get3A_546, %get3A_547, %get3A_548] {strides = array<i32>} : memref<50x8x128xi32, #tpu.memory_space<vmem>>, vector<16xi32>,
      %get3A_550 = arith.constant 2 : i32
      %get3A_551 = arith.index_cast %sub3A_454 : i32 to index
      %get3A_552 = arith.index_cast %get3A_550 : i32 to index
      %get3A_553 = arith.constant 16 : index
      %get3A_554 = tpu.vector_load %arg5[%get3A_551, %get3A_552, %get3A_553] {strides = array<i32>} : memref<50x8x128xi32, #tpu.memory_space<vmem>>, vector<16xi32>,
      %get3A_555 = arith.constant 2 : i32
      %get3A_556 = arith.index_cast %sub3A_454 : i32 to index
      %get3A_557 = arith.index_cast %get3A_555 : i32 to index
      %get3A_558 = arith.constant 32 : index
      %get3A_559 = tpu.vector_load %arg5[%get3A_556, %get3A_557, %get3A_558] {strides = array<i32>} : memref<50x8x128xi32, #tpu.memory_space<vmem>>, vector<16xi32>,
      %get3A_560 = arith.constant 2 : i32
      %get3A_561 = arith.index_cast %sub3A_454 : i32 to index
      %get3A_562 = arith.index_cast %get3A_560 : i32 to index
      %get3A_563 = arith.constant 48 : index
      %get3A_564 = tpu.vector_load %arg5[%get3A_561, %get3A_562, %get3A_563] {strides = array<i32>} : memref<50x8x128xi32, #tpu.memory_space<vmem>>, vector<16xi32>,
      %get3A_565 = arith.constant 2 : i32
      %get3A_566 = arith.index_cast %sub3A_454 : i32 to index
      %get3A_567 = arith.index_cast %get3A_565 : i32 to index
      %get3A_568 = arith.constant 64 : index
      %get3A_569 = tpu.vector_load %arg5[%get3A_566, %get3A_567, %get3A_568] {strides = array<i32>} : memref<50x8x128xi32, #tpu.memory_space<vmem>>, vector<16xi32>,
      %get3A_570 = arith.constant 2 : i32
      %get3A_571 = arith.index_cast %sub3A_454 : i32 to index
      %get3A_572 = arith.index_cast %get3A_570 : i32 to index
      %get3A_573 = arith.constant 80 : index
      %get3A_574 = tpu.vector_load %arg5[%get3A_571, %get3A_572, %get3A_573] {strides = array<i32>} : memref<50x8x128xi32, #tpu.memory_space<vmem>>, vector<16xi32>,
      %get3A_575 = arith.constant 2 : i32
      %get3A_576 = arith.index_cast %sub3A_454 : i32 to index
      %get3A_577 = arith.index_cast %get3A_575 : i32 to index
      %get3A_578 = arith.constant 96 : index
      %get3A_579 = tpu.vector_load %arg5[%get3A_576, %get3A_577, %get3A_578] {strides = array<i32>} : memref<50x8x128xi32, #tpu.memory_space<vmem>>, vector<16xi32>,
      %get3A_580 = arith.constant 2 : i32
      %get3A_581 = arith.index_cast %sub3A_454 : i32 to index
      %get3A_582 = arith.index_cast %get3A_580 : i32 to index
      %get3A_583 = arith.constant 112 : index
      %get3A_584 = tpu.vector_load %arg5[%get3A_581, %get3A_582, %get3A_583] {strides = array<i32>} : memref<50x8x128xi32, #tpu.memory_space<vmem>>, vector<16xi32>,
      %parallel_loop3A_585 = arith.constant 0 : i32
      %parallel_loop3A_586 = arith.constant 8 : i32
      %parallel_loop3A_587 = arith.constant 1 : i32
      scf.for %parallel_loop3A_813 = %parallel_loop3A_585 to %parallel_loop3A_586 step %parallel_loop3A_587  : i32 {
        %parallel_loop3A_814 = vector.broadcast %parallel_loop3A_813 : i32 to vector<16xi32>
        %parallel_loop3A_815 = tpu.vector_load_idx %arg6[%get3A_549, %parallel_loop3A_814] : memref<1000x8xf32, #tpu.memory_space<vmem>>[vector<16xi32>, vector<16xi32>], vector<16xf32>,
        %parallel_loop3A_816 = arith.constant 2 : i32
        %parallel_loop3A_817 = arith.index_cast %parallel_loop3A_816 : i32 to index
        %parallel_loop3A_818 = arith.index_cast %parallel_loop3A_813 : i32 to index
        %parallel_loop3A_819 = arith.constant 0 : index
        %parallel_loop3A_820 = tpu.vector_load %arg8[%parallel_loop3A_817, %parallel_loop3A_818, %parallel_loop3A_819] {strides = array<i32>} : memref<8x8x128xf32, #tpu.memory_space<vmem>>, vector<16xf32>,
        tpu.vector_store %arg8[%parallel_loop3A_817, %parallel_loop3A_818, %parallel_loop3A_819], %parallel_loop3A_815 {strides = array<i32>} : memref<8x8x128xf32, #tpu.memory_space<vmem>>, vector<16xf32>,
        %parallel_loop3A_821 = tpu.vector_load_idx %arg6[%get3A_554, %parallel_loop3A_814] : memref<1000x8xf32, #tpu.memory_space<vmem>>[vector<16xi32>, vector<16xi32>], vector<16xf32>,
        %parallel_loop3A_822 = arith.constant 2 : i32
        %parallel_loop3A_823 = arith.index_cast %parallel_loop3A_822 : i32 to index
        %parallel_loop3A_824 = arith.index_cast %parallel_loop3A_813 : i32 to index
        %parallel_loop3A_825 = arith.constant 16 : index
        %parallel_loop3A_826 = tpu.vector_load %arg8[%parallel_loop3A_823, %parallel_loop3A_824, %parallel_loop3A_825] {strides = array<i32>} : memref<8x8x128xf32, #tpu.memory_space<vmem>>, vector<16xf32>,
        tpu.vector_store %arg8[%parallel_loop3A_823, %parallel_loop3A_824, %parallel_loop3A_825], %parallel_loop3A_821 {strides = array<i32>} : memref<8x8x128xf32, #tpu.memory_space<vmem>>, vector<16xf32>,
        %parallel_loop3A_827 = tpu.vector_load_idx %arg6[%get3A_559, %parallel_loop3A_814] : memref<1000x8xf32, #tpu.memory_space<vmem>>[vector<16xi32>, vector<16xi32>], vector<16xf32>,
        %parallel_loop3A_828 = arith.constant 2 : i32
        %parallel_loop3A_829 = arith.index_cast %parallel_loop3A_828 : i32 to index
        %parallel_loop3A_830 = arith.index_cast %parallel_loop3A_813 : i32 to index
        %parallel_loop3A_831 = arith.constant 32 : index
        %parallel_loop3A_832 = tpu.vector_load %arg8[%parallel_loop3A_829, %parallel_loop3A_830, %parallel_loop3A_831] {strides = array<i32>} : memref<8x8x128xf32, #tpu.memory_space<vmem>>, vector<16xf32>,
        tpu.vector_store %arg8[%parallel_loop3A_829, %parallel_loop3A_830, %parallel_loop3A_831], %parallel_loop3A_827 {strides = array<i32>} : memref<8x8x128xf32, #tpu.memory_space<vmem>>, vector<16xf32>,
        %parallel_loop3A_833 = tpu.vector_load_idx %arg6[%get3A_564, %parallel_loop3A_814] : memref<1000x8xf32, #tpu.memory_space<vmem>>[vector<16xi32>, vector<16xi32>], vector<16xf32>,
        %parallel_loop3A_834 = arith.constant 2 : i32
        %parallel_loop3A_835 = arith.index_cast %parallel_loop3A_834 : i32 to index
        %parallel_loop3A_836 = arith.index_cast %parallel_loop3A_813 : i32 to index
        %parallel_loop3A_837 = arith.constant 48 : index
        %parallel_loop3A_838 = tpu.vector_load %arg8[%parallel_loop3A_835, %parallel_loop3A_836, %parallel_loop3A_837] {strides = array<i32>} : memref<8x8x128xf32, #tpu.memory_space<vmem>>, vector<16xf32>,
        tpu.vector_store %arg8[%parallel_loop3A_835, %parallel_loop3A_836, %parallel_loop3A_837], %parallel_loop3A_833 {strides = array<i32>} : memref<8x8x128xf32, #tpu.memory_space<vmem>>, vector<16xf32>,
        %parallel_loop3A_839 = tpu.vector_load_idx %arg6[%get3A_569, %parallel_loop3A_814] : memref<1000x8xf32, #tpu.memory_space<vmem>>[vector<16xi32>, vector<16xi32>], vector<16xf32>,
        %parallel_loop3A_840 = arith.constant 2 : i32
        %parallel_loop3A_841 = arith.index_cast %parallel_loop3A_840 : i32 to index
        %parallel_loop3A_842 = arith.index_cast %parallel_loop3A_813 : i32 to index
        %parallel_loop3A_843 = arith.constant 64 : index
        %parallel_loop3A_844 = tpu.vector_load %arg8[%parallel_loop3A_841, %parallel_loop3A_842, %parallel_loop3A_843] {strides = array<i32>} : memref<8x8x128xf32, #tpu.memory_space<vmem>>, vector<16xf32>,
        tpu.vector_store %arg8[%parallel_loop3A_841, %parallel_loop3A_842, %parallel_loop3A_843], %parallel_loop3A_839 {strides = array<i32>} : memref<8x8x128xf32, #tpu.memory_space<vmem>>, vector<16xf32>,
        %parallel_loop3A_845 = tpu.vector_load_idx %arg6[%get3A_574, %parallel_loop3A_814] : memref<1000x8xf32, #tpu.memory_space<vmem>>[vector<16xi32>, vector<16xi32>], vector<16xf32>,
        %parallel_loop3A_846 = arith.constant 2 : i32
        %parallel_loop3A_847 = arith.index_cast %parallel_loop3A_846 : i32 to index
        %parallel_loop3A_848 = arith.index_cast %parallel_loop3A_813 : i32 to index
        %parallel_loop3A_849 = arith.constant 80 : index
        %parallel_loop3A_850 = tpu.vector_load %arg8[%parallel_loop3A_847, %parallel_loop3A_848, %parallel_loop3A_849] {strides = array<i32>} : memref<8x8x128xf32, #tpu.memory_space<vmem>>, vector<16xf32>,
        tpu.vector_store %arg8[%parallel_loop3A_847, %parallel_loop3A_848, %parallel_loop3A_849], %parallel_loop3A_845 {strides = array<i32>} : memref<8x8x128xf32, #tpu.memory_space<vmem>>, vector<16xf32>,
        %parallel_loop3A_851 = tpu.vector_load_idx %arg6[%get3A_579, %parallel_loop3A_814] : memref<1000x8xf32, #tpu.memory_space<vmem>>[vector<16xi32>, vector<16xi32>], vector<16xf32>,
        %parallel_loop3A_852 = arith.constant 2 : i32
        %parallel_loop3A_853 = arith.index_cast %parallel_loop3A_852 : i32 to index
        %parallel_loop3A_854 = arith.index_cast %parallel_loop3A_813 : i32 to index
        %parallel_loop3A_855 = arith.constant 96 : index
        %parallel_loop3A_856 = tpu.vector_load %arg8[%parallel_loop3A_853, %parallel_loop3A_854, %parallel_loop3A_855] {strides = array<i32>} : memref<8x8x128xf32, #tpu.memory_space<vmem>>, vector<16xf32>,
        tpu.vector_store %arg8[%parallel_loop3A_853, %parallel_loop3A_854, %parallel_loop3A_855], %parallel_loop3A_851 {strides = array<i32>} : memref<8x8x128xf32, #tpu.memory_space<vmem>>, vector<16xf32>,
        %parallel_loop3A_857 = tpu.vector_load_idx %arg6[%get3A_584, %parallel_loop3A_814] : memref<1000x8xf32, #tpu.memory_space<vmem>>[vector<16xi32>, vector<16xi32>], vector<16xf32>,
        %parallel_loop3A_858 = arith.constant 2 : i32
        %parallel_loop3A_859 = arith.index_cast %parallel_loop3A_858 : i32 to index
        %parallel_loop3A_860 = arith.index_cast %parallel_loop3A_813 : i32 to index
        %parallel_loop3A_861 = arith.constant 112 : index
        %parallel_loop3A_862 = tpu.vector_load %arg8[%parallel_loop3A_859, %parallel_loop3A_860, %parallel_loop3A_861] {strides = array<i32>} : memref<8x8x128xf32, #tpu.memory_space<vmem>>, vector<16xf32>,
        tpu.vector_store %arg8[%parallel_loop3A_859, %parallel_loop3A_860, %parallel_loop3A_861], %parallel_loop3A_857 {strides = array<i32>} : memref<8x8x128xf32, #tpu.memory_space<vmem>>, vector<16xf32>,
      } {sc.loop_unroll_factor = 8 : i64, sc.parallel_access}
      %get3A_588 = arith.constant 3 : i32
      %get3A_589 = arith.index_cast %sub3A_454 : i32 to index
      %get3A_590 = arith.index_cast %get3A_588 : i32 to index
      %get3A_591 = arith.constant 0 : index
      %get3A_592 = tpu.vector_load %arg5[%get3A_589, %get3A_590, %get3A_591] {strides = array<i32>} : memref<50x8x128xi32, #tpu.memory_space<vmem>>, vector<16xi32>,
      %get3A_593 = arith.constant 3 : i32
      %get3A_594 = arith.index_cast %sub3A_454 : i32 to index
      %get3A_595 = arith.index_cast %get3A_593 : i32 to index
      %get3A_596 = arith.constant 16 : index
      %get3A_597 = tpu.vector_load %arg5[%get3A_594, %get3A_595, %get3A_596] {strides = array<i32>} : memref<50x8x128xi32, #tpu.memory_space<vmem>>, vector<16xi32>,
      %get3A_598 = arith.constant 3 : i32
      %get3A_599 = arith.index_cast %sub3A_454 : i32 to index
      %get3A_600 = arith.index_cast %get3A_598 : i32 to index
      %get3A_601 = arith.constant 32 : index
      %get3A_602 = tpu.vector_load %arg5[%get3A_599, %get3A_600, %get3A_601] {strides = array<i32>} : memref<50x8x128xi32, #tpu.memory_space<vmem>>, vector<16xi32>,
      %get3A_603 = arith.constant 3 : i32
      %get3A_604 = arith.index_cast %sub3A_454 : i32 to index
      %get3A_605 = arith.index_cast %get3A_603 : i32 to index
      %get3A_606 = arith.constant 48 : index
      %get3A_607 = tpu.vector_load %arg5[%get3A_604, %get3A_605, %get3A_606] {strides = array<i32>} : memref<50x8x128xi32, #tpu.memory_space<vmem>>, vector<16xi32>,
      %get3A_608 = arith.constant 3 : i32
      %get3A_609 = arith.index_cast %sub3A_454 : i32 to index
      %get3A_610 = arith.index_cast %get3A_608 : i32 to index
      %get3A_611 = arith.constant 64 : index
      %get3A_612 = tpu.vector_load %arg5[%get3A_609, %get3A_610, %get3A_611] {strides = array<i32>} : memref<50x8x128xi32, #tpu.memory_space<vmem>>, vector<16xi32>,
      %get3A_613 = arith.constant 3 : i32
      %get3A_614 = arith.index_cast %sub3A_454 : i32 to index
      %get3A_615 = arith.index_cast %get3A_613 : i32 to index
      %get3A_616 = arith.constant 80 : index
      %get3A_617 = tpu.vector_load %arg5[%get3A_614, %get3A_615, %get3A_616] {strides = array<i32>} : memref<50x8x128xi32, #tpu.memory_space<vmem>>, vector<16xi32>,
      %get3A_618 = arith.constant 3 : i32
      %get3A_619 = arith.index_cast %sub3A_454 : i32 to index
      %get3A_620 = arith.index_cast %get3A_618 : i32 to index
      %get3A_621 = arith.constant 96 : index
      %get3A_622 = tpu.vector_load %arg5[%get3A_619, %get3A_620, %get3A_621] {strides = array<i32>} : memref<50x8x128xi32, #tpu.memory_space<vmem>>, vector<16xi32>,
      %get3A_623 = arith.constant 3 : i32
      %get3A_624 = arith.index_cast %sub3A_454 : i32 to index
      %get3A_625 = arith.index_cast %get3A_623 : i32 to index
      %get3A_626 = arith.constant 112 : index
      %get3A_627 = tpu.vector_load %arg5[%get3A_624, %get3A_625, %get3A_626] {strides = array<i32>} : memref<50x8x128xi32, #tpu.memory_space<vmem>>, vector<16xi32>,
      %parallel_loop3A_628 = arith.constant 0 : i32
      %parallel_loop3A_629 = arith.constant 8 : i32
      %parallel_loop3A_630 = arith.constant 1 : i32
      scf.for %parallel_loop3A_813 = %parallel_loop3A_628 to %parallel_loop3A_629 step %parallel_loop3A_630  : i32 {
        %parallel_loop3A_814 = vector.broadcast %parallel_loop3A_813 : i32 to vector<16xi32>
        %parallel_loop3A_815 = tpu.vector_load_idx %arg6[%get3A_592, %parallel_loop3A_814] : memref<1000x8xf32, #tpu.memory_space<vmem>>[vector<16xi32>, vector<16xi32>], vector<16xf32>,
        %parallel_loop3A_816 = arith.constant 3 : i32
        %parallel_loop3A_817 = arith.index_cast %parallel_loop3A_816 : i32 to index
        %parallel_loop3A_818 = arith.index_cast %parallel_loop3A_813 : i32 to index
        %parallel_loop3A_819 = arith.constant 0 : index
        %parallel_loop3A_820 = tpu.vector_load %arg8[%parallel_loop3A_817, %parallel_loop3A_818, %parallel_loop3A_819] {strides = array<i32>} : memref<8x8x128xf32, #tpu.memory_space<vmem>>, vector<16xf32>,
        tpu.vector_store %arg8[%parallel_loop3A_817, %parallel_loop3A_818, %parallel_loop3A_819], %parallel_loop3A_815 {strides = array<i32>} : memref<8x8x128xf32, #tpu.memory_space<vmem>>, vector<16xf32>,
        %parallel_loop3A_821 = tpu.vector_load_idx %arg6[%get3A_597, %parallel_loop3A_814] : memref<1000x8xf32, #tpu.memory_space<vmem>>[vector<16xi32>, vector<16xi32>], vector<16xf32>,
        %parallel_loop3A_822 = arith.constant 3 : i32
        %parallel_loop3A_823 = arith.index_cast %parallel_loop3A_822 : i32 to index
        %parallel_loop3A_824 = arith.index_cast %parallel_loop3A_813 : i32 to index
        %parallel_loop3A_825 = arith.constant 16 : index
        %parallel_loop3A_826 = tpu.vector_load %arg8[%parallel_loop3A_823, %parallel_loop3A_824, %parallel_loop3A_825] {strides = array<i32>} : memref<8x8x128xf32, #tpu.memory_space<vmem>>, vector<16xf32>,
        tpu.vector_store %arg8[%parallel_loop3A_823, %parallel_loop3A_824, %parallel_loop3A_825], %parallel_loop3A_821 {strides = array<i32>} : memref<8x8x128xf32, #tpu.memory_space<vmem>>, vector<16xf32>,
        %parallel_loop3A_827 = tpu.vector_load_idx %arg6[%get3A_602, %parallel_loop3A_814] : memref<1000x8xf32, #tpu.memory_space<vmem>>[vector<16xi32>, vector<16xi32>], vector<16xf32>,
        %parallel_loop3A_828 = arith.constant 3 : i32
        %parallel_loop3A_829 = arith.index_cast %parallel_loop3A_828 : i32 to index
        %parallel_loop3A_830 = arith.index_cast %parallel_loop3A_813 : i32 to index
        %parallel_loop3A_831 = arith.constant 32 : index
        %parallel_loop3A_832 = tpu.vector_load %arg8[%parallel_loop3A_829, %parallel_loop3A_830, %parallel_loop3A_831] {strides = array<i32>} : memref<8x8x128xf32, #tpu.memory_space<vmem>>, vector<16xf32>,
        tpu.vector_store %arg8[%parallel_loop3A_829, %parallel_loop3A_830, %parallel_loop3A_831], %parallel_loop3A_827 {strides = array<i32>} : memref<8x8x128xf32, #tpu.memory_space<vmem>>, vector<16xf32>,
        %parallel_loop3A_833 = tpu.vector_load_idx %arg6[%get3A_607, %parallel_loop3A_814] : memref<1000x8xf32, #tpu.memory_space<vmem>>[vector<16xi32>, vector<16xi32>], vector<16xf32>,
        %parallel_loop3A_834 = arith.constant 3 : i32
        %parallel_loop3A_835 = arith.index_cast %parallel_loop3A_834 : i32 to index
        %parallel_loop3A_836 = arith.index_cast %parallel_loop3A_813 : i32 to index
        %parallel_loop3A_837 = arith.constant 48 : index
        %parallel_loop3A_838 = tpu.vector_load %arg8[%parallel_loop3A_835, %parallel_loop3A_836, %parallel_loop3A_837] {strides = array<i32>} : memref<8x8x128xf32, #tpu.memory_space<vmem>>, vector<16xf32>,
        tpu.vector_store %arg8[%parallel_loop3A_835, %parallel_loop3A_836, %parallel_loop3A_837], %parallel_loop3A_833 {strides = array<i32>} : memref<8x8x128xf32, #tpu.memory_space<vmem>>, vector<16xf32>,
        %parallel_loop3A_839 = tpu.vector_load_idx %arg6[%get3A_612, %parallel_loop3A_814] : memref<1000x8xf32, #tpu.memory_space<vmem>>[vector<16xi32>, vector<16xi32>], vector<16xf32>,
        %parallel_loop3A_840 = arith.constant 3 : i32
        %parallel_loop3A_841 = arith.index_cast %parallel_loop3A_840 : i32 to index
        %parallel_loop3A_842 = arith.index_cast %parallel_loop3A_813 : i32 to index
        %parallel_loop3A_843 = arith.constant 64 : index
        %parallel_loop3A_844 = tpu.vector_load %arg8[%parallel_loop3A_841, %parallel_loop3A_842, %parallel_loop3A_843] {strides = array<i32>} : memref<8x8x128xf32, #tpu.memory_space<vmem>>, vector<16xf32>,
        tpu.vector_store %arg8[%parallel_loop3A_841, %parallel_loop3A_842, %parallel_loop3A_843], %parallel_loop3A_839 {strides = array<i32>} : memref<8x8x128xf32, #tpu.memory_space<vmem>>, vector<16xf32>,
        %parallel_loop3A_845 = tpu.vector_load_idx %arg6[%get3A_617, %parallel_loop3A_814] : memref<1000x8xf32, #tpu.memory_space<vmem>>[vector<16xi32>, vector<16xi32>], vector<16xf32>,
        %parallel_loop3A_846 = arith.constant 3 : i32
        %parallel_loop3A_847 = arith.index_cast %parallel_loop3A_846 : i32 to index
        %parallel_loop3A_848 = arith.index_cast %parallel_loop3A_813 : i32 to index
        %parallel_loop3A_849 = arith.constant 80 : index
        %parallel_loop3A_850 = tpu.vector_load %arg8[%parallel_loop3A_847, %parallel_loop3A_848, %parallel_loop3A_849] {strides = array<i32>} : memref<8x8x128xf32, #tpu.memory_space<vmem>>, vector<16xf32>,
        tpu.vector_store %arg8[%parallel_loop3A_847, %parallel_loop3A_848, %parallel_loop3A_849], %parallel_loop3A_845 {strides = array<i32>} : memref<8x8x128xf32, #tpu.memory_space<vmem>>, vector<16xf32>,
        %parallel_loop3A_851 = tpu.vector_load_idx %arg6[%get3A_622, %parallel_loop3A_814] : memref<1000x8xf32, #tpu.memory_space<vmem>>[vector<16xi32>, vector<16xi32>], vector<16xf32>,
        %parallel_loop3A_852 = arith.constant 3 : i32
        %parallel_loop3A_853 = arith.index_cast %parallel_loop3A_852 : i32 to index
        %parallel_loop3A_854 = arith.index_cast %parallel_loop3A_813 : i32 to index
        %parallel_loop3A_855 = arith.constant 96 : index
        %parallel_loop3A_856 = tpu.vector_load %arg8[%parallel_loop3A_853, %parallel_loop3A_854, %parallel_loop3A_855] {strides = array<i32>} : memref<8x8x128xf32, #tpu.memory_space<vmem>>, vector<16xf32>,
        tpu.vector_store %arg8[%parallel_loop3A_853, %parallel_loop3A_854, %parallel_loop3A_855], %parallel_loop3A_851 {strides = array<i32>} : memref<8x8x128xf32, #tpu.memory_space<vmem>>, vector<16xf32>,
        %parallel_loop3A_857 = tpu.vector_load_idx %arg6[%get3A_627, %parallel_loop3A_814] : memref<1000x8xf32, #tpu.memory_space<vmem>>[vector<16xi32>, vector<16xi32>], vector<16xf32>,
        %parallel_loop3A_858 = arith.constant 3 : i32
        %parallel_loop3A_859 = arith.index_cast %parallel_loop3A_858 : i32 to index
        %parallel_loop3A_860 = arith.index_cast %parallel_loop3A_813 : i32 to index
        %parallel_loop3A_861 = arith.constant 112 : index
        %parallel_loop3A_862 = tpu.vector_load %arg8[%parallel_loop3A_859, %parallel_loop3A_860, %parallel_loop3A_861] {strides = array<i32>} : memref<8x8x128xf32, #tpu.memory_space<vmem>>, vector<16xf32>,
        tpu.vector_store %arg8[%parallel_loop3A_859, %parallel_loop3A_860, %parallel_loop3A_861], %parallel_loop3A_857 {strides = array<i32>} : memref<8x8x128xf32, #tpu.memory_space<vmem>>, vector<16xf32>,
      } {sc.loop_unroll_factor = 8 : i64, sc.parallel_access}
      %get3A_631 = arith.constant 4 : i32
      %get3A_632 = arith.index_cast %sub3A_454 : i32 to index
      %get3A_633 = arith.index_cast %get3A_631 : i32 to index
      %get3A_634 = arith.constant 0 : index
      %get3A_635 = tpu.vector_load %arg5[%get3A_632, %get3A_633, %get3A_634] {strides = array<i32>} : memref<50x8x128xi32, #tpu.memory_space<vmem>>, vector<16xi32>,
      %get3A_636 = arith.constant 4 : i32
      %get3A_637 = arith.index_cast %sub3A_454 : i32 to index
      %get3A_638 = arith.index_cast %get3A_636 : i32 to index
      %get3A_639 = arith.constant 16 : index
      %get3A_640 = tpu.vector_load %arg5[%get3A_637, %get3A_638, %get3A_639] {strides = array<i32>} : memref<50x8x128xi32, #tpu.memory_space<vmem>>, vector<16xi32>,
      %get3A_641 = arith.constant 4 : i32
      %get3A_642 = arith.index_cast %sub3A_454 : i32 to index
      %get3A_643 = arith.index_cast %get3A_641 : i32 to index
      %get3A_644 = arith.constant 32 : index
      %get3A_645 = tpu.vector_load %arg5[%get3A_642, %get3A_643, %get3A_644] {strides = array<i32>} : memref<50x8x128xi32, #tpu.memory_space<vmem>>, vector<16xi32>,
      %get3A_646 = arith.constant 4 : i32
      %get3A_647 = arith.index_cast %sub3A_454 : i32 to index
      %get3A_648 = arith.index_cast %get3A_646 : i32 to index
      %get3A_649 = arith.constant 48 : index
      %get3A_650 = tpu.vector_load %arg5[%get3A_647, %get3A_648, %get3A_649] {strides = array<i32>} : memref<50x8x128xi32, #tpu.memory_space<vmem>>, vector<16xi32>,
      %get3A_651 = arith.constant 4 : i32
      %get3A_652 = arith.index_cast %sub3A_454 : i32 to index
      %get3A_653 = arith.index_cast %get3A_651 : i32 to index
      %get3A_654 = arith.constant 64 : index
      %get3A_655 = tpu.vector_load %arg5[%get3A_652, %get3A_653, %get3A_654] {strides = array<i32>} : memref<50x8x128xi32, #tpu.memory_space<vmem>>, vector<16xi32>,
      %get3A_656 = arith.constant 4 : i32
      %get3A_657 = arith.index_cast %sub3A_454 : i32 to index
      %get3A_658 = arith.index_cast %get3A_656 : i32 to index
      %get3A_659 = arith.constant 80 : index
      %get3A_660 = tpu.vector_load %arg5[%get3A_657, %get3A_658, %get3A_659] {strides = array<i32>} : memref<50x8x128xi32, #tpu.memory_space<vmem>>, vector<16xi32>,
      %get3A_661 = arith.constant 4 : i32
      %get3A_662 = arith.index_cast %sub3A_454 : i32 to index
      %get3A_663 = arith.index_cast %get3A_661 : i32 to index
      %get3A_664 = arith.constant 96 : index
      %get3A_665 = tpu.vector_load %arg5[%get3A_662, %get3A_663, %get3A_664] {strides = array<i32>} : memref<50x8x128xi32, #tpu.memory_space<vmem>>, vector<16xi32>,
      %get3A_666 = arith.constant 4 : i32
      %get3A_667 = arith.index_cast %sub3A_454 : i32 to index
      %get3A_668 = arith.index_cast %get3A_666 : i32 to index
      %get3A_669 = arith.constant 112 : index
      %get3A_670 = tpu.vector_load %arg5[%get3A_667, %get3A_668, %get3A_669] {strides = array<i32>} : memref<50x8x128xi32, #tpu.memory_space<vmem>>, vector<16xi32>,
      %parallel_loop3A_671 = arith.constant 0 : i32
      %parallel_loop3A_672 = arith.constant 8 : i32
      %parallel_loop3A_673 = arith.constant 1 : i32
      scf.for %parallel_loop3A_813 = %parallel_loop3A_671 to %parallel_loop3A_672 step %parallel_loop3A_673  : i32 {
        %parallel_loop3A_814 = vector.broadcast %parallel_loop3A_813 : i32 to vector<16xi32>
        %parallel_loop3A_815 = tpu.vector_load_idx %arg6[%get3A_635, %parallel_loop3A_814] : memref<1000x8xf32, #tpu.memory_space<vmem>>[vector<16xi32>, vector<16xi32>], vector<16xf32>,
        %parallel_loop3A_816 = arith.constant 4 : i32
        %parallel_loop3A_817 = arith.index_cast %parallel_loop3A_816 : i32 to index
        %parallel_loop3A_818 = arith.index_cast %parallel_loop3A_813 : i32 to index
        %parallel_loop3A_819 = arith.constant 0 : index
        %parallel_loop3A_820 = tpu.vector_load %arg8[%parallel_loop3A_817, %parallel_loop3A_818, %parallel_loop3A_819] {strides = array<i32>} : memref<8x8x128xf32, #tpu.memory_space<vmem>>, vector<16xf32>,
        tpu.vector_store %arg8[%parallel_loop3A_817, %parallel_loop3A_818, %parallel_loop3A_819], %parallel_loop3A_815 {strides = array<i32>} : memref<8x8x128xf32, #tpu.memory_space<vmem>>, vector<16xf32>,
        %parallel_loop3A_821 = tpu.vector_load_idx %arg6[%get3A_640, %parallel_loop3A_814] : memref<1000x8xf32, #tpu.memory_space<vmem>>[vector<16xi32>, vector<16xi32>], vector<16xf32>,
        %parallel_loop3A_822 = arith.constant 4 : i32
        %parallel_loop3A_823 = arith.index_cast %parallel_loop3A_822 : i32 to index
        %parallel_loop3A_824 = arith.index_cast %parallel_loop3A_813 : i32 to index
        %parallel_loop3A_825 = arith.constant 16 : index
        %parallel_loop3A_826 = tpu.vector_load %arg8[%parallel_loop3A_823, %parallel_loop3A_824, %parallel_loop3A_825] {strides = array<i32>} : memref<8x8x128xf32, #tpu.memory_space<vmem>>, vector<16xf32>,
        tpu.vector_store %arg8[%parallel_loop3A_823, %parallel_loop3A_824, %parallel_loop3A_825], %parallel_loop3A_821 {strides = array<i32>} : memref<8x8x128xf32, #tpu.memory_space<vmem>>, vector<16xf32>,
        %parallel_loop3A_827 = tpu.vector_load_idx %arg6[%get3A_645, %parallel_loop3A_814] : memref<1000x8xf32, #tpu.memory_space<vmem>>[vector<16xi32>, vector<16xi32>], vector<16xf32>,
        %parallel_loop3A_828 = arith.constant 4 : i32
        %parallel_loop3A_829 = arith.index_cast %parallel_loop3A_828 : i32 to index
        %parallel_loop3A_830 = arith.index_cast %parallel_loop3A_813 : i32 to index
        %parallel_loop3A_831 = arith.constant 32 : index
        %parallel_loop3A_832 = tpu.vector_load %arg8[%parallel_loop3A_829, %parallel_loop3A_830, %parallel_loop3A_831] {strides = array<i32>} : memref<8x8x128xf32, #tpu.memory_space<vmem>>, vector<16xf32>,
        tpu.vector_store %arg8[%parallel_loop3A_829, %parallel_loop3A_830, %parallel_loop3A_831], %parallel_loop3A_827 {strides = array<i32>} : memref<8x8x128xf32, #tpu.memory_space<vmem>>, vector<16xf32>,
        %parallel_loop3A_833 = tpu.vector_load_idx %arg6[%get3A_650, %parallel_loop3A_814] : memref<1000x8xf32, #tpu.memory_space<vmem>>[vector<16xi32>, vector<16xi32>], vector<16xf32>,
        %parallel_loop3A_834 = arith.constant 4 : i32
        %parallel_loop3A_835 = arith.index_cast %parallel_loop3A_834 : i32 to index
        %parallel_loop3A_836 = arith.index_cast %parallel_loop3A_813 : i32 to index
        %parallel_loop3A_837 = arith.constant 48 : index
        %parallel_loop3A_838 = tpu.vector_load %arg8[%parallel_loop3A_835, %parallel_loop3A_836, %parallel_loop3A_837] {strides = array<i32>} : memref<8x8x128xf32, #tpu.memory_space<vmem>>, vector<16xf32>,
        tpu.vector_store %arg8[%parallel_loop3A_835, %parallel_loop3A_836, %parallel_loop3A_837], %parallel_loop3A_833 {strides = array<i32>} : memref<8x8x128xf32, #tpu.memory_space<vmem>>, vector<16xf32>,
        %parallel_loop3A_839 = tpu.vector_load_idx %arg6[%get3A_655, %parallel_loop3A_814] : memref<1000x8xf32, #tpu.memory_space<vmem>>[vector<16xi32>, vector<16xi32>], vector<16xf32>,
        %parallel_loop3A_840 = arith.constant 4 : i32
        %parallel_loop3A_841 = arith.index_cast %parallel_loop3A_840 : i32 to index
        %parallel_loop3A_842 = arith.index_cast %parallel_loop3A_813 : i32 to index
        %parallel_loop3A_843 = arith.constant 64 : index
        %parallel_loop3A_844 = tpu.vector_load %arg8[%parallel_loop3A_841, %parallel_loop3A_842, %parallel_loop3A_843] {strides = array<i32>} : memref<8x8x128xf32, #tpu.memory_space<vmem>>, vector<16xf32>,
        tpu.vector_store %arg8[%parallel_loop3A_841, %parallel_loop3A_842, %parallel_loop3A_843], %parallel_loop3A_839 {strides = array<i32>} : memref<8x8x128xf32, #tpu.memory_space<vmem>>, vector<16xf32>,
        %parallel_loop3A_845 = tpu.vector_load_idx %arg6[%get3A_660, %parallel_loop3A_814] : memref<1000x8xf32, #tpu.memory_space<vmem>>[vector<16xi32>, vector<16xi32>], vector<16xf32>,
        %parallel_loop3A_846 = arith.constant 4 : i32
        %parallel_loop3A_847 = arith.index_cast %parallel_loop3A_846 : i32 to index
        %parallel_loop3A_848 = arith.index_cast %parallel_loop3A_813 : i32 to index
        %parallel_loop3A_849 = arith.constant 80 : index
        %parallel_loop3A_850 = tpu.vector_load %arg8[%parallel_loop3A_847, %parallel_loop3A_848, %parallel_loop3A_849] {strides = array<i32>} : memref<8x8x128xf32, #tpu.memory_space<vmem>>, vector<16xf32>,
        tpu.vector_store %arg8[%parallel_loop3A_847, %parallel_loop3A_848, %parallel_loop3A_849], %parallel_loop3A_845 {strides = array<i32>} : memref<8x8x128xf32, #tpu.memory_space<vmem>>, vector<16xf32>,
        %parallel_loop3A_851 = tpu.vector_load_idx %arg6[%get3A_665, %parallel_loop3A_814] : memref<1000x8xf32, #tpu.memory_space<vmem>>[vector<16xi32>, vector<16xi32>], vector<16xf32>,
        %parallel_loop3A_852 = arith.constant 4 : i32
        %parallel_loop3A_853 = arith.index_cast %parallel_loop3A_852 : i32 to index
        %parallel_loop3A_854 = arith.index_cast %parallel_loop3A_813 : i32 to index
        %parallel_loop3A_855 = arith.constant 96 : index
        %parallel_loop3A_856 = tpu.vector_load %arg8[%parallel_loop3A_853, %parallel_loop3A_854, %parallel_loop3A_855] {strides = array<i32>} : memref<8x8x128xf32, #tpu.memory_space<vmem>>, vector<16xf32>,
        tpu.vector_store %arg8[%parallel_loop3A_853, %parallel_loop3A_854, %parallel_loop3A_855], %parallel_loop3A_851 {strides = array<i32>} : memref<8x8x128xf32, #tpu.memory_space<vmem>>, vector<16xf32>,
        %parallel_loop3A_857 = tpu.vector_load_idx %arg6[%get3A_670, %parallel_loop3A_814] : memref<1000x8xf32, #tpu.memory_space<vmem>>[vector<16xi32>, vector<16xi32>], vector<16xf32>,
        %parallel_loop3A_858 = arith.constant 4 : i32
        %parallel_loop3A_859 = arith.index_cast %parallel_loop3A_858 : i32 to index
        %parallel_loop3A_860 = arith.index_cast %parallel_loop3A_813 : i32 to index
        %parallel_loop3A_861 = arith.constant 112 : index
        %parallel_loop3A_862 = tpu.vector_load %arg8[%parallel_loop3A_859, %parallel_loop3A_860, %parallel_loop3A_861] {strides = array<i32>} : memref<8x8x128xf32, #tpu.memory_space<vmem>>, vector<16xf32>,
        tpu.vector_store %arg8[%parallel_loop3A_859, %parallel_loop3A_860, %parallel_loop3A_861], %parallel_loop3A_857 {strides = array<i32>} : memref<8x8x128xf32, #tpu.memory_space<vmem>>, vector<16xf32>,
      } {sc.loop_unroll_factor = 8 : i64, sc.parallel_access}
      %get3A_674 = arith.constant 5 : i32
      %get3A_675 = arith.index_cast %sub3A_454 : i32 to index
      %get3A_676 = arith.index_cast %get3A_674 : i32 to index
      %get3A_677 = arith.constant 0 : index
      %get3A_678 = tpu.vector_load %arg5[%get3A_675, %get3A_676, %get3A_677] {strides = array<i32>} : memref<50x8x128xi32, #tpu.memory_space<vmem>>, vector<16xi32>,
      %get3A_679 = arith.constant 5 : i32
      %get3A_680 = arith.index_cast %sub3A_454 : i32 to index
      %get3A_681 = arith.index_cast %get3A_679 : i32 to index
      %get3A_682 = arith.constant 16 : index
      %get3A_683 = tpu.vector_load %arg5[%get3A_680, %get3A_681, %get3A_682] {strides = array<i32>} : memref<50x8x128xi32, #tpu.memory_space<vmem>>, vector<16xi32>,
      %get3A_684 = arith.constant 5 : i32
      %get3A_685 = arith.index_cast %sub3A_454 : i32 to index
      %get3A_686 = arith.index_cast %get3A_684 : i32 to index
      %get3A_687 = arith.constant 32 : index
      %get3A_688 = tpu.vector_load %arg5[%get3A_685, %get3A_686, %get3A_687] {strides = array<i32>} : memref<50x8x128xi32, #tpu.memory_space<vmem>>, vector<16xi32>,
      %get3A_689 = arith.constant 5 : i32
      %get3A_690 = arith.index_cast %sub3A_454 : i32 to index
      %get3A_691 = arith.index_cast %get3A_689 : i32 to index
      %get3A_692 = arith.constant 48 : index
      %get3A_693 = tpu.vector_load %arg5[%get3A_690, %get3A_691, %get3A_692] {strides = array<i32>} : memref<50x8x128xi32, #tpu.memory_space<vmem>>, vector<16xi32>,
      %get3A_694 = arith.constant 5 : i32
      %get3A_695 = arith.index_cast %sub3A_454 : i32 to index
      %get3A_696 = arith.index_cast %get3A_694 : i32 to index
      %get3A_697 = arith.constant 64 : index
      %get3A_698 = tpu.vector_load %arg5[%get3A_695, %get3A_696, %get3A_697] {strides = array<i32>} : memref<50x8x128xi32, #tpu.memory_space<vmem>>, vector<16xi32>,
      %get3A_699 = arith.constant 5 : i32
      %get3A_700 = arith.index_cast %sub3A_454 : i32 to index
      %get3A_701 = arith.index_cast %get3A_699 : i32 to index
      %get3A_702 = arith.constant 80 : index
      %get3A_703 = tpu.vector_load %arg5[%get3A_700, %get3A_701, %get3A_702] {strides = array<i32>} : memref<50x8x128xi32, #tpu.memory_space<vmem>>, vector<16xi32>,
      %get3A_704 = arith.constant 5 : i32
      %get3A_705 = arith.index_cast %sub3A_454 : i32 to index
      %get3A_706 = arith.index_cast %get3A_704 : i32 to index
      %get3A_707 = arith.constant 96 : index
      %get3A_708 = tpu.vector_load %arg5[%get3A_705, %get3A_706, %get3A_707] {strides = array<i32>} : memref<50x8x128xi32, #tpu.memory_space<vmem>>, vector<16xi32>,
      %get3A_709 = arith.constant 5 : i32
      %get3A_710 = arith.index_cast %sub3A_454 : i32 to index
      %get3A_711 = arith.index_cast %get3A_709 : i32 to index
      %get3A_712 = arith.constant 112 : index
      %get3A_713 = tpu.vector_load %arg5[%get3A_710, %get3A_711, %get3A_712] {strides = array<i32>} : memref<50x8x128xi32, #tpu.memory_space<vmem>>, vector<16xi32>,
      %parallel_loop3A_714 = arith.constant 0 : i32
      %parallel_loop3A_715 = arith.constant 8 : i32
      %parallel_loop3A_716 = arith.constant 1 : i32
      scf.for %parallel_loop3A_813 = %parallel_loop3A_714 to %parallel_loop3A_715 step %parallel_loop3A_716  : i32 {
        %parallel_loop3A_814 = vector.broadcast %parallel_loop3A_813 : i32 to vector<16xi32>
        %parallel_loop3A_815 = tpu.vector_load_idx %arg6[%get3A_678, %parallel_loop3A_814] : memref<1000x8xf32, #tpu.memory_space<vmem>>[vector<16xi32>, vector<16xi32>], vector<16xf32>,
        %parallel_loop3A_816 = arith.constant 5 : i32
        %parallel_loop3A_817 = arith.index_cast %parallel_loop3A_816 : i32 to index
        %parallel_loop3A_818 = arith.index_cast %parallel_loop3A_813 : i32 to index
        %parallel_loop3A_819 = arith.constant 0 : index
        %parallel_loop3A_820 = tpu.vector_load %arg8[%parallel_loop3A_817, %parallel_loop3A_818, %parallel_loop3A_819] {strides = array<i32>} : memref<8x8x128xf32, #tpu.memory_space<vmem>>, vector<16xf32>,
        tpu.vector_store %arg8[%parallel_loop3A_817, %parallel_loop3A_818, %parallel_loop3A_819], %parallel_loop3A_815 {strides = array<i32>} : memref<8x8x128xf32, #tpu.memory_space<vmem>>, vector<16xf32>,
        %parallel_loop3A_821 = tpu.vector_load_idx %arg6[%get3A_683, %parallel_loop3A_814] : memref<1000x8xf32, #tpu.memory_space<vmem>>[vector<16xi32>, vector<16xi32>], vector<16xf32>,
        %parallel_loop3A_822 = arith.constant 5 : i32
        %parallel_loop3A_823 = arith.index_cast %parallel_loop3A_822 : i32 to index
        %parallel_loop3A_824 = arith.index_cast %parallel_loop3A_813 : i32 to index
        %parallel_loop3A_825 = arith.constant 16 : index
        %parallel_loop3A_826 = tpu.vector_load %arg8[%parallel_loop3A_823, %parallel_loop3A_824, %parallel_loop3A_825] {strides = array<i32>} : memref<8x8x128xf32, #tpu.memory_space<vmem>>, vector<16xf32>,
        tpu.vector_store %arg8[%parallel_loop3A_823, %parallel_loop3A_824, %parallel_loop3A_825], %parallel_loop3A_821 {strides = array<i32>} : memref<8x8x128xf32, #tpu.memory_space<vmem>>, vector<16xf32>,
        %parallel_loop3A_827 = tpu.vector_load_idx %arg6[%get3A_688, %parallel_loop3A_814] : memref<1000x8xf32, #tpu.memory_space<vmem>>[vector<16xi32>, vector<16xi32>], vector<16xf32>,
        %parallel_loop3A_828 = arith.constant 5 : i32
        %parallel_loop3A_829 = arith.index_cast %parallel_loop3A_828 : i32 to index
        %parallel_loop3A_830 = arith.index_cast %parallel_loop3A_813 : i32 to index
        %parallel_loop3A_831 = arith.constant 32 : index
        %parallel_loop3A_832 = tpu.vector_load %arg8[%parallel_loop3A_829, %parallel_loop3A_830, %parallel_loop3A_831] {strides = array<i32>} : memref<8x8x128xf32, #tpu.memory_space<vmem>>, vector<16xf32>,
        tpu.vector_store %arg8[%parallel_loop3A_829, %parallel_loop3A_830, %parallel_loop3A_831], %parallel_loop3A_827 {strides = array<i32>} : memref<8x8x128xf32, #tpu.memory_space<vmem>>, vector<16xf32>,
        %parallel_loop3A_833 = tpu.vector_load_idx %arg6[%get3A_693, %parallel_loop3A_814] : memref<1000x8xf32, #tpu.memory_space<vmem>>[vector<16xi32>, vector<16xi32>], vector<16xf32>,
        %parallel_loop3A_834 = arith.constant 5 : i32
        %parallel_loop3A_835 = arith.index_cast %parallel_loop3A_834 : i32 to index
        %parallel_loop3A_836 = arith.index_cast %parallel_loop3A_813 : i32 to index
        %parallel_loop3A_837 = arith.constant 48 : index
        %parallel_loop3A_838 = tpu.vector_load %arg8[%parallel_loop3A_835, %parallel_loop3A_836, %parallel_loop3A_837] {strides = array<i32>} : memref<8x8x128xf32, #tpu.memory_space<vmem>>, vector<16xf32>,
        tpu.vector_store %arg8[%parallel_loop3A_835, %parallel_loop3A_836, %parallel_loop3A_837], %parallel_loop3A_833 {strides = array<i32>} : memref<8x8x128xf32, #tpu.memory_space<vmem>>, vector<16xf32>,
        %parallel_loop3A_839 = tpu.vector_load_idx %arg6[%get3A_698, %parallel_loop3A_814] : memref<1000x8xf32, #tpu.memory_space<vmem>>[vector<16xi32>, vector<16xi32>], vector<16xf32>,
        %parallel_loop3A_840 = arith.constant 5 : i32
        %parallel_loop3A_841 = arith.index_cast %parallel_loop3A_840 : i32 to index
        %parallel_loop3A_842 = arith.index_cast %parallel_loop3A_813 : i32 to index
        %parallel_loop3A_843 = arith.constant 64 : index
        %parallel_loop3A_844 = tpu.vector_load %arg8[%parallel_loop3A_841, %parallel_loop3A_842, %parallel_loop3A_843] {strides = array<i32>} : memref<8x8x128xf32, #tpu.memory_space<vmem>>, vector<16xf32>,
        tpu.vector_store %arg8[%parallel_loop3A_841, %parallel_loop3A_842, %parallel_loop3A_843], %parallel_loop3A_839 {strides = array<i32>} : memref<8x8x128xf32, #tpu.memory_space<vmem>>, vector<16xf32>,
        %parallel_loop3A_845 = tpu.vector_load_idx %arg6[%get3A_703, %parallel_loop3A_814] : memref<1000x8xf32, #tpu.memory_space<vmem>>[vector<16xi32>, vector<16xi32>], vector<16xf32>,
        %parallel_loop3A_846 = arith.constant 5 : i32
        %parallel_loop3A_847 = arith.index_cast %parallel_loop3A_846 : i32 to index
        %parallel_loop3A_848 = arith.index_cast %parallel_loop3A_813 : i32 to index
        %parallel_loop3A_849 = arith.constant 80 : index
        %parallel_loop3A_850 = tpu.vector_load %arg8[%parallel_loop3A_847, %parallel_loop3A_848, %parallel_loop3A_849] {strides = array<i32>} : memref<8x8x128xf32, #tpu.memory_space<vmem>>, vector<16xf32>,
        tpu.vector_store %arg8[%parallel_loop3A_847, %parallel_loop3A_848, %parallel_loop3A_849], %parallel_loop3A_845 {strides = array<i32>} : memref<8x8x128xf32, #tpu.memory_space<vmem>>, vector<16xf32>,
        %parallel_loop3A_851 = tpu.vector_load_idx %arg6[%get3A_708, %parallel_loop3A_814] : memref<1000x8xf32, #tpu.memory_space<vmem>>[vector<16xi32>, vector<16xi32>], vector<16xf32>,
        %parallel_loop3A_852 = arith.constant 5 : i32
        %parallel_loop3A_853 = arith.index_cast %parallel_loop3A_852 : i32 to index
        %parallel_loop3A_854 = arith.index_cast %parallel_loop3A_813 : i32 to index
        %parallel_loop3A_855 = arith.constant 96 : index
        %parallel_loop3A_856 = tpu.vector_load %arg8[%parallel_loop3A_853, %parallel_loop3A_854, %parallel_loop3A_855] {strides = array<i32>} : memref<8x8x128xf32, #tpu.memory_space<vmem>>, vector<16xf32>,
        tpu.vector_store %arg8[%parallel_loop3A_853, %parallel_loop3A_854, %parallel_loop3A_855], %parallel_loop3A_851 {strides = array<i32>} : memref<8x8x128xf32, #tpu.memory_space<vmem>>, vector<16xf32>,
        %parallel_loop3A_857 = tpu.vector_load_idx %arg6[%get3A_713, %parallel_loop3A_814] : memref<1000x8xf32, #tpu.memory_space<vmem>>[vector<16xi32>, vector<16xi32>], vector<16xf32>,
        %parallel_loop3A_858 = arith.constant 5 : i32
        %parallel_loop3A_859 = arith.index_cast %parallel_loop3A_858 : i32 to index
        %parallel_loop3A_860 = arith.index_cast %parallel_loop3A_813 : i32 to index
        %parallel_loop3A_861 = arith.constant 112 : index
        %parallel_loop3A_862 = tpu.vector_load %arg8[%parallel_loop3A_859, %parallel_loop3A_860, %parallel_loop3A_861] {strides = array<i32>} : memref<8x8x128xf32, #tpu.memory_space<vmem>>, vector<16xf32>,
        tpu.vector_store %arg8[%parallel_loop3A_859, %parallel_loop3A_860, %parallel_loop3A_861], %parallel_loop3A_857 {strides = array<i32>} : memref<8x8x128xf32, #tpu.memory_space<vmem>>, vector<16xf32>,
      } {sc.loop_unroll_factor = 8 : i64, sc.parallel_access}
      %get3A_717 = arith.constant 6 : i32
      %get3A_718 = arith.index_cast %sub3A_454 : i32 to index
      %get3A_719 = arith.index_cast %get3A_717 : i32 to index
      %get3A_720 = arith.constant 0 : index
      %get3A_721 = tpu.vector_load %arg5[%get3A_718, %get3A_719, %get3A_720] {strides = array<i32>} : memref<50x8x128xi32, #tpu.memory_space<vmem>>, vector<16xi32>,
      %get3A_722 = arith.constant 6 : i32
      %get3A_723 = arith.index_cast %sub3A_454 : i32 to index
      %get3A_724 = arith.index_cast %get3A_722 : i32 to index
      %get3A_725 = arith.constant 16 : index
      %get3A_726 = tpu.vector_load %arg5[%get3A_723, %get3A_724, %get3A_725] {strides = array<i32>} : memref<50x8x128xi32, #tpu.memory_space<vmem>>, vector<16xi32>,
      %get3A_727 = arith.constant 6 : i32
      %get3A_728 = arith.index_cast %sub3A_454 : i32 to index
      %get3A_729 = arith.index_cast %get3A_727 : i32 to index
      %get3A_730 = arith.constant 32 : index
      %get3A_731 = tpu.vector_load %arg5[%get3A_728, %get3A_729, %get3A_730] {strides = array<i32>} : memref<50x8x128xi32, #tpu.memory_space<vmem>>, vector<16xi32>,
      %get3A_732 = arith.constant 6 : i32
      %get3A_733 = arith.index_cast %sub3A_454 : i32 to index
      %get3A_734 = arith.index_cast %get3A_732 : i32 to index
      %get3A_735 = arith.constant 48 : index
      %get3A_736 = tpu.vector_load %arg5[%get3A_733, %get3A_734, %get3A_735] {strides = array<i32>} : memref<50x8x128xi32, #tpu.memory_space<vmem>>, vector<16xi32>,
      %get3A_737 = arith.constant 6 : i32
      %get3A_738 = arith.index_cast %sub3A_454 : i32 to index
      %get3A_739 = arith.index_cast %get3A_737 : i32 to index
      %get3A_740 = arith.constant 64 : index
      %get3A_741 = tpu.vector_load %arg5[%get3A_738, %get3A_739, %get3A_740] {strides = array<i32>} : memref<50x8x128xi32, #tpu.memory_space<vmem>>, vector<16xi32>,
      %get3A_742 = arith.constant 6 : i32
      %get3A_743 = arith.index_cast %sub3A_454 : i32 to index
      %get3A_744 = arith.index_cast %get3A_742 : i32 to index
      %get3A_745 = arith.constant 80 : index
      %get3A_746 = tpu.vector_load %arg5[%get3A_743, %get3A_744, %get3A_745] {strides = array<i32>} : memref<50x8x128xi32, #tpu.memory_space<vmem>>, vector<16xi32>,
      %get3A_747 = arith.constant 6 : i32
      %get3A_748 = arith.index_cast %sub3A_454 : i32 to index
      %get3A_749 = arith.index_cast %get3A_747 : i32 to index
      %get3A_750 = arith.constant 96 : index
      %get3A_751 = tpu.vector_load %arg5[%get3A_748, %get3A_749, %get3A_750] {strides = array<i32>} : memref<50x8x128xi32, #tpu.memory_space<vmem>>, vector<16xi32>,
      %get3A_752 = arith.constant 6 : i32
      %get3A_753 = arith.index_cast %sub3A_454 : i32 to index
      %get3A_754 = arith.index_cast %get3A_752 : i32 to index
      %get3A_755 = arith.constant 112 : index
      %get3A_756 = tpu.vector_load %arg5[%get3A_753, %get3A_754, %get3A_755] {strides = array<i32>} : memref<50x8x128xi32, #tpu.memory_space<vmem>>, vector<16xi32>,
      %parallel_loop3A_757 = arith.constant 0 : i32
      %parallel_loop3A_758 = arith.constant 8 : i32
      %parallel_loop3A_759 = arith.constant 1 : i32
      scf.for %parallel_loop3A_813 = %parallel_loop3A_757 to %parallel_loop3A_758 step %parallel_loop3A_759  : i32 {
        %parallel_loop3A_814 = vector.broadcast %parallel_loop3A_813 : i32 to vector<16xi32>
        %parallel_loop3A_815 = tpu.vector_load_idx %arg6[%get3A_721, %parallel_loop3A_814] : memref<1000x8xf32, #tpu.memory_space<vmem>>[vector<16xi32>, vector<16xi32>], vector<16xf32>,
        %parallel_loop3A_816 = arith.constant 6 : i32
        %parallel_loop3A_817 = arith.index_cast %parallel_loop3A_816 : i32 to index
        %parallel_loop3A_818 = arith.index_cast %parallel_loop3A_813 : i32 to index
        %parallel_loop3A_819 = arith.constant 0 : index
        %parallel_loop3A_820 = tpu.vector_load %arg8[%parallel_loop3A_817, %parallel_loop3A_818, %parallel_loop3A_819] {strides = array<i32>} : memref<8x8x128xf32, #tpu.memory_space<vmem>>, vector<16xf32>,
        tpu.vector_store %arg8[%parallel_loop3A_817, %parallel_loop3A_818, %parallel_loop3A_819], %parallel_loop3A_815 {strides = array<i32>} : memref<8x8x128xf32, #tpu.memory_space<vmem>>, vector<16xf32>,
        %parallel_loop3A_821 = tpu.vector_load_idx %arg6[%get3A_726, %parallel_loop3A_814] : memref<1000x8xf32, #tpu.memory_space<vmem>>[vector<16xi32>, vector<16xi32>], vector<16xf32>,
        %parallel_loop3A_822 = arith.constant 6 : i32
        %parallel_loop3A_823 = arith.index_cast %parallel_loop3A_822 : i32 to index
        %parallel_loop3A_824 = arith.index_cast %parallel_loop3A_813 : i32 to index
        %parallel_loop3A_825 = arith.constant 16 : index
        %parallel_loop3A_826 = tpu.vector_load %arg8[%parallel_loop3A_823, %parallel_loop3A_824, %parallel_loop3A_825] {strides = array<i32>} : memref<8x8x128xf32, #tpu.memory_space<vmem>>, vector<16xf32>,
        tpu.vector_store %arg8[%parallel_loop3A_823, %parallel_loop3A_824, %parallel_loop3A_825], %parallel_loop3A_821 {strides = array<i32>} : memref<8x8x128xf32, #tpu.memory_space<vmem>>, vector<16xf32>,
        %parallel_loop3A_827 = tpu.vector_load_idx %arg6[%get3A_731, %parallel_loop3A_814] : memref<1000x8xf32, #tpu.memory_space<vmem>>[vector<16xi32>, vector<16xi32>], vector<16xf32>,
        %parallel_loop3A_828 = arith.constant 6 : i32
        %parallel_loop3A_829 = arith.index_cast %parallel_loop3A_828 : i32 to index
        %parallel_loop3A_830 = arith.index_cast %parallel_loop3A_813 : i32 to index
        %parallel_loop3A_831 = arith.constant 32 : index
        %parallel_loop3A_832 = tpu.vector_load %arg8[%parallel_loop3A_829, %parallel_loop3A_830, %parallel_loop3A_831] {strides = array<i32>} : memref<8x8x128xf32, #tpu.memory_space<vmem>>, vector<16xf32>,
        tpu.vector_store %arg8[%parallel_loop3A_829, %parallel_loop3A_830, %parallel_loop3A_831], %parallel_loop3A_827 {strides = array<i32>} : memref<8x8x128xf32, #tpu.memory_space<vmem>>, vector<16xf32>,
        %parallel_loop3A_833 = tpu.vector_load_idx %arg6[%get3A_736, %parallel_loop3A_814] : memref<1000x8xf32, #tpu.memory_space<vmem>>[vector<16xi32>, vector<16xi32>], vector<16xf32>,
        %parallel_loop3A_834 = arith.constant 6 : i32
        %parallel_loop3A_835 = arith.index_cast %parallel_loop3A_834 : i32 to index
        %parallel_loop3A_836 = arith.index_cast %parallel_loop3A_813 : i32 to index
        %parallel_loop3A_837 = arith.constant 48 : index
        %parallel_loop3A_838 = tpu.vector_load %arg8[%parallel_loop3A_835, %parallel_loop3A_836, %parallel_loop3A_837] {strides = array<i32>} : memref<8x8x128xf32, #tpu.memory_space<vmem>>, vector<16xf32>,
        tpu.vector_store %arg8[%parallel_loop3A_835, %parallel_loop3A_836, %parallel_loop3A_837], %parallel_loop3A_833 {strides = array<i32>} : memref<8x8x128xf32, #tpu.memory_space<vmem>>, vector<16xf32>,
        %parallel_loop3A_839 = tpu.vector_load_idx %arg6[%get3A_741, %parallel_loop3A_814] : memref<1000x8xf32, #tpu.memory_space<vmem>>[vector<16xi32>, vector<16xi32>], vector<16xf32>,
        %parallel_loop3A_840 = arith.constant 6 : i32
        %parallel_loop3A_841 = arith.index_cast %parallel_loop3A_840 : i32 to index
        %parallel_loop3A_842 = arith.index_cast %parallel_loop3A_813 : i32 to index
        %parallel_loop3A_843 = arith.constant 64 : index
        %parallel_loop3A_844 = tpu.vector_load %arg8[%parallel_loop3A_841, %parallel_loop3A_842, %parallel_loop3A_843] {strides = array<i32>} : memref<8x8x128xf32, #tpu.memory_space<vmem>>, vector<16xf32>,
        tpu.vector_store %arg8[%parallel_loop3A_841, %parallel_loop3A_842, %parallel_loop3A_843], %parallel_loop3A_839 {strides = array<i32>} : memref<8x8x128xf32, #tpu.memory_space<vmem>>, vector<16xf32>,
        %parallel_loop3A_845 = tpu.vector_load_idx %arg6[%get3A_746, %parallel_loop3A_814] : memref<1000x8xf32, #tpu.memory_space<vmem>>[vector<16xi32>, vector<16xi32>], vector<16xf32>,
        %parallel_loop3A_846 = arith.constant 6 : i32
        %parallel_loop3A_847 = arith.index_cast %parallel_loop3A_846 : i32 to index
        %parallel_loop3A_848 = arith.index_cast %parallel_loop3A_813 : i32 to index
        %parallel_loop3A_849 = arith.constant 80 : index
        %parallel_loop3A_850 = tpu.vector_load %arg8[%parallel_loop3A_847, %parallel_loop3A_848, %parallel_loop3A_849] {strides = array<i32>} : memref<8x8x128xf32, #tpu.memory_space<vmem>>, vector<16xf32>,
        tpu.vector_store %arg8[%parallel_loop3A_847, %parallel_loop3A_848, %parallel_loop3A_849], %parallel_loop3A_845 {strides = array<i32>} : memref<8x8x128xf32, #tpu.memory_space<vmem>>, vector<16xf32>,
        %parallel_loop3A_851 = tpu.vector_load_idx %arg6[%get3A_751, %parallel_loop3A_814] : memref<1000x8xf32, #tpu.memory_space<vmem>>[vector<16xi32>, vector<16xi32>], vector<16xf32>,
        %parallel_loop3A_852 = arith.constant 6 : i32
        %parallel_loop3A_853 = arith.index_cast %parallel_loop3A_852 : i32 to index
        %parallel_loop3A_854 = arith.index_cast %parallel_loop3A_813 : i32 to index
        %parallel_loop3A_855 = arith.constant 96 : index
        %parallel_loop3A_856 = tpu.vector_load %arg8[%parallel_loop3A_853, %parallel_loop3A_854, %parallel_loop3A_855] {strides = array<i32>} : memref<8x8x128xf32, #tpu.memory_space<vmem>>, vector<16xf32>,
        tpu.vector_store %arg8[%parallel_loop3A_853, %parallel_loop3A_854, %parallel_loop3A_855], %parallel_loop3A_851 {strides = array<i32>} : memref<8x8x128xf32, #tpu.memory_space<vmem>>, vector<16xf32>,
        %parallel_loop3A_857 = tpu.vector_load_idx %arg6[%get3A_756, %parallel_loop3A_814] : memref<1000x8xf32, #tpu.memory_space<vmem>>[vector<16xi32>, vector<16xi32>], vector<16xf32>,
        %parallel_loop3A_858 = arith.constant 6 : i32
        %parallel_loop3A_859 = arith.index_cast %parallel_loop3A_858 : i32 to index
        %parallel_loop3A_860 = arith.index_cast %parallel_loop3A_813 : i32 to index
        %parallel_loop3A_861 = arith.constant 112 : index
        %parallel_loop3A_862 = tpu.vector_load %arg8[%parallel_loop3A_859, %parallel_loop3A_860, %parallel_loop3A_861] {strides = array<i32>} : memref<8x8x128xf32, #tpu.memory_space<vmem>>, vector<16xf32>,
        tpu.vector_store %arg8[%parallel_loop3A_859, %parallel_loop3A_860, %parallel_loop3A_861], %parallel_loop3A_857 {strides = array<i32>} : memref<8x8x128xf32, #tpu.memory_space<vmem>>, vector<16xf32>,
      } {sc.loop_unroll_factor = 8 : i64, sc.parallel_access}
      %get3A_760 = arith.constant 7 : i32
      %get3A_761 = arith.index_cast %sub3A_454 : i32 to index
      %get3A_762 = arith.index_cast %get3A_760 : i32 to index
      %get3A_763 = arith.constant 0 : index
      %get3A_764 = tpu.vector_load %arg5[%get3A_761, %get3A_762, %get3A_763] {strides = array<i32>} : memref<50x8x128xi32, #tpu.memory_space<vmem>>, vector<16xi32>,
      %get3A_765 = arith.constant 7 : i32
      %get3A_766 = arith.index_cast %sub3A_454 : i32 to index
      %get3A_767 = arith.index_cast %get3A_765 : i32 to index
      %get3A_768 = arith.constant 16 : index
      %get3A_769 = tpu.vector_load %arg5[%get3A_766, %get3A_767, %get3A_768] {strides = array<i32>} : memref<50x8x128xi32, #tpu.memory_space<vmem>>, vector<16xi32>,
      %get3A_770 = arith.constant 7 : i32
      %get3A_771 = arith.index_cast %sub3A_454 : i32 to index
      %get3A_772 = arith.index_cast %get3A_770 : i32 to index
      %get3A_773 = arith.constant 32 : index
      %get3A_774 = tpu.vector_load %arg5[%get3A_771, %get3A_772, %get3A_773] {strides = array<i32>} : memref<50x8x128xi32, #tpu.memory_space<vmem>>, vector<16xi32>,
      %get3A_775 = arith.constant 7 : i32
      %get3A_776 = arith.index_cast %sub3A_454 : i32 to index
      %get3A_777 = arith.index_cast %get3A_775 : i32 to index
      %get3A_778 = arith.constant 48 : index
      %get3A_779 = tpu.vector_load %arg5[%get3A_776, %get3A_777, %get3A_778] {strides = array<i32>} : memref<50x8x128xi32, #tpu.memory_space<vmem>>, vector<16xi32>,
      %get3A_780 = arith.constant 7 : i32
      %get3A_781 = arith.index_cast %sub3A_454 : i32 to index
      %get3A_782 = arith.index_cast %get3A_780 : i32 to index
      %get3A_783 = arith.constant 64 : index
      %get3A_784 = tpu.vector_load %arg5[%get3A_781, %get3A_782, %get3A_783] {strides = array<i32>} : memref<50x8x128xi32, #tpu.memory_space<vmem>>, vector<16xi32>,
      %get3A_785 = arith.constant 7 : i32
      %get3A_786 = arith.index_cast %sub3A_454 : i32 to index
      %get3A_787 = arith.index_cast %get3A_785 : i32 to index
      %get3A_788 = arith.constant 80 : index
      %get3A_789 = tpu.vector_load %arg5[%get3A_786, %get3A_787, %get3A_788] {strides = array<i32>} : memref<50x8x128xi32, #tpu.memory_space<vmem>>, vector<16xi32>,
      %get3A_790 = arith.constant 7 : i32
      %get3A_791 = arith.index_cast %sub3A_454 : i32 to index
      %get3A_792 = arith.index_cast %get3A_790 : i32 to index
      %get3A_793 = arith.constant 96 : index
      %get3A_794 = tpu.vector_load %arg5[%get3A_791, %get3A_792, %get3A_793] {strides = array<i32>} : memref<50x8x128xi32, #tpu.memory_space<vmem>>, vector<16xi32>,
      %get3A_795 = arith.constant 7 : i32
      %get3A_796 = arith.index_cast %sub3A_454 : i32 to index
      %get3A_797 = arith.index_cast %get3A_795 : i32 to index
      %get3A_798 = arith.constant 112 : index
      %get3A_799 = tpu.vector_load %arg5[%get3A_796, %get3A_797, %get3A_798] {strides = array<i32>} : memref<50x8x128xi32, #tpu.memory_space<vmem>>, vector<16xi32>,
      %parallel_loop3A_800 = arith.constant 0 : i32
      %parallel_loop3A_801 = arith.constant 8 : i32
      %parallel_loop3A_802 = arith.constant 1 : i32
      scf.for %parallel_loop3A_813 = %parallel_loop3A_800 to %parallel_loop3A_801 step %parallel_loop3A_802  : i32 {
        %parallel_loop3A_814 = vector.broadcast %parallel_loop3A_813 : i32 to vector<16xi32>
        %parallel_loop3A_815 = tpu.vector_load_idx %arg6[%get3A_764, %parallel_loop3A_814] : memref<1000x8xf32, #tpu.memory_space<vmem>>[vector<16xi32>, vector<16xi32>], vector<16xf32>,
        %parallel_loop3A_816 = arith.constant 7 : i32
        %parallel_loop3A_817 = arith.index_cast %parallel_loop3A_816 : i32 to index
        %parallel_loop3A_818 = arith.index_cast %parallel_loop3A_813 : i32 to index
        %parallel_loop3A_819 = arith.constant 0 : index
        %parallel_loop3A_820 = tpu.vector_load %arg8[%parallel_loop3A_817, %parallel_loop3A_818, %parallel_loop3A_819] {strides = array<i32>} : memref<8x8x128xf32, #tpu.memory_space<vmem>>, vector<16xf32>,
        tpu.vector_store %arg8[%parallel_loop3A_817, %parallel_loop3A_818, %parallel_loop3A_819], %parallel_loop3A_815 {strides = array<i32>} : memref<8x8x128xf32, #tpu.memory_space<vmem>>, vector<16xf32>,
        %parallel_loop3A_821 = tpu.vector_load_idx %arg6[%get3A_769, %parallel_loop3A_814] : memref<1000x8xf32, #tpu.memory_space<vmem>>[vector<16xi32>, vector<16xi32>], vector<16xf32>,
        %parallel_loop3A_822 = arith.constant 7 : i32
        %parallel_loop3A_823 = arith.index_cast %parallel_loop3A_822 : i32 to index
        %parallel_loop3A_824 = arith.index_cast %parallel_loop3A_813 : i32 to index
        %parallel_loop3A_825 = arith.constant 16 : index
        %parallel_loop3A_826 = tpu.vector_load %arg8[%parallel_loop3A_823, %parallel_loop3A_824, %parallel_loop3A_825] {strides = array<i32>} : memref<8x8x128xf32, #tpu.memory_space<vmem>>, vector<16xf32>,
        tpu.vector_store %arg8[%parallel_loop3A_823, %parallel_loop3A_824, %parallel_loop3A_825], %parallel_loop3A_821 {strides = array<i32>} : memref<8x8x128xf32, #tpu.memory_space<vmem>>, vector<16xf32>,
        %parallel_loop3A_827 = tpu.vector_load_idx %arg6[%get3A_774, %parallel_loop3A_814] : memref<1000x8xf32, #tpu.memory_space<vmem>>[vector<16xi32>, vector<16xi32>], vector<16xf32>,
        %parallel_loop3A_828 = arith.constant 7 : i32
        %parallel_loop3A_829 = arith.index_cast %parallel_loop3A_828 : i32 to index
        %parallel_loop3A_830 = arith.index_cast %parallel_loop3A_813 : i32 to index
        %parallel_loop3A_831 = arith.constant 32 : index
        %parallel_loop3A_832 = tpu.vector_load %arg8[%parallel_loop3A_829, %parallel_loop3A_830, %parallel_loop3A_831] {strides = array<i32>} : memref<8x8x128xf32, #tpu.memory_space<vmem>>, vector<16xf32>,
        tpu.vector_store %arg8[%parallel_loop3A_829, %parallel_loop3A_830, %parallel_loop3A_831], %parallel_loop3A_827 {strides = array<i32>} : memref<8x8x128xf32, #tpu.memory_space<vmem>>, vector<16xf32>,
        %parallel_loop3A_833 = tpu.vector_load_idx %arg6[%get3A_779, %parallel_loop3A_814] : memref<1000x8xf32, #tpu.memory_space<vmem>>[vector<16xi32>, vector<16xi32>], vector<16xf32>,
        %parallel_loop3A_834 = arith.constant 7 : i32
        %parallel_loop3A_835 = arith.index_cast %parallel_loop3A_834 : i32 to index
        %parallel_loop3A_836 = arith.index_cast %parallel_loop3A_813 : i32 to index
        %parallel_loop3A_837 = arith.constant 48 : index
        %parallel_loop3A_838 = tpu.vector_load %arg8[%parallel_loop3A_835, %parallel_loop3A_836, %parallel_loop3A_837] {strides = array<i32>} : memref<8x8x128xf32, #tpu.memory_space<vmem>>, vector<16xf32>,
        tpu.vector_store %arg8[%parallel_loop3A_835, %parallel_loop3A_836, %parallel_loop3A_837], %parallel_loop3A_833 {strides = array<i32>} : memref<8x8x128xf32, #tpu.memory_space<vmem>>, vector<16xf32>,
        %parallel_loop3A_839 = tpu.vector_load_idx %arg6[%get3A_784, %parallel_loop3A_814] : memref<1000x8xf32, #tpu.memory_space<vmem>>[vector<16xi32>, vector<16xi32>], vector<16xf32>,
        %parallel_loop3A_840 = arith.constant 7 : i32
        %parallel_loop3A_841 = arith.index_cast %parallel_loop3A_840 : i32 to index
        %parallel_loop3A_842 = arith.index_cast %parallel_loop3A_813 : i32 to index
        %parallel_loop3A_843 = arith.constant 64 : index
        %parallel_loop3A_844 = tpu.vector_load %arg8[%parallel_loop3A_841, %parallel_loop3A_842, %parallel_loop3A_843] {strides = array<i32>} : memref<8x8x128xf32, #tpu.memory_space<vmem>>, vector<16xf32>,
        tpu.vector_store %arg8[%parallel_loop3A_841, %parallel_loop3A_842, %parallel_loop3A_843], %parallel_loop3A_839 {strides = array<i32>} : memref<8x8x128xf32, #tpu.memory_space<vmem>>, vector<16xf32>,
        %parallel_loop3A_845 = tpu.vector_load_idx %arg6[%get3A_789, %parallel_loop3A_814] : memref<1000x8xf32, #tpu.memory_space<vmem>>[vector<16xi32>, vector<16xi32>], vector<16xf32>,
        %parallel_loop3A_846 = arith.constant 7 : i32
        %parallel_loop3A_847 = arith.index_cast %parallel_loop3A_846 : i32 to index
        %parallel_loop3A_848 = arith.index_cast %parallel_loop3A_813 : i32 to index
        %parallel_loop3A_849 = arith.constant 80 : index
        %parallel_loop3A_850 = tpu.vector_load %arg8[%parallel_loop3A_847, %parallel_loop3A_848, %parallel_loop3A_849] {strides = array<i32>} : memref<8x8x128xf32, #tpu.memory_space<vmem>>, vector<16xf32>,
        tpu.vector_store %arg8[%parallel_loop3A_847, %parallel_loop3A_848, %parallel_loop3A_849], %parallel_loop3A_845 {strides = array<i32>} : memref<8x8x128xf32, #tpu.memory_space<vmem>>, vector<16xf32>,
        %parallel_loop3A_851 = tpu.vector_load_idx %arg6[%get3A_794, %parallel_loop3A_814] : memref<1000x8xf32, #tpu.memory_space<vmem>>[vector<16xi32>, vector<16xi32>], vector<16xf32>,
        %parallel_loop3A_852 = arith.constant 7 : i32
        %parallel_loop3A_853 = arith.index_cast %parallel_loop3A_852 : i32 to index
        %parallel_loop3A_854 = arith.index_cast %parallel_loop3A_813 : i32 to index
        %parallel_loop3A_855 = arith.constant 96 : index
        %parallel_loop3A_856 = tpu.vector_load %arg8[%parallel_loop3A_853, %parallel_loop3A_854, %parallel_loop3A_855] {strides = array<i32>} : memref<8x8x128xf32, #tpu.memory_space<vmem>>, vector<16xf32>,
        tpu.vector_store %arg8[%parallel_loop3A_853, %parallel_loop3A_854, %parallel_loop3A_855], %parallel_loop3A_851 {strides = array<i32>} : memref<8x8x128xf32, #tpu.memory_space<vmem>>, vector<16xf32>,
        %parallel_loop3A_857 = tpu.vector_load_idx %arg6[%get3A_799, %parallel_loop3A_814] : memref<1000x8xf32, #tpu.memory_space<vmem>>[vector<16xi32>, vector<16xi32>], vector<16xf32>,
        %parallel_loop3A_858 = arith.constant 7 : i32
        %parallel_loop3A_859 = arith.index_cast %parallel_loop3A_858 : i32 to index
        %parallel_loop3A_860 = arith.index_cast %parallel_loop3A_813 : i32 to index
        %parallel_loop3A_861 = arith.constant 112 : index
        %parallel_loop3A_862 = tpu.vector_load %arg8[%parallel_loop3A_859, %parallel_loop3A_860, %parallel_loop3A_861] {strides = array<i32>} : memref<8x8x128xf32, #tpu.memory_space<vmem>>, vector<16xf32>,
        tpu.vector_store %arg8[%parallel_loop3A_859, %parallel_loop3A_860, %parallel_loop3A_861], %parallel_loop3A_857 {strides = array<i32>} : memref<8x8x128xf32, #tpu.memory_space<vmem>>, vector<16xf32>,
      } {sc.loop_unroll_factor = 8 : i64, sc.parallel_access}
      %dma_start3A_803 = arith.constant 0 : i32
      %dma_start3A_804 = arith.constant 0 : i32
      %dma_start3A_805 = arith.constant 0 : i32
      %dma_start3A_806 = tpu.memref_slice %arg4[%sub3A_454, %select_n3A_451, %dma_start3A_803, %dma_start3A_804, %dma_start3A_805] : memref<50x125x8x8x128xf32, #tpu.memory_space<hbm>> -> memref<1x1x8x8x128xf32, #tpu.memory_space<hbm>>
      %dma_start3A_807 = tpu.memref_squeeze %dma_start3A_806 : memref<1x1x8x8x128xf32, #tpu.memory_space<hbm>> -> memref<8x8x128xf32, #tpu.memory_space<hbm>>
      %dma_start3A_808 = arith.constant 0 : i32
      %dma_start3A_809 = arith.constant 0 : i32
      %dma_start3A_810 = arith.constant 0 : i32
      %dma_start3A_811 = tpu.memref_slice %arg4[%sub3A_454, %select_n3A_451, %dma_start3A_808, %dma_start3A_809, %dma_start3A_810] : memref<50x125x8x8x128xf32, #tpu.memory_space<hbm>> -> memref<1x1x8x8x128xf32, #tpu.memory_space<hbm>>
      %dma_start3A_812 = tpu.memref_squeeze %dma_start3A_811 : memref<1x1x8x8x128xf32, #tpu.memory_space<hbm>> -> memref<8x8x128xf32, #tpu.memory_space<hbm>>
      tpu.enqueue_dma source(%arg8 : memref<8x8x128xf32, #tpu.memory_space<vmem>>) target(%dma_start3A_812 : memref<8x8x128xf32, #tpu.memory_space<hbm>>) target_semaphore(%arg10 : memref<!tpu.dma_semaphore, #tpu.memory_space<semaphore_mem>>)
      scf.yield %select_n3A_451 : i32
    }
    %scan3A_8 = arith.constant 98 : i32
    %dma_wait3A = arith.constant 0 : i32
    %dma_wait3A_9 = arith.constant 0 : i32
    %dma_wait3A_10 = arith.constant 0 : i32
    %dma_wait3A_11 = arith.constant 0 : i32
    %dma_wait3A_12 = arith.constant 0 : i32
    %dma_wait3A_13 = tpu.memref_slice %arg4[%dma_wait3A, %dma_wait3A_9, %dma_wait3A_10, %dma_wait3A_11, %dma_wait3A_12] : memref<50x125x8x8x128xf32, #tpu.memory_space<hbm>> -> memref<1x1x8x8x128xf32, #tpu.memory_space<hbm>>
    %dma_wait3A_14 = tpu.memref_squeeze %dma_wait3A_13 : memref<1x1x8x8x128xf32, #tpu.memory_space<hbm>> -> memref<8x8x128xf32, #tpu.memory_space<hbm>>
    %dma_wait3A_15 = arith.constant 0 : i32
    %dma_wait3A_16 = arith.constant 0 : i32
    %dma_wait3A_17 = arith.constant 0 : i32
    %dma_wait3A_18 = tpu.memref_slice %arg4[%dma_wait3A, %dma_wait3A_9, %dma_wait3A_15, %dma_wait3A_16, %dma_wait3A_17] : memref<50x125x8x8x128xf32, #tpu.memory_space<hbm>> -> memref<1x1x8x8x128xf32, #tpu.memory_space<hbm>>
    %dma_wait3A_19 = tpu.memref_squeeze %dma_wait3A_18 : memref<1x1x8x8x128xf32, #tpu.memory_space<hbm>> -> memref<8x8x128xf32, #tpu.memory_space<hbm>>
    tpu.wait_dma2 semaphore(%arg9 : memref<!tpu.dma_semaphore, #tpu.memory_space<semaphore_mem>>) src(%arg7 : memref<8x8x128xf32, #tpu.memory_space<vmem>>) dst(%dma_wait3A_19 : memref<8x8x128xf32, #tpu.memory_space<hbm>>)
    %dma_wait3A_20 = arith.constant 0 : i32
    %dma_wait3A_21 = arith.constant 0 : i32
    %dma_wait3A_22 = arith.constant 0 : i32
    %dma_wait3A_23 = arith.constant 0 : i32
    %dma_wait3A_24 = arith.constant 0 : i32
    %dma_wait3A_25 = tpu.memref_slice %arg4[%dma_wait3A_20, %dma_wait3A_21, %dma_wait3A_22, %dma_wait3A_23, %dma_wait3A_24] : memref<50x125x8x8x128xf32, #tpu.memory_space<hbm>> -> memref<1x1x8x8x128xf32, #tpu.memory_space<hbm>>
    %dma_wait3A_26 = tpu.memref_squeeze %dma_wait3A_25 : memref<1x1x8x8x128xf32, #tpu.memory_space<hbm>> -> memref<8x8x128xf32, #tpu.memory_space<hbm>>
    %dma_wait3A_27 = arith.constant 0 : i32
    %dma_wait3A_28 = arith.constant 0 : i32
    %dma_wait3A_29 = arith.constant 0 : i32
    %dma_wait3A_30 = tpu.memref_slice %arg4[%dma_wait3A_20, %dma_wait3A_21, %dma_wait3A_27, %dma_wait3A_28, %dma_wait3A_29] : memref<50x125x8x8x128xf32, #tpu.memory_space<hbm>> -> memref<1x1x8x8x128xf32, #tpu.memory_space<hbm>>
    %dma_wait3A_31 = tpu.memref_squeeze %dma_wait3A_30 : memref<1x1x8x8x128xf32, #tpu.memory_space<hbm>> -> memref<8x8x128xf32, #tpu.memory_space<hbm>>
    tpu.wait_dma2 semaphore(%arg10 : memref<!tpu.dma_semaphore, #tpu.memory_space<semaphore_mem>>) src(%arg8 : memref<8x8x128xf32, #tpu.memory_space<vmem>>) dst(%dma_wait3A_31 : memref<8x8x128xf32, #tpu.memory_space<hbm>>)
    return
  }
}

</mosaic_0001>

<sc_bundles>
// kernel: kernel.3.cloned.1.call-start
scs
__scs_entry_jumppad:
0x0: {  	(pc) =	sbr.rel $0x88, $3  }
0x1: {  	(tag) =	ssettag $0x0;
	lr =	simm.s32 $0x1  }
0x2: {  	[smem:$0x3F9F] =	sst lr;
	_ =	strace $0xD0000000  }
0x3: {  	_ = 	snop  }
0x4: {  	_ = 	snop  }
0x5: {  	_ = 	snop  }
0x6: {  	_ = 	snop  }
0x7: {  	_ = 	snop  }
__scs_overlays_trampoline_lowered:
0x8: {  	[smem:$0x3FAE] =	sst s0  }
0x9: {  	[smem:$0x3FAF] =	sst s1  }
0xa: {  	[smem:$0x3FB0] =	sst s2  }
0xb: {  	[smem:$0x3FB1] =	sst s3  }
0xc: {  	[smem:$0x3FB2] =	sst s4  }
0xd: {  	[smem:$0x3FB3] =	sst s5  }
0xe: {  	[smem:$0x3FB4] =	sst s6  }
0xf: {  	[smem:$0x3FB5] =	sst s7  }
0x10: {  	[smem:$0x3FB6] =	sst s8  }
0x11: {  	[smem:$0x3FB7] =	sst s9;
	s0 =	simm.s32 @!p0 $0x0  }
0x12: {  	s1 =	sld [smem:$0x3F9D];
	s0 =	simm.s32 @p0 $0x1  }
0x13: {  	[smem:$0x3FB8] =	sst s0;
	s0 =	simm.s32 @!p1 $0x0  }
0x14: {  	s2 =	sld [smem:$0x3F9C];
	s0 =	simm.s32 @p1 $0x1  }
0x15: {  	[smem:$0x3FB9] =	sst s0;
	s0 =	simm.s32 @!p2 $0x0  }
0x16: {  	s3 =	sld [smem:$0x3FDB];
	s0 =	simm.s32 @p2 $0x1  }
0x17: {  	s4 =	simm.s32 $0x1BF5;
	[smem:$0x3FBB] =	sst s0  }
0x18: {  	s0 =	sld [smem:$0x3F9E];
	_ =	swait.ge [sflag:s4], $0x0  }
0x19: {  	s7 =	sld [smem:$0x3F9F]  }
0x1a: {  	s8 =	sadd.s32 $0xFFFFE003, lr  }
0x1b: {  	s9 =	sadd.s32 $0xFFFFFEF7, lr;
	s5 =	simm.s32 $0xFFFFFFFF;
	p2 =	slt.u32 s8, $0xFFFFF086  }
0x1c: {  	p1 =	slt.u32 s9, $0xF7A;
	s5 =	simm.s32 @!p2 $0x0  }
0x1d: {  	s5 =	simm.s32 @p1 $0x1;
	p0 =	seq.s32 s7, s2  }
0x1e: {  	s7 =	smul.u32 @!p0 $0xF7A, s2;
	p2 =	seq.s32 @!p0 s5, $0x0  }
0x1f: {  	s9 =	smul.u32 $0xF7A, s1;
	s8 =	simm.s32 @!p0 $0x1BF5;
	p2 =	por !p2, p0  }
0x20: {  	[sflag:s8] =	ssyncset.s32 @!p0 $0xFFFFF086;
	s6 =	sadd.s32 @!p0 s3, s7;
	s7 =	simm.s32 @!p0 $0x108  }
0x21: {  	s3 =	sadd.s32 s3, s9;
	s6 =	sadd.s32 @!p0 $0x88, s6;
	s7 =	simm.s32 @p2 $0x1082  }
0x22: {  	[simem:s7], [sflag:s8] =	dma.local @!p0 [hbm:s6], $0xF7A  }
0x23: {  	s9 =	sor.u32 $0xD0000000, s2;
	s6 =	simm.s32 $0x108;
	_ =	swait.ge @!p0 [sflag:s8], $0x0  }
0x24: {  	s3 =	sadd.s32 $0x88, s3;
	s6 =	simm.s32 @!p1 $0x1082;
	[sflag:s4] =	ssyncset.s32 $0xFFFFF086  }
0x25: {  	[simem:s6], [sflag:s4] =	dma.local [hbm:s3], $0xF7A  }
0x26: {  	[smem:$0x3F9F] =	sst s1;
	(tag) =	ssettag s2;
	_ =	strace s9  }
0x27: {  	s1 =	sld [smem:$0x3FAF]  }
0x28: {  	s2 =	sld [smem:$0x3FB0]  }
0x29: {  	s4 =	sld [smem:$0x3FB2]  }
0x2a: {  	p0 =	seq.s32 s5, $0x0;
	s5 =	sld [smem:$0x3FB3]  }
0x2b: {  	s6 =	sld [smem:$0x3FB4]  }
0x2c: {  	s7 =	sld [smem:$0x3FB5]  }
0x2d: {  	s3 =	simm.s32 $0x108;
	s8 =	sld [smem:$0x3FB6]  }
0x2e: {  	s3 =	simm.s32 @!p0 $0x1082;
	s9 =	sld [smem:$0x3FB7]  }
0x2f: {  	lr =	sadd.s32 s0, s3;
	s0 =	sld [smem:$0x3FAE]  }
0x30: {  	s3 =	sld [smem:$0x3FB1]  }
0x31: {  	[smem:$0x3FBA] =	sst s10  }
0x32: {  	s10 =	sld [smem:$0x3FB8];
	_ =	sdelay $0x3  }
0x33: {  	p0 =	seq.s32 s10, $0x1;
	s10 =	sld [smem:$0x3FBA];
	_ =	sdelay $0x3  }
0x34: {  	[smem:$0x3FBA] =	sst s10  }
0x35: {  	s10 =	sld [smem:$0x3FB9];
	_ =	sdelay $0x3  }
0x36: {  	p1 =	seq.s32 s10, $0x1;
	s10 =	sld [smem:$0x3FBA];
	_ =	sdelay $0x3  }
0x37: {  	[smem:$0x3FBA] =	sst s10  }
0x38: {  	s10 =	sld [smem:$0x3FBB]  }
0x39: {  	_ = 	snop;
	(pc) =	sbr.ind lr, $3  }
0x3a: {  	_ = 	snop  }
0x3b: {  	_ = 	snop  }
0x3c: {  	p2 =	seq.s32 s10, $0x1;
	s10 =	sld [smem:$0x3FBA]  }
0x3d: {  	_ =	shalt  }
0x3e: {  	_ =	shalt  }
0x3f: {  	_ =	shalt  }
0x40: {  	_ =	shalt  }
0x41: {  	_ =	shalt  }
0x42: {  	_ =	shalt  }
0x43: {  	_ =	shalt  }
0x44: {  	_ =	shalt  }
0x45: {  	_ =	shalt  }
0x46: {  	_ =	shalt  }
0x47: {  	_ =	shalt  }
0x48: {  	_ =	shalt  }
0x49: {  	_ =	shalt  }
0x4a: {  	_ =	shalt  }
0x4b: {  	_ =	shalt  }
0x4c: {  	_ =	shalt  }
0x4d: {  	_ =	shalt  }
0x4e: {  	_ =	shalt  }
0x4f: {  	_ =	shalt  }
0x50: {  	_ =	shalt  }
0x51: {  	_ =	shalt  }
0x52: {  	_ =	shalt  }
0x53: {  	_ =	shalt  }
0x54: {  	_ =	shalt  }
0x55: {  	_ =	shalt  }
0x56: {  	_ =	shalt  }
0x57: {  	_ =	shalt  }
0x58: {  	_ =	shalt  }
0x59: {  	_ =	shalt  }
0x5a: {  	_ =	shalt  }
0x5b: {  	_ =	shalt  }
0x5c: {  	_ =	shalt  }
0x5d: {  	_ =	shalt  }
0x5e: {  	_ =	shalt  }
0x5f: {  	_ =	shalt  }
0x60: {  	_ =	shalt  }
0x61: {  	_ =	shalt  }
0x62: {  	_ =	shalt  }
0x63: {  	_ =	shalt  }
0x64: {  	_ =	shalt  }
0x65: {  	_ =	shalt  }
0x66: {  	_ =	shalt  }
0x67: {  	_ =	shalt  }
0x68: {  	_ =	shalt  }
0x69: {  	_ =	shalt  }
0x6a: {  	_ =	shalt  }
0x6b: {  	_ =	shalt  }
0x6c: {  	_ =	shalt  }
0x6d: {  	_ =	shalt  }
0x6e: {  	_ =	shalt  }
0x6f: {  	_ =	shalt  }
0x70: {  	_ =	shalt  }
0x71: {  	_ =	shalt  }
0x72: {  	_ =	shalt  }
0x73: {  	_ =	shalt  }
0x74: {  	_ =	shalt  }
0x75: {  	_ =	shalt  }
0x76: {  	_ =	shalt  }
0x77: {  	_ =	shalt  }
0x78: {  	_ =	shalt  }
0x79: {  	_ =	shalt  }
0x7a: {  	_ =	shalt  }
0x7b: {  	_ =	shalt  }
0x7c: {  	_ =	shalt  }
0x7d: {  	_ =	shalt  }
0x7e: {  	_ =	shalt  }
0x7f: {  	_ =	shalt  }
0x80: {  	_ =	shalt  }
0x81: {  	_ =	shalt  }
0x82: {  	_ =	shalt  }
0x83: {  	_ =	shalt  }
0x84: {  	_ =	shalt  }
0x85: {  	_ =	shalt  }
0x86: {  	_ =	shalt  }
0x87: {  	_ =	shalt  }
.Lfunc_end0:
.L_simem_size_0:
called_computation_lowered:
.L_overlay_start_0:
0x88: {  	s2 =	sld [smem:$0x3FD9]  }
0x89: {  	s3 =	sld [smem:$0x3FFE];
	_ =	sdelay $0x1  }
0x8a: {  	s1 =	srdreg.scid  }
0x8b: {  	s0 =	sand.u32 $0x1, s1  }
0x8c: {  	s17 =	sshll.u32 s0, $0xA;
	s2 =	sadd.s32 s3, s2  }
0x8d: {  	s2 =	sadd.s32 s2, s17  }
0x8e: {  	[smem:$0x3FC6] =	sst s2  }
0x8f: {  	_ = 	snop  }
0x90: {  	s2 =	sld [smem:$0x3FD0];
	(tm) =	ssettm $0x1  }
0x91: {  	s18 =	sld [smem:$0x3FFB];
	_ =	sdelay $0x3  }
0x92: {  	_ =	strace s18  }
0x93: {  	s3 =	sld [smem:$0x3FFC];
	_ =	sdelay $0x3  }
0x94: {  	_ =	strace s3  }
0x95: {  	s3 =	sld [smem:$0x3FFD];
	_ =	sdelay $0x3  }
0x96: {  	_ =	strace s3  }
0x97: {  	_ =	strace $0x8FFFFFFF  }
0x98: {  	s19 =	sld [smem:$0x3FDB];
	_ =	sdelay $0x1  }
0x99: {  	s4 =	simm.s32 $_scs_section_size  }
0x9a: {  	s5 =	simm.s32 $_size__tile_overlayer_lowered;
	s6 =	simm.s32 $_tile_overlayer_lowered  }
0x9b: {  	s22 =	simm.s32 $0x1BFF;
	s21 =	sshll.u32 s6, $0x1;
	s3 =	sadd.s32 s4, s19  }
0x9c: {  	s7 =	simm.s32 $0x0;
	s20 =	sshll.u32 s5, $0x1;
	s5 =	sadd.s32 s21, s3  }
0x9d: {  	[timem:s7], [sflag:s22] =	dma.local [hbm:s5], s20  }
0x9e: {  	_ =	swait.ge [sflag:s22], s20  }
0x9f: {  	s4 =	ssub.s32 $0x0, s20;
	[sflag:s22] =	ssyncset.done $0x0  }
0xa0: {  	[sflag:s22] =	ssyncadd.s32 s4;
	_ =	sdelay $0x1  }
0xa1: {  	s23 =	simm.s32 $0x1B8B  }
0xa2: {  	_ =	swait.ge [sflag:s23], $0x1  }
0xa3: {  	[sflag:s23] =	ssyncset.done $0x0  }
0xa4: {  	s25 =	simm.s32 $0x1B8E;
	s24 =	sld [smem:$0x3FFE];
	[sflag:s23] =	ssyncadd.s32 $0xFFFFFFFF  }
0xa5: {  	s26 =	simm.s32 $execute0_lowered;
	[smem:$0x3FD2] =	sst s25  }
0xa6: {  	s5 =	sshll.u32 s26, $0x1;
	_ =	strace $0x80000046;
	[dreg:$0x1] =	wrdreg $0xFFFFFFFF  }
0xa7: {  	s28 =	simm.s32 $_size_execute0_lowered;
	s3 =	sadd.s32 s3, s5;
	[dreg:$0x0] =	wrdreg $0x0  }
0xa8: {  	s5 =	sshll.u32 s28, $0x1;
	[dreg:$0x2] =	wrdreg s3  }
0xa9: {  	[dreg:$0x3] =	wrdreg s5  }
0xaa: {  	[dreg:$0x4] =	wrdreg $0xC0  }
0xab: {  	_ =	task [dreg:s7], $0x5FFFF  }
0xac: {  	[dreg:$0x1] =	wrdreg $0xFFFFFFFF  }
0xad: {  	[dreg:$0x0] =	wrdreg $0x60  }
0xae: {  	[dreg:$0x2] =	wrdreg s24  }
0xaf: {  	[dreg:$0x3] =	wrdreg s2  }
0xb0: {  	[dreg:$0x4] =	wrdreg $0x9  }
0xb1: {  	_ =	task.clear_ibuf [dreg:s7], $0x5FFFF;
	_ =	strace $0x90000046  }
0xb2: {  	s29 =	simm.s32 $0x9;
	_ =	strace $0x80000048  }
0xb3: {  	_ =	swait.ge [sflag:s29], $0x1  }
0xb4: {  	[sflag:s29] =	ssyncadd.s32 $0xFFFFFFFF  }
0xb5: {  	_ =	strace $0x90000048  }
0xb6: {  	_ =	sfence  }
0xb7: {  	s30 =	sld [smem:$0x0];
	_ =	sdelay $0x2  }
0xb8: {  	s31 =	sshll.u32 s1, $0xD;
	s1 =	sshrl.u32 s1, $0x2  }
0xb9: {  	s3 =	sand.u32 $0x4000, s31;
	s1 =	sadd.s32 s1, s30  }
0xba: {  	s0 =	sor.u32 s3, s0;
	s1 =	sshll.u32 s1, $0x11  }
0xbb: {  	s0 =	sor.u32 s1, s0  }
0xbc: {  	s0 =	sadd.s32 $0x8F2B, s0  }
0xbd: {  	[sflag:s0] =	ssyncadd.remote.s32 $0x1  }
0xbe: {  	_ =	sfence.sel $0xFFFF  }
0xbf: {  	[dreg:$0x0] =	wrdreg $0xFFFFFFFF;
	(pc) =	sbr.abs _section_cstart, $3  }
0xc0: {  	[dreg:$0x1] =	wrdreg $0xFFFFFFFF  }
0xc1: {  	_ =	task.clear_ibuf [dreg:s7], $0x2FFFF;
	_ =	strace $0x9FFFFFFF  }
0xc2: {  	(tm) =	ssettm $0x7FFFFFFF  }
0xc3: {  	_ =	shalt  }
tec
execute0_lowered:
.L_overlay_start_1:
0x0: {  	(tag) =	ssettag $0x1  }
0x1: {  	s5 =	rddreg [dreg:$0x0]  }
0x2: {  	s2 =	rddreg [dreg:$0x1]  }
0x3: {  	s0 =	rddreg [dreg:$0x2];
	s4 =	srdreg.scid  }
0x4: {  	s1 =	stileid.u32;
	s3 =	simm.s32 $0x0;
	s30 =	simm.s32 $0xE740  }
0x5: {  	s31 =	simm.s32 $0x10740;
	s10 =	simm.s32 $0x2;
	s11 =	simm.s32 $0x0  }
0x6: {  	s6 =	sand.u32 $0x1, s4;
	s7 =	smul.u32 $0x188, s1;
	[smem:$0x7FF] =	sst s3  }
0x7: {  	s4 =	sadd.s32 $0x400, s5;
	s5 =	sadd.s32 $0x1E00, s5;
	s8 =	smul.u32 $0xC4, s6  }
0x8: {  	_ =	strace $0x80000047;
	s6 =	ssub.s32 $0x2, s6;
	[dreg:$0x4] =	wrdreg s30  }
0x9: {  	[dreg:$0x5] =	wrdreg s31;
	s9 =	sshrl.u32 s6, $0x1;
	s7 =	sadd.s32 s8, s7  }
0xa: {  	s6 =	ssub.s32 s6, s9;
	s8 =	simm.s32 $0xC800;
	s9 =	simm.s32 $0x1  }
0xb: {  	[dreg:$0x3] =	wrdreg s7;
	s6 =	smax.u32 s6, $0x1;
	s7 =	simm.s32 $0x3  }
.LBB2_1:
0xc: {  	[tilespmem:s3], [sflag:$0x3] =	stream.linear.gather [hbm4b:s4+s3], $0xC800, $0x38;
	[tilespmem:$0x12740] =	vst v63  }
0xd: {  	_ =	swait.ge [sflag:s7], $0xC800  }
0xe: {  	[sflag:s7] =	ssyncset.done $0x0  }
0xf: {  	s13 =	simm.s32 $0xFFFFFFFF;
	s12 =	simm.s32 $0x0;
	[sflag:s7] =	ssyncadd.s32 $0xFFFF3800  }
.LBB2_2:
0x10: {  	p0 =	seq.s32 s12, $0x0  }
0x11: {  	s16 =	simm.s32 @!p0 $0x1  }
0x12: {  	_ =	swait.ge @!p0 [sflag:s16], $0x2000  }
0x13: {  	s14 =	rddreg [dreg:$0x3]  }
0x14: {  	s15 =	sadd.s32 s12, s14  }
0x15: {  	p1 =	slt.s32 s15, $0x1869;
	s17 =	smov.u32 s15  }
0x16: {  	s17 =	simm.s32 @!p1 $0x1869  }
0x17: {  	s22 =	smulhi.u32 $0x51EB851F, s17;
	_ =	sdelay $0x1  }
0x18: {  	s14 =	sshrl.u32 s22, $0x4  }
0x19: {  	[sflag:s16] =	ssyncset.done @!p0 $0x0;
	p1 =	seq.s32 s14, s13  }
0x1a: {  	[sflag:s16] =	ssyncadd.s32 @!p0 $0xFFFFE000;
	s23 =	smul.u32 $0xFFFFFFCE, s14;
	s13 =	sadd.s32 @!p1 s5, s14  }
0x1b: {  	s16 =	simm.s32 @!p1 $0x8;
	s18 =	simm.s32 @!p1 $0x3E8;
	s19 =	simm.s32 @!p1 $0xC800  }
0x1c: {  	[tilespmem:s19], [sflag:$0x3] =	stream.strided.gather @!p1 [hbm4b:s13+s16], $0x1F40, s18, s16, $0x38;
	[tilespmem:$0x12740] =	vst v63  }
0x1d: {  	s16 =	simm.s32 @!p1 $0x3  }
0x1e: {  	s13 =	sadd.s32 s17, s23;
	_ =	swait.ge @!p1 [sflag:s16], $0x1F40  }
0x1f: {  	s17 =	sshll.u32 s13, $0xC;
	[sflag:s16] =	ssyncset.done @!p1 $0x0  }
0x20: {  	s24 =	sshra.s32 s17, $0x2;
	[sflag:s16] =	ssyncadd.s32 @!p1 $0xFFFFE0C0  }
0x21: {  	v0 =	vld [tilespmem:s24+$0x0];
	_ =	sdelay $0x4  }
0x22: {  	v1 =	vshll.u32 v0, $0x3  }
0x23: {  	v45 =	vld [tilespmem:s24+$0x10]  }
0x24: {  	v2 =	vor.u32 $0x1, v1  }
0x25: {  	v3 =	vld [tilespmem:s24+$0x20]  }
0x26: {  	v4 =	vld [tilespmem:s24+$0x30]  }
0x27: {  	v6 =	vld.idx.msk [tilespmem:v1+s8+$0x0], $0xffff  }
0x28: {  	v5 =	vld [tilespmem:s24+$0x40];
	v7 =	vshll.u32 v45, $0x3  }
0x29: {  	v46 =	vld.idx.msk [tilespmem:v2+s8+$0x0], $0xffff  }
0x2a: {  	v47 =	vld [tilespmem:s24+$0x50];
	v8 =	vor.u32 $0x1, v7  }
0x2b: {  	v9 =	vld [tilespmem:s24+$0x60]  }
0x2c: {  	v10 =	vld [tilespmem:s24+$0x70];
	[tilespmem:$0xE740] =	vst v6  }
0x2d: {  	v6 =	vld.idx.msk [tilespmem:v7+s8+$0x0], $0xffff  }
0x2e: {  	v3 =	vshll.u32 v3, $0x3;
	[tilespmem:$0xE7C0] =	vst v46  }
0x2f: {  	v0 =	vld.idx.msk [tilespmem:v8+s8+$0x0], $0xffff  }
0x30: {  	v48 =	vor.u32 $0x1, v3;
	_ =	sdelay $0x1  }
0x31: {  	[tilespmem:$0xE750] =	vst v6  }
0x32: {  	v6 =	vld.idx.msk [tilespmem:v3+s8+$0x0], $0xffff  }
0x33: {  	v4 =	vshll.u32 v4, $0x3;
	[tilespmem:$0xE7D0] =	vst v0  }
0x34: {  	v0 =	vld.idx.msk [tilespmem:v48+s8+$0x0], $0xffff  }
0x35: {  	v49 =	vor.u32 $0x1, v4;
	_ =	sdelay $0x1  }
0x36: {  	[tilespmem:$0xE760] =	vst v6  }
0x37: {  	v6 =	vld.idx.msk [tilespmem:v4+s8+$0x0], $0xffff  }
0x38: {  	v5 =	vshll.u32 v5, $0x3;
	[tilespmem:$0xE7E0] =	vst v0  }
0x39: {  	v0 =	vld.idx.msk [tilespmem:v49+s8+$0x0], $0xffff  }
0x3a: {  	v50 =	vor.u32 $0x1, v5;
	_ =	sdelay $0x1  }
0x3b: {  	[tilespmem:$0xE770] =	vst v6  }
0x3c: {  	v6 =	vld.idx.msk [tilespmem:v5+s8+$0x0], $0xffff  }
0x3d: {  	v2 =	vshll.u32 v47, $0x3;
	[tilespmem:$0xE7F0] =	vst v0  }
0x3e: {  	v0 =	vld.idx.msk [tilespmem:v50+s8+$0x0], $0xffff  }
0x3f: {  	v51 =	vor.u32 $0x1, v2;
	_ =	sdelay $0x1  }
0x40: {  	v14 =	vor.u32 $0x6, v1;
	[tilespmem:$0xE780] =	vst v6  }
0x41: {  	v11 =	vor.u32 $0x2, v1;
	v6 =	vld.idx.msk [tilespmem:v2+s8+$0x0], $0xffff  }
0x42: {  	v9 =	vshll.u32 v9, $0x3;
	[tilespmem:$0xE800] =	vst v0  }
0x43: {  	v12 =	vor.u32 $0x3, v1;
	v0 =	vld.idx.msk [tilespmem:v51+s8+$0x0], $0xffff  }
0x44: {  	v52 =	vor.u32 $0x1, v9  }
0x45: {  	v54 =	vor.u32 $0x4, v1;
	v55 =	vor.u32 $0x5, v1;
	v1 =	vor.u32 $0x7, v1;
	v14 =	vld.idx.msk [tilespmem:v14+s8+$0x0], $0xffff  }
0x46: {  	v58 =	vor.u32 $0x6, v7;
	v11 =	vld.idx.msk [tilespmem:v11+s8+$0x0], $0xffff;
	[tilespmem:$0xE790] =	vst v6  }
0x47: {  	v6 =	vld.idx.msk [tilespmem:v9+s8+$0x0], $0xffff  }
0x48: {  	v53 =	vshll.u32 v10, $0x3;
	v12 =	vld.idx.msk [tilespmem:v12+s8+$0x0], $0xffff;
	[tilespmem:$0xE810] =	vst v0  }
0x49: {  	v8 =	vld.idx.msk [tilespmem:v52+s8+$0x0], $0xffff  }
0x4a: {  	v10 =	vor.u32 $0x1, v53;
	v15 =	vor.u32 $0x2, v7;
	v16 =	vor.u32 $0x3, v7;
	v1 =	vld.idx.msk [tilespmem:v1+s8+$0x0], $0xffff;
	[tilespmem:$0xEA40] =	vst v14  }
0x4b: {  	v56 =	vor.u32 $0x4, v7;
	v57 =	vor.u32 $0x5, v7;
	[tilespmem:$0xE840] =	vst v11;
	v7 =	vor.u32 $0x7, v7;
	v11 =	vld.idx.msk [tilespmem:v58+s8+$0x0], $0xffff  }
0x4c: {  	[tilespmem:$0xE7A0] =	vst v6;
	v6 =	vld.idx.msk [tilespmem:v54+s8+$0x0], $0xffff  }
0x4d: {  	[tilespmem:$0xE8C0] =	vst v12;
	v13 =	vld.idx.msk [tilespmem:v53+s8+$0x0], $0xffff  }
0x4e: {  	[tilespmem:$0xE820] =	vst v8;
	v8 =	vld.idx.msk [tilespmem:v55+s8+$0x0], $0xffff  }
0x4f: {  	[tilespmem:$0xEAC0] =	vst v1;
	v10 =	vld.idx.msk [tilespmem:v10+s8+$0x0], $0xffff  }
0x50: {  	v59 =	vor.u32 $0x2, v3;
	v60 =	vor.u32 $0x3, v3;
	v63 =	vor.u32 $0x6, v3;
	v7 =	vld.idx.msk [tilespmem:v7+s8+$0x0], $0xffff;
	[tilespmem:$0xEA50] =	vst v11  }
0x51: {  	v61 =	vor.u32 $0x4, v3;
	v62 =	vor.u32 $0x5, v3;
	v15 =	vld.idx.msk [tilespmem:v15+s8+$0x0], $0xffff;
	v3 =	vor.u32 $0x7, v3;
	[tilespmem:$0xE940] =	vst v6  }
0x52: {  	v16 =	vld.idx.msk [tilespmem:v16+s8+$0x0], $0xffff;
	[tilespmem:$0xE7B0] =	vst v13  }
0x53: {  	v13 =	vld.idx.msk [tilespmem:v56+s8+$0x0], $0xffff;
	[tilespmem:$0xE9C0] =	vst v8  }
0x54: {  	[tilespmem:$0xE830] =	vst v10;
	v10 =	vld.idx.msk [tilespmem:v57+s8+$0x0], $0xffff  }
0x55: {  	v1 =	vld.idx.msk [tilespmem:v63+s8+$0x0], $0xffff;
	[tilespmem:$0xEAD0] =	vst v7  }
0x56: {  	v18 =	vor.u32 $0x2, v4;
	v19 =	vor.u32 $0x3, v4;
	v22 =	vor.u32 $0x6, v4;
	[tilespmem:$0xE850] =	vst v15;
	v3 =	vld.idx.msk [tilespmem:v3+s8+$0x0], $0xffff  }
0x57: {  	v20 =	vor.u32 $0x4, v4;
	v21 =	vor.u32 $0x5, v4;
	[tilespmem:$0xE8D0] =	vst v16;
	v12 =	vld.idx.msk [tilespmem:v59+s8+$0x0], $0xffff;
	v4 =	vor.u32 $0x7, v4  }
0x58: {  	v6 =	vld.idx.msk [tilespmem:v60+s8+$0x0], $0xffff;
	[tilespmem:$0xE950] =	vst v13  }
0x59: {  	v8 =	vld.idx.msk [tilespmem:v61+s8+$0x0], $0xffff;
	[tilespmem:$0xE9D0] =	vst v10  }
0x5a: {  	[tilespmem:$0xEA60] =	vst v1;
	v14 =	vld.idx.msk [tilespmem:v62+s8+$0x0], $0xffff  }
0x5b: {  	v7 =	vld.idx.msk [tilespmem:v22+s8+$0x0], $0xffff;
	[tilespmem:$0xEAE0] =	vst v3  }
0x5c: {  	v23 =	vor.u32 $0x2, v5;
	v24 =	vor.u32 $0x3, v5;
	v27 =	vor.u32 $0x6, v5;
	[tilespmem:$0xE860] =	vst v12;
	v4 =	vld.idx.msk [tilespmem:v4+s8+$0x0], $0xffff  }
0x5d: {  	v25 =	vor.u32 $0x4, v5;
	v26 =	vor.u32 $0x5, v5;
	v12 =	vld.idx.msk [tilespmem:v18+s8+$0x0], $0xffff;
	v5 =	vor.u32 $0x7, v5;
	[tilespmem:$0xE8E0] =	vst v6  }
0x5e: {  	v13 =	vld.idx.msk [tilespmem:v19+s8+$0x0], $0xffff;
	[tilespmem:$0xE960] =	vst v8  }
0x5f: {  	v10 =	vld.idx.msk [tilespmem:v20+s8+$0x0], $0xffff;
	[tilespmem:$0xE9E0] =	vst v14  }
0x60: {  	[tilespmem:$0xEA70] =	vst v7;
	v11 =	vld.idx.msk [tilespmem:v21+s8+$0x0], $0xffff  }
0x61: {  	v3 =	vld.idx.msk [tilespmem:v27+s8+$0x0], $0xffff;
	[tilespmem:$0xEAF0] =	vst v4  }
0x62: {  	v28 =	vor.u32 $0x2, v2;
	v29 =	vor.u32 $0x3, v2;
	v33 =	vor.u32 $0x6, v2;
	[tilespmem:$0xE870] =	vst v12;
	v5 =	vld.idx.msk [tilespmem:v5+s8+$0x0], $0xffff  }
0x63: {  	v31 =	vor.u32 $0x4, v2;
	v32 =	vor.u32 $0x5, v2;
	v2 =	vor.u32 $0x7, v2;
	v6 =	vld.idx.msk [tilespmem:v23+s8+$0x0], $0xffff;
	[tilespmem:$0xE8F0] =	vst v13  }
0x64: {  	v8 =	vld.idx.msk [tilespmem:v24+s8+$0x0], $0xffff;
	[tilespmem:$0xE970] =	vst v10  }
0x65: {  	v30 =	vld.idx.msk [tilespmem:v25+s8+$0x0], $0xffff;
	[tilespmem:$0xE9F0] =	vst v11  }
0x66: {  	[tilespmem:$0xEA80] =	vst v3;
	v1 =	vld.idx.msk [tilespmem:v26+s8+$0x0], $0xffff  }
0x67: {  	v4 =	vld.idx.msk [tilespmem:v33+s8+$0x0], $0xffff;
	[tilespmem:$0xEB00] =	vst v5  }
0x68: {  	v38 =	vor.u32 $0x6, v9;
	v2 =	vld.idx.msk [tilespmem:v2+s8+$0x0], $0xffff;
	[tilespmem:$0xE880] =	vst v6  }
0x69: {  	v39 =	vor.u32 $0x7, v9;
	v6 =	vld.idx.msk [tilespmem:v28+s8+$0x0], $0xffff;
	[tilespmem:$0xE900] =	vst v8  }
0x6a: {  	v34 =	vor.u32 $0x2, v9;
	v10 =	vld.idx.msk [tilespmem:v29+s8+$0x0], $0xffff;
	[tilespmem:$0xE980] =	vst v30  }
0x6b: {  	v35 =	vor.u32 $0x3, v9;
	v11 =	vld.idx.msk [tilespmem:v31+s8+$0x0], $0xffff;
	[tilespmem:$0xEA00] =	vst v1  }
0x6c: {  	v36 =	vor.u32 $0x4, v9;
	[tilespmem:$0xEA90] =	vst v4;
	v7 =	vld.idx.msk [tilespmem:v32+s8+$0x0], $0xffff  }
0x6d: {  	v37 =	vor.u32 $0x5, v9;
	v5 =	vld.idx.msk [tilespmem:v38+s8+$0x0], $0xffff;
	[tilespmem:$0xEB10] =	vst v2  }
0x6e: {  	v44 =	vor.u32 $0x6, v53;
	v45 =	vld.idx.msk [tilespmem:v39+s8+$0x0], $0xffff;
	[tilespmem:$0xE890] =	vst v6  }
0x6f: {  	v0 =	vor.u32 $0x7, v53;
	v6 =	vld.idx.msk [tilespmem:v34+s8+$0x0], $0xffff;
	[tilespmem:$0xE910] =	vst v10  }
0x70: {  	v40 =	vor.u32 $0x2, v53;
	v10 =	vld.idx.msk [tilespmem:v35+s8+$0x0], $0xffff;
	[tilespmem:$0xE990] =	vst v11  }
0x71: {  	v41 =	vor.u32 $0x3, v53;
	v1 =	vld.idx.msk [tilespmem:v36+s8+$0x0], $0xffff;
	[tilespmem:$0xEA10] =	vst v7  }
0x72: {  	v42 =	vor.u32 $0x4, v53;
	[tilespmem:$0xEAA0] =	vst v5;
	v3 =	vld.idx.msk [tilespmem:v37+s8+$0x0], $0xffff  }
0x73: {  	v43 =	vor.u32 $0x5, v53;
	v2 =	vld.idx.msk [tilespmem:v44+s8+$0x0], $0xffff;
	[tilespmem:$0xEB20] =	vst v45  }
0x74: {  	v0 =	vld.idx.msk [tilespmem:v0+s8+$0x0], $0xffff;
	[tilespmem:$0xE8A0] =	vst v6  }
0x75: {  	v46 =	vld.idx.msk [tilespmem:v40+s8+$0x0], $0xffff;
	[tilespmem:$0xE920] =	vst v10  }
0x76: {  	v47 =	vld.idx.msk [tilespmem:v41+s8+$0x0], $0xffff;
	[tilespmem:$0xE9A0] =	vst v1  }
0x77: {  	v1 =	vld.idx.msk [tilespmem:v42+s8+$0x0], $0xffff;
	[tilespmem:$0xEA20] =	vst v3  }
0x78: {  	[tilespmem:$0xEAB0] =	vst v2;
	v3 =	vld.idx.msk [tilespmem:v43+s8+$0x0], $0xffff  }
0x79: {  	[tilespmem:$0xEB30] =	vst v0  }
0x7a: {  	[tilespmem:$0xE8B0] =	vst v46  }
0x7b: {  	[tilespmem:$0xE930] =	vst v47  }
0x7c: {  	[tilespmem:$0xE9B0] =	vst v1  }
0x7d: {  	[tilespmem:$0xEA30] =	vst v3  }
0x7e: {  	v0 =	vld [tilespmem:s24+$0x80];
	_ =	sdelay $0x4  }
0x7f: {  	v0 =	vshll.u32 v0, $0x3  }
0x80: {  	v1 =	vld [tilespmem:s24+$0x90];
	v48 =	vor.u32 $0x1, v0;
	_ =	sdelay $0x1  }
0x81: {  	v3 =	vld [tilespmem:s24+$0xA0]  }
0x82: {  	v49 =	vld [tilespmem:s24+$0xB0]  }
0x83: {  	v6 =	vld.idx.msk [tilespmem:v0+s8+$0x0], $0xffff  }
0x84: {  	v1 =	vshll.u32 v1, $0x3;
	v2 =	vld.idx.msk [tilespmem:v48+s8+$0x0], $0xffff  }
0x85: {  	v5 =	vld [tilespmem:s24+$0xC0];
	v51 =	vor.u32 $0x1, v1  }
0x86: {  	v50 =	vld [tilespmem:s24+$0xD0]  }
0x87: {  	v9 =	vld [tilespmem:s24+$0xE0]  }
0x88: {  	v10 =	vld [tilespmem:s24+$0xF0];
	[tilespmem:$0xEB40] =	vst v6  }
0x89: {  	v6 =	vld.idx.msk [tilespmem:v1+s8+$0x0], $0xffff;
	[tilespmem:$0xEBC0] =	vst v2  }
0x8a: {  	v52 =	vshll.u32 v3, $0x3;
	v53 =	vld.idx.msk [tilespmem:v51+s8+$0x0], $0xffff  }
0x8b: {  	v54 =	vor.u32 $0x1, v52;
	_ =	sdelay $0x2  }
0x8c: {  	[tilespmem:$0xEB50] =	vst v6  }
0x8d: {  	v6 =	vld.idx.msk [tilespmem:v52+s8+$0x0], $0xffff;
	[tilespmem:$0xEBD0] =	vst v53  }
0x8e: {  	v55 =	vshll.u32 v49, $0x3;
	v56 =	vld.idx.msk [tilespmem:v54+s8+$0x0], $0xffff  }
0x8f: {  	v57 =	vor.u32 $0x1, v55  }
0x90: {  	v58 =	vor.u32 $0x2, v0;
	_ =	sdelay $0x1  }
0x91: {  	[tilespmem:$0xEB60] =	vst v6  }
0x92: {  	v6 =	vld.idx.msk [tilespmem:v55+s8+$0x0], $0xffff;
	[tilespmem:$0xEBE0] =	vst v56  }
0x93: {  	v59 =	vshll.u32 v5, $0x3;
	v60 =	vld.idx.msk [tilespmem:v57+s8+$0x0], $0xffff  }
0x94: {  	v61 =	vor.u32 $0x1, v59;
	v11 =	vld.idx.msk [tilespmem:v58+s8+$0x0], $0xffff  }
0x95: {  	v62 =	vor.u32 $0x2, v1;
	_ =	sdelay $0x1  }
0x96: {  	[tilespmem:$0xEB70] =	vst v6  }
0x97: {  	v6 =	vld.idx.msk [tilespmem:v59+s8+$0x0], $0xffff;
	[tilespmem:$0xEBF0] =	vst v60  }
0x98: {  	v63 =	vshll.u32 v50, $0x3;
	[tilespmem:$0xEC40] =	vst v11;
	v17 =	vld.idx.msk [tilespmem:v61+s8+$0x0], $0xffff  }
0x99: {  	v18 =	vor.u32 $0x1, v63;
	v11 =	vld.idx.msk [tilespmem:v62+s8+$0x0], $0xffff  }
0x9a: {  	v19 =	vor.u32 $0x2, v52;
	_ =	sdelay $0x1  }
0x9b: {  	[tilespmem:$0xEB80] =	vst v6  }
0x9c: {  	v6 =	vld.idx.msk [tilespmem:v63+s8+$0x0], $0xffff;
	[tilespmem:$0xEC00] =	vst v17  }
0x9d: {  	v20 =	vshll.u32 v9, $0x3;
	[tilespmem:$0xEC50] =	vst v11;
	v8 =	vld.idx.msk [tilespmem:v18+s8+$0x0], $0xffff  }
0x9e: {  	v9 =	vor.u32 $0x1, v20;
	v11 =	vld.idx.msk [tilespmem:v19+s8+$0x0], $0xffff  }
0x9f: {  	v21 =	vor.u32 $0x2, v55;
	_ =	sdelay $0x1  }
0xa0: {  	[tilespmem:$0xEB90] =	vst v6  }
0xa1: {  	v6 =	vld.idx.msk [tilespmem:v20+s8+$0x0], $0xffff;
	[tilespmem:$0xEC10] =	vst v8  }
0xa2: {  	v22 =	vshll.u32 v10, $0x3;
	[tilespmem:$0xEC60] =	vst v11;
	v9 =	vld.idx.msk [tilespmem:v9+s8+$0x0], $0xffff  }
0xa3: {  	v10 =	vor.u32 $0x1, v22;
	v11 =	vld.idx.msk [tilespmem:v21+s8+$0x0], $0xffff  }
0xa4: {  	v23 =	vor.u32 $0x2, v59;
	_ =	sdelay $0x1  }
0xa5: {  	[tilespmem:$0xEBA0] =	vst v6  }
0xa6: {  	v6 =	vld.idx.msk [tilespmem:v22+s8+$0x0], $0xffff;
	[tilespmem:$0xEC20] =	vst v9  }
0xa7: {  	[tilespmem:$0xEC70] =	vst v11;
	v9 =	vld.idx.msk [tilespmem:v10+s8+$0x0], $0xffff  }
0xa8: {  	v24 =	vld.idx.msk [tilespmem:v23+s8+$0x0], $0xffff  }
0xa9: {  	v25 =	vor.u32 $0x3, v0  }
0xaa: {  	v26 =	vor.u32 $0x4, v0  }
0xab: {  	v27 =	vor.u32 $0x5, v0;
	[tilespmem:$0xEBB0] =	vst v6  }
0xac: {  	v28 =	vor.u32 $0x6, v0;
	[tilespmem:$0xEC30] =	vst v9  }
0xad: {  	v0 =	vor.u32 $0x7, v0;
	[tilespmem:$0xEC80] =	vst v24  }
0xae: {  	v10 =	vld.idx.msk [tilespmem:v25+s8+$0x0], $0xffff  }
0xaf: {  	v29 =	vor.u32 $0x3, v1;
	v12 =	vld.idx.msk [tilespmem:v26+s8+$0x0], $0xffff  }
0xb0: {  	v30 =	vor.u32 $0x4, v1;
	v6 =	vld.idx.msk [tilespmem:v27+s8+$0x0], $0xffff  }
0xb1: {  	v31 =	vor.u32 $0x5, v1;
	v9 =	vld.idx.msk [tilespmem:v28+s8+$0x0], $0xffff  }
0xb2: {  	v32 =	vor.u32 $0x6, v1;
	v0 =	vld.idx.msk [tilespmem:v0+s8+$0x0], $0xffff  }
0xb3: {  	v1 =	vor.u32 $0x7, v1;
	[tilespmem:$0xECC0] =	vst v10  }
0xb4: {  	[tilespmem:$0xED40] =	vst v12;
	v10 =	vld.idx.msk [tilespmem:v29+s8+$0x0], $0xffff  }
0xb5: {  	v33 =	vor.u32 $0x3, v52;
	[tilespmem:$0xEDC0] =	vst v6;
	v12 =	vld.idx.msk [tilespmem:v30+s8+$0x0], $0xffff  }
0xb6: {  	v34 =	vor.u32 $0x4, v52;
	[tilespmem:$0xEE40] =	vst v9;
	v35 =	vld.idx.msk [tilespmem:v31+s8+$0x0], $0xffff  }
0xb7: {  	v36 =	vor.u32 $0x5, v52;
	[tilespmem:$0xEEC0] =	vst v0;
	v37 =	vld.idx.msk [tilespmem:v32+s8+$0x0], $0xffff  }
0xb8: {  	v38 =	vor.u32 $0x6, v52;
	v1 =	vld.idx.msk [tilespmem:v1+s8+$0x0], $0xffff  }
0xb9: {  	v2 =	vor.u32 $0x7, v52;
	[tilespmem:$0xECD0] =	vst v10  }
0xba: {  	[tilespmem:$0xED50] =	vst v12;
	v10 =	vld.idx.msk [tilespmem:v33+s8+$0x0], $0xffff  }
0xbb: {  	v39 =	vor.u32 $0x3, v55;
	[tilespmem:$0xEDD0] =	vst v35;
	v6 =	vld.idx.msk [tilespmem:v34+s8+$0x0], $0xffff  }
0xbc: {  	v40 =	vor.u32 $0x4, v55;
	[tilespmem:$0xEE50] =	vst v37;
	v9 =	vld.idx.msk [tilespmem:v36+s8+$0x0], $0xffff  }
0xbd: {  	v41 =	vor.u32 $0x5, v55;
	[tilespmem:$0xEED0] =	vst v1;
	v0 =	vld.idx.msk [tilespmem:v38+s8+$0x0], $0xffff  }
0xbe: {  	v42 =	vor.u32 $0x6, v55;
	v2 =	vld.idx.msk [tilespmem:v2+s8+$0x0], $0xffff  }
0xbf: {  	v3 =	vor.u32 $0x7, v55;
	[tilespmem:$0xECE0] =	vst v10  }
0xc0: {  	[tilespmem:$0xED60] =	vst v6;
	v10 =	vld.idx.msk [tilespmem:v39+s8+$0x0], $0xffff  }
0xc1: {  	v43 =	vor.u32 $0x3, v59;
	[tilespmem:$0xEDE0] =	vst v9;
	v44 =	vld.idx.msk [tilespmem:v40+s8+$0x0], $0xffff  }
0xc2: {  	v45 =	vor.u32 $0x4, v59;
	[tilespmem:$0xEE60] =	vst v0;
	v46 =	vld.idx.msk [tilespmem:v41+s8+$0x0], $0xffff  }
0xc3: {  	v47 =	vor.u32 $0x5, v59;
	[tilespmem:$0xEEE0] =	vst v2;
	v1 =	vld.idx.msk [tilespmem:v42+s8+$0x0], $0xffff  }
0xc4: {  	v48 =	vor.u32 $0x6, v59;
	v3 =	vld.idx.msk [tilespmem:v3+s8+$0x0], $0xffff  }
0xc5: {  	v4 =	vor.u32 $0x7, v59;
	[tilespmem:$0xECF0] =	vst v10  }
0xc6: {  	v49 =	vor.u32 $0x2, v63;
	[tilespmem:$0xED70] =	vst v44;
	v6 =	vld.idx.msk [tilespmem:v43+s8+$0x0], $0xffff  }
0xc7: {  	v50 =	vor.u32 $0x3, v63;
	[tilespmem:$0xEDF0] =	vst v46;
	v9 =	vld.idx.msk [tilespmem:v45+s8+$0x0], $0xffff  }
0xc8: {  	v51 =	vor.u32 $0x4, v63;
	[tilespmem:$0xEE70] =	vst v1;
	v0 =	vld.idx.msk [tilespmem:v47+s8+$0x0], $0xffff  }
0xc9: {  	v52 =	vor.u32 $0x5, v63;
	[tilespmem:$0xEEF0] =	vst v3;
	v2 =	vld.idx.msk [tilespmem:v48+s8+$0x0], $0xffff  }
0xca: {  	v53 =	vor.u32 $0x6, v63;
	v4 =	vld.idx.msk [tilespmem:v4+s8+$0x0], $0xffff  }
0xcb: {  	v5 =	vor.u32 $0x7, v63;
	v10 =	vld.idx.msk [tilespmem:v49+s8+$0x0], $0xffff;
	[tilespmem:$0xED00] =	vst v6  }
0xcc: {  	v54 =	vor.u32 $0x2, v20;
	[tilespmem:$0xED80] =	vst v9;
	v11 =	vld.idx.msk [tilespmem:v50+s8+$0x0], $0xffff  }
0xcd: {  	v55 =	vor.u32 $0x3, v20;
	[tilespmem:$0xEE00] =	vst v0;
	v12 =	vld.idx.msk [tilespmem:v51+s8+$0x0], $0xffff  }
0xce: {  	v56 =	vor.u32 $0x4, v20;
	[tilespmem:$0xEE80] =	vst v2;
	v1 =	vld.idx.msk [tilespmem:v52+s8+$0x0], $0xffff  }
0xcf: {  	v57 =	vor.u32 $0x5, v20;
	[tilespmem:$0xEF00] =	vst v4;
	v3 =	vld.idx.msk [tilespmem:v53+s8+$0x0], $0xffff  }
0xd0: {  	v58 =	vor.u32 $0x6, v20;
	[tilespmem:$0xEC90] =	vst v10;
	v5 =	vld.idx.msk [tilespmem:v5+s8+$0x0], $0xffff  }
0xd1: {  	v7 =	vor.u32 $0x7, v20;
	v6 =	vld.idx.msk [tilespmem:v54+s8+$0x0], $0xffff;
	[tilespmem:$0xED10] =	vst v11  }
0xd2: {  	v59 =	vor.u32 $0x2, v22;
	[tilespmem:$0xED90] =	vst v12;
	v9 =	vld.idx.msk [tilespmem:v55+s8+$0x0], $0xffff  }
0xd3: {  	v60 =	vor.u32 $0x3, v22;
	[tilespmem:$0xEE10] =	vst v1;
	v0 =	vld.idx.msk [tilespmem:v56+s8+$0x0], $0xffff  }
0xd4: {  	v61 =	vor.u32 $0x4, v22;
	[tilespmem:$0xEE90] =	vst v3;
	v2 =	vld.idx.msk [tilespmem:v57+s8+$0x0], $0xffff  }
0xd5: {  	v62 =	vor.u32 $0x5, v22;
	[tilespmem:$0xEF10] =	vst v5;
	v4 =	vld.idx.msk [tilespmem:v58+s8+$0x0], $0xffff  }
0xd6: {  	v63 =	vor.u32 $0x6, v22;
	[tilespmem:$0xECA0] =	vst v6;
	v12 =	vld.idx.msk [tilespmem:v7+s8+$0x0], $0xffff  }
0xd7: {  	v8 =	vor.u32 $0x7, v22;
	v13 =	vld.idx.msk [tilespmem:v59+s8+$0x0], $0xffff;
	[tilespmem:$0xED20] =	vst v9  }
0xd8: {  	[tilespmem:$0xEDA0] =	vst v0;
	v9 =	vld.idx.msk [tilespmem:v60+s8+$0x0], $0xffff  }
0xd9: {  	[tilespmem:$0xEE20] =	vst v2;
	v0 =	vld.idx.msk [tilespmem:v61+s8+$0x0], $0xffff  }
0xda: {  	[tilespmem:$0xEEA0] =	vst v4;
	v14 =	vld.idx.msk [tilespmem:v62+s8+$0x0], $0xffff  }
0xdb: {  	[tilespmem:$0xEF20] =	vst v12;
	v15 =	vld.idx.msk [tilespmem:v63+s8+$0x0], $0xffff  }
0xdc: {  	[tilespmem:$0xECB0] =	vst v13;
	v16 =	vld.idx.msk [tilespmem:v8+s8+$0x0], $0xffff  }
0xdd: {  	[tilespmem:$0xED30] =	vst v9  }
0xde: {  	[tilespmem:$0xEDB0] =	vst v0  }
0xdf: {  	[tilespmem:$0xEE30] =	vst v14  }
0xe0: {  	[tilespmem:$0xEEB0] =	vst v15  }
0xe1: {  	[tilespmem:$0xEF30] =	vst v16  }
0xe2: {  	v0 =	vld [tilespmem:s24+$0x100];
	_ =	sdelay $0x4  }
0xe3: {  	v17 =	vshll.u32 v0, $0x3  }
0xe4: {  	v18 =	vld [tilespmem:s24+$0x110];
	v19 =	vor.u32 $0x1, v17;
	_ =	sdelay $0x1  }
0xe5: {  	v3 =	vld [tilespmem:s24+$0x120]  }
0xe6: {  	v4 =	vld [tilespmem:s24+$0x130]  }
0xe7: {  	v6 =	vld.idx.msk [tilespmem:v17+s8+$0x0], $0xffff  }
0xe8: {  	v21 =	vshll.u32 v18, $0x3;
	v22 =	vld.idx.msk [tilespmem:v19+s8+$0x0], $0xffff  }
0xe9: {  	v20 =	vld [tilespmem:s24+$0x140];
	v24 =	vor.u32 $0x1, v21  }
0xea: {  	v23 =	vld [tilespmem:s24+$0x150]  }
0xeb: {  	v9 =	vld [tilespmem:s24+$0x160]  }
0xec: {  	v25 =	vld [tilespmem:s24+$0x170];
	[tilespmem:$0xEF40] =	vst v6  }
0xed: {  	v6 =	vld.idx.msk [tilespmem:v21+s8+$0x0], $0xffff;
	[tilespmem:$0xEFC0] =	vst v22  }
0xee: {  	v3 =	vshll.u32 v3, $0x3;
	v0 =	vld.idx.msk [tilespmem:v24+s8+$0x0], $0xffff  }
0xef: {  	v26 =	vor.u32 $0x1, v3;
	_ =	sdelay $0x2  }
0xf0: {  	[tilespmem:$0xEF50] =	vst v6  }
0xf1: {  	v6 =	vld.idx.msk [tilespmem:v3+s8+$0x0], $0xffff;
	[tilespmem:$0xEFD0] =	vst v0  }
0xf2: {  	v4 =	vshll.u32 v4, $0x3;
	v0 =	vld.idx.msk [tilespmem:v26+s8+$0x0], $0xffff  }
0xf3: {  	v27 =	vor.u32 $0x1, v4;
	_ =	sdelay $0x2  }
0xf4: {  	[tilespmem:$0xEF60] =	vst v6  }
0xf5: {  	v6 =	vld.idx.msk [tilespmem:v4+s8+$0x0], $0xffff;
	[tilespmem:$0xEFE0] =	vst v0  }
0xf6: {  	v5 =	vshll.u32 v20, $0x3;
	v0 =	vld.idx.msk [tilespmem:v27+s8+$0x0], $0xffff  }
0xf7: {  	v28 =	vor.u32 $0x1, v5;
	_ =	sdelay $0x2  }
0xf8: {  	[tilespmem:$0xEF70] =	vst v6  }
0xf9: {  	v6 =	vld.idx.msk [tilespmem:v5+s8+$0x0], $0xffff;
	[tilespmem:$0xEFF0] =	vst v0  }
0xfa: {  	v2 =	vshll.u32 v23, $0x3;
	v0 =	vld.idx.msk [tilespmem:v28+s8+$0x0], $0xffff  }
0xfb: {  	v29 =	vor.u32 $0x1, v2  }
0xfc: {  	v37 =	vor.u32 $0x6, v17  }
0xfd: {  	v32 =	vor.u32 $0x2, v17  }
0xfe: {  	v1 =	vor.u32 $0x7, v17;
	[tilespmem:$0xEF80] =	vst v6  }
0xff: {  	v6 =	vld.idx.msk [tilespmem:v2+s8+$0x0], $0xffff;
	[tilespmem:$0xF000] =	vst v0  }
0x100: {  	v9 =	vshll.u32 v9, $0x3;
	v0 =	vld.idx.msk [tilespmem:v29+s8+$0x0], $0xffff  }
0x101: {  	v30 =	vor.u32 $0x1, v9;
	v14 =	vld.idx.msk [tilespmem:v37+s8+$0x0], $0xffff  }
0x102: {  	v42 =	vor.u32 $0x6, v21;
	v11 =	vld.idx.msk [tilespmem:v32+s8+$0x0], $0xffff  }
0x103: {  	v33 =	vor.u32 $0x3, v17;
	v1 =	vld.idx.msk [tilespmem:v1+s8+$0x0], $0xffff  }
0x104: {  	v7 =	vor.u32 $0x7, v21;
	[tilespmem:$0xEF90] =	vst v6  }
0x105: {  	v34 =	vor.u32 $0x4, v17;
	v6 =	vld.idx.msk [tilespmem:v9+s8+$0x0], $0xffff;
	[tilespmem:$0xF010] =	vst v0  }
0x106: {  	v31 =	vshll.u32 v25, $0x3;
	v36 =	vor.u32 $0x5, v17;
	[tilespmem:$0xF240] =	vst v14;
	v8 =	vld.idx.msk [tilespmem:v30+s8+$0x0], $0xffff  }
0x107: {  	v10 =	vor.u32 $0x1, v31;
	[tilespmem:$0xF040] =	vst v11;
	v11 =	vld.idx.msk [tilespmem:v42+s8+$0x0], $0xffff  }
0x108: {  	v47 =	vor.u32 $0x6, v3;
	v12 =	vld.idx.msk [tilespmem:v33+s8+$0x0], $0xffff;
	[tilespmem:$0xF2C0] =	vst v1  }
0x109: {  	v38 =	vor.u32 $0x2, v21;
	v7 =	vld.idx.msk [tilespmem:v7+s8+$0x0], $0xffff  }
0x10a: {  	v39 =	vor.u32 $0x3, v21;
	[tilespmem:$0xEFA0] =	vst v6;
	v6 =	vld.idx.msk [tilespmem:v34+s8+$0x0], $0xffff  }
0x10b: {  	v40 =	vor.u32 $0x4, v21;
	[tilespmem:$0xF020] =	vst v8;
	v8 =	vld.idx.msk [tilespmem:v36+s8+$0x0], $0xffff  }
0x10c: {  	v41 =	vor.u32 $0x5, v21;
	v43 =	vor.u32 $0x2, v3;
	v44 =	vor.u32 $0x3, v3;
	[tilespmem:$0xF250] =	vst v11;
	v10 =	vld.idx.msk [tilespmem:v10+s8+$0x0], $0xffff  }
0x10d: {  	v45 =	vor.u32 $0x4, v3;
	v46 =	vor.u32 $0x5, v3;
	[tilespmem:$0xF0C0] =	vst v12;
	v3 =	vor.u32 $0x7, v3;
	v1 =	vld.idx.msk [tilespmem:v47+s8+$0x0], $0xffff  }
0x10e: {  	v52 =	vor.u32 $0x6, v4;
	v15 =	vld.idx.msk [tilespmem:v38+s8+$0x0], $0xffff;
	[tilespmem:$0xF2D0] =	vst v7  }
0x10f: {  	v16 =	vld.idx.msk [tilespmem:v39+s8+$0x0], $0xffff;
	[tilespmem:$0xF140] =	vst v6  }
0x110: {  	v13 =	vld.idx.msk [tilespmem:v40+s8+$0x0], $0xffff;
	[tilespmem:$0xF1C0] =	vst v8  }
0x111: {  	[tilespmem:$0xF030] =	vst v10;
	v10 =	vld.idx.msk [tilespmem:v41+s8+$0x0], $0xffff  }
0x112: {  	v48 =	vor.u32 $0x2, v4;
	v49 =	vor.u32 $0x3, v4;
	v3 =	vld.idx.msk [tilespmem:v3+s8+$0x0], $0xffff;
	[tilespmem:$0xF260] =	vst v1  }
0x113: {  	v50 =	vor.u32 $0x4, v4;
	v51 =	vor.u32 $0x5, v4;
	[tilespmem:$0xF050] =	vst v15;
	v4 =	vor.u32 $0x7, v4;
	v7 =	vld.idx.msk [tilespmem:v52+s8+$0x0], $0xffff  }
0x114: {  	v57 =	vor.u32 $0x6, v5;
	[tilespmem:$0xF0D0] =	vst v16;
	v12 =	vld.idx.msk [tilespmem:v43+s8+$0x0], $0xffff  }
0x115: {  	v6 =	vld.idx.msk [tilespmem:v44+s8+$0x0], $0xffff;
	[tilespmem:$0xF150] =	vst v13  }
0x116: {  	v8 =	vld.idx.msk [tilespmem:v45+s8+$0x0], $0xffff;
	[tilespmem:$0xF1D0] =	vst v10  }
0x117: {  	[tilespmem:$0xF2E0] =	vst v3;
	v14 =	vld.idx.msk [tilespmem:v46+s8+$0x0], $0xffff  }
0x118: {  	v53 =	vor.u32 $0x2, v5;
	v54 =	vor.u32 $0x3, v5;
	v4 =	vld.idx.msk [tilespmem:v4+s8+$0x0], $0xffff;
	[tilespmem:$0xF270] =	vst v7  }
0x119: {  	v55 =	vor.u32 $0x4, v5;
	v56 =	vor.u32 $0x5, v5;
	[tilespmem:$0xF060] =	vst v12;
	v5 =	vor.u32 $0x7, v5;
	v3 =	vld.idx.msk [tilespmem:v57+s8+$0x0], $0xffff  }
0x11a: {  	v63 =	vor.u32 $0x6, v2;
	v12 =	vld.idx.msk [tilespmem:v48+s8+$0x0], $0xffff;
	[tilespmem:$0xF0E0] =	vst v6  }
0x11b: {  	v13 =	vld.idx.msk [tilespmem:v49+s8+$0x0], $0xffff;
	[tilespmem:$0xF160] =	vst v8  }
0x11c: {  	v10 =	vld.idx.msk [tilespmem:v50+s8+$0x0], $0xffff;
	[tilespmem:$0xF1E0] =	vst v14  }
0x11d: {  	[tilespmem:$0xF2F0] =	vst v4;
	v11 =	vld.idx.msk [tilespmem:v51+s8+$0x0], $0xffff  }
0x11e: {  	v58 =	vor.u32 $0x2, v2;
	v59 =	vor.u32 $0x3, v2;
	v5 =	vld.idx.msk [tilespmem:v5+s8+$0x0], $0xffff;
	[tilespmem:$0xF280] =	vst v3  }
0x11f: {  	v61 =	vor.u32 $0x4, v2;
	v62 =	vor.u32 $0x5, v2;
	[tilespmem:$0xF070] =	vst v12;
	v2 =	vor.u32 $0x7, v2;
	v4 =	vld.idx.msk [tilespmem:v63+s8+$0x0], $0xffff  }
0x120: {  	v20 =	vor.u32 $0x6, v9;
	v6 =	vld.idx.msk [tilespmem:v53+s8+$0x0], $0xffff;
	[tilespmem:$0xF0F0] =	vst v13  }
0x121: {  	v8 =	vld.idx.msk [tilespmem:v54+s8+$0x0], $0xffff;
	[tilespmem:$0xF170] =	vst v10  }
0x122: {  	v60 =	vld.idx.msk [tilespmem:v55+s8+$0x0], $0xffff;
	[tilespmem:$0xF1F0] =	vst v11  }
0x123: {  	[tilespmem:$0xF300] =	vst v5;
	v1 =	vld.idx.msk [tilespmem:v56+s8+$0x0], $0xffff  }
0x124: {  	v2 =	vld.idx.msk [tilespmem:v2+s8+$0x0], $0xffff;
	[tilespmem:$0xF290] =	vst v4  }
0x125: {  	v21 =	vor.u32 $0x7, v9;
	v5 =	vld.idx.msk [tilespmem:v20+s8+$0x0], $0xffff;
	[tilespmem:$0xF080] =	vst v6  }
0x126: {  	v6 =	vld.idx.msk [tilespmem:v58+s8+$0x0], $0xffff;
	[tilespmem:$0xF100] =	vst v8  }
0x127: {  	v16 =	vor.u32 $0x2, v9;
	v10 =	vld.idx.msk [tilespmem:v59+s8+$0x0], $0xffff;
	[tilespmem:$0xF180] =	vst v60  }
0x128: {  	v17 =	vor.u32 $0x3, v9;
	v11 =	vld.idx.msk [tilespmem:v61+s8+$0x0], $0xffff;
	[tilespmem:$0xF200] =	vst v1  }
0x129: {  	v18 =	vor.u32 $0x4, v9;
	[tilespmem:$0xF310] =	vst v2;
	v7 =	vld.idx.msk [tilespmem:v62+s8+$0x0], $0xffff  }
0x12a: {  	v19 =	vor.u32 $0x5, v9;
	v27 =	vld.idx.msk [tilespmem:v21+s8+$0x0], $0xffff;
	[tilespmem:$0xF2A0] =	vst v5  }
0x12b: {  	v26 =	vor.u32 $0x6, v31;
	v35 =	vld.idx.msk [tilespmem:v31+s8+$0x0], $0xffff;
	[tilespmem:$0xF090] =	vst v6  }
0x12c: {  	v0 =	vor.u32 $0x7, v31;
	v6 =	vld.idx.msk [tilespmem:v16+s8+$0x0], $0xffff;
	[tilespmem:$0xF110] =	vst v10  }
0x12d: {  	v22 =	vor.u32 $0x2, v31;
	v10 =	vld.idx.msk [tilespmem:v17+s8+$0x0], $0xffff;
	[tilespmem:$0xF190] =	vst v11  }
0x12e: {  	v23 =	vor.u32 $0x3, v31;
	v1 =	vld.idx.msk [tilespmem:v18+s8+$0x0], $0xffff;
	[tilespmem:$0xF210] =	vst v7  }
0x12f: {  	v24 =	vor.u32 $0x4, v31;
	[tilespmem:$0xF320] =	vst v27;
	v3 =	vld.idx.msk [tilespmem:v19+s8+$0x0], $0xffff  }
0x130: {  	v25 =	vor.u32 $0x5, v31;
	v2 =	vld.idx.msk [tilespmem:v26+s8+$0x0], $0xffff;
	[tilespmem:$0xEFB0] =	vst v35  }
0x131: {  	v0 =	vld.idx.msk [tilespmem:v0+s8+$0x0], $0xffff;
	[tilespmem:$0xF0A0] =	vst v6  }
0x132: {  	v28 =	vld.idx.msk [tilespmem:v22+s8+$0x0], $0xffff;
	[tilespmem:$0xF120] =	vst v10  }
0x133: {  	v29 =	vld.idx.msk [tilespmem:v23+s8+$0x0], $0xffff;
	[tilespmem:$0xF1A0] =	vst v1  }
0x134: {  	v1 =	vld.idx.msk [tilespmem:v24+s8+$0x0], $0xffff;
	[tilespmem:$0xF220] =	vst v3  }
0x135: {  	[tilespmem:$0xF2B0] =	vst v2;
	v3 =	vld.idx.msk [tilespmem:v25+s8+$0x0], $0xffff  }
0x136: {  	[tilespmem:$0xF330] =	vst v0  }
0x137: {  	[tilespmem:$0xF0B0] =	vst v28  }
0x138: {  	[tilespmem:$0xF130] =	vst v29  }
0x139: {  	[tilespmem:$0xF1B0] =	vst v1  }
0x13a: {  	[tilespmem:$0xF230] =	vst v3  }
0x13b: {  	v0 =	vld [tilespmem:s24+$0x180];
	_ =	sdelay $0x4  }
0x13c: {  	v30 =	vshll.u32 v0, $0x3  }
0x13d: {  	v31 =	vld [tilespmem:s24+$0x190]  }
0x13e: {  	v32 =	vor.u32 $0x1, v30  }
0x13f: {  	v3 =	vld [tilespmem:s24+$0x1A0]  }
0x140: {  	v33 =	vld [tilespmem:s24+$0x1B0]  }
0x141: {  	v6 =	vld.idx.msk [tilespmem:v30+s8+$0x0], $0xffff  }
0x142: {  	v5 =	vld [tilespmem:s24+$0x1C0];
	v34 =	vshll.u32 v31, $0x3  }
0x143: {  	v35 =	vld.idx.msk [tilespmem:v32+s8+$0x0], $0xffff  }
0x144: {  	v36 =	vld [tilespmem:s24+$0x1D0];
	v37 =	vor.u32 $0x1, v34  }
0x145: {  	v9 =	vld [tilespmem:s24+$0x1E0]  }
0x146: {  	v10 =	vld [tilespmem:s24+$0x1F0];
	[tilespmem:$0xF340] =	vst v6  }
0x147: {  	v6 =	vld.idx.msk [tilespmem:v34+s8+$0x0], $0xffff  }
0x148: {  	v3 =	vshll.u32 v3, $0x3;
	[tilespmem:$0xF3C0] =	vst v35  }
0x149: {  	v0 =	vld.idx.msk [tilespmem:v37+s8+$0x0], $0xffff  }
0x14a: {  	v38 =	vor.u32 $0x1, v3;
	_ =	sdelay $0x1  }
0x14b: {  	[tilespmem:$0xF350] =	vst v6  }
0x14c: {  	v6 =	vld.idx.msk [tilespmem:v3+s8+$0x0], $0xffff  }
0x14d: {  	v4 =	vshll.u32 v33, $0x3;
	[tilespmem:$0xF3D0] =	vst v0  }
0x14e: {  	v0 =	vld.idx.msk [tilespmem:v38+s8+$0x0], $0xffff  }
0x14f: {  	v39 =	vor.u32 $0x1, v4;
	_ =	sdelay $0x1  }
0x150: {  	[tilespmem:$0xF360] =	vst v6  }
0x151: {  	v6 =	vld.idx.msk [tilespmem:v4+s8+$0x0], $0xffff  }
0x152: {  	v5 =	vshll.u32 v5, $0x3;
	[tilespmem:$0xF3E0] =	vst v0  }
0x153: {  	v0 =	vld.idx.msk [tilespmem:v39+s8+$0x0], $0xffff  }
0x154: {  	v40 =	vor.u32 $0x1, v5;
	_ =	sdelay $0x1  }
0x155: {  	[tilespmem:$0xF370] =	vst v6  }
0x156: {  	v6 =	vld.idx.msk [tilespmem:v5+s8+$0x0], $0xffff  }
0x157: {  	v2 =	vshll.u32 v36, $0x3;
	[tilespmem:$0xF3F0] =	vst v0  }
0x158: {  	v0 =	vld.idx.msk [tilespmem:v40+s8+$0x0], $0xffff  }
0x159: {  	v41 =	vor.u32 $0x1, v2;
	_ =	sdelay $0x1  }
0x15a: {  	v48 =	vor.u32 $0x6, v30;
	[tilespmem:$0xF380] =	vst v6  }
0x15b: {  	v44 =	vor.u32 $0x2, v30;
	v6 =	vld.idx.msk [tilespmem:v2+s8+$0x0], $0xffff  }
0x15c: {  	v9 =	vshll.u32 v9, $0x3;
	[tilespmem:$0xF400] =	vst v0  }
0x15d: {  	v45 =	vor.u32 $0x3, v30;
	v0 =	vld.idx.msk [tilespmem:v41+s8+$0x0], $0xffff  }
0x15e: {  	v42 =	vor.u32 $0x1, v9  }
0x15f: {  	v1 =	vor.u32 $0x7, v30;
	v14 =	vld.idx.msk [tilespmem:v48+s8+$0x0], $0xffff  }
0x160: {  	v53 =	vor.u32 $0x6, v34;
	v11 =	vld.idx.msk [tilespmem:v44+s8+$0x0], $0xffff;
	[tilespmem:$0xF390] =	vst v6  }
0x161: {  	v46 =	vor.u32 $0x4, v30;
	v6 =	vld.idx.msk [tilespmem:v9+s8+$0x0], $0xffff  }
0x162: {  	v43 =	vshll.u32 v10, $0x3;
	v12 =	vld.idx.msk [tilespmem:v45+s8+$0x0], $0xffff;
	[tilespmem:$0xF410] =	vst v0  }
0x163: {  	v47 =	vor.u32 $0x5, v30;
	v8 =	vld.idx.msk [tilespmem:v42+s8+$0x0], $0xffff  }
0x164: {  	v10 =	vor.u32 $0x1, v43;
	v1 =	vld.idx.msk [tilespmem:v1+s8+$0x0], $0xffff;
	[tilespmem:$0xF640] =	vst v14  }
0x165: {  	v7 =	vor.u32 $0x7, v34;
	[tilespmem:$0xF440] =	vst v11;
	v11 =	vld.idx.msk [tilespmem:v53+s8+$0x0], $0xffff  }
0x166: {  	v49 =	vor.u32 $0x2, v34;
	[tilespmem:$0xF3A0] =	vst v6;
	v6 =	vld.idx.msk [tilespmem:v46+s8+$0x0], $0xffff  }
0x167: {  	v50 =	vor.u32 $0x3, v34;
	[tilespmem:$0xF4C0] =	vst v12;
	v13 =	vld.idx.msk [tilespmem:v43+s8+$0x0], $0xffff  }
0x168: {  	v51 =	vor.u32 $0x4, v34;
	[tilespmem:$0xF420] =	vst v8;
	v8 =	vld.idx.msk [tilespmem:v47+s8+$0x0], $0xffff  }
0x169: {  	v52 =	vor.u32 $0x5, v34;
	[tilespmem:$0xF6C0] =	vst v1;
	v10 =	vld.idx.msk [tilespmem:v10+s8+$0x0], $0xffff  }
0x16a: {  	v54 =	vor.u32 $0x2, v3;
	v55 =	vor.u32 $0x3, v3;
	v58 =	vor.u32 $0x6, v3;
	v7 =	vld.idx.msk [tilespmem:v7+s8+$0x0], $0xffff;
	[tilespmem:$0xF650] =	vst v11  }
0x16b: {  	v56 =	vor.u32 $0x4, v3;
	v57 =	vor.u32 $0x5, v3;
	v15 =	vld.idx.msk [tilespmem:v49+s8+$0x0], $0xffff;
	v3 =	vor.u32 $0x7, v3;
	[tilespmem:$0xF540] =	vst v6  }
0x16c: {  	v16 =	vld.idx.msk [tilespmem:v50+s8+$0x0], $0xffff;
	[tilespmem:$0xF3B0] =	vst v13  }
0x16d: {  	v13 =	vld.idx.msk [tilespmem:v51+s8+$0x0], $0xffff;
	[tilespmem:$0xF5C0] =	vst v8  }
0x16e: {  	[tilespmem:$0xF430] =	vst v10;
	v10 =	vld.idx.msk [tilespmem:v52+s8+$0x0], $0xffff  }
0x16f: {  	[tilespmem:$0xF6D0] =	vst v7;
	v1 =	vld.idx.msk [tilespmem:v58+s8+$0x0], $0xffff  }
0x170: {  	v59 =	vor.u32 $0x2, v4;
	v60 =	vor.u32 $0x3, v4;
	v63 =	vor.u32 $0x6, v4;
	[tilespmem:$0xF450] =	vst v15;
	v3 =	vld.idx.msk [tilespmem:v3+s8+$0x0], $0xffff  }
0x171: {  	v61 =	vor.u32 $0x4, v4;
	v62 =	vor.u32 $0x5, v4;
	[tilespmem:$0xF4D0] =	vst v16;
	v12 =	vld.idx.msk [tilespmem:v54+s8+$0x0], $0xffff;
	v4 =	vor.u32 $0x7, v4  }
0x172: {  	v6 =	vld.idx.msk [tilespmem:v55+s8+$0x0], $0xffff;
	[tilespmem:$0xF550] =	vst v13  }
0x173: {  	v8 =	vld.idx.msk [tilespmem:v56+s8+$0x0], $0xffff;
	[tilespmem:$0xF5D0] =	vst v10  }
0x174: {  	[tilespmem:$0xF660] =	vst v1;
	v14 =	vld.idx.msk [tilespmem:v57+s8+$0x0], $0xffff  }
0x175: {  	v7 =	vld.idx.msk [tilespmem:v63+s8+$0x0], $0xffff;
	[tilespmem:$0xF6E0] =	vst v3  }
0x176: {  	v17 =	vor.u32 $0x3, v5;
	v18 =	vor.u32 $0x4, v5;
	v20 =	vor.u32 $0x6, v5;
	[tilespmem:$0xF460] =	vst v12;
	v4 =	vld.idx.msk [tilespmem:v4+s8+$0x0], $0xffff  }
0x177: {  	v19 =	vor.u32 $0x5, v5;
	v16 =	vor.u32 $0x2, v5;
	v12 =	vld.idx.msk [tilespmem:v59+s8+$0x0], $0xffff;
	v5 =	vor.u32 $0x7, v5;
	[tilespmem:$0xF4E0] =	vst v6  }
0x178: {  	v13 =	vld.idx.msk [tilespmem:v60+s8+$0x0], $0xffff;
	[tilespmem:$0xF560] =	vst v8  }
0x179: {  	v10 =	vld.idx.msk [tilespmem:v61+s8+$0x0], $0xffff;
	[tilespmem:$0xF5E0] =	vst v14  }
0x17a: {  	[tilespmem:$0xF670] =	vst v7;
	v11 =	vld.idx.msk [tilespmem:v62+s8+$0x0], $0xffff  }
0x17b: {  	v3 =	vld.idx.msk [tilespmem:v20+s8+$0x0], $0xffff;
	[tilespmem:$0xF6F0] =	vst v4  }
0x17c: {  	v21 =	vor.u32 $0x2, v2;
	v22 =	vor.u32 $0x3, v2;
	v26 =	vor.u32 $0x6, v2;
	[tilespmem:$0xF470] =	vst v12;
	v5 =	vld.idx.msk [tilespmem:v5+s8+$0x0], $0xffff  }
0x17d: {  	v24 =	vor.u32 $0x4, v2;
	v25 =	vor.u32 $0x5, v2;
	v2 =	vor.u32 $0x7, v2;
	v6 =	vld.idx.msk [tilespmem:v16+s8+$0x0], $0xffff;
	[tilespmem:$0xF4F0] =	vst v13  }
0x17e: {  	v8 =	vld.idx.msk [tilespmem:v17+s8+$0x0], $0xffff;
	[tilespmem:$0xF570] =	vst v10  }
0x17f: {  	v23 =	vld.idx.msk [tilespmem:v18+s8+$0x0], $0xffff;
	[tilespmem:$0xF5F0] =	vst v11  }
0x180: {  	[tilespmem:$0xF680] =	vst v3;
	v1 =	vld.idx.msk [tilespmem:v19+s8+$0x0], $0xffff  }
0x181: {  	v4 =	vld.idx.msk [tilespmem:v26+s8+$0x0], $0xffff;
	[tilespmem:$0xF700] =	vst v5  }
0x182: {  	v31 =	vor.u32 $0x6, v9;
	v2 =	vld.idx.msk [tilespmem:v2+s8+$0x0], $0xffff;
	[tilespmem:$0xF480] =	vst v6  }
0x183: {  	v32 =	vor.u32 $0x7, v9;
	v6 =	vld.idx.msk [tilespmem:v21+s8+$0x0], $0xffff;
	[tilespmem:$0xF500] =	vst v8  }
0x184: {  	v27 =	vor.u32 $0x2, v9;
	v10 =	vld.idx.msk [tilespmem:v22+s8+$0x0], $0xffff;
	[tilespmem:$0xF580] =	vst v23  }
0x185: {  	v28 =	vor.u32 $0x3, v9;
	v11 =	vld.idx.msk [tilespmem:v24+s8+$0x0], $0xffff;
	[tilespmem:$0xF600] =	vst v1  }
0x186: {  	v29 =	vor.u32 $0x4, v9;
	[tilespmem:$0xF690] =	vst v4;
	v7 =	vld.idx.msk [tilespmem:v25+s8+$0x0], $0xffff  }
0x187: {  	v30 =	vor.u32 $0x5, v9;
	v5 =	vld.idx.msk [tilespmem:v31+s8+$0x0], $0xffff;
	[tilespmem:$0xF710] =	vst v2  }
0x188: {  	v37 =	vor.u32 $0x6, v43;
	v38 =	vld.idx.msk [tilespmem:v32+s8+$0x0], $0xffff;
	[tilespmem:$0xF490] =	vst v6  }
0x189: {  	v0 =	vor.u32 $0x7, v43;
	v6 =	vld.idx.msk [tilespmem:v27+s8+$0x0], $0xffff;
	[tilespmem:$0xF510] =	vst v10  }
0x18a: {  	v33 =	vor.u32 $0x2, v43;
	v10 =	vld.idx.msk [tilespmem:v28+s8+$0x0], $0xffff;
	[tilespmem:$0xF590] =	vst v11  }
0x18b: {  	v34 =	vor.u32 $0x3, v43;
	v1 =	vld.idx.msk [tilespmem:v29+s8+$0x0], $0xffff;
	[tilespmem:$0xF610] =	vst v7  }
0x18c: {  	v35 =	vor.u32 $0x4, v43;
	[tilespmem:$0xF6A0] =	vst v5;
	v3 =	vld.idx.msk [tilespmem:v30+s8+$0x0], $0xffff  }
0x18d: {  	v36 =	vor.u32 $0x5, v43;
	v2 =	vld.idx.msk [tilespmem:v37+s8+$0x0], $0xffff;
	[tilespmem:$0xF720] =	vst v38  }
0x18e: {  	v0 =	vld.idx.msk [tilespmem:v0+s8+$0x0], $0xffff;
	[tilespmem:$0xF4A0] =	vst v6  }
0x18f: {  	v39 =	vld.idx.msk [tilespmem:v33+s8+$0x0], $0xffff;
	[tilespmem:$0xF520] =	vst v10  }
0x190: {  	v40 =	vld.idx.msk [tilespmem:v34+s8+$0x0], $0xffff;
	[tilespmem:$0xF5A0] =	vst v1  }
0x191: {  	v1 =	vld.idx.msk [tilespmem:v35+s8+$0x0], $0xffff;
	[tilespmem:$0xF620] =	vst v3  }
0x192: {  	[tilespmem:$0xF6B0] =	vst v2;
	v3 =	vld.idx.msk [tilespmem:v36+s8+$0x0], $0xffff  }
0x193: {  	[tilespmem:$0xF730] =	vst v0  }
0x194: {  	[tilespmem:$0xF4B0] =	vst v39  }
0x195: {  	[tilespmem:$0xF530] =	vst v40  }
0x196: {  	[tilespmem:$0xF5B0] =	vst v1  }
0x197: {  	[tilespmem:$0xF630] =	vst v3  }
0x198: {  	v0 =	vld [tilespmem:s24+$0x200];
	_ =	sdelay $0x4  }
0x199: {  	v41 =	vshll.u32 v0, $0x3  }
0x19a: {  	v42 =	vld [tilespmem:s24+$0x210]  }
0x19b: {  	v43 =	vor.u32 $0x1, v41  }
0x19c: {  	v3 =	vld [tilespmem:s24+$0x220]  }
0x19d: {  	v44 =	vld [tilespmem:s24+$0x230]  }
0x19e: {  	v6 =	vld.idx.msk [tilespmem:v41+s8+$0x0], $0xffff  }
0x19f: {  	v5 =	vld [tilespmem:s24+$0x240];
	v45 =	vshll.u32 v42, $0x3  }
0x1a0: {  	v46 =	vld.idx.msk [tilespmem:v43+s8+$0x0], $0xffff  }
0x1a1: {  	v47 =	vld [tilespmem:s24+$0x250];
	v48 =	vor.u32 $0x1, v45  }
0x1a2: {  	v9 =	vld [tilespmem:s24+$0x260]  }
0x1a3: {  	v10 =	vld [tilespmem:s24+$0x270];
	[tilespmem:$0xF740] =	vst v6  }
0x1a4: {  	v6 =	vld.idx.msk [tilespmem:v45+s8+$0x0], $0xffff  }
0x1a5: {  	v3 =	vshll.u32 v3, $0x3;
	[tilespmem:$0xF7C0] =	vst v46  }
0x1a6: {  	v0 =	vld.idx.msk [tilespmem:v48+s8+$0x0], $0xffff  }
0x1a7: {  	v49 =	vor.u32 $0x1, v3;
	_ =	sdelay $0x1  }
0x1a8: {  	[tilespmem:$0xF750] =	vst v6  }
0x1a9: {  	v6 =	vld.idx.msk [tilespmem:v3+s8+$0x0], $0xffff  }
0x1aa: {  	v4 =	vshll.u32 v44, $0x3;
	[tilespmem:$0xF7D0] =	vst v0  }
0x1ab: {  	v0 =	vld.idx.msk [tilespmem:v49+s8+$0x0], $0xffff  }
0x1ac: {  	v50 =	vor.u32 $0x1, v4;
	_ =	sdelay $0x1  }
0x1ad: {  	[tilespmem:$0xF760] =	vst v6  }
0x1ae: {  	v6 =	vld.idx.msk [tilespmem:v4+s8+$0x0], $0xffff  }
0x1af: {  	v5 =	vshll.u32 v5, $0x3;
	[tilespmem:$0xF7E0] =	vst v0  }
0x1b0: {  	v0 =	vld.idx.msk [tilespmem:v50+s8+$0x0], $0xffff  }
0x1b1: {  	v51 =	vor.u32 $0x1, v5;
	_ =	sdelay $0x1  }
0x1b2: {  	[tilespmem:$0xF770] =	vst v6  }
0x1b3: {  	v6 =	vld.idx.msk [tilespmem:v5+s8+$0x0], $0xffff  }
0x1b4: {  	v2 =	vshll.u32 v47, $0x3;
	[tilespmem:$0xF7F0] =	vst v0  }
0x1b5: {  	v0 =	vld.idx.msk [tilespmem:v51+s8+$0x0], $0xffff  }
0x1b6: {  	v52 =	vor.u32 $0x1, v2;
	_ =	sdelay $0x1  }
0x1b7: {  	v58 =	vor.u32 $0x6, v41;
	[tilespmem:$0xF780] =	vst v6  }
0x1b8: {  	v54 =	vor.u32 $0x2, v41;
	v6 =	vld.idx.msk [tilespmem:v2+s8+$0x0], $0xffff  }
0x1b9: {  	v9 =	vshll.u32 v9, $0x3;
	[tilespmem:$0xF800] =	vst v0  }
0x1ba: {  	v55 =	vor.u32 $0x3, v41;
	v0 =	vld.idx.msk [tilespmem:v52+s8+$0x0], $0xffff  }
0x1bb: {  	v53 =	vor.u32 $0x1, v9  }
0x1bc: {  	v1 =	vor.u32 $0x7, v41;
	v14 =	vld.idx.msk [tilespmem:v58+s8+$0x0], $0xffff  }
0x1bd: {  	v63 =	vor.u32 $0x6, v45;
	v11 =	vld.idx.msk [tilespmem:v54+s8+$0x0], $0xffff;
	[tilespmem:$0xF790] =	vst v6  }
0x1be: {  	v56 =	vor.u32 $0x4, v41;
	v6 =	vld.idx.msk [tilespmem:v9+s8+$0x0], $0xffff  }
0x1bf: {  	v12 =	vld.idx.msk [tilespmem:v55+s8+$0x0], $0xffff;
	[tilespmem:$0xF810] =	vst v0;
	v0 =	vshll.u32 v10, $0x3  }
0x1c0: {  	v57 =	vor.u32 $0x5, v41;
	v8 =	vld.idx.msk [tilespmem:v53+s8+$0x0], $0xffff  }
0x1c1: {  	v1 =	vld.idx.msk [tilespmem:v1+s8+$0x0], $0xffff;
	[tilespmem:$0xFA40] =	vst v14;
	v10 =	vor.u32 $0x1, v0  }
0x1c2: {  	v7 =	vor.u32 $0x7, v45;
	[tilespmem:$0xF840] =	vst v11;
	v11 =	vld.idx.msk [tilespmem:v63+s8+$0x0], $0xffff  }
0x1c3: {  	v59 =	vor.u32 $0x2, v45;
	[tilespmem:$0xF7A0] =	vst v6;
	v6 =	vld.idx.msk [tilespmem:v56+s8+$0x0], $0xffff  }
0x1c4: {  	v60 =	vor.u32 $0x3, v45;
	[tilespmem:$0xF8C0] =	vst v12;
	v13 =	vld.idx.msk [tilespmem:v0+s8+$0x0], $0xffff  }
0x1c5: {  	v61 =	vor.u32 $0x4, v45;
	[tilespmem:$0xF820] =	vst v8;
	v8 =	vld.idx.msk [tilespmem:v57+s8+$0x0], $0xffff  }
0x1c6: {  	v62 =	vor.u32 $0x5, v45;
	[tilespmem:$0xFAC0] =	vst v1;
	v10 =	vld.idx.msk [tilespmem:v10+s8+$0x0], $0xffff  }
0x1c7: {  	v20 =	vor.u32 $0x2, v3;
	v21 =	vor.u32 $0x3, v3;
	v24 =	vor.u32 $0x6, v3;
	v7 =	vld.idx.msk [tilespmem:v7+s8+$0x0], $0xffff;
	[tilespmem:$0xFA50] =	vst v11  }
0x1c8: {  	v22 =	vor.u32 $0x4, v3;
	v23 =	vor.u32 $0x5, v3;
	v15 =	vld.idx.msk [tilespmem:v59+s8+$0x0], $0xffff;
	v3 =	vor.u32 $0x7, v3;
	[tilespmem:$0xF940] =	vst v6  }
0x1c9: {  	v16 =	vld.idx.msk [tilespmem:v60+s8+$0x0], $0xffff;
	[tilespmem:$0xF7B0] =	vst v13  }
0x1ca: {  	v13 =	vld.idx.msk [tilespmem:v61+s8+$0x0], $0xffff;
	[tilespmem:$0xF9C0] =	vst v8  }
0x1cb: {  	[tilespmem:$0xF830] =	vst v10;
	v10 =	vld.idx.msk [tilespmem:v62+s8+$0x0], $0xffff  }
0x1cc: {  	[tilespmem:$0xFAD0] =	vst v7;
	v1 =	vld.idx.msk [tilespmem:v24+s8+$0x0], $0xffff  }
0x1cd: {  	v25 =	vor.u32 $0x2, v4;
	v26 =	vor.u32 $0x3, v4;
	v29 =	vor.u32 $0x6, v4;
	[tilespmem:$0xF850] =	vst v15;
	v3 =	vld.idx.msk [tilespmem:v3+s8+$0x0], $0xffff  }
0x1ce: {  	v27 =	vor.u32 $0x4, v4;
	v28 =	vor.u32 $0x5, v4;
	[tilespmem:$0xF8D0] =	vst v16;
	v12 =	vld.idx.msk [tilespmem:v20+s8+$0x0], $0xffff;
	v4 =	vor.u32 $0x7, v4  }
0x1cf: {  	v6 =	vld.idx.msk [tilespmem:v21+s8+$0x0], $0xffff;
	[tilespmem:$0xF950] =	vst v13  }
0x1d0: {  	v8 =	vld.idx.msk [tilespmem:v22+s8+$0x0], $0xffff;
	[tilespmem:$0xF9D0] =	vst v10  }
0x1d1: {  	[tilespmem:$0xFA60] =	vst v1;
	v14 =	vld.idx.msk [tilespmem:v23+s8+$0x0], $0xffff  }
0x1d2: {  	v7 =	vld.idx.msk [tilespmem:v29+s8+$0x0], $0xffff;
	[tilespmem:$0xFAE0] =	vst v3  }
0x1d3: {  	v30 =	vor.u32 $0x2, v5;
	v31 =	vor.u32 $0x3, v5;
	v34 =	vor.u32 $0x6, v5;
	[tilespmem:$0xF860] =	vst v12;
	v4 =	vld.idx.msk [tilespmem:v4+s8+$0x0], $0xffff  }
0x1d4: {  	v32 =	vor.u32 $0x4, v5;
	v33 =	vor.u32 $0x5, v5;
	v12 =	vld.idx.msk [tilespmem:v25+s8+$0x0], $0xffff;
	v5 =	vor.u32 $0x7, v5;
	[tilespmem:$0xF8E0] =	vst v6  }
0x1d5: {  	v13 =	vld.idx.msk [tilespmem:v26+s8+$0x0], $0xffff;
	[tilespmem:$0xF960] =	vst v8  }
0x1d6: {  	v10 =	vld.idx.msk [tilespmem:v27+s8+$0x0], $0xffff;
	[tilespmem:$0xF9E0] =	vst v14  }
0x1d7: {  	[tilespmem:$0xFA70] =	vst v7;
	v11 =	vld.idx.msk [tilespmem:v28+s8+$0x0], $0xffff  }
0x1d8: {  	v3 =	vld.idx.msk [tilespmem:v34+s8+$0x0], $0xffff;
	[tilespmem:$0xFAF0] =	vst v4  }
0x1d9: {  	v35 =	vor.u32 $0x2, v2;
	v36 =	vor.u32 $0x3, v2;
	v40 =	vor.u32 $0x6, v2;
	[tilespmem:$0xF870] =	vst v12;
	v5 =	vld.idx.msk [tilespmem:v5+s8+$0x0], $0xffff  }
0x1da: {  	v38 =	vor.u32 $0x4, v2;
	v39 =	vor.u32 $0x5, v2;
	v2 =	vor.u32 $0x7, v2;
	v6 =	vld.idx.msk [tilespmem:v30+s8+$0x0], $0xffff;
	[tilespmem:$0xF8F0] =	vst v13  }
0x1db: {  	v8 =	vld.idx.msk [tilespmem:v31+s8+$0x0], $0xffff;
	[tilespmem:$0xF970] =	vst v10  }
0x1dc: {  	v37 =	vld.idx.msk [tilespmem:v32+s8+$0x0], $0xffff;
	[tilespmem:$0xF9F0] =	vst v11  }
0x1dd: {  	[tilespmem:$0xFA80] =	vst v3;
	v1 =	vld.idx.msk [tilespmem:v33+s8+$0x0], $0xffff  }
0x1de: {  	v4 =	vld.idx.msk [tilespmem:v40+s8+$0x0], $0xffff;
	[tilespmem:$0xFB00] =	vst v5  }
0x1df: {  	v45 =	vor.u32 $0x6, v9;
	v2 =	vld.idx.msk [tilespmem:v2+s8+$0x0], $0xffff;
	[tilespmem:$0xF880] =	vst v6  }
0x1e0: {  	v46 =	vor.u32 $0x7, v9;
	v6 =	vld.idx.msk [tilespmem:v35+s8+$0x0], $0xffff;
	[tilespmem:$0xF900] =	vst v8  }
0x1e1: {  	v41 =	vor.u32 $0x2, v9;
	v10 =	vld.idx.msk [tilespmem:v36+s8+$0x0], $0xffff;
	[tilespmem:$0xF980] =	vst v37  }
0x1e2: {  	v42 =	vor.u32 $0x3, v9;
	v11 =	vld.idx.msk [tilespmem:v38+s8+$0x0], $0xffff;
	[tilespmem:$0xFA00] =	vst v1  }
0x1e3: {  	v43 =	vor.u32 $0x4, v9;
	[tilespmem:$0xFA90] =	vst v4;
	v7 =	vld.idx.msk [tilespmem:v39+s8+$0x0], $0xffff  }
0x1e4: {  	v44 =	vor.u32 $0x5, v9;
	v5 =	vld.idx.msk [tilespmem:v45+s8+$0x0], $0xffff;
	[tilespmem:$0xFB10] =	vst v2  }
0x1e5: {  	v47 =	vor.u32 $0x2, v0;
	v48 =	vor.u32 $0x3, v0;
	v51 =	vor.u32 $0x6, v0;
	v52 =	vld.idx.msk [tilespmem:v46+s8+$0x0], $0xffff;
	[tilespmem:$0xF890] =	vst v6  }
0x1e6: {  	v49 =	vor.u32 $0x4, v0;
	v50 =	vor.u32 $0x5, v0;
	v0 =	vor.u32 $0x7, v0;
	v6 =	vld.idx.msk [tilespmem:v41+s8+$0x0], $0xffff;
	[tilespmem:$0xF910] =	vst v10  }
0x1e7: {  	v10 =	vld.idx.msk [tilespmem:v42+s8+$0x0], $0xffff;
	[tilespmem:$0xF990] =	vst v11  }
0x1e8: {  	v1 =	vld.idx.msk [tilespmem:v43+s8+$0x0], $0xffff;
	[tilespmem:$0xFA10] =	vst v7  }
0x1e9: {  	[tilespmem:$0xFAA0] =	vst v5;
	v3 =	vld.idx.msk [tilespmem:v44+s8+$0x0], $0xffff  }
0x1ea: {  	v2 =	vld.idx.msk [tilespmem:v51+s8+$0x0], $0xffff;
	[tilespmem:$0xFB20] =	vst v52  }
0x1eb: {  	v0 =	vld.idx.msk [tilespmem:v0+s8+$0x0], $0xffff;
	[tilespmem:$0xF8A0] =	vst v6  }
0x1ec: {  	v53 =	vld.idx.msk [tilespmem:v47+s8+$0x0], $0xffff;
	[tilespmem:$0xF920] =	vst v10  }
0x1ed: {  	v54 =	vld.idx.msk [tilespmem:v48+s8+$0x0], $0xffff;
	[tilespmem:$0xF9A0] =	vst v1  }
0x1ee: {  	v1 =	vld.idx.msk [tilespmem:v49+s8+$0x0], $0xffff;
	[tilespmem:$0xFA20] =	vst v3  }
0x1ef: {  	[tilespmem:$0xFAB0] =	vst v2;
	v3 =	vld.idx.msk [tilespmem:v50+s8+$0x0], $0xffff  }
0x1f0: {  	[tilespmem:$0xFB30] =	vst v0  }
0x1f1: {  	[tilespmem:$0xF8B0] =	vst v53  }
0x1f2: {  	[tilespmem:$0xF930] =	vst v54  }
0x1f3: {  	[tilespmem:$0xF9B0] =	vst v1  }
0x1f4: {  	[tilespmem:$0xFA30] =	vst v3  }
0x1f5: {  	v0 =	vld [tilespmem:s24+$0x280];
	_ =	sdelay $0x4  }
0x1f6: {  	v1 =	vld [tilespmem:s24+$0x290];
	v55 =	vshll.u32 v0, $0x3  }
0x1f7: {  	v56 =	vld [tilespmem:s24+$0x2A0];
	v57 =	vor.u32 $0x1, v55  }
0x1f8: {  	v58 =	vld [tilespmem:s24+$0x2B0]  }
0x1f9: {  	v5 =	vld [tilespmem:s24+$0x2C0]  }
0x1fa: {  	v6 =	vld [tilespmem:s24+$0x2D0]  }
0x1fb: {  	v59 =	vld.idx.msk [tilespmem:v55+s8+$0x0], $0xffff  }
0x1fc: {  	v1 =	vshll.u32 v1, $0x3;
	v3 =	vld.idx.msk [tilespmem:v57+s8+$0x0], $0xffff  }
0x1fd: {  	v60 =	vor.u32 $0x1, v1;
	_ =	sdelay $0x1  }
0x1fe: {  	v61 =	vld [tilespmem:s24+$0x2E0]  }
0x1ff: {  	v62 =	vld [tilespmem:s24+$0x2F0];
	[tilespmem:$0xFB40] =	vst v59  }
0x200: {  	v7 =	vld.idx.msk [tilespmem:v1+s8+$0x0], $0xffff;
	[tilespmem:$0xFBC0] =	vst v3  }
0x201: {  	v63 =	vshll.u32 v56, $0x3;
	v18 =	vld.idx.msk [tilespmem:v60+s8+$0x0], $0xffff  }
0x202: {  	v19 =	vor.u32 $0x1, v63;
	_ =	sdelay $0x2  }
0x203: {  	[tilespmem:$0xFB50] =	vst v7  }
0x204: {  	v7 =	vld.idx.msk [tilespmem:v63+s8+$0x0], $0xffff;
	[tilespmem:$0xFBD0] =	vst v18  }
0x205: {  	v4 =	vshll.u32 v58, $0x3;
	v0 =	vld.idx.msk [tilespmem:v19+s8+$0x0], $0xffff  }
0x206: {  	v20 =	vor.u32 $0x1, v4;
	_ =	sdelay $0x2  }
0x207: {  	[tilespmem:$0xFB60] =	vst v7  }
0x208: {  	v7 =	vld.idx.msk [tilespmem:v4+s8+$0x0], $0xffff;
	[tilespmem:$0xFBE0] =	vst v0  }
0x209: {  	v5 =	vshll.u32 v5, $0x3;
	v0 =	vld.idx.msk [tilespmem:v20+s8+$0x0], $0xffff  }
0x20a: {  	v21 =	vor.u32 $0x1, v5;
	_ =	sdelay $0x2  }
0x20b: {  	[tilespmem:$0xFB70] =	vst v7  }
0x20c: {  	v7 =	vld.idx.msk [tilespmem:v5+s8+$0x0], $0xffff;
	[tilespmem:$0xFBF0] =	vst v0  }
0x20d: {  	v6 =	vshll.u32 v6, $0x3;
	v0 =	vld.idx.msk [tilespmem:v21+s8+$0x0], $0xffff  }
0x20e: {  	v22 =	vor.u32 $0x1, v6  }
0x20f: {  	v30 =	vor.u32 $0x6, v55  }
0x210: {  	v25 =	vor.u32 $0x2, v55  }
0x211: {  	v2 =	vor.u32 $0x7, v55;
	[tilespmem:$0xFB80] =	vst v7  }
0x212: {  	v7 =	vld.idx.msk [tilespmem:v6+s8+$0x0], $0xffff;
	[tilespmem:$0xFC00] =	vst v0  }
0x213: {  	v9 =	vshll.u32 v61, $0x3;
	v0 =	vld.idx.msk [tilespmem:v22+s8+$0x0], $0xffff  }
0x214: {  	v23 =	vor.u32 $0x1, v9;
	v14 =	vld.idx.msk [tilespmem:v30+s8+$0x0], $0xffff  }
0x215: {  	v35 =	vor.u32 $0x6, v1;
	v11 =	vld.idx.msk [tilespmem:v25+s8+$0x0], $0xffff  }
0x216: {  	v26 =	vor.u32 $0x3, v55;
	v31 =	vor.u32 $0x2, v1;
	v32 =	vor.u32 $0x3, v1;
	v2 =	vld.idx.msk [tilespmem:v2+s8+$0x0], $0xffff  }
0x217: {  	v33 =	vor.u32 $0x4, v1;
	v34 =	vor.u32 $0x5, v1;
	v1 =	vor.u32 $0x7, v1;
	[tilespmem:$0xFB90] =	vst v7  }
0x218: {  	v27 =	vor.u32 $0x4, v55;
	v7 =	vld.idx.msk [tilespmem:v9+s8+$0x0], $0xffff;
	[tilespmem:$0xFC10] =	vst v0  }
0x219: {  	v24 =	vshll.u32 v62, $0x3;
	v29 =	vor.u32 $0x5, v55;
	[tilespmem:$0xFE40] =	vst v14;
	v8 =	vld.idx.msk [tilespmem:v23+s8+$0x0], $0xffff  }
0x21a: {  	v10 =	vor.u32 $0x1, v24;
	[tilespmem:$0xFC40] =	vst v11;
	v11 =	vld.idx.msk [tilespmem:v35+s8+$0x0], $0xffff  }
0x21b: {  	v40 =	vor.u32 $0x6, v63;
	v12 =	vld.idx.msk [tilespmem:v26+s8+$0x0], $0xffff;
	[tilespmem:$0xFEC0] =	vst v2  }
0x21c: {  	v1 =	vld.idx.msk [tilespmem:v1+s8+$0x0], $0xffff  }
0x21d: {  	[tilespmem:$0xFBA0] =	vst v7;
	v7 =	vld.idx.msk [tilespmem:v27+s8+$0x0], $0xffff  }
0x21e: {  	[tilespmem:$0xFC20] =	vst v8;
	v8 =	vld.idx.msk [tilespmem:v29+s8+$0x0], $0xffff  }
0x21f: {  	[tilespmem:$0xFE50] =	vst v11;
	v10 =	vld.idx.msk [tilespmem:v10+s8+$0x0], $0xffff  }
0x220: {  	[tilespmem:$0xFCC0] =	vst v12;
	v3 =	vor.u32 $0x7, v63;
	v2 =	vld.idx.msk [tilespmem:v40+s8+$0x0], $0xffff  }
0x221: {  	v45 =	vor.u32 $0x6, v4;
	v15 =	vld.idx.msk [tilespmem:v31+s8+$0x0], $0xffff;
	[tilespmem:$0xFED0] =	vst v1  }
0x222: {  	v36 =	vor.u32 $0x2, v63;
	v16 =	vld.idx.msk [tilespmem:v32+s8+$0x0], $0xffff;
	[tilespmem:$0xFD40] =	vst v7  }
0x223: {  	v37 =	vor.u32 $0x3, v63;
	v13 =	vld.idx.msk [tilespmem:v33+s8+$0x0], $0xffff;
	[tilespmem:$0xFDC0] =	vst v8  }
0x224: {  	v38 =	vor.u32 $0x4, v63;
	[tilespmem:$0xFC30] =	vst v10;
	v10 =	vld.idx.msk [tilespmem:v34+s8+$0x0], $0xffff  }
0x225: {  	v39 =	vor.u32 $0x5, v63;
	v41 =	vor.u32 $0x2, v4;
	v42 =	vor.u32 $0x3, v4;
	v3 =	vld.idx.msk [tilespmem:v3+s8+$0x0], $0xffff;
	[tilespmem:$0xFE60] =	vst v2  }
0x226: {  	v43 =	vor.u32 $0x4, v4;
	v44 =	vor.u32 $0x5, v4;
	[tilespmem:$0xFC50] =	vst v15;
	v4 =	vor.u32 $0x7, v4;
	v1 =	vld.idx.msk [tilespmem:v45+s8+$0x0], $0xffff  }
0x227: {  	v50 =	vor.u32 $0x6, v5;
	[tilespmem:$0xFCD0] =	vst v16;
	v12 =	vld.idx.msk [tilespmem:v36+s8+$0x0], $0xffff  }
0x228: {  	v7 =	vld.idx.msk [tilespmem:v37+s8+$0x0], $0xffff;
	[tilespmem:$0xFD50] =	vst v13  }
0x229: {  	v8 =	vld.idx.msk [tilespmem:v38+s8+$0x0], $0xffff;
	[tilespmem:$0xFDD0] =	vst v10  }
0x22a: {  	[tilespmem:$0xFEE0] =	vst v3;
	v14 =	vld.idx.msk [tilespmem:v39+s8+$0x0], $0xffff  }
0x22b: {  	v46 =	vor.u32 $0x2, v5;
	v47 =	vor.u32 $0x3, v5;
	v4 =	vld.idx.msk [tilespmem:v4+s8+$0x0], $0xffff;
	[tilespmem:$0xFE70] =	vst v1  }
0x22c: {  	v48 =	vor.u32 $0x4, v5;
	v49 =	vor.u32 $0x5, v5;
	[tilespmem:$0xFC60] =	vst v12;
	v5 =	vor.u32 $0x7, v5;
	v3 =	vld.idx.msk [tilespmem:v50+s8+$0x0], $0xffff  }
0x22d: {  	v56 =	vor.u32 $0x6, v6;
	v12 =	vld.idx.msk [tilespmem:v41+s8+$0x0], $0xffff;
	[tilespmem:$0xFCE0] =	vst v7  }
0x22e: {  	v13 =	vld.idx.msk [tilespmem:v42+s8+$0x0], $0xffff;
	[tilespmem:$0xFD60] =	vst v8  }
0x22f: {  	v10 =	vld.idx.msk [tilespmem:v43+s8+$0x0], $0xffff;
	[tilespmem:$0xFDE0] =	vst v14  }
0x230: {  	[tilespmem:$0xFEF0] =	vst v4;
	v11 =	vld.idx.msk [tilespmem:v44+s8+$0x0], $0xffff  }
0x231: {  	v51 =	vor.u32 $0x2, v6;
	v52 =	vor.u32 $0x3, v6;
	v5 =	vld.idx.msk [tilespmem:v5+s8+$0x0], $0xffff;
	[tilespmem:$0xFE80] =	vst v3  }
0x232: {  	v54 =	vor.u32 $0x4, v6;
	v55 =	vor.u32 $0x5, v6;
	[tilespmem:$0xFC70] =	vst v12;
	v6 =	vor.u32 $0x7, v6;
	v4 =	vld.idx.msk [tilespmem:v56+s8+$0x0], $0xffff  }
0x233: {  	v61 =	vor.u32 $0x6, v9;
	v7 =	vld.idx.msk [tilespmem:v46+s8+$0x0], $0xffff;
	[tilespmem:$0xFCF0] =	vst v13  }
0x234: {  	v8 =	vld.idx.msk [tilespmem:v47+s8+$0x0], $0xffff;
	[tilespmem:$0xFD70] =	vst v10  }
0x235: {  	v53 =	vld.idx.msk [tilespmem:v48+s8+$0x0], $0xffff;
	[tilespmem:$0xFDF0] =	vst v11  }
0x236: {  	[tilespmem:$0xFF00] =	vst v5;
	v2 =	vld.idx.msk [tilespmem:v49+s8+$0x0], $0xffff  }
0x237: {  	v6 =	vld.idx.msk [tilespmem:v6+s8+$0x0], $0xffff;
	[tilespmem:$0xFE90] =	vst v4  }
0x238: {  	v62 =	vor.u32 $0x7, v9;
	v5 =	vld.idx.msk [tilespmem:v61+s8+$0x0], $0xffff;
	[tilespmem:$0xFC80] =	vst v7  }
0x239: {  	v7 =	vld.idx.msk [tilespmem:v51+s8+$0x0], $0xffff;
	[tilespmem:$0xFD00] =	vst v8  }
0x23a: {  	v57 =	vor.u32 $0x2, v9;
	v10 =	vld.idx.msk [tilespmem:v52+s8+$0x0], $0xffff;
	[tilespmem:$0xFD80] =	vst v53  }
0x23b: {  	v58 =	vor.u32 $0x3, v9;
	v11 =	vld.idx.msk [tilespmem:v54+s8+$0x0], $0xffff;
	[tilespmem:$0xFE00] =	vst v2  }
0x23c: {  	v59 =	vor.u32 $0x4, v9;
	[tilespmem:$0xFF10] =	vst v6;
	v1 =	vld.idx.msk [tilespmem:v55+s8+$0x0], $0xffff  }
0x23d: {  	v60 =	vor.u32 $0x5, v9;
	v17 =	vld.idx.msk [tilespmem:v62+s8+$0x0], $0xffff;
	[tilespmem:$0xFEA0] =	vst v5  }
0x23e: {  	v16 =	vor.u32 $0x6, v24;
	v28 =	vld.idx.msk [tilespmem:v24+s8+$0x0], $0xffff;
	[tilespmem:$0xFC90] =	vst v7  }
0x23f: {  	v0 =	vor.u32 $0x7, v24;
	v7 =	vld.idx.msk [tilespmem:v57+s8+$0x0], $0xffff;
	[tilespmem:$0xFD10] =	vst v10  }
0x240: {  	v63 =	vor.u32 $0x2, v24;
	v10 =	vld.idx.msk [tilespmem:v58+s8+$0x0], $0xffff;
	[tilespmem:$0xFD90] =	vst v11  }
0x241: {  	v13 =	vor.u32 $0x3, v24;
	v2 =	vld.idx.msk [tilespmem:v59+s8+$0x0], $0xffff;
	[tilespmem:$0xFE10] =	vst v1  }
0x242: {  	[tilespmem:$0xFF20] =	vst v17;
	v14 =	vor.u32 $0x4, v24;
	v3 =	vld.idx.msk [tilespmem:v60+s8+$0x0], $0xffff  }
0x243: {  	v15 =	vor.u32 $0x5, v24;
	v21 =	vld.idx.msk [tilespmem:v16+s8+$0x0], $0xffff;
	[tilespmem:$0xFBB0] =	vst v28  }
0x244: {  	v0 =	vld.idx.msk [tilespmem:v0+s8+$0x0], $0xffff;
	[tilespmem:$0xFCA0] =	vst v7  }
0x245: {  	v18 =	vld.idx.msk [tilespmem:v63+s8+$0x0], $0xffff;
	[tilespmem:$0xFD20] =	vst v10  }
0x246: {  	v19 =	vld.idx.msk [tilespmem:v13+s8+$0x0], $0xffff;
	[tilespmem:$0xFDA0] =	vst v2  }
0x247: {  	v1 =	vld.idx.msk [tilespmem:v14+s8+$0x0], $0xffff;
	[tilespmem:$0xFE20] =	vst v3  }
0x248: {  	[tilespmem:$0xFEB0] =	vst v21;
	v20 =	vld.idx.msk [tilespmem:v15+s8+$0x0], $0xffff  }
0x249: {  	[tilespmem:$0xFF30] =	vst v0  }
0x24a: {  	[tilespmem:$0xFCB0] =	vst v18  }
0x24b: {  	[tilespmem:$0xFD30] =	vst v19  }
0x24c: {  	[tilespmem:$0xFDB0] =	vst v1  }
0x24d: {  	[tilespmem:$0xFE30] =	vst v20  }
0x24e: {  	v0 =	vld [tilespmem:s24+$0x300];
	_ =	sdelay $0x4  }
0x24f: {  	v22 =	vshll.u32 v0, $0x3  }
0x250: {  	v23 =	vld [tilespmem:s24+$0x310]  }
0x251: {  	v24 =	vor.u32 $0x1, v22  }
0x252: {  	v3 =	vld [tilespmem:s24+$0x320]  }
0x253: {  	v25 =	vld [tilespmem:s24+$0x330]  }
0x254: {  	v26 =	vld.idx.msk [tilespmem:v22+s8+$0x0], $0xffff  }
0x255: {  	v5 =	vld [tilespmem:s24+$0x340];
	v27 =	vshll.u32 v23, $0x3  }
0x256: {  	v28 =	vld.idx.msk [tilespmem:v24+s8+$0x0], $0xffff  }
0x257: {  	v29 =	vld [tilespmem:s24+$0x350];
	v30 =	vor.u32 $0x1, v27  }
0x258: {  	v9 =	vld [tilespmem:s24+$0x360]  }
0x259: {  	v10 =	vld [tilespmem:s24+$0x370];
	[tilespmem:$0xFF40] =	vst v26  }
0x25a: {  	v6 =	vld.idx.msk [tilespmem:v27+s8+$0x0], $0xffff  }
0x25b: {  	v3 =	vshll.u32 v3, $0x3;
	[tilespmem:$0xFFC0] =	vst v28  }
0x25c: {  	v0 =	vld.idx.msk [tilespmem:v30+s8+$0x0], $0xffff  }
0x25d: {  	v31 =	vor.u32 $0x1, v3;
	_ =	sdelay $0x1  }
0x25e: {  	[tilespmem:$0xFF50] =	vst v6  }
0x25f: {  	v6 =	vld.idx.msk [tilespmem:v3+s8+$0x0], $0xffff  }
0x260: {  	v4 =	vshll.u32 v25, $0x3;
	[tilespmem:$0xFFD0] =	vst v0  }
0x261: {  	v0 =	vld.idx.msk [tilespmem:v31+s8+$0x0], $0xffff  }
0x262: {  	v32 =	vor.u32 $0x1, v4;
	_ =	sdelay $0x1  }
0x263: {  	[tilespmem:$0xFF60] =	vst v6  }
0x264: {  	v6 =	vld.idx.msk [tilespmem:v4+s8+$0x0], $0xffff  }
0x265: {  	v5 =	vshll.u32 v5, $0x3;
	[tilespmem:$0xFFE0] =	vst v0  }
0x266: {  	v0 =	vld.idx.msk [tilespmem:v32+s8+$0x0], $0xffff  }
0x267: {  	v33 =	vor.u32 $0x1, v5;
	_ =	sdelay $0x1  }
0x268: {  	[tilespmem:$0xFF70] =	vst v6  }
0x269: {  	v6 =	vld.idx.msk [tilespmem:v5+s8+$0x0], $0xffff  }
0x26a: {  	v2 =	vshll.u32 v29, $0x3;
	[tilespmem:$0xFFF0] =	vst v0  }
0x26b: {  	v0 =	vld.idx.msk [tilespmem:v33+s8+$0x0], $0xffff  }
0x26c: {  	v34 =	vor.u32 $0x1, v2;
	_ =	sdelay $0x1  }
0x26d: {  	v41 =	vor.u32 $0x6, v22;
	[tilespmem:$0xFF80] =	vst v6  }
0x26e: {  	v37 =	vor.u32 $0x2, v22;
	v6 =	vld.idx.msk [tilespmem:v2+s8+$0x0], $0xffff  }
0x26f: {  	v9 =	vshll.u32 v9, $0x3;
	[tilespmem:$0x10000] =	vst v0  }
0x270: {  	v38 =	vor.u32 $0x3, v22;
	v0 =	vld.idx.msk [tilespmem:v34+s8+$0x0], $0xffff  }
0x271: {  	v35 =	vor.u32 $0x1, v9  }
0x272: {  	v1 =	vor.u32 $0x7, v22;
	v14 =	vld.idx.msk [tilespmem:v41+s8+$0x0], $0xffff  }
0x273: {  	v46 =	vor.u32 $0x6, v27;
	v11 =	vld.idx.msk [tilespmem:v37+s8+$0x0], $0xffff;
	[tilespmem:$0xFF90] =	vst v6  }
0x274: {  	v39 =	vor.u32 $0x4, v22;
	v6 =	vld.idx.msk [tilespmem:v9+s8+$0x0], $0xffff  }
0x275: {  	v36 =	vshll.u32 v10, $0x3;
	v12 =	vld.idx.msk [tilespmem:v38+s8+$0x0], $0xffff;
	[tilespmem:$0x10010] =	vst v0  }
0x276: {  	v40 =	vor.u32 $0x5, v22;
	v8 =	vld.idx.msk [tilespmem:v35+s8+$0x0], $0xffff  }
0x277: {  	v10 =	vor.u32 $0x1, v36;
	v1 =	vld.idx.msk [tilespmem:v1+s8+$0x0], $0xffff;
	[tilespmem:$0x10240] =	vst v14  }
0x278: {  	v7 =	vor.u32 $0x7, v27;
	[tilespmem:$0x10040] =	vst v11;
	v11 =	vld.idx.msk [tilespmem:v46+s8+$0x0], $0xffff  }
0x279: {  	v42 =	vor.u32 $0x2, v27;
	[tilespmem:$0xFFA0] =	vst v6;
	v6 =	vld.idx.msk [tilespmem:v39+s8+$0x0], $0xffff  }
0x27a: {  	v43 =	vor.u32 $0x3, v27;
	[tilespmem:$0x100C0] =	vst v12;
	v13 =	vld.idx.msk [tilespmem:v36+s8+$0x0], $0xffff  }
0x27b: {  	v44 =	vor.u32 $0x4, v27;
	[tilespmem:$0x10020] =	vst v8;
	v8 =	vld.idx.msk [tilespmem:v40+s8+$0x0], $0xffff  }
0x27c: {  	v45 =	vor.u32 $0x5, v27;
	[tilespmem:$0x102C0] =	vst v1;
	v10 =	vld.idx.msk [tilespmem:v10+s8+$0x0], $0xffff  }
0x27d: {  	v47 =	vor.u32 $0x2, v3;
	v48 =	vor.u32 $0x3, v3;
	v51 =	vor.u32 $0x6, v3;
	v7 =	vld.idx.msk [tilespmem:v7+s8+$0x0], $0xffff;
	[tilespmem:$0x10250] =	vst v11  }
0x27e: {  	v49 =	vor.u32 $0x4, v3;
	v50 =	vor.u32 $0x5, v3;
	v15 =	vld.idx.msk [tilespmem:v42+s8+$0x0], $0xffff;
	v3 =	vor.u32 $0x7, v3;
	[tilespmem:$0x10140] =	vst v6  }
0x27f: {  	v16 =	vld.idx.msk [tilespmem:v43+s8+$0x0], $0xffff;
	[tilespmem:$0xFFB0] =	vst v13  }
0x280: {  	v13 =	vld.idx.msk [tilespmem:v44+s8+$0x0], $0xffff;
	[tilespmem:$0x101C0] =	vst v8  }
0x281: {  	[tilespmem:$0x10030] =	vst v10;
	v10 =	vld.idx.msk [tilespmem:v45+s8+$0x0], $0xffff  }
0x282: {  	[tilespmem:$0x102D0] =	vst v7;
	v1 =	vld.idx.msk [tilespmem:v51+s8+$0x0], $0xffff  }
0x283: {  	v52 =	vor.u32 $0x2, v4;
	v53 =	vor.u32 $0x3, v4;
	v56 =	vor.u32 $0x6, v4;
	[tilespmem:$0x10050] =	vst v15;
	v3 =	vld.idx.msk [tilespmem:v3+s8+$0x0], $0xffff  }
0x284: {  	v54 =	vor.u32 $0x4, v4;
	v55 =	vor.u32 $0x5, v4;
	[tilespmem:$0x100D0] =	vst v16;
	v12 =	vld.idx.msk [tilespmem:v47+s8+$0x0], $0xffff;
	v4 =	vor.u32 $0x7, v4  }
0x285: {  	v6 =	vld.idx.msk [tilespmem:v48+s8+$0x0], $0xffff;
	[tilespmem:$0x10150] =	vst v13  }
0x286: {  	v8 =	vld.idx.msk [tilespmem:v49+s8+$0x0], $0xffff;
	[tilespmem:$0x101D0] =	vst v10  }
0x287: {  	[tilespmem:$0x10260] =	vst v1;
	v14 =	vld.idx.msk [tilespmem:v50+s8+$0x0], $0xffff  }
0x288: {  	v7 =	vld.idx.msk [tilespmem:v56+s8+$0x0], $0xffff;
	[tilespmem:$0x102E0] =	vst v3  }
0x289: {  	v57 =	vor.u32 $0x2, v5;
	v58 =	vor.u32 $0x3, v5;
	v61 =	vor.u32 $0x6, v5;
	[tilespmem:$0x10060] =	vst v12;
	v4 =	vld.idx.msk [tilespmem:v4+s8+$0x0], $0xffff  }
0x28a: {  	v59 =	vor.u32 $0x4, v5;
	v60 =	vor.u32 $0x5, v5;
	v12 =	vld.idx.msk [tilespmem:v52+s8+$0x0], $0xffff;
	v5 =	vor.u32 $0x7, v5;
	[tilespmem:$0x100E0] =	vst v6  }
0x28b: {  	v13 =	vld.idx.msk [tilespmem:v53+s8+$0x0], $0xffff;
	[tilespmem:$0x10160] =	vst v8  }
0x28c: {  	v10 =	vld.idx.msk [tilespmem:v54+s8+$0x0], $0xffff;
	[tilespmem:$0x101E0] =	vst v14  }
0x28d: {  	[tilespmem:$0x10270] =	vst v7;
	v11 =	vld.idx.msk [tilespmem:v55+s8+$0x0], $0xffff  }
0x28e: {  	v3 =	vld.idx.msk [tilespmem:v61+s8+$0x0], $0xffff;
	[tilespmem:$0x102F0] =	vst v4  }
0x28f: {  	v62 =	vor.u32 $0x2, v2;
	v63 =	vor.u32 $0x3, v2;
	v19 =	vor.u32 $0x6, v2;
	[tilespmem:$0x10070] =	vst v12;
	v5 =	vld.idx.msk [tilespmem:v5+s8+$0x0], $0xffff  }
0x290: {  	v17 =	vor.u32 $0x4, v2;
	v18 =	vor.u32 $0x5, v2;
	v2 =	vor.u32 $0x7, v2;
	v6 =	vld.idx.msk [tilespmem:v57+s8+$0x0], $0xffff;
	[tilespmem:$0x100F0] =	vst v13  }
0x291: {  	v8 =	vld.idx.msk [tilespmem:v58+s8+$0x0], $0xffff;
	[tilespmem:$0x10170] =	vst v10  }
0x292: {  	v16 =	vld.idx.msk [tilespmem:v59+s8+$0x0], $0xffff;
	[tilespmem:$0x101F0] =	vst v11  }
0x293: {  	[tilespmem:$0x10280] =	vst v3;
	v1 =	vld.idx.msk [tilespmem:v60+s8+$0x0], $0xffff  }
0x294: {  	v4 =	vld.idx.msk [tilespmem:v19+s8+$0x0], $0xffff;
	[tilespmem:$0x10300] =	vst v5  }
0x295: {  	v24 =	vor.u32 $0x6, v9;
	v2 =	vld.idx.msk [tilespmem:v2+s8+$0x0], $0xffff;
	[tilespmem:$0x10080] =	vst v6  }
0x296: {  	v25 =	vor.u32 $0x7, v9;
	v6 =	vld.idx.msk [tilespmem:v62+s8+$0x0], $0xffff;
	[tilespmem:$0x10100] =	vst v8  }
0x297: {  	v20 =	vor.u32 $0x2, v9;
	v10 =	vld.idx.msk [tilespmem:v63+s8+$0x0], $0xffff;
	[tilespmem:$0x10180] =	vst v16  }
0x298: {  	v21 =	vor.u32 $0x3, v9;
	v11 =	vld.idx.msk [tilespmem:v17+s8+$0x0], $0xffff;
	[tilespmem:$0x10200] =	vst v1  }
0x299: {  	v22 =	vor.u32 $0x4, v9;
	[tilespmem:$0x10290] =	vst v4;
	v7 =	vld.idx.msk [tilespmem:v18+s8+$0x0], $0xffff  }
0x29a: {  	v23 =	vor.u32 $0x5, v9;
	v5 =	vld.idx.msk [tilespmem:v24+s8+$0x0], $0xffff;
	[tilespmem:$0x10310] =	vst v2  }
0x29b: {  	v30 =	vor.u32 $0x6, v36;
	v31 =	vld.idx.msk [tilespmem:v25+s8+$0x0], $0xffff;
	[tilespmem:$0x10090] =	vst v6  }
0x29c: {  	v0 =	vor.u32 $0x7, v36;
	v6 =	vld.idx.msk [tilespmem:v20+s8+$0x0], $0xffff;
	[tilespmem:$0x10110] =	vst v10  }
0x29d: {  	v26 =	vor.u32 $0x2, v36;
	v10 =	vld.idx.msk [tilespmem:v21+s8+$0x0], $0xffff;
	[tilespmem:$0x10190] =	vst v11  }
0x29e: {  	v27 =	vor.u32 $0x3, v36;
	v1 =	vld.idx.msk [tilespmem:v22+s8+$0x0], $0xffff;
	[tilespmem:$0x10210] =	vst v7  }
0x29f: {  	v28 =	vor.u32 $0x4, v36;
	[tilespmem:$0x102A0] =	vst v5;
	v3 =	vld.idx.msk [tilespmem:v23+s8+$0x0], $0xffff  }
0x2a0: {  	v29 =	vor.u32 $0x5, v36;
	v2 =	vld.idx.msk [tilespmem:v30+s8+$0x0], $0xffff;
	[tilespmem:$0x10320] =	vst v31  }
0x2a1: {  	v0 =	vld.idx.msk [tilespmem:v0+s8+$0x0], $0xffff;
	[tilespmem:$0x100A0] =	vst v6  }
0x2a2: {  	v32 =	vld.idx.msk [tilespmem:v26+s8+$0x0], $0xffff;
	[tilespmem:$0x10120] =	vst v10  }
0x2a3: {  	v33 =	vld.idx.msk [tilespmem:v27+s8+$0x0], $0xffff;
	[tilespmem:$0x101A0] =	vst v1  }
0x2a4: {  	v1 =	vld.idx.msk [tilespmem:v28+s8+$0x0], $0xffff;
	[tilespmem:$0x10220] =	vst v3  }
0x2a5: {  	[tilespmem:$0x102B0] =	vst v2;
	v3 =	vld.idx.msk [tilespmem:v29+s8+$0x0], $0xffff  }
0x2a6: {  	[tilespmem:$0x10330] =	vst v0  }
0x2a7: {  	[tilespmem:$0x100B0] =	vst v32  }
0x2a8: {  	[tilespmem:$0x10130] =	vst v33  }
0x2a9: {  	[tilespmem:$0x101B0] =	vst v1  }
0x2aa: {  	[tilespmem:$0x10230] =	vst v3  }
0x2ab: {  	v0 =	vld [tilespmem:s24+$0x380];
	_ =	sdelay $0x4  }
0x2ac: {  	v34 =	vshll.u32 v0, $0x3  }
0x2ad: {  	v35 =	vld [tilespmem:s24+$0x390]  }
0x2ae: {  	v36 =	vor.u32 $0x1, v34  }
0x2af: {  	v3 =	vld [tilespmem:s24+$0x3A0]  }
0x2b0: {  	v37 =	vld [tilespmem:s24+$0x3B0]  }
0x2b1: {  	v6 =	vld.idx.msk [tilespmem:v34+s8+$0x0], $0xffff  }
0x2b2: {  	v5 =	vld [tilespmem:s24+$0x3C0];
	v38 =	vshll.u32 v35, $0x3  }
0x2b3: {  	v39 =	vld.idx.msk [tilespmem:v36+s8+$0x0], $0xffff  }
0x2b4: {  	v40 =	vld [tilespmem:s24+$0x3D0];
	v41 =	vor.u32 $0x1, v38  }
0x2b5: {  	v9 =	vld [tilespmem:s24+$0x3E0]  }
0x2b6: {  	v10 =	vld [tilespmem:s24+$0x3F0];
	[tilespmem:$0x10340] =	vst v6  }
0x2b7: {  	v6 =	vld.idx.msk [tilespmem:v38+s8+$0x0], $0xffff  }
0x2b8: {  	v3 =	vshll.u32 v3, $0x3;
	[tilespmem:$0x103C0] =	vst v39  }
0x2b9: {  	v0 =	vld.idx.msk [tilespmem:v41+s8+$0x0], $0xffff  }
0x2ba: {  	v42 =	vor.u32 $0x1, v3;
	_ =	sdelay $0x1  }
0x2bb: {  	[tilespmem:$0x10350] =	vst v6  }
0x2bc: {  	v6 =	vld.idx.msk [tilespmem:v3+s8+$0x0], $0xffff  }
0x2bd: {  	v4 =	vshll.u32 v37, $0x3;
	[tilespmem:$0x103D0] =	vst v0  }
0x2be: {  	v0 =	vld.idx.msk [tilespmem:v42+s8+$0x0], $0xffff  }
0x2bf: {  	v43 =	vor.u32 $0x1, v4;
	_ =	sdelay $0x1  }
0x2c0: {  	[tilespmem:$0x10360] =	vst v6  }
0x2c1: {  	v6 =	vld.idx.msk [tilespmem:v4+s8+$0x0], $0xffff  }
0x2c2: {  	v5 =	vshll.u32 v5, $0x3;
	[tilespmem:$0x103E0] =	vst v0  }
0x2c3: {  	v0 =	vld.idx.msk [tilespmem:v43+s8+$0x0], $0xffff  }
0x2c4: {  	v44 =	vor.u32 $0x1, v5;
	_ =	sdelay $0x1  }
0x2c5: {  	[tilespmem:$0x10370] =	vst v6  }
0x2c6: {  	v6 =	vld.idx.msk [tilespmem:v5+s8+$0x0], $0xffff  }
0x2c7: {  	v2 =	vshll.u32 v40, $0x3;
	[tilespmem:$0x103F0] =	vst v0  }
0x2c8: {  	v0 =	vld.idx.msk [tilespmem:v44+s8+$0x0], $0xffff  }
0x2c9: {  	v45 =	vor.u32 $0x1, v2;
	_ =	sdelay $0x1  }
0x2ca: {  	v52 =	vor.u32 $0x6, v34;
	[tilespmem:$0x10380] =	vst v6  }
0x2cb: {  	v48 =	vor.u32 $0x2, v34;
	v6 =	vld.idx.msk [tilespmem:v2+s8+$0x0], $0xffff  }
0x2cc: {  	v9 =	vshll.u32 v9, $0x3;
	[tilespmem:$0x10400] =	vst v0  }
0x2cd: {  	v49 =	vor.u32 $0x3, v34;
	v0 =	vld.idx.msk [tilespmem:v45+s8+$0x0], $0xffff  }
0x2ce: {  	v46 =	vor.u32 $0x1, v9  }
0x2cf: {  	v1 =	vor.u32 $0x7, v34;
	v14 =	vld.idx.msk [tilespmem:v52+s8+$0x0], $0xffff  }
0x2d0: {  	v57 =	vor.u32 $0x6, v38;
	v11 =	vld.idx.msk [tilespmem:v48+s8+$0x0], $0xffff;
	[tilespmem:$0x10390] =	vst v6  }
0x2d1: {  	v50 =	vor.u32 $0x4, v34;
	v6 =	vld.idx.msk [tilespmem:v9+s8+$0x0], $0xffff  }
0x2d2: {  	v47 =	vshll.u32 v10, $0x3;
	v12 =	vld.idx.msk [tilespmem:v49+s8+$0x0], $0xffff;
	[tilespmem:$0x10410] =	vst v0  }
0x2d3: {  	v51 =	vor.u32 $0x5, v34;
	v8 =	vld.idx.msk [tilespmem:v46+s8+$0x0], $0xffff  }
0x2d4: {  	v10 =	vor.u32 $0x1, v47;
	v1 =	vld.idx.msk [tilespmem:v1+s8+$0x0], $0xffff;
	[tilespmem:$0x10640] =	vst v14  }
0x2d5: {  	v7 =	vor.u32 $0x7, v38;
	[tilespmem:$0x10440] =	vst v11;
	v11 =	vld.idx.msk [tilespmem:v57+s8+$0x0], $0xffff  }
0x2d6: {  	v53 =	vor.u32 $0x2, v38;
	[tilespmem:$0x103A0] =	vst v6;
	v6 =	vld.idx.msk [tilespmem:v50+s8+$0x0], $0xffff  }
0x2d7: {  	v54 =	vor.u32 $0x3, v38;
	[tilespmem:$0x104C0] =	vst v12;
	v13 =	vld.idx.msk [tilespmem:v47+s8+$0x0], $0xffff  }
0x2d8: {  	v55 =	vor.u32 $0x4, v38;
	[tilespmem:$0x10420] =	vst v8;
	v8 =	vld.idx.msk [tilespmem:v51+s8+$0x0], $0xffff  }
0x2d9: {  	v56 =	vor.u32 $0x5, v38;
	[tilespmem:$0x106C0] =	vst v1;
	v10 =	vld.idx.msk [tilespmem:v10+s8+$0x0], $0xffff  }
0x2da: {  	v58 =	vor.u32 $0x2, v3;
	v59 =	vor.u32 $0x3, v3;
	v62 =	vor.u32 $0x6, v3;
	v7 =	vld.idx.msk [tilespmem:v7+s8+$0x0], $0xffff;
	[tilespmem:$0x10650] =	vst v11  }
0x2db: {  	v60 =	vor.u32 $0x4, v3;
	v61 =	vor.u32 $0x5, v3;
	v15 =	vld.idx.msk [tilespmem:v53+s8+$0x0], $0xffff;
	v3 =	vor.u32 $0x7, v3;
	[tilespmem:$0x10540] =	vst v6  }
0x2dc: {  	v16 =	vld.idx.msk [tilespmem:v54+s8+$0x0], $0xffff;
	[tilespmem:$0x103B0] =	vst v13  }
0x2dd: {  	v13 =	vld.idx.msk [tilespmem:v55+s8+$0x0], $0xffff;
	[tilespmem:$0x105C0] =	vst v8  }
0x2de: {  	[tilespmem:$0x10430] =	vst v10;
	v10 =	vld.idx.msk [tilespmem:v56+s8+$0x0], $0xffff  }
0x2df: {  	[tilespmem:$0x106D0] =	vst v7;
	v1 =	vld.idx.msk [tilespmem:v62+s8+$0x0], $0xffff  }
0x2e0: {  	v63 =	vor.u32 $0x2, v4;
	v18 =	vor.u32 $0x3, v4;
	v21 =	vor.u32 $0x6, v4;
	[tilespmem:$0x10450] =	vst v15;
	v3 =	vld.idx.msk [tilespmem:v3+s8+$0x0], $0xffff  }
0x2e1: {  	v19 =	vor.u32 $0x4, v4;
	v20 =	vor.u32 $0x5, v4;
	[tilespmem:$0x104D0] =	vst v16;
	v12 =	vld.idx.msk [tilespmem:v58+s8+$0x0], $0xffff;
	v4 =	vor.u32 $0x7, v4  }
0x2e2: {  	v6 =	vld.idx.msk [tilespmem:v59+s8+$0x0], $0xffff;
	[tilespmem:$0x10550] =	vst v13  }
0x2e3: {  	v8 =	vld.idx.msk [tilespmem:v60+s8+$0x0], $0xffff;
	[tilespmem:$0x105D0] =	vst v10  }
0x2e4: {  	[tilespmem:$0x10660] =	vst v1;
	v14 =	vld.idx.msk [tilespmem:v61+s8+$0x0], $0xffff  }
0x2e5: {  	v7 =	vld.idx.msk [tilespmem:v21+s8+$0x0], $0xffff;
	[tilespmem:$0x106E0] =	vst v3  }
0x2e6: {  	v22 =	vor.u32 $0x2, v5;
	v23 =	vor.u32 $0x3, v5;
	v26 =	vor.u32 $0x6, v5;
	[tilespmem:$0x10460] =	vst v12;
	v4 =	vld.idx.msk [tilespmem:v4+s8+$0x0], $0xffff  }
0x2e7: {  	v24 =	vor.u32 $0x4, v5;
	v25 =	vor.u32 $0x5, v5;
	v12 =	vld.idx.msk [tilespmem:v63+s8+$0x0], $0xffff;
	v5 =	vor.u32 $0x7, v5;
	[tilespmem:$0x104E0] =	vst v6  }
0x2e8: {  	v13 =	vld.idx.msk [tilespmem:v18+s8+$0x0], $0xffff;
	[tilespmem:$0x10560] =	vst v8  }
0x2e9: {  	v10 =	vld.idx.msk [tilespmem:v19+s8+$0x0], $0xffff;
	[tilespmem:$0x105E0] =	vst v14  }
0x2ea: {  	[tilespmem:$0x10670] =	vst v7;
	v11 =	vld.idx.msk [tilespmem:v20+s8+$0x0], $0xffff  }
0x2eb: {  	v3 =	vld.idx.msk [tilespmem:v26+s8+$0x0], $0xffff;
	[tilespmem:$0x106F0] =	vst v4  }
0x2ec: {  	v27 =	vor.u32 $0x2, v2;
	v28 =	vor.u32 $0x3, v2;
	v32 =	vor.u32 $0x6, v2;
	[tilespmem:$0x10470] =	vst v12;
	v5 =	vld.idx.msk [tilespmem:v5+s8+$0x0], $0xffff  }
0x2ed: {  	v30 =	vor.u32 $0x4, v2;
	v31 =	vor.u32 $0x5, v2;
	v2 =	vor.u32 $0x7, v2;
	v6 =	vld.idx.msk [tilespmem:v22+s8+$0x0], $0xffff;
	[tilespmem:$0x104F0] =	vst v13  }
0x2ee: {  	v8 =	vld.idx.msk [tilespmem:v23+s8+$0x0], $0xffff;
	[tilespmem:$0x10570] =	vst v10  }
0x2ef: {  	v29 =	vld.idx.msk [tilespmem:v24+s8+$0x0], $0xffff;
	[tilespmem:$0x105F0] =	vst v11  }
0x2f0: {  	[tilespmem:$0x10680] =	vst v3;
	v1 =	vld.idx.msk [tilespmem:v25+s8+$0x0], $0xffff  }
0x2f1: {  	v4 =	vld.idx.msk [tilespmem:v32+s8+$0x0], $0xffff;
	[tilespmem:$0x10700] =	vst v5  }
0x2f2: {  	v37 =	vor.u32 $0x6, v9;
	v2 =	vld.idx.msk [tilespmem:v2+s8+$0x0], $0xffff;
	[tilespmem:$0x10480] =	vst v6  }
0x2f3: {  	v38 =	vor.u32 $0x7, v9;
	v6 =	vld.idx.msk [tilespmem:v27+s8+$0x0], $0xffff;
	[tilespmem:$0x10500] =	vst v8  }
0x2f4: {  	v33 =	vor.u32 $0x2, v9;
	v10 =	vld.idx.msk [tilespmem:v28+s8+$0x0], $0xffff;
	[tilespmem:$0x10580] =	vst v29  }
0x2f5: {  	v34 =	vor.u32 $0x3, v9;
	v11 =	vld.idx.msk [tilespmem:v30+s8+$0x0], $0xffff;
	[tilespmem:$0x10600] =	vst v1  }
0x2f6: {  	v35 =	vor.u32 $0x4, v9;
	[tilespmem:$0x10690] =	vst v4;
	v7 =	vld.idx.msk [tilespmem:v31+s8+$0x0], $0xffff  }
0x2f7: {  	v36 =	vor.u32 $0x5, v9;
	v5 =	vld.idx.msk [tilespmem:v37+s8+$0x0], $0xffff;
	[tilespmem:$0x10710] =	vst v2  }
0x2f8: {  	v43 =	vor.u32 $0x6, v47;
	v44 =	vld.idx.msk [tilespmem:v38+s8+$0x0], $0xffff;
	[tilespmem:$0x10490] =	vst v6  }
0x2f9: {  	v0 =	vor.u32 $0x7, v47;
	v6 =	vld.idx.msk [tilespmem:v33+s8+$0x0], $0xffff;
	[tilespmem:$0x10510] =	vst v10  }
0x2fa: {  	v39 =	vor.u32 $0x2, v47;
	v10 =	vld.idx.msk [tilespmem:v34+s8+$0x0], $0xffff;
	[tilespmem:$0x10590] =	vst v11  }
0x2fb: {  	v40 =	vor.u32 $0x3, v47;
	v1 =	vld.idx.msk [tilespmem:v35+s8+$0x0], $0xffff;
	[tilespmem:$0x10610] =	vst v7  }
0x2fc: {  	v41 =	vor.u32 $0x4, v47;
	[tilespmem:$0x106A0] =	vst v5;
	v3 =	vld.idx.msk [tilespmem:v36+s8+$0x0], $0xffff  }
0x2fd: {  	v42 =	vor.u32 $0x5, v47;
	v2 =	vld.idx.msk [tilespmem:v43+s8+$0x0], $0xffff;
	[tilespmem:$0x10720] =	vst v44  }
0x2fe: {  	v0 =	vld.idx.msk [tilespmem:v0+s8+$0x0], $0xffff;
	[tilespmem:$0x104A0] =	vst v6  }
0x2ff: {  	v45 =	vld.idx.msk [tilespmem:v39+s8+$0x0], $0xffff;
	[tilespmem:$0x10520] =	vst v10  }
0x300: {  	v46 =	vld.idx.msk [tilespmem:v40+s8+$0x0], $0xffff;
	[tilespmem:$0x105A0] =	vst v1  }
0x301: {  	v1 =	vld.idx.msk [tilespmem:v41+s8+$0x0], $0xffff;
	[tilespmem:$0x10620] =	vst v3  }
0x302: {  	[tilespmem:$0x106B0] =	vst v2;
	v3 =	vld.idx.msk [tilespmem:v42+s8+$0x0], $0xffff  }
0x303: {  	s13 =	smul.u32 $0xFA000, s13;
	[tilespmem:$0x10730] =	vst v0  }
0x304: {  	s15 =	sadd.s32 $0x1, s15;
	s25 =	sshll.u32 s14, $0xD;
	[tilespmem:$0x104B0] =	vst v45  }
0x305: {  	s13 =	sadd.s32 s25, s13;
	p1 =	slt.s32 s15, $0x1869;
	[tilespmem:$0x10530] =	vst v46  }
0x306: {  	s13 =	sshrl.u32 s13, $0x3;
	s15 =	simm.s32 @!p1 $0x1869;
	[tilespmem:$0x105B0] =	vst v1  }
0x307: {  	s13 =	sadd.s32 s2, s13;
	s28 =	smulhi.u32 $0x51EB851F, s15;
	s26 =	rddreg [dreg:$0x4];
	[tilespmem:$0x10630] =	vst v3  }
0x308: {  	[hbm4b:s13+s3] =	stream.linear.scatter [tilespmem:s26], [sflag:$0x1], $0x2000, $0x38;
	[tilespmem:$0x12740] =	vst v63  }
0x309: {  	s16 =	simm.s32 @!p0 $0x2;
	s13 =	sshrl.u32 s28, $0x4  }
0x30a: {  	_ =	swait.ge @!p0 [sflag:s16], $0x2000;
	p1 =	seq.s32 s13, s14;
	s29 =	smul.u32 $0xFFFFFFCE, s13  }
0x30b: {  	[sflag:s16] =	ssyncset.done @!p0 $0x0;
	s17 =	simm.s32 @!p1 $0x8;
	s18 =	simm.s32 @!p1 $0x3E8  }
0x30c: {  	s19 =	simm.s32 @!p1 $0xC800;
	[sflag:s16] =	ssyncadd.s32 @!p0 $0xFFFFE000;
	s16 =	sadd.s32 @!p1 s5, s13  }
0x30d: {  	[tilespmem:s19], [sflag:$0x3] =	stream.strided.gather @!p1 [hbm4b:s16+s17], $0x1F40, s18, s17, $0x38;
	[tilespmem:$0x12740] =	vst v63  }
0x30e: {  	s16 =	simm.s32 @!p1 $0x3  }
0x30f: {  	s14 =	sadd.s32 s15, s29;
	_ =	swait.ge @!p1 [sflag:s16], $0x1F40  }
0x310: {  	s15 =	sshll.u32 s14, $0xC;
	[sflag:s16] =	ssyncset.done @!p1 $0x0  }
0x311: {  	s15 =	sshra.s32 s15, $0x2;
	[sflag:s16] =	ssyncadd.s32 @!p1 $0xFFFFE0C0  }
0x312: {  	v47 =	vld [tilespmem:s15+$0x0];
	_ =	sdelay $0x3  }
0x313: {  	v48 =	vld [tilespmem:s15+$0x10]  }
0x314: {  	v49 =	vld [tilespmem:s15+$0x20];
	v0 =	vshll.u32 v47, $0x3  }
0x315: {  	v50 =	vld [tilespmem:s15+$0x30]  }
0x316: {  	v51 =	vld [tilespmem:s15+$0x40];
	v52 =	vor.u32 $0x1, v0  }
0x317: {  	v53 =	vld [tilespmem:s15+$0x50];
	v54 =	vor.u32 $0x2, v0  }
0x318: {  	v55 =	vld [tilespmem:s15+$0x60];
	v56 =	vor.u32 $0x3, v0  }
0x319: {  	v58 =	vor.u32 $0x4, v0;
	v59 =	vld.idx.msk [tilespmem:v0+s8+$0x0], $0xffff  }
0x31a: {  	v57 =	vld [tilespmem:s15+$0x70];
	v1 =	vshll.u32 v48, $0x3  }
0x31b: {  	v5 =	vld.idx.msk [tilespmem:v52+s8+$0x0], $0xffff  }
0x31c: {  	v60 =	vor.u32 $0x1, v1;
	v7 =	vld.idx.msk [tilespmem:v54+s8+$0x0], $0xffff  }
0x31d: {  	v61 =	vor.u32 $0x2, v1;
	v9 =	vld.idx.msk [tilespmem:v56+s8+$0x0], $0xffff  }
0x31e: {  	v62 =	vor.u32 $0x3, v1;
	v11 =	vld.idx.msk [tilespmem:v58+s8+$0x0], $0xffff;
	[tilespmem:$0x10740] =	vst v59  }
0x31f: {  	v63 =	vor.u32 $0x4, v1;
	v20 =	vld.idx.msk [tilespmem:v1+s8+$0x0], $0xffff  }
0x320: {  	v2 =	vshll.u32 v49, $0x3;
	[tilespmem:$0x107C0] =	vst v5  }
0x321: {  	[tilespmem:$0x10840] =	vst v7;
	v5 =	vld.idx.msk [tilespmem:v60+s8+$0x0], $0xffff  }
0x322: {  	v21 =	vor.u32 $0x1, v2;
	[tilespmem:$0x108C0] =	vst v9;
	v22 =	vld.idx.msk [tilespmem:v61+s8+$0x0], $0xffff  }
0x323: {  	v23 =	vor.u32 $0x2, v2;
	[tilespmem:$0x10940] =	vst v11;
	v24 =	vld.idx.msk [tilespmem:v62+s8+$0x0], $0xffff  }
0x324: {  	v25 =	vor.u32 $0x3, v2;
	v12 =	vld.idx.msk [tilespmem:v63+s8+$0x0], $0xffff;
	[tilespmem:$0x10750] =	vst v20  }
0x325: {  	v26 =	vor.u32 $0x4, v2;
	v16 =	vld.idx.msk [tilespmem:v2+s8+$0x0], $0xffff  }
0x326: {  	v3 =	vshll.u32 v50, $0x3;
	[tilespmem:$0x107D0] =	vst v5  }
0x327: {  	[tilespmem:$0x10850] =	vst v22;
	v5 =	vld.idx.msk [tilespmem:v21+s8+$0x0], $0xffff  }
0x328: {  	v27 =	vor.u32 $0x1, v3;
	[tilespmem:$0x108D0] =	vst v24;
	v9 =	vld.idx.msk [tilespmem:v23+s8+$0x0], $0xffff  }
0x329: {  	v28 =	vor.u32 $0x2, v3;
	[tilespmem:$0x10950] =	vst v12;
	v11 =	vld.idx.msk [tilespmem:v25+s8+$0x0], $0xffff  }
0x32a: {  	v29 =	vor.u32 $0x3, v3;
	v30 =	vld.idx.msk [tilespmem:v26+s8+$0x0], $0xffff;
	[tilespmem:$0x10760] =	vst v16  }
0x32b: {  	v31 =	vor.u32 $0x4, v3;
	v16 =	vld.idx.msk [tilespmem:v3+s8+$0x0], $0xffff  }
0x32c: {  	v4 =	vshll.u32 v51, $0x3;
	[tilespmem:$0x107E0] =	vst v5  }
0x32d: {  	[tilespmem:$0x10860] =	vst v9;
	v5 =	vld.idx.msk [tilespmem:v27+s8+$0x0], $0xffff  }
0x32e: {  	v32 =	vor.u32 $0x1, v4;
	[tilespmem:$0x108E0] =	vst v11;
	v9 =	vld.idx.msk [tilespmem:v28+s8+$0x0], $0xffff  }
0x32f: {  	v33 =	vor.u32 $0x2, v4;
	[tilespmem:$0x10960] =	vst v30;
	v12 =	vld.idx.msk [tilespmem:v29+s8+$0x0], $0xffff  }
0x330: {  	v34 =	vor.u32 $0x3, v4;
	v14 =	vld.idx.msk [tilespmem:v31+s8+$0x0], $0xffff;
	[tilespmem:$0x10770] =	vst v16  }
0x331: {  	v35 =	vor.u32 $0x4, v4;
	v16 =	vld.idx.msk [tilespmem:v4+s8+$0x0], $0xffff  }
0x332: {  	v36 =	vshll.u32 v53, $0x3;
	[tilespmem:$0x107F0] =	vst v5  }
0x333: {  	[tilespmem:$0x10870] =	vst v9;
	v37 =	vld.idx.msk [tilespmem:v32+s8+$0x0], $0xffff  }
0x334: {  	v38 =	vor.u32 $0x1, v36;
	[tilespmem:$0x108F0] =	vst v12;
	v9 =	vld.idx.msk [tilespmem:v33+s8+$0x0], $0xffff  }
0x335: {  	v39 =	vor.u32 $0x2, v36;
	[tilespmem:$0x10970] =	vst v14;
	v12 =	vld.idx.msk [tilespmem:v34+s8+$0x0], $0xffff  }
0x336: {  	v40 =	vor.u32 $0x3, v36;
	v14 =	vld.idx.msk [tilespmem:v35+s8+$0x0], $0xffff;
	[tilespmem:$0x10780] =	vst v16  }
0x337: {  	v41 =	vor.u32 $0x4, v36;
	v16 =	vld.idx.msk [tilespmem:v36+s8+$0x0], $0xffff  }
0x338: {  	v42 =	vshll.u32 v55, $0x3;
	[tilespmem:$0x10800] =	vst v37  }
0x339: {  	[tilespmem:$0x10880] =	vst v9;
	v7 =	vld.idx.msk [tilespmem:v38+s8+$0x0], $0xffff  }
0x33a: {  	v8 =	vor.u32 $0x1, v42;
	[tilespmem:$0x10900] =	vst v12;
	v9 =	vld.idx.msk [tilespmem:v39+s8+$0x0], $0xffff  }
0x33b: {  	v43 =	vor.u32 $0x2, v42;
	[tilespmem:$0x10980] =	vst v14;
	v12 =	vld.idx.msk [tilespmem:v40+s8+$0x0], $0xffff  }
0x33c: {  	v44 =	vor.u32 $0x3, v42;
	v14 =	vld.idx.msk [tilespmem:v41+s8+$0x0], $0xffff;
	[tilespmem:$0x10790] =	vst v16  }
0x33d: {  	v45 =	vor.u32 $0x4, v42;
	v16 =	vld.idx.msk [tilespmem:v42+s8+$0x0], $0xffff  }
0x33e: {  	v46 =	vshll.u32 v57, $0x3;
	[tilespmem:$0x10810] =	vst v7  }
0x33f: {  	v52 =	vor.u32 $0x5, v0;
	[tilespmem:$0x10890] =	vst v9;
	v8 =	vld.idx.msk [tilespmem:v8+s8+$0x0], $0xffff  }
0x340: {  	v47 =	vor.u32 $0x1, v46;
	[tilespmem:$0x10910] =	vst v12;
	v48 =	vld.idx.msk [tilespmem:v43+s8+$0x0], $0xffff  }
0x341: {  	v49 =	vor.u32 $0x2, v46;
	[tilespmem:$0x10990] =	vst v14;
	v12 =	vld.idx.msk [tilespmem:v44+s8+$0x0], $0xffff  }
0x342: {  	v50 =	vor.u32 $0x3, v46;
	v14 =	vld.idx.msk [tilespmem:v45+s8+$0x0], $0xffff;
	[tilespmem:$0x107A0] =	vst v16  }
0x343: {  	v51 =	vor.u32 $0x4, v46;
	v16 =	vld.idx.msk [tilespmem:v46+s8+$0x0], $0xffff  }
0x344: {  	[tilespmem:$0x10820] =	vst v8;
	v8 =	vld.idx.msk [tilespmem:v52+s8+$0x0], $0xffff  }
0x345: {  	[tilespmem:$0x108A0] =	vst v48;
	v9 =	vld.idx.msk [tilespmem:v47+s8+$0x0], $0xffff  }
0x346: {  	[tilespmem:$0x10920] =	vst v12;
	v10 =	vld.idx.msk [tilespmem:v49+s8+$0x0], $0xffff  }
0x347: {  	[tilespmem:$0x109A0] =	vst v14;
	v53 =	vld.idx.msk [tilespmem:v50+s8+$0x0], $0xffff  }
0x348: {  	v54 =	vld.idx.msk [tilespmem:v51+s8+$0x0], $0xffff;
	[tilespmem:$0x107B0] =	vst v16  }
0x349: {  	v55 =	vor.u32 $0x5, v1;
	[tilespmem:$0x109C0] =	vst v8  }
0x34a: {  	v56 =	vor.u32 $0x6, v0;
	[tilespmem:$0x10830] =	vst v9  }
0x34b: {  	v0 =	vor.u32 $0x7, v0;
	[tilespmem:$0x108B0] =	vst v10  }
0x34c: {  	[tilespmem:$0x10930] =	vst v53  }
0x34d: {  	[tilespmem:$0x109B0] =	vst v54  }
0x34e: {  	v8 =	vld.idx.msk [tilespmem:v55+s8+$0x0], $0xffff  }
0x34f: {  	v9 =	vld.idx.msk [tilespmem:v56+s8+$0x0], $0xffff  }
0x350: {  	v57 =	vor.u32 $0x6, v1;
	v0 =	vld.idx.msk [tilespmem:v0+s8+$0x0], $0xffff  }
0x351: {  	v1 =	vor.u32 $0x7, v1;
	_ =	sdelay $0x2  }
0x352: {  	[tilespmem:$0x10A40] =	vst v9  }
0x353: {  	v58 =	vor.u32 $0x5, v2;
	[tilespmem:$0x10AC0] =	vst v0;
	v10 =	vld.idx.msk [tilespmem:v57+s8+$0x0], $0xffff  }
0x354: {  	v59 =	vor.u32 $0x6, v2;
	v1 =	vld.idx.msk [tilespmem:v1+s8+$0x0], $0xffff  }
0x355: {  	v2 =	vor.u32 $0x7, v2;
	_ =	sdelay $0x1  }
0x356: {  	[tilespmem:$0x109D0] =	vst v8  }
0x357: {  	v8 =	vld.idx.msk [tilespmem:v58+s8+$0x0], $0xffff;
	[tilespmem:$0x10A50] =	vst v10  }
0x358: {  	v60 =	vor.u32 $0x5, v3;
	[tilespmem:$0x10AD0] =	vst v1;
	v0 =	vld.idx.msk [tilespmem:v59+s8+$0x0], $0xffff  }
0x359: {  	v61 =	vor.u32 $0x6, v3;
	v2 =	vld.idx.msk [tilespmem:v2+s8+$0x0], $0xffff  }
0x35a: {  	v3 =	vor.u32 $0x7, v3;
	_ =	sdelay $0x1  }
0x35b: {  	[tilespmem:$0x109E0] =	vst v8  }
0x35c: {  	v8 =	vld.idx.msk [tilespmem:v60+s8+$0x0], $0xffff;
	[tilespmem:$0x10A60] =	vst v0  }
0x35d: {  	v62 =	vor.u32 $0x5, v4;
	[tilespmem:$0x10AE0] =	vst v2;
	v1 =	vld.idx.msk [tilespmem:v61+s8+$0x0], $0xffff  }
0x35e: {  	v63 =	vor.u32 $0x6, v4;
	v3 =	vld.idx.msk [tilespmem:v3+s8+$0x0], $0xffff  }
0x35f: {  	v4 =	vor.u32 $0x7, v4;
	_ =	sdelay $0x1  }
0x360: {  	[tilespmem:$0x109F0] =	vst v8  }
0x361: {  	v0 =	vld.idx.msk [tilespmem:v62+s8+$0x0], $0xffff;
	[tilespmem:$0x10A70] =	vst v1  }
0x362: {  	v9 =	vor.u32 $0x5, v36;
	[tilespmem:$0x10AF0] =	vst v3;
	v2 =	vld.idx.msk [tilespmem:v63+s8+$0x0], $0xffff  }
0x363: {  	v10 =	vor.u32 $0x6, v36;
	v4 =	vld.idx.msk [tilespmem:v4+s8+$0x0], $0xffff  }
0x364: {  	v5 =	vor.u32 $0x7, v36;
	_ =	sdelay $0x1  }
0x365: {  	[tilespmem:$0x10A00] =	vst v0  }
0x366: {  	v0 =	vld.idx.msk [tilespmem:v9+s8+$0x0], $0xffff;
	[tilespmem:$0x10A80] =	vst v2  }
0x367: {  	v11 =	vor.u32 $0x5, v42;
	[tilespmem:$0x10B00] =	vst v4;
	v2 =	vld.idx.msk [tilespmem:v10+s8+$0x0], $0xffff  }
0x368: {  	v12 =	vor.u32 $0x6, v42;
	v4 =	vld.idx.msk [tilespmem:v5+s8+$0x0], $0xffff  }
0x369: {  	v13 =	vor.u32 $0x7, v42;
	_ =	sdelay $0x1  }
0x36a: {  	[tilespmem:$0x10A10] =	vst v0  }
0x36b: {  	v0 =	vld.idx.msk [tilespmem:v11+s8+$0x0], $0xffff;
	[tilespmem:$0x10A90] =	vst v2  }
0x36c: {  	v14 =	vor.u32 $0x5, v46;
	[tilespmem:$0x10B10] =	vst v4;
	v2 =	vld.idx.msk [tilespmem:v12+s8+$0x0], $0xffff  }
0x36d: {  	v15 =	vor.u32 $0x6, v46;
	v4 =	vld.idx.msk [tilespmem:v13+s8+$0x0], $0xffff  }
0x36e: {  	v16 =	vor.u32 $0x7, v46;
	_ =	sdelay $0x1  }
0x36f: {  	[tilespmem:$0x10A20] =	vst v0  }
0x370: {  	v0 =	vld.idx.msk [tilespmem:v14+s8+$0x0], $0xffff;
	[tilespmem:$0x10AA0] =	vst v2  }
0x371: {  	[tilespmem:$0x10B20] =	vst v4;
	v17 =	vld.idx.msk [tilespmem:v15+s8+$0x0], $0xffff  }
0x372: {  	v18 =	vld.idx.msk [tilespmem:v16+s8+$0x0], $0xffff;
	_ =	sdelay $0x2  }
0x373: {  	[tilespmem:$0x10A30] =	vst v0  }
0x374: {  	[tilespmem:$0x10AB0] =	vst v17  }
0x375: {  	[tilespmem:$0x10B30] =	vst v18  }
0x376: {  	v0 =	vld [tilespmem:s15+$0x80];
	_ =	sdelay $0x4  }
0x377: {  	v19 =	vshll.u32 v0, $0x3  }
0x378: {  	v20 =	vld [tilespmem:s15+$0x90];
	v21 =	vor.u32 $0x1, v19;
	_ =	sdelay $0x1  }
0x379: {  	v22 =	vld [tilespmem:s15+$0xA0]  }
0x37a: {  	v4 =	vld [tilespmem:s15+$0xB0]  }
0x37b: {  	v24 =	vld.idx.msk [tilespmem:v19+s8+$0x0], $0xffff  }
0x37c: {  	v25 =	vshll.u32 v20, $0x3;
	v26 =	vld.idx.msk [tilespmem:v21+s8+$0x0], $0xffff  }
0x37d: {  	v23 =	vld [tilespmem:s15+$0xC0];
	v28 =	vor.u32 $0x1, v25  }
0x37e: {  	v27 =	vld [tilespmem:s15+$0xD0]  }
0x37f: {  	v29 =	vld [tilespmem:s15+$0xE0]  }
0x380: {  	v10 =	vld [tilespmem:s15+$0xF0];
	[tilespmem:$0x10B40] =	vst v24  }
0x381: {  	v6 =	vld.idx.msk [tilespmem:v25+s8+$0x0], $0xffff;
	[tilespmem:$0x10BC0] =	vst v26  }
0x382: {  	v3 =	vshll.u32 v22, $0x3;
	v0 =	vld.idx.msk [tilespmem:v28+s8+$0x0], $0xffff  }
0x383: {  	v30 =	vor.u32 $0x1, v3;
	_ =	sdelay $0x2  }
0x384: {  	[tilespmem:$0x10B50] =	vst v6  }
0x385: {  	v6 =	vld.idx.msk [tilespmem:v3+s8+$0x0], $0xffff;
	[tilespmem:$0x10BD0] =	vst v0  }
0x386: {  	v4 =	vshll.u32 v4, $0x3;
	v0 =	vld.idx.msk [tilespmem:v30+s8+$0x0], $0xffff  }
0x387: {  	v31 =	vor.u32 $0x1, v4;
	_ =	sdelay $0x2  }
0x388: {  	[tilespmem:$0x10B60] =	vst v6  }
0x389: {  	v6 =	vld.idx.msk [tilespmem:v4+s8+$0x0], $0xffff;
	[tilespmem:$0x10BE0] =	vst v0  }
0x38a: {  	v5 =	vshll.u32 v23, $0x3;
	v0 =	vld.idx.msk [tilespmem:v31+s8+$0x0], $0xffff  }
0x38b: {  	v32 =	vor.u32 $0x1, v5;
	_ =	sdelay $0x2  }
0x38c: {  	[tilespmem:$0x10B70] =	vst v6  }
0x38d: {  	v6 =	vld.idx.msk [tilespmem:v5+s8+$0x0], $0xffff;
	[tilespmem:$0x10BF0] =	vst v0  }
0x38e: {  	v2 =	vshll.u32 v27, $0x3;
	v0 =	vld.idx.msk [tilespmem:v32+s8+$0x0], $0xffff  }
0x38f: {  	v33 =	vor.u32 $0x1, v2  }
0x390: {  	v41 =	vor.u32 $0x6, v19  }
0x391: {  	v36 =	vor.u32 $0x2, v19  }
0x392: {  	v1 =	vor.u32 $0x7, v19;
	[tilespmem:$0x10B80] =	vst v6  }
0x393: {  	v6 =	vld.idx.msk [tilespmem:v2+s8+$0x0], $0xffff;
	[tilespmem:$0x10C00] =	vst v0  }
0x394: {  	v9 =	vshll.u32 v29, $0x3;
	v0 =	vld.idx.msk [tilespmem:v33+s8+$0x0], $0xffff  }
0x395: {  	v34 =	vor.u32 $0x1, v9;
	v14 =	vld.idx.msk [tilespmem:v41+s8+$0x0], $0xffff  }
0x396: {  	v46 =	vor.u32 $0x6, v25;
	v11 =	vld.idx.msk [tilespmem:v36+s8+$0x0], $0xffff  }
0x397: {  	v37 =	vor.u32 $0x3, v19;
	v1 =	vld.idx.msk [tilespmem:v1+s8+$0x0], $0xffff  }
0x398: {  	v7 =	vor.u32 $0x7, v25;
	[tilespmem:$0x10B90] =	vst v6  }
0x399: {  	v38 =	vor.u32 $0x4, v19;
	v6 =	vld.idx.msk [tilespmem:v9+s8+$0x0], $0xffff;
	[tilespmem:$0x10C10] =	vst v0  }
0x39a: {  	v35 =	vshll.u32 v10, $0x3;
	v40 =	vor.u32 $0x5, v19;
	[tilespmem:$0x10E40] =	vst v14;
	v8 =	vld.idx.msk [tilespmem:v34+s8+$0x0], $0xffff  }
0x39b: {  	v10 =	vor.u32 $0x1, v35;
	[tilespmem:$0x10C40] =	vst v11;
	v11 =	vld.idx.msk [tilespmem:v46+s8+$0x0], $0xffff  }
0x39c: {  	v51 =	vor.u32 $0x6, v3;
	v12 =	vld.idx.msk [tilespmem:v37+s8+$0x0], $0xffff;
	[tilespmem:$0x10EC0] =	vst v1  }
0x39d: {  	v42 =	vor.u32 $0x2, v25;
	v7 =	vld.idx.msk [tilespmem:v7+s8+$0x0], $0xffff  }
0x39e: {  	v43 =	vor.u32 $0x3, v25;
	[tilespmem:$0x10BA0] =	vst v6;
	v6 =	vld.idx.msk [tilespmem:v38+s8+$0x0], $0xffff  }
0x39f: {  	v44 =	vor.u32 $0x4, v25;
	[tilespmem:$0x10C20] =	vst v8;
	v8 =	vld.idx.msk [tilespmem:v40+s8+$0x0], $0xffff  }
0x3a0: {  	v45 =	vor.u32 $0x5, v25;
	v47 =	vor.u32 $0x2, v3;
	v48 =	vor.u32 $0x3, v3;
	[tilespmem:$0x10E50] =	vst v11;
	v10 =	vld.idx.msk [tilespmem:v10+s8+$0x0], $0xffff  }
0x3a1: {  	v49 =	vor.u32 $0x4, v3;
	v50 =	vor.u32 $0x5, v3;
	[tilespmem:$0x10CC0] =	vst v12;
	v3 =	vor.u32 $0x7, v3;
	v1 =	vld.idx.msk [tilespmem:v51+s8+$0x0], $0xffff  }
0x3a2: {  	v56 =	vor.u32 $0x6, v4;
	v15 =	vld.idx.msk [tilespmem:v42+s8+$0x0], $0xffff;
	[tilespmem:$0x10ED0] =	vst v7  }
0x3a3: {  	v16 =	vld.idx.msk [tilespmem:v43+s8+$0x0], $0xffff;
	[tilespmem:$0x10D40] =	vst v6  }
0x3a4: {  	v13 =	vld.idx.msk [tilespmem:v44+s8+$0x0], $0xffff;
	[tilespmem:$0x10DC0] =	vst v8  }
0x3a5: {  	[tilespmem:$0x10C30] =	vst v10;
	v10 =	vld.idx.msk [tilespmem:v45+s8+$0x0], $0xffff  }
0x3a6: {  	v52 =	vor.u32 $0x2, v4;
	v53 =	vor.u32 $0x3, v4;
	v3 =	vld.idx.msk [tilespmem:v3+s8+$0x0], $0xffff;
	[tilespmem:$0x10E60] =	vst v1  }
0x3a7: {  	v54 =	vor.u32 $0x4, v4;
	v55 =	vor.u32 $0x5, v4;
	[tilespmem:$0x10C50] =	vst v15;
	v4 =	vor.u32 $0x7, v4;
	v7 =	vld.idx.msk [tilespmem:v56+s8+$0x0], $0xffff  }
0x3a8: {  	v61 =	vor.u32 $0x6, v5;
	[tilespmem:$0x10CD0] =	vst v16;
	v12 =	vld.idx.msk [tilespmem:v47+s8+$0x0], $0xffff  }
0x3a9: {  	v6 =	vld.idx.msk [tilespmem:v48+s8+$0x0], $0xffff;
	[tilespmem:$0x10D50] =	vst v13  }
0x3aa: {  	v8 =	vld.idx.msk [tilespmem:v49+s8+$0x0], $0xffff;
	[tilespmem:$0x10DD0] =	vst v10  }
0x3ab: {  	[tilespmem:$0x10EE0] =	vst v3;
	v14 =	vld.idx.msk [tilespmem:v50+s8+$0x0], $0xffff  }
0x3ac: {  	v57 =	vor.u32 $0x2, v5;
	v58 =	vor.u32 $0x3, v5;
	v4 =	vld.idx.msk [tilespmem:v4+s8+$0x0], $0xffff;
	[tilespmem:$0x10E70] =	vst v7  }
0x3ad: {  	v59 =	vor.u32 $0x4, v5;
	v60 =	vor.u32 $0x5, v5;
	[tilespmem:$0x10C60] =	vst v12;
	v5 =	vor.u32 $0x7, v5;
	v3 =	vld.idx.msk [tilespmem:v61+s8+$0x0], $0xffff  }
0x3ae: {  	v19 =	vor.u32 $0x6, v2;
	v12 =	vld.idx.msk [tilespmem:v52+s8+$0x0], $0xffff;
	[tilespmem:$0x10CE0] =	vst v6  }
0x3af: {  	v13 =	vld.idx.msk [tilespmem:v53+s8+$0x0], $0xffff;
	[tilespmem:$0x10D60] =	vst v8  }
0x3b0: {  	v10 =	vld.idx.msk [tilespmem:v54+s8+$0x0], $0xffff;
	[tilespmem:$0x10DE0] =	vst v14  }
0x3b1: {  	[tilespmem:$0x10EF0] =	vst v4;
	v11 =	vld.idx.msk [tilespmem:v55+s8+$0x0], $0xffff  }
0x3b2: {  	v62 =	vor.u32 $0x2, v2;
	v63 =	vor.u32 $0x3, v2;
	v5 =	vld.idx.msk [tilespmem:v5+s8+$0x0], $0xffff;
	[tilespmem:$0x10E80] =	vst v3  }
0x3b3: {  	v17 =	vor.u32 $0x4, v2;
	v18 =	vor.u32 $0x5, v2;
	[tilespmem:$0x10C70] =	vst v12;
	v2 =	vor.u32 $0x7, v2;
	v4 =	vld.idx.msk [tilespmem:v19+s8+$0x0], $0xffff  }
0x3b4: {  	v24 =	vor.u32 $0x6, v9;
	v6 =	vld.idx.msk [tilespmem:v57+s8+$0x0], $0xffff;
	[tilespmem:$0x10CF0] =	vst v13  }
0x3b5: {  	v8 =	vld.idx.msk [tilespmem:v58+s8+$0x0], $0xffff;
	[tilespmem:$0x10D70] =	vst v10  }
0x3b6: {  	v16 =	vld.idx.msk [tilespmem:v59+s8+$0x0], $0xffff;
	[tilespmem:$0x10DF0] =	vst v11  }
0x3b7: {  	[tilespmem:$0x10F00] =	vst v5;
	v1 =	vld.idx.msk [tilespmem:v60+s8+$0x0], $0xffff  }
0x3b8: {  	v2 =	vld.idx.msk [tilespmem:v2+s8+$0x0], $0xffff;
	[tilespmem:$0x10E90] =	vst v4  }
0x3b9: {  	v25 =	vor.u32 $0x7, v9;
	v5 =	vld.idx.msk [tilespmem:v24+s8+$0x0], $0xffff;
	[tilespmem:$0x10C80] =	vst v6  }
0x3ba: {  	v6 =	vld.idx.msk [tilespmem:v62+s8+$0x0], $0xffff;
	[tilespmem:$0x10D00] =	vst v8  }
0x3bb: {  	v20 =	vor.u32 $0x2, v9;
	v10 =	vld.idx.msk [tilespmem:v63+s8+$0x0], $0xffff;
	[tilespmem:$0x10D80] =	vst v16  }
0x3bc: {  	v21 =	vor.u32 $0x3, v9;
	v11 =	vld.idx.msk [tilespmem:v17+s8+$0x0], $0xffff;
	[tilespmem:$0x10E00] =	vst v1  }
0x3bd: {  	v22 =	vor.u32 $0x4, v9;
	[tilespmem:$0x10F10] =	vst v2;
	v7 =	vld.idx.msk [tilespmem:v18+s8+$0x0], $0xffff  }
0x3be: {  	v23 =	vor.u32 $0x5, v9;
	v31 =	vld.idx.msk [tilespmem:v25+s8+$0x0], $0xffff;
	[tilespmem:$0x10EA0] =	vst v5  }
0x3bf: {  	v30 =	vor.u32 $0x6, v35;
	v39 =	vld.idx.msk [tilespmem:v35+s8+$0x0], $0xffff;
	[tilespmem:$0x10C90] =	vst v6  }
0x3c0: {  	v0 =	vor.u32 $0x7, v35;
	v6 =	vld.idx.msk [tilespmem:v20+s8+$0x0], $0xffff;
	[tilespmem:$0x10D10] =	vst v10  }
0x3c1: {  	v26 =	vor.u32 $0x2, v35;
	v10 =	vld.idx.msk [tilespmem:v21+s8+$0x0], $0xffff;
	[tilespmem:$0x10D90] =	vst v11  }
0x3c2: {  	v27 =	vor.u32 $0x3, v35;
	v1 =	vld.idx.msk [tilespmem:v22+s8+$0x0], $0xffff;
	[tilespmem:$0x10E10] =	vst v7  }
0x3c3: {  	v28 =	vor.u32 $0x4, v35;
	[tilespmem:$0x10F20] =	vst v31;
	v3 =	vld.idx.msk [tilespmem:v23+s8+$0x0], $0xffff  }
0x3c4: {  	v29 =	vor.u32 $0x5, v35;
	v2 =	vld.idx.msk [tilespmem:v30+s8+$0x0], $0xffff;
	[tilespmem:$0x10BB0] =	vst v39  }
0x3c5: {  	v0 =	vld.idx.msk [tilespmem:v0+s8+$0x0], $0xffff;
	[tilespmem:$0x10CA0] =	vst v6  }
0x3c6: {  	v32 =	vld.idx.msk [tilespmem:v26+s8+$0x0], $0xffff;
	[tilespmem:$0x10D20] =	vst v10  }
0x3c7: {  	v33 =	vld.idx.msk [tilespmem:v27+s8+$0x0], $0xffff;
	[tilespmem:$0x10DA0] =	vst v1  }
0x3c8: {  	v1 =	vld.idx.msk [tilespmem:v28+s8+$0x0], $0xffff;
	[tilespmem:$0x10E20] =	vst v3  }
0x3c9: {  	[tilespmem:$0x10EB0] =	vst v2;
	v3 =	vld.idx.msk [tilespmem:v29+s8+$0x0], $0xffff  }
0x3ca: {  	[tilespmem:$0x10F30] =	vst v0  }
0x3cb: {  	[tilespmem:$0x10CB0] =	vst v32  }
0x3cc: {  	[tilespmem:$0x10D30] =	vst v33  }
0x3cd: {  	[tilespmem:$0x10DB0] =	vst v1  }
0x3ce: {  	[tilespmem:$0x10E30] =	vst v3  }
0x3cf: {  	v0 =	vld [tilespmem:s15+$0x100];
	_ =	sdelay $0x4  }
0x3d0: {  	v34 =	vshll.u32 v0, $0x3  }
0x3d1: {  	v35 =	vld [tilespmem:s15+$0x110]  }
0x3d2: {  	v36 =	vor.u32 $0x1, v34  }
0x3d3: {  	v3 =	vld [tilespmem:s15+$0x120]  }
0x3d4: {  	v37 =	vld [tilespmem:s15+$0x130]  }
0x3d5: {  	v6 =	vld.idx.msk [tilespmem:v34+s8+$0x0], $0xffff  }
0x3d6: {  	v5 =	vld [tilespmem:s15+$0x140];
	v38 =	vshll.u32 v35, $0x3  }
0x3d7: {  	v39 =	vld.idx.msk [tilespmem:v36+s8+$0x0], $0xffff  }
0x3d8: {  	v40 =	vld [tilespmem:s15+$0x150];
	v41 =	vor.u32 $0x1, v38  }
0x3d9: {  	v9 =	vld [tilespmem:s15+$0x160]  }
0x3da: {  	v10 =	vld [tilespmem:s15+$0x170];
	[tilespmem:$0x10F40] =	vst v6  }
0x3db: {  	v6 =	vld.idx.msk [tilespmem:v38+s8+$0x0], $0xffff  }
0x3dc: {  	v3 =	vshll.u32 v3, $0x3;
	[tilespmem:$0x10FC0] =	vst v39  }
0x3dd: {  	v0 =	vld.idx.msk [tilespmem:v41+s8+$0x0], $0xffff  }
0x3de: {  	v42 =	vor.u32 $0x1, v3;
	_ =	sdelay $0x1  }
0x3df: {  	[tilespmem:$0x10F50] =	vst v6  }
0x3e0: {  	v6 =	vld.idx.msk [tilespmem:v3+s8+$0x0], $0xffff  }
0x3e1: {  	v4 =	vshll.u32 v37, $0x3;
	[tilespmem:$0x10FD0] =	vst v0  }
0x3e2: {  	v0 =	vld.idx.msk [tilespmem:v42+s8+$0x0], $0xffff  }
0x3e3: {  	v43 =	vor.u32 $0x1, v4;
	_ =	sdelay $0x1  }
0x3e4: {  	[tilespmem:$0x10F60] =	vst v6  }
0x3e5: {  	v6 =	vld.idx.msk [tilespmem:v4+s8+$0x0], $0xffff  }
0x3e6: {  	v5 =	vshll.u32 v5, $0x3;
	[tilespmem:$0x10FE0] =	vst v0  }
0x3e7: {  	v0 =	vld.idx.msk [tilespmem:v43+s8+$0x0], $0xffff  }
0x3e8: {  	v44 =	vor.u32 $0x1, v5;
	_ =	sdelay $0x1  }
0x3e9: {  	[tilespmem:$0x10F70] =	vst v6  }
0x3ea: {  	v6 =	vld.idx.msk [tilespmem:v5+s8+$0x0], $0xffff  }
0x3eb: {  	v2 =	vshll.u32 v40, $0x3;
	[tilespmem:$0x10FF0] =	vst v0  }
0x3ec: {  	v0 =	vld.idx.msk [tilespmem:v44+s8+$0x0], $0xffff  }
0x3ed: {  	v45 =	vor.u32 $0x1, v2;
	_ =	sdelay $0x1  }
0x3ee: {  	v52 =	vor.u32 $0x6, v34;
	[tilespmem:$0x10F80] =	vst v6  }
0x3ef: {  	v48 =	vor.u32 $0x2, v34;
	v6 =	vld.idx.msk [tilespmem:v2+s8+$0x0], $0xffff  }
0x3f0: {  	v9 =	vshll.u32 v9, $0x3;
	[tilespmem:$0x11000] =	vst v0  }
0x3f1: {  	v49 =	vor.u32 $0x3, v34;
	v0 =	vld.idx.msk [tilespmem:v45+s8+$0x0], $0xffff  }
0x3f2: {  	v46 =	vor.u32 $0x1, v9  }
0x3f3: {  	v1 =	vor.u32 $0x7, v34;
	v14 =	vld.idx.msk [tilespmem:v52+s8+$0x0], $0xffff  }
0x3f4: {  	v57 =	vor.u32 $0x6, v38;
	v11 =	vld.idx.msk [tilespmem:v48+s8+$0x0], $0xffff;
	[tilespmem:$0x10F90] =	vst v6  }
0x3f5: {  	v50 =	vor.u32 $0x4, v34;
	v6 =	vld.idx.msk [tilespmem:v9+s8+$0x0], $0xffff  }
0x3f6: {  	v47 =	vshll.u32 v10, $0x3;
	v12 =	vld.idx.msk [tilespmem:v49+s8+$0x0], $0xffff;
	[tilespmem:$0x11010] =	vst v0  }
0x3f7: {  	v51 =	vor.u32 $0x5, v34;
	v8 =	vld.idx.msk [tilespmem:v46+s8+$0x0], $0xffff  }
0x3f8: {  	v10 =	vor.u32 $0x1, v47;
	v1 =	vld.idx.msk [tilespmem:v1+s8+$0x0], $0xffff;
	[tilespmem:$0x11240] =	vst v14  }
0x3f9: {  	v7 =	vor.u32 $0x7, v38;
	[tilespmem:$0x11040] =	vst v11;
	v11 =	vld.idx.msk [tilespmem:v57+s8+$0x0], $0xffff  }
0x3fa: {  	v53 =	vor.u32 $0x2, v38;
	[tilespmem:$0x10FA0] =	vst v6;
	v6 =	vld.idx.msk [tilespmem:v50+s8+$0x0], $0xffff  }
0x3fb: {  	v54 =	vor.u32 $0x3, v38;
	[tilespmem:$0x110C0] =	vst v12;
	v13 =	vld.idx.msk [tilespmem:v47+s8+$0x0], $0xffff  }
0x3fc: {  	v55 =	vor.u32 $0x4, v38;
	[tilespmem:$0x11020] =	vst v8;
	v8 =	vld.idx.msk [tilespmem:v51+s8+$0x0], $0xffff  }
0x3fd: {  	v56 =	vor.u32 $0x5, v38;
	[tilespmem:$0x112C0] =	vst v1;
	v10 =	vld.idx.msk [tilespmem:v10+s8+$0x0], $0xffff  }
0x3fe: {  	v58 =	vor.u32 $0x2, v3;
	v59 =	vor.u32 $0x3, v3;
	v62 =	vor.u32 $0x6, v3;
	v7 =	vld.idx.msk [tilespmem:v7+s8+$0x0], $0xffff;
	[tilespmem:$0x11250] =	vst v11  }
0x3ff: {  	v60 =	vor.u32 $0x4, v3;
	v61 =	vor.u32 $0x5, v3;
	v15 =	vld.idx.msk [tilespmem:v53+s8+$0x0], $0xffff;
	v3 =	vor.u32 $0x7, v3;
	[tilespmem:$0x11140] =	vst v6  }
0x400: {  	v16 =	vld.idx.msk [tilespmem:v54+s8+$0x0], $0xffff;
	[tilespmem:$0x10FB0] =	vst v13  }
0x401: {  	v13 =	vld.idx.msk [tilespmem:v55+s8+$0x0], $0xffff;
	[tilespmem:$0x111C0] =	vst v8  }
0x402: {  	[tilespmem:$0x11030] =	vst v10;
	v10 =	vld.idx.msk [tilespmem:v56+s8+$0x0], $0xffff  }
0x403: {  	[tilespmem:$0x112D0] =	vst v7;
	v1 =	vld.idx.msk [tilespmem:v62+s8+$0x0], $0xffff  }
0x404: {  	v63 =	vor.u32 $0x2, v4;
	v17 =	vor.u32 $0x4, v4;
	v19 =	vor.u32 $0x6, v4;
	[tilespmem:$0x11050] =	vst v15;
	v3 =	vld.idx.msk [tilespmem:v3+s8+$0x0], $0xffff  }
0x405: {  	v18 =	vor.u32 $0x5, v4;
	[tilespmem:$0x110D0] =	vst v16;
	v16 =	vor.u32 $0x3, v4;
	v12 =	vld.idx.msk [tilespmem:v58+s8+$0x0], $0xffff;
	v4 =	vor.u32 $0x7, v4  }
0x406: {  	v6 =	vld.idx.msk [tilespmem:v59+s8+$0x0], $0xffff;
	[tilespmem:$0x11150] =	vst v13  }
0x407: {  	v8 =	vld.idx.msk [tilespmem:v60+s8+$0x0], $0xffff;
	[tilespmem:$0x111D0] =	vst v10  }
0x408: {  	[tilespmem:$0x11260] =	vst v1;
	v14 =	vld.idx.msk [tilespmem:v61+s8+$0x0], $0xffff  }
0x409: {  	v7 =	vld.idx.msk [tilespmem:v19+s8+$0x0], $0xffff;
	[tilespmem:$0x112E0] =	vst v3  }
0x40a: {  	v20 =	vor.u32 $0x2, v5;
	v21 =	vor.u32 $0x3, v5;
	v24 =	vor.u32 $0x6, v5;
	[tilespmem:$0x11060] =	vst v12;
	v4 =	vld.idx.msk [tilespmem:v4+s8+$0x0], $0xffff  }
0x40b: {  	v22 =	vor.u32 $0x4, v5;
	v23 =	vor.u32 $0x5, v5;
	v12 =	vld.idx.msk [tilespmem:v63+s8+$0x0], $0xffff;
	v5 =	vor.u32 $0x7, v5;
	[tilespmem:$0x110E0] =	vst v6  }
0x40c: {  	v13 =	vld.idx.msk [tilespmem:v16+s8+$0x0], $0xffff;
	[tilespmem:$0x11160] =	vst v8  }
0x40d: {  	v10 =	vld.idx.msk [tilespmem:v17+s8+$0x0], $0xffff;
	[tilespmem:$0x111E0] =	vst v14  }
0x40e: {  	[tilespmem:$0x11270] =	vst v7;
	v11 =	vld.idx.msk [tilespmem:v18+s8+$0x0], $0xffff  }
0x40f: {  	v3 =	vld.idx.msk [tilespmem:v24+s8+$0x0], $0xffff;
	[tilespmem:$0x112F0] =	vst v4  }
0x410: {  	v25 =	vor.u32 $0x2, v2;
	v26 =	vor.u32 $0x3, v2;
	v30 =	vor.u32 $0x6, v2;
	[tilespmem:$0x11070] =	vst v12;
	v5 =	vld.idx.msk [tilespmem:v5+s8+$0x0], $0xffff  }
0x411: {  	v28 =	vor.u32 $0x4, v2;
	v29 =	vor.u32 $0x5, v2;
	v2 =	vor.u32 $0x7, v2;
	v6 =	vld.idx.msk [tilespmem:v20+s8+$0x0], $0xffff;
	[tilespmem:$0x110F0] =	vst v13  }
0x412: {  	v8 =	vld.idx.msk [tilespmem:v21+s8+$0x0], $0xffff;
	[tilespmem:$0x11170] =	vst v10  }
0x413: {  	v27 =	vld.idx.msk [tilespmem:v22+s8+$0x0], $0xffff;
	[tilespmem:$0x111F0] =	vst v11  }
0x414: {  	[tilespmem:$0x11280] =	vst v3;
	v1 =	vld.idx.msk [tilespmem:v23+s8+$0x0], $0xffff  }
0x415: {  	v4 =	vld.idx.msk [tilespmem:v30+s8+$0x0], $0xffff;
	[tilespmem:$0x11300] =	vst v5  }
0x416: {  	v35 =	vor.u32 $0x6, v9;
	v2 =	vld.idx.msk [tilespmem:v2+s8+$0x0], $0xffff;
	[tilespmem:$0x11080] =	vst v6  }
0x417: {  	v36 =	vor.u32 $0x7, v9;
	v6 =	vld.idx.msk [tilespmem:v25+s8+$0x0], $0xffff;
	[tilespmem:$0x11100] =	vst v8  }
0x418: {  	v31 =	vor.u32 $0x2, v9;
	v10 =	vld.idx.msk [tilespmem:v26+s8+$0x0], $0xffff;
	[tilespmem:$0x11180] =	vst v27  }
0x419: {  	v32 =	vor.u32 $0x3, v9;
	v11 =	vld.idx.msk [tilespmem:v28+s8+$0x0], $0xffff;
	[tilespmem:$0x11200] =	vst v1  }
0x41a: {  	v33 =	vor.u32 $0x4, v9;
	[tilespmem:$0x11290] =	vst v4;
	v7 =	vld.idx.msk [tilespmem:v29+s8+$0x0], $0xffff  }
0x41b: {  	v34 =	vor.u32 $0x5, v9;
	v5 =	vld.idx.msk [tilespmem:v35+s8+$0x0], $0xffff;
	[tilespmem:$0x11310] =	vst v2  }
0x41c: {  	v41 =	vor.u32 $0x6, v47;
	v42 =	vld.idx.msk [tilespmem:v36+s8+$0x0], $0xffff;
	[tilespmem:$0x11090] =	vst v6  }
0x41d: {  	v0 =	vor.u32 $0x7, v47;
	v6 =	vld.idx.msk [tilespmem:v31+s8+$0x0], $0xffff;
	[tilespmem:$0x11110] =	vst v10  }
0x41e: {  	v37 =	vor.u32 $0x2, v47;
	v10 =	vld.idx.msk [tilespmem:v32+s8+$0x0], $0xffff;
	[tilespmem:$0x11190] =	vst v11  }
0x41f: {  	v38 =	vor.u32 $0x3, v47;
	v1 =	vld.idx.msk [tilespmem:v33+s8+$0x0], $0xffff;
	[tilespmem:$0x11210] =	vst v7  }
0x420: {  	v39 =	vor.u32 $0x4, v47;
	[tilespmem:$0x112A0] =	vst v5;
	v3 =	vld.idx.msk [tilespmem:v34+s8+$0x0], $0xffff  }
0x421: {  	v40 =	vor.u32 $0x5, v47;
	v2 =	vld.idx.msk [tilespmem:v41+s8+$0x0], $0xffff;
	[tilespmem:$0x11320] =	vst v42  }
0x422: {  	v0 =	vld.idx.msk [tilespmem:v0+s8+$0x0], $0xffff;
	[tilespmem:$0x110A0] =	vst v6  }
0x423: {  	v43 =	vld.idx.msk [tilespmem:v37+s8+$0x0], $0xffff;
	[tilespmem:$0x11120] =	vst v10  }
0x424: {  	v44 =	vld.idx.msk [tilespmem:v38+s8+$0x0], $0xffff;
	[tilespmem:$0x111A0] =	vst v1  }
0x425: {  	v1 =	vld.idx.msk [tilespmem:v39+s8+$0x0], $0xffff;
	[tilespmem:$0x11220] =	vst v3  }
0x426: {  	[tilespmem:$0x112B0] =	vst v2;
	v3 =	vld.idx.msk [tilespmem:v40+s8+$0x0], $0xffff  }
0x427: {  	[tilespmem:$0x11330] =	vst v0  }
0x428: {  	[tilespmem:$0x110B0] =	vst v43  }
0x429: {  	[tilespmem:$0x11130] =	vst v44  }
0x42a: {  	[tilespmem:$0x111B0] =	vst v1  }
0x42b: {  	[tilespmem:$0x11230] =	vst v3  }
0x42c: {  	v0 =	vld [tilespmem:s15+$0x180];
	_ =	sdelay $0x4  }
0x42d: {  	v45 =	vshll.u32 v0, $0x3  }
0x42e: {  	v46 =	vld [tilespmem:s15+$0x190]  }
0x42f: {  	v47 =	vor.u32 $0x1, v45  }
0x430: {  	v3 =	vld [tilespmem:s15+$0x1A0]  }
0x431: {  	v48 =	vld [tilespmem:s15+$0x1B0]  }
0x432: {  	v6 =	vld.idx.msk [tilespmem:v45+s8+$0x0], $0xffff  }
0x433: {  	v5 =	vld [tilespmem:s15+$0x1C0];
	v49 =	vshll.u32 v46, $0x3  }
0x434: {  	v50 =	vld.idx.msk [tilespmem:v47+s8+$0x0], $0xffff  }
0x435: {  	v51 =	vld [tilespmem:s15+$0x1D0];
	v52 =	vor.u32 $0x1, v49  }
0x436: {  	v9 =	vld [tilespmem:s15+$0x1E0]  }
0x437: {  	v10 =	vld [tilespmem:s15+$0x1F0];
	[tilespmem:$0x11340] =	vst v6  }
0x438: {  	v6 =	vld.idx.msk [tilespmem:v49+s8+$0x0], $0xffff  }
0x439: {  	v3 =	vshll.u32 v3, $0x3;
	[tilespmem:$0x113C0] =	vst v50  }
0x43a: {  	v0 =	vld.idx.msk [tilespmem:v52+s8+$0x0], $0xffff  }
0x43b: {  	v53 =	vor.u32 $0x1, v3;
	_ =	sdelay $0x1  }
0x43c: {  	[tilespmem:$0x11350] =	vst v6  }
0x43d: {  	v6 =	vld.idx.msk [tilespmem:v3+s8+$0x0], $0xffff  }
0x43e: {  	v4 =	vshll.u32 v48, $0x3;
	[tilespmem:$0x113D0] =	vst v0  }
0x43f: {  	v0 =	vld.idx.msk [tilespmem:v53+s8+$0x0], $0xffff  }
0x440: {  	v54 =	vor.u32 $0x1, v4;
	_ =	sdelay $0x1  }
0x441: {  	[tilespmem:$0x11360] =	vst v6  }
0x442: {  	v6 =	vld.idx.msk [tilespmem:v4+s8+$0x0], $0xffff  }
0x443: {  	v5 =	vshll.u32 v5, $0x3;
	[tilespmem:$0x113E0] =	vst v0  }
0x444: {  	v0 =	vld.idx.msk [tilespmem:v54+s8+$0x0], $0xffff  }
0x445: {  	v55 =	vor.u32 $0x1, v5;
	_ =	sdelay $0x1  }
0x446: {  	[tilespmem:$0x11370] =	vst v6  }
0x447: {  	v6 =	vld.idx.msk [tilespmem:v5+s8+$0x0], $0xffff  }
0x448: {  	v2 =	vshll.u32 v51, $0x3;
	[tilespmem:$0x113F0] =	vst v0  }
0x449: {  	v0 =	vld.idx.msk [tilespmem:v55+s8+$0x0], $0xffff  }
0x44a: {  	v56 =	vor.u32 $0x1, v2;
	_ =	sdelay $0x1  }
0x44b: {  	v62 =	vor.u32 $0x6, v45;
	[tilespmem:$0x11380] =	vst v6  }
0x44c: {  	v58 =	vor.u32 $0x2, v45;
	v6 =	vld.idx.msk [tilespmem:v2+s8+$0x0], $0xffff  }
0x44d: {  	v9 =	vshll.u32 v9, $0x3;
	[tilespmem:$0x11400] =	vst v0  }
0x44e: {  	v59 =	vor.u32 $0x3, v45;
	v0 =	vld.idx.msk [tilespmem:v56+s8+$0x0], $0xffff  }
0x44f: {  	v57 =	vor.u32 $0x1, v9  }
0x450: {  	v1 =	vor.u32 $0x7, v45;
	v14 =	vld.idx.msk [tilespmem:v62+s8+$0x0], $0xffff  }
0x451: {  	v23 =	vor.u32 $0x6, v49;
	v11 =	vld.idx.msk [tilespmem:v58+s8+$0x0], $0xffff;
	[tilespmem:$0x11390] =	vst v6  }
0x452: {  	v60 =	vor.u32 $0x4, v45;
	v6 =	vld.idx.msk [tilespmem:v9+s8+$0x0], $0xffff  }
0x453: {  	v12 =	vld.idx.msk [tilespmem:v59+s8+$0x0], $0xffff;
	[tilespmem:$0x11410] =	vst v0;
	v0 =	vshll.u32 v10, $0x3  }
0x454: {  	v61 =	vor.u32 $0x5, v45;
	v8 =	vld.idx.msk [tilespmem:v57+s8+$0x0], $0xffff  }
0x455: {  	v1 =	vld.idx.msk [tilespmem:v1+s8+$0x0], $0xffff;
	[tilespmem:$0x11640] =	vst v14;
	v10 =	vor.u32 $0x1, v0  }
0x456: {  	v7 =	vor.u32 $0x7, v49;
	[tilespmem:$0x11440] =	vst v11;
	v11 =	vld.idx.msk [tilespmem:v23+s8+$0x0], $0xffff  }
0x457: {  	v63 =	vor.u32 $0x2, v49;
	[tilespmem:$0x113A0] =	vst v6;
	v6 =	vld.idx.msk [tilespmem:v60+s8+$0x0], $0xffff  }
0x458: {  	v20 =	vor.u32 $0x3, v49;
	[tilespmem:$0x114C0] =	vst v12;
	v13 =	vld.idx.msk [tilespmem:v0+s8+$0x0], $0xffff  }
0x459: {  	v21 =	vor.u32 $0x4, v49;
	[tilespmem:$0x11420] =	vst v8;
	v8 =	vld.idx.msk [tilespmem:v61+s8+$0x0], $0xffff  }
0x45a: {  	v22 =	vor.u32 $0x5, v49;
	[tilespmem:$0x116C0] =	vst v1;
	v10 =	vld.idx.msk [tilespmem:v10+s8+$0x0], $0xffff  }
0x45b: {  	v24 =	vor.u32 $0x2, v3;
	v25 =	vor.u32 $0x3, v3;
	v28 =	vor.u32 $0x6, v3;
	v7 =	vld.idx.msk [tilespmem:v7+s8+$0x0], $0xffff;
	[tilespmem:$0x11650] =	vst v11  }
0x45c: {  	v26 =	vor.u32 $0x4, v3;
	v27 =	vor.u32 $0x5, v3;
	v15 =	vld.idx.msk [tilespmem:v63+s8+$0x0], $0xffff;
	v3 =	vor.u32 $0x7, v3;
	[tilespmem:$0x11540] =	vst v6  }
0x45d: {  	v16 =	vld.idx.msk [tilespmem:v20+s8+$0x0], $0xffff;
	[tilespmem:$0x113B0] =	vst v13  }
0x45e: {  	v13 =	vld.idx.msk [tilespmem:v21+s8+$0x0], $0xffff;
	[tilespmem:$0x115C0] =	vst v8  }
0x45f: {  	[tilespmem:$0x11430] =	vst v10;
	v10 =	vld.idx.msk [tilespmem:v22+s8+$0x0], $0xffff  }
0x460: {  	[tilespmem:$0x116D0] =	vst v7;
	v1 =	vld.idx.msk [tilespmem:v28+s8+$0x0], $0xffff  }
0x461: {  	v29 =	vor.u32 $0x2, v4;
	v30 =	vor.u32 $0x3, v4;
	v33 =	vor.u32 $0x6, v4;
	[tilespmem:$0x11450] =	vst v15;
	v3 =	vld.idx.msk [tilespmem:v3+s8+$0x0], $0xffff  }
0x462: {  	v31 =	vor.u32 $0x4, v4;
	v32 =	vor.u32 $0x5, v4;
	[tilespmem:$0x114D0] =	vst v16;
	v12 =	vld.idx.msk [tilespmem:v24+s8+$0x0], $0xffff;
	v4 =	vor.u32 $0x7, v4  }
0x463: {  	v6 =	vld.idx.msk [tilespmem:v25+s8+$0x0], $0xffff;
	[tilespmem:$0x11550] =	vst v13  }
0x464: {  	v8 =	vld.idx.msk [tilespmem:v26+s8+$0x0], $0xffff;
	[tilespmem:$0x115D0] =	vst v10  }
0x465: {  	[tilespmem:$0x11660] =	vst v1;
	v14 =	vld.idx.msk [tilespmem:v27+s8+$0x0], $0xffff  }
0x466: {  	v7 =	vld.idx.msk [tilespmem:v33+s8+$0x0], $0xffff;
	[tilespmem:$0x116E0] =	vst v3  }
0x467: {  	v34 =	vor.u32 $0x2, v5;
	v35 =	vor.u32 $0x3, v5;
	v38 =	vor.u32 $0x6, v5;
	[tilespmem:$0x11460] =	vst v12;
	v4 =	vld.idx.msk [tilespmem:v4+s8+$0x0], $0xffff  }
0x468: {  	v36 =	vor.u32 $0x4, v5;
	v37 =	vor.u32 $0x5, v5;
	v12 =	vld.idx.msk [tilespmem:v29+s8+$0x0], $0xffff;
	v5 =	vor.u32 $0x7, v5;
	[tilespmem:$0x114E0] =	vst v6  }
0x469: {  	v13 =	vld.idx.msk [tilespmem:v30+s8+$0x0], $0xffff;
	[tilespmem:$0x11560] =	vst v8  }
0x46a: {  	v10 =	vld.idx.msk [tilespmem:v31+s8+$0x0], $0xffff;
	[tilespmem:$0x115E0] =	vst v14  }
0x46b: {  	[tilespmem:$0x11670] =	vst v7;
	v11 =	vld.idx.msk [tilespmem:v32+s8+$0x0], $0xffff  }
0x46c: {  	v3 =	vld.idx.msk [tilespmem:v38+s8+$0x0], $0xffff;
	[tilespmem:$0x116F0] =	vst v4  }
0x46d: {  	v39 =	vor.u32 $0x2, v2;
	v40 =	vor.u32 $0x3, v2;
	v44 =	vor.u32 $0x6, v2;
	[tilespmem:$0x11470] =	vst v12;
	v5 =	vld.idx.msk [tilespmem:v5+s8+$0x0], $0xffff  }
0x46e: {  	v42 =	vor.u32 $0x4, v2;
	v43 =	vor.u32 $0x5, v2;
	v2 =	vor.u32 $0x7, v2;
	v6 =	vld.idx.msk [tilespmem:v34+s8+$0x0], $0xffff;
	[tilespmem:$0x114F0] =	vst v13  }
0x46f: {  	v8 =	vld.idx.msk [tilespmem:v35+s8+$0x0], $0xffff;
	[tilespmem:$0x11570] =	vst v10  }
0x470: {  	v41 =	vld.idx.msk [tilespmem:v36+s8+$0x0], $0xffff;
	[tilespmem:$0x115F0] =	vst v11  }
0x471: {  	[tilespmem:$0x11680] =	vst v3;
	v1 =	vld.idx.msk [tilespmem:v37+s8+$0x0], $0xffff  }
0x472: {  	v4 =	vld.idx.msk [tilespmem:v44+s8+$0x0], $0xffff;
	[tilespmem:$0x11700] =	vst v5  }
0x473: {  	v49 =	vor.u32 $0x6, v9;
	v2 =	vld.idx.msk [tilespmem:v2+s8+$0x0], $0xffff;
	[tilespmem:$0x11480] =	vst v6  }
0x474: {  	v50 =	vor.u32 $0x7, v9;
	v6 =	vld.idx.msk [tilespmem:v39+s8+$0x0], $0xffff;
	[tilespmem:$0x11500] =	vst v8  }
0x475: {  	v45 =	vor.u32 $0x2, v9;
	v10 =	vld.idx.msk [tilespmem:v40+s8+$0x0], $0xffff;
	[tilespmem:$0x11580] =	vst v41  }
0x476: {  	v46 =	vor.u32 $0x3, v9;
	v11 =	vld.idx.msk [tilespmem:v42+s8+$0x0], $0xffff;
	[tilespmem:$0x11600] =	vst v1  }
0x477: {  	v47 =	vor.u32 $0x4, v9;
	[tilespmem:$0x11690] =	vst v4;
	v7 =	vld.idx.msk [tilespmem:v43+s8+$0x0], $0xffff  }
0x478: {  	v48 =	vor.u32 $0x5, v9;
	v5 =	vld.idx.msk [tilespmem:v49+s8+$0x0], $0xffff;
	[tilespmem:$0x11710] =	vst v2  }
0x479: {  	v51 =	vor.u32 $0x2, v0;
	v52 =	vor.u32 $0x3, v0;
	v55 =	vor.u32 $0x6, v0;
	v56 =	vld.idx.msk [tilespmem:v50+s8+$0x0], $0xffff;
	[tilespmem:$0x11490] =	vst v6  }
0x47a: {  	v53 =	vor.u32 $0x4, v0;
	v54 =	vor.u32 $0x5, v0;
	v0 =	vor.u32 $0x7, v0;
	v6 =	vld.idx.msk [tilespmem:v45+s8+$0x0], $0xffff;
	[tilespmem:$0x11510] =	vst v10  }
0x47b: {  	v10 =	vld.idx.msk [tilespmem:v46+s8+$0x0], $0xffff;
	[tilespmem:$0x11590] =	vst v11  }
0x47c: {  	v1 =	vld.idx.msk [tilespmem:v47+s8+$0x0], $0xffff;
	[tilespmem:$0x11610] =	vst v7  }
0x47d: {  	[tilespmem:$0x116A0] =	vst v5;
	v3 =	vld.idx.msk [tilespmem:v48+s8+$0x0], $0xffff  }
0x47e: {  	v2 =	vld.idx.msk [tilespmem:v55+s8+$0x0], $0xffff;
	[tilespmem:$0x11720] =	vst v56  }
0x47f: {  	v0 =	vld.idx.msk [tilespmem:v0+s8+$0x0], $0xffff;
	[tilespmem:$0x114A0] =	vst v6  }
0x480: {  	v57 =	vld.idx.msk [tilespmem:v51+s8+$0x0], $0xffff;
	[tilespmem:$0x11520] =	vst v10  }
0x481: {  	v58 =	vld.idx.msk [tilespmem:v52+s8+$0x0], $0xffff;
	[tilespmem:$0x115A0] =	vst v1  }
0x482: {  	v1 =	vld.idx.msk [tilespmem:v53+s8+$0x0], $0xffff;
	[tilespmem:$0x11620] =	vst v3  }
0x483: {  	[tilespmem:$0x116B0] =	vst v2;
	v3 =	vld.idx.msk [tilespmem:v54+s8+$0x0], $0xffff  }
0x484: {  	[tilespmem:$0x11730] =	vst v0  }
0x485: {  	[tilespmem:$0x114B0] =	vst v57  }
0x486: {  	[tilespmem:$0x11530] =	vst v58  }
0x487: {  	[tilespmem:$0x115B0] =	vst v1  }
0x488: {  	[tilespmem:$0x11630] =	vst v3  }
0x489: {  	v0 =	vld [tilespmem:s15+$0x200];
	_ =	sdelay $0x4  }
0x48a: {  	v59 =	vshll.u32 v0, $0x3  }
0x48b: {  	v60 =	vld [tilespmem:s15+$0x210];
	v61 =	vor.u32 $0x1, v59;
	_ =	sdelay $0x1  }
0x48c: {  	v3 =	vld [tilespmem:s15+$0x220]  }
0x48d: {  	v62 =	vld [tilespmem:s15+$0x230]  }
0x48e: {  	v6 =	vld.idx.msk [tilespmem:v59+s8+$0x0], $0xffff  }
0x48f: {  	v63 =	vshll.u32 v60, $0x3;
	v14 =	vld.idx.msk [tilespmem:v61+s8+$0x0], $0xffff  }
0x490: {  	v5 =	vld [tilespmem:s15+$0x240];
	v16 =	vor.u32 $0x1, v63  }
0x491: {  	v15 =	vld [tilespmem:s15+$0x250]  }
0x492: {  	v9 =	vld [tilespmem:s15+$0x260]  }
0x493: {  	v10 =	vld [tilespmem:s15+$0x270];
	[tilespmem:$0x11740] =	vst v6  }
0x494: {  	v6 =	vld.idx.msk [tilespmem:v63+s8+$0x0], $0xffff;
	[tilespmem:$0x117C0] =	vst v14  }
0x495: {  	v3 =	vshll.u32 v3, $0x3;
	v0 =	vld.idx.msk [tilespmem:v16+s8+$0x0], $0xffff  }
0x496: {  	v17 =	vor.u32 $0x1, v3;
	_ =	sdelay $0x2  }
0x497: {  	[tilespmem:$0x11750] =	vst v6  }
0x498: {  	v6 =	vld.idx.msk [tilespmem:v3+s8+$0x0], $0xffff;
	[tilespmem:$0x117D0] =	vst v0  }
0x499: {  	v4 =	vshll.u32 v62, $0x3;
	v0 =	vld.idx.msk [tilespmem:v17+s8+$0x0], $0xffff  }
0x49a: {  	v18 =	vor.u32 $0x1, v4;
	_ =	sdelay $0x2  }
0x49b: {  	[tilespmem:$0x11760] =	vst v6  }
0x49c: {  	v6 =	vld.idx.msk [tilespmem:v4+s8+$0x0], $0xffff;
	[tilespmem:$0x117E0] =	vst v0  }
0x49d: {  	v5 =	vshll.u32 v5, $0x3;
	v0 =	vld.idx.msk [tilespmem:v18+s8+$0x0], $0xffff  }
0x49e: {  	v19 =	vor.u32 $0x1, v5;
	_ =	sdelay $0x2  }
0x49f: {  	[tilespmem:$0x11770] =	vst v6  }
0x4a0: {  	v21 =	vor.u32 $0x2, v59;
	v6 =	vld.idx.msk [tilespmem:v5+s8+$0x0], $0xffff;
	[tilespmem:$0x117F0] =	vst v0  }
0x4a1: {  	v2 =	vshll.u32 v15, $0x3;
	v0 =	vld.idx.msk [tilespmem:v19+s8+$0x0], $0xffff  }
0x4a2: {  	v20 =	vor.u32 $0x1, v2;
	_ =	sdelay $0x2  }
0x4a3: {  	v11 =	vld.idx.msk [tilespmem:v21+s8+$0x0], $0xffff;
	[tilespmem:$0x11780] =	vst v6  }
0x4a4: {  	v23 =	vor.u32 $0x2, v63;
	v6 =	vld.idx.msk [tilespmem:v2+s8+$0x0], $0xffff;
	[tilespmem:$0x11800] =	vst v0  }
0x4a5: {  	v9 =	vshll.u32 v9, $0x3;
	v0 =	vld.idx.msk [tilespmem:v20+s8+$0x0], $0xffff  }
0x4a6: {  	v22 =	vor.u32 $0x1, v9;
	_ =	sdelay $0x1  }
0x4a7: {  	[tilespmem:$0x11840] =	vst v11  }
0x4a8: {  	v11 =	vld.idx.msk [tilespmem:v23+s8+$0x0], $0xffff;
	[tilespmem:$0x11790] =	vst v6  }
0x4a9: {  	v25 =	vor.u32 $0x2, v3;
	v6 =	vld.idx.msk [tilespmem:v9+s8+$0x0], $0xffff;
	[tilespmem:$0x11810] =	vst v0  }
0x4aa: {  	v24 =	vshll.u32 v10, $0x3;
	v8 =	vld.idx.msk [tilespmem:v22+s8+$0x0], $0xffff  }
0x4ab: {  	v10 =	vor.u32 $0x1, v24;
	_ =	sdelay $0x1  }
0x4ac: {  	[tilespmem:$0x11850] =	vst v11  }
0x4ad: {  	v26 =	vld.idx.msk [tilespmem:v25+s8+$0x0], $0xffff;
	[tilespmem:$0x117A0] =	vst v6  }
0x4ae: {  	v6 =	vld.idx.msk [tilespmem:v24+s8+$0x0], $0xffff;
	[tilespmem:$0x11820] =	vst v8  }
0x4af: {  	v8 =	vld.idx.msk [tilespmem:v10+s8+$0x0], $0xffff  }
0x4b0: {  	v27 =	vor.u32 $0x2, v4  }
0x4b1: {  	v28 =	vor.u32 $0x3, v59  }
0x4b2: {  	v29 =	vor.u32 $0x4, v59;
	[tilespmem:$0x11860] =	vst v26  }
0x4b3: {  	v30 =	vor.u32 $0x5, v59;
	[tilespmem:$0x117B0] =	vst v6  }
0x4b4: {  	v31 =	vor.u32 $0x6, v59;
	[tilespmem:$0x11830] =	vst v8  }
0x4b5: {  	v1 =	vor.u32 $0x7, v59;
	v11 =	vld.idx.msk [tilespmem:v27+s8+$0x0], $0xffff  }
0x4b6: {  	v12 =	vld.idx.msk [tilespmem:v28+s8+$0x0], $0xffff  }
0x4b7: {  	v32 =	vor.u32 $0x3, v63;
	v6 =	vld.idx.msk [tilespmem:v29+s8+$0x0], $0xffff  }
0x4b8: {  	v33 =	vor.u32 $0x4, v63;
	v8 =	vld.idx.msk [tilespmem:v30+s8+$0x0], $0xffff  }
0x4b9: {  	v34 =	vor.u32 $0x5, v63;
	v10 =	vld.idx.msk [tilespmem:v31+s8+$0x0], $0xffff  }
0x4ba: {  	v35 =	vor.u32 $0x6, v63;
	v1 =	vld.idx.msk [tilespmem:v1+s8+$0x0], $0xffff  }
0x4bb: {  	v7 =	vor.u32 $0x7, v63;
	[tilespmem:$0x118C0] =	vst v12  }
0x4bc: {  	[tilespmem:$0x11940] =	vst v6;
	v12 =	vld.idx.msk [tilespmem:v32+s8+$0x0], $0xffff  }
0x4bd: {  	v36 =	vor.u32 $0x3, v3;
	[tilespmem:$0x119C0] =	vst v8;
	v37 =	vld.idx.msk [tilespmem:v33+s8+$0x0], $0xffff  }
0x4be: {  	v38 =	vor.u32 $0x4, v3;
	[tilespmem:$0x11A40] =	vst v10;
	v39 =	vld.idx.msk [tilespmem:v34+s8+$0x0], $0xffff  }
0x4bf: {  	v40 =	vor.u32 $0x5, v3;
	[tilespmem:$0x11AC0] =	vst v1;
	v41 =	vld.idx.msk [tilespmem:v35+s8+$0x0], $0xffff  }
0x4c0: {  	v42 =	vor.u32 $0x6, v3;
	v7 =	vld.idx.msk [tilespmem:v7+s8+$0x0], $0xffff  }
0x4c1: {  	v3 =	vor.u32 $0x7, v3;
	[tilespmem:$0x118D0] =	vst v12  }
0x4c2: {  	[tilespmem:$0x11950] =	vst v37;
	v6 =	vld.idx.msk [tilespmem:v36+s8+$0x0], $0xffff  }
0x4c3: {  	v43 =	vor.u32 $0x3, v4;
	[tilespmem:$0x119D0] =	vst v39;
	v8 =	vld.idx.msk [tilespmem:v38+s8+$0x0], $0xffff  }
0x4c4: {  	v44 =	vor.u32 $0x4, v4;
	[tilespmem:$0x11A50] =	vst v41;
	v10 =	vld.idx.msk [tilespmem:v40+s8+$0x0], $0xffff  }
0x4c5: {  	v45 =	vor.u32 $0x5, v4;
	[tilespmem:$0x11AD0] =	vst v7;
	v1 =	vld.idx.msk [tilespmem:v42+s8+$0x0], $0xffff  }
0x4c6: {  	v46 =	vor.u32 $0x6, v4;
	v3 =	vld.idx.msk [tilespmem:v3+s8+$0x0], $0xffff  }
0x4c7: {  	v4 =	vor.u32 $0x7, v4;
	[tilespmem:$0x118E0] =	vst v6  }
0x4c8: {  	v47 =	vor.u32 $0x2, v5;
	[tilespmem:$0x11960] =	vst v8;
	v12 =	vld.idx.msk [tilespmem:v43+s8+$0x0], $0xffff  }
0x4c9: {  	v48 =	vor.u32 $0x3, v5;
	[tilespmem:$0x119E0] =	vst v10;
	v13 =	vld.idx.msk [tilespmem:v44+s8+$0x0], $0xffff  }
0x4ca: {  	v49 =	vor.u32 $0x4, v5;
	[tilespmem:$0x11A60] =	vst v1;
	v14 =	vld.idx.msk [tilespmem:v45+s8+$0x0], $0xffff  }
0x4cb: {  	v50 =	vor.u32 $0x5, v5;
	[tilespmem:$0x11AE0] =	vst v3;
	v7 =	vld.idx.msk [tilespmem:v46+s8+$0x0], $0xffff  }
0x4cc: {  	v51 =	vor.u32 $0x6, v5;
	[tilespmem:$0x11870] =	vst v11;
	v4 =	vld.idx.msk [tilespmem:v4+s8+$0x0], $0xffff  }
0x4cd: {  	v5 =	vor.u32 $0x7, v5;
	v6 =	vld.idx.msk [tilespmem:v47+s8+$0x0], $0xffff;
	[tilespmem:$0x118F0] =	vst v12  }
0x4ce: {  	v52 =	vor.u32 $0x2, v2;
	[tilespmem:$0x11970] =	vst v13;
	v8 =	vld.idx.msk [tilespmem:v48+s8+$0x0], $0xffff  }
0x4cf: {  	v53 =	vor.u32 $0x3, v2;
	[tilespmem:$0x119F0] =	vst v14;
	v10 =	vld.idx.msk [tilespmem:v49+s8+$0x0], $0xffff  }
0x4d0: {  	v54 =	vor.u32 $0x4, v2;
	[tilespmem:$0x11A70] =	vst v7;
	v1 =	vld.idx.msk [tilespmem:v50+s8+$0x0], $0xffff  }
0x4d1: {  	v55 =	vor.u32 $0x5, v2;
	[tilespmem:$0x11AF0] =	vst v4;
	v3 =	vld.idx.msk [tilespmem:v51+s8+$0x0], $0xffff  }
0x4d2: {  	v56 =	vor.u32 $0x6, v2;
	[tilespmem:$0x11880] =	vst v6;
	v5 =	vld.idx.msk [tilespmem:v5+s8+$0x0], $0xffff  }
0x4d3: {  	v2 =	vor.u32 $0x7, v2;
	v6 =	vld.idx.msk [tilespmem:v52+s8+$0x0], $0xffff;
	[tilespmem:$0x11900] =	vst v8  }
0x4d4: {  	v57 =	vor.u32 $0x2, v9;
	[tilespmem:$0x11980] =	vst v10;
	v58 =	vld.idx.msk [tilespmem:v53+s8+$0x0], $0xffff  }
0x4d5: {  	v59 =	vor.u32 $0x3, v9;
	[tilespmem:$0x11A00] =	vst v1;
	v60 =	vld.idx.msk [tilespmem:v54+s8+$0x0], $0xffff  }
0x4d6: {  	v61 =	vor.u32 $0x4, v9;
	[tilespmem:$0x11A80] =	vst v3;
	v7 =	vld.idx.msk [tilespmem:v55+s8+$0x0], $0xffff  }
0x4d7: {  	v62 =	vor.u32 $0x5, v9;
	[tilespmem:$0x11B00] =	vst v5;
	v4 =	vld.idx.msk [tilespmem:v56+s8+$0x0], $0xffff  }
0x4d8: {  	v63 =	vor.u32 $0x6, v9;
	[tilespmem:$0x11890] =	vst v6;
	v2 =	vld.idx.msk [tilespmem:v2+s8+$0x0], $0xffff  }
0x4d9: {  	v13 =	vor.u32 $0x7, v9;
	v6 =	vld.idx.msk [tilespmem:v57+s8+$0x0], $0xffff;
	[tilespmem:$0x11910] =	vst v58  }
0x4da: {  	v14 =	vor.u32 $0x2, v24;
	[tilespmem:$0x11990] =	vst v60;
	v10 =	vld.idx.msk [tilespmem:v59+s8+$0x0], $0xffff  }
0x4db: {  	v15 =	vor.u32 $0x3, v24;
	[tilespmem:$0x11A10] =	vst v7;
	v1 =	vld.idx.msk [tilespmem:v61+s8+$0x0], $0xffff  }
0x4dc: {  	v16 =	vor.u32 $0x4, v24;
	[tilespmem:$0x11A90] =	vst v4;
	v3 =	vld.idx.msk [tilespmem:v62+s8+$0x0], $0xffff  }
0x4dd: {  	v17 =	vor.u32 $0x5, v24;
	[tilespmem:$0x11B10] =	vst v2;
	v5 =	vld.idx.msk [tilespmem:v63+s8+$0x0], $0xffff  }
0x4de: {  	v18 =	vor.u32 $0x6, v24;
	[tilespmem:$0x118A0] =	vst v6;
	v19 =	vld.idx.msk [tilespmem:v13+s8+$0x0], $0xffff  }
0x4df: {  	v0 =	vor.u32 $0x7, v24;
	v20 =	vld.idx.msk [tilespmem:v14+s8+$0x0], $0xffff;
	[tilespmem:$0x11920] =	vst v10  }
0x4e0: {  	[tilespmem:$0x119A0] =	vst v1;
	v21 =	vld.idx.msk [tilespmem:v15+s8+$0x0], $0xffff  }
0x4e1: {  	[tilespmem:$0x11A20] =	vst v3;
	v1 =	vld.idx.msk [tilespmem:v16+s8+$0x0], $0xffff  }
0x4e2: {  	[tilespmem:$0x11AA0] =	vst v5;
	v3 =	vld.idx.msk [tilespmem:v17+s8+$0x0], $0xffff  }
0x4e3: {  	[tilespmem:$0x11B20] =	vst v19;
	v2 =	vld.idx.msk [tilespmem:v18+s8+$0x0], $0xffff  }
0x4e4: {  	[tilespmem:$0x118B0] =	vst v20;
	v0 =	vld.idx.msk [tilespmem:v0+s8+$0x0], $0xffff  }
0x4e5: {  	[tilespmem:$0x11930] =	vst v21  }
0x4e6: {  	[tilespmem:$0x119B0] =	vst v1  }
0x4e7: {  	[tilespmem:$0x11A30] =	vst v3  }
0x4e8: {  	[tilespmem:$0x11AB0] =	vst v2  }
0x4e9: {  	[tilespmem:$0x11B30] =	vst v0  }
0x4ea: {  	v0 =	vld [tilespmem:s15+$0x280];
	_ =	sdelay $0x4  }
0x4eb: {  	v22 =	vshll.u32 v0, $0x3  }
0x4ec: {  	v23 =	vld [tilespmem:s15+$0x290];
	v24 =	vor.u32 $0x1, v22;
	_ =	sdelay $0x1  }
0x4ed: {  	v3 =	vld [tilespmem:s15+$0x2A0]  }
0x4ee: {  	v25 =	vld [tilespmem:s15+$0x2B0]  }
0x4ef: {  	v6 =	vld.idx.msk [tilespmem:v22+s8+$0x0], $0xffff  }
0x4f0: {  	v26 =	vshll.u32 v23, $0x3;
	v27 =	vld.idx.msk [tilespmem:v24+s8+$0x0], $0xffff  }
0x4f1: {  	v5 =	vld [tilespmem:s15+$0x2C0];
	v29 =	vor.u32 $0x1, v26  }
0x4f2: {  	v28 =	vld [tilespmem:s15+$0x2D0]  }
0x4f3: {  	v9 =	vld [tilespmem:s15+$0x2E0]  }
0x4f4: {  	v10 =	vld [tilespmem:s15+$0x2F0];
	[tilespmem:$0x11B40] =	vst v6  }
0x4f5: {  	v6 =	vld.idx.msk [tilespmem:v26+s8+$0x0], $0xffff;
	[tilespmem:$0x11BC0] =	vst v27  }
0x4f6: {  	v3 =	vshll.u32 v3, $0x3;
	v0 =	vld.idx.msk [tilespmem:v29+s8+$0x0], $0xffff  }
0x4f7: {  	v30 =	vor.u32 $0x1, v3;
	_ =	sdelay $0x2  }
0x4f8: {  	[tilespmem:$0x11B50] =	vst v6  }
0x4f9: {  	v6 =	vld.idx.msk [tilespmem:v3+s8+$0x0], $0xffff;
	[tilespmem:$0x11BD0] =	vst v0  }
0x4fa: {  	v4 =	vshll.u32 v25, $0x3;
	v0 =	vld.idx.msk [tilespmem:v30+s8+$0x0], $0xffff  }
0x4fb: {  	v31 =	vor.u32 $0x1, v4;
	_ =	sdelay $0x2  }
0x4fc: {  	[tilespmem:$0x11B60] =	vst v6  }
0x4fd: {  	v6 =	vld.idx.msk [tilespmem:v4+s8+$0x0], $0xffff;
	[tilespmem:$0x11BE0] =	vst v0  }
0x4fe: {  	v5 =	vshll.u32 v5, $0x3;
	v0 =	vld.idx.msk [tilespmem:v31+s8+$0x0], $0xffff  }
0x4ff: {  	v32 =	vor.u32 $0x1, v5;
	_ =	sdelay $0x2  }
0x500: {  	[tilespmem:$0x11B70] =	vst v6  }
0x501: {  	v6 =	vld.idx.msk [tilespmem:v5+s8+$0x0], $0xffff;
	[tilespmem:$0x11BF0] =	vst v0  }
0x502: {  	v2 =	vshll.u32 v28, $0x3;
	v0 =	vld.idx.msk [tilespmem:v32+s8+$0x0], $0xffff  }
0x503: {  	v33 =	vor.u32 $0x1, v2  }
0x504: {  	v41 =	vor.u32 $0x6, v22  }
0x505: {  	v36 =	vor.u32 $0x2, v22  }
0x506: {  	v1 =	vor.u32 $0x7, v22;
	[tilespmem:$0x11B80] =	vst v6  }
0x507: {  	v6 =	vld.idx.msk [tilespmem:v2+s8+$0x0], $0xffff;
	[tilespmem:$0x11C00] =	vst v0  }
0x508: {  	v9 =	vshll.u32 v9, $0x3;
	v0 =	vld.idx.msk [tilespmem:v33+s8+$0x0], $0xffff  }
0x509: {  	v34 =	vor.u32 $0x1, v9;
	v14 =	vld.idx.msk [tilespmem:v41+s8+$0x0], $0xffff  }
0x50a: {  	v46 =	vor.u32 $0x6, v26;
	v11 =	vld.idx.msk [tilespmem:v36+s8+$0x0], $0xffff  }
0x50b: {  	v37 =	vor.u32 $0x3, v22;
	v1 =	vld.idx.msk [tilespmem:v1+s8+$0x0], $0xffff  }
0x50c: {  	v7 =	vor.u32 $0x7, v26;
	[tilespmem:$0x11B90] =	vst v6  }
0x50d: {  	v38 =	vor.u32 $0x4, v22;
	v6 =	vld.idx.msk [tilespmem:v9+s8+$0x0], $0xffff;
	[tilespmem:$0x11C10] =	vst v0  }
0x50e: {  	v35 =	vshll.u32 v10, $0x3;
	v40 =	vor.u32 $0x5, v22;
	[tilespmem:$0x11E40] =	vst v14;
	v8 =	vld.idx.msk [tilespmem:v34+s8+$0x0], $0xffff  }
0x50f: {  	v10 =	vor.u32 $0x1, v35;
	[tilespmem:$0x11C40] =	vst v11;
	v11 =	vld.idx.msk [tilespmem:v46+s8+$0x0], $0xffff  }
0x510: {  	v51 =	vor.u32 $0x6, v3;
	v12 =	vld.idx.msk [tilespmem:v37+s8+$0x0], $0xffff;
	[tilespmem:$0x11EC0] =	vst v1  }
0x511: {  	v42 =	vor.u32 $0x2, v26;
	v7 =	vld.idx.msk [tilespmem:v7+s8+$0x0], $0xffff  }
0x512: {  	v43 =	vor.u32 $0x3, v26;
	[tilespmem:$0x11BA0] =	vst v6;
	v6 =	vld.idx.msk [tilespmem:v38+s8+$0x0], $0xffff  }
0x513: {  	v44 =	vor.u32 $0x4, v26;
	[tilespmem:$0x11C20] =	vst v8;
	v8 =	vld.idx.msk [tilespmem:v40+s8+$0x0], $0xffff  }
0x514: {  	v45 =	vor.u32 $0x5, v26;
	v47 =	vor.u32 $0x2, v3;
	v48 =	vor.u32 $0x3, v3;
	[tilespmem:$0x11E50] =	vst v11;
	v10 =	vld.idx.msk [tilespmem:v10+s8+$0x0], $0xffff  }
0x515: {  	v49 =	vor.u32 $0x4, v3;
	v50 =	vor.u32 $0x5, v3;
	[tilespmem:$0x11CC0] =	vst v12;
	v3 =	vor.u32 $0x7, v3;
	v1 =	vld.idx.msk [tilespmem:v51+s8+$0x0], $0xffff  }
0x516: {  	v56 =	vor.u32 $0x6, v4;
	v15 =	vld.idx.msk [tilespmem:v42+s8+$0x0], $0xffff;
	[tilespmem:$0x11ED0] =	vst v7  }
0x517: {  	v16 =	vld.idx.msk [tilespmem:v43+s8+$0x0], $0xffff;
	[tilespmem:$0x11D40] =	vst v6  }
0x518: {  	v13 =	vld.idx.msk [tilespmem:v44+s8+$0x0], $0xffff;
	[tilespmem:$0x11DC0] =	vst v8  }
0x519: {  	[tilespmem:$0x11C30] =	vst v10;
	v10 =	vld.idx.msk [tilespmem:v45+s8+$0x0], $0xffff  }
0x51a: {  	v52 =	vor.u32 $0x2, v4;
	v53 =	vor.u32 $0x3, v4;
	v3 =	vld.idx.msk [tilespmem:v3+s8+$0x0], $0xffff;
	[tilespmem:$0x11E60] =	vst v1  }
0x51b: {  	v54 =	vor.u32 $0x4, v4;
	v55 =	vor.u32 $0x5, v4;
	[tilespmem:$0x11C50] =	vst v15;
	v4 =	vor.u32 $0x7, v4;
	v7 =	vld.idx.msk [tilespmem:v56+s8+$0x0], $0xffff  }
0x51c: {  	v61 =	vor.u32 $0x6, v5;
	[tilespmem:$0x11CD0] =	vst v16;
	v12 =	vld.idx.msk [tilespmem:v47+s8+$0x0], $0xffff  }
0x51d: {  	v6 =	vld.idx.msk [tilespmem:v48+s8+$0x0], $0xffff;
	[tilespmem:$0x11D50] =	vst v13  }
0x51e: {  	v8 =	vld.idx.msk [tilespmem:v49+s8+$0x0], $0xffff;
	[tilespmem:$0x11DD0] =	vst v10  }
0x51f: {  	[tilespmem:$0x11EE0] =	vst v3;
	v14 =	vld.idx.msk [tilespmem:v50+s8+$0x0], $0xffff  }
0x520: {  	v57 =	vor.u32 $0x2, v5;
	v58 =	vor.u32 $0x3, v5;
	v4 =	vld.idx.msk [tilespmem:v4+s8+$0x0], $0xffff;
	[tilespmem:$0x11E70] =	vst v7  }
0x521: {  	v59 =	vor.u32 $0x4, v5;
	v60 =	vor.u32 $0x5, v5;
	[tilespmem:$0x11C60] =	vst v12;
	v5 =	vor.u32 $0x7, v5;
	v3 =	vld.idx.msk [tilespmem:v61+s8+$0x0], $0xffff  }
0x522: {  	v19 =	vor.u32 $0x6, v2;
	v12 =	vld.idx.msk [tilespmem:v52+s8+$0x0], $0xffff;
	[tilespmem:$0x11CE0] =	vst v6  }
0x523: {  	v13 =	vld.idx.msk [tilespmem:v53+s8+$0x0], $0xffff;
	[tilespmem:$0x11D60] =	vst v8  }
0x524: {  	v10 =	vld.idx.msk [tilespmem:v54+s8+$0x0], $0xffff;
	[tilespmem:$0x11DE0] =	vst v14  }
0x525: {  	[tilespmem:$0x11EF0] =	vst v4;
	v11 =	vld.idx.msk [tilespmem:v55+s8+$0x0], $0xffff  }
0x526: {  	v62 =	vor.u32 $0x2, v2;
	v63 =	vor.u32 $0x3, v2;
	v5 =	vld.idx.msk [tilespmem:v5+s8+$0x0], $0xffff;
	[tilespmem:$0x11E80] =	vst v3  }
0x527: {  	v17 =	vor.u32 $0x4, v2;
	v18 =	vor.u32 $0x5, v2;
	[tilespmem:$0x11C70] =	vst v12;
	v2 =	vor.u32 $0x7, v2;
	v4 =	vld.idx.msk [tilespmem:v19+s8+$0x0], $0xffff  }
0x528: {  	v24 =	vor.u32 $0x6, v9;
	v6 =	vld.idx.msk [tilespmem:v57+s8+$0x0], $0xffff;
	[tilespmem:$0x11CF0] =	vst v13  }
0x529: {  	v8 =	vld.idx.msk [tilespmem:v58+s8+$0x0], $0xffff;
	[tilespmem:$0x11D70] =	vst v10  }
0x52a: {  	v16 =	vld.idx.msk [tilespmem:v59+s8+$0x0], $0xffff;
	[tilespmem:$0x11DF0] =	vst v11  }
0x52b: {  	[tilespmem:$0x11F00] =	vst v5;
	v1 =	vld.idx.msk [tilespmem:v60+s8+$0x0], $0xffff  }
0x52c: {  	v2 =	vld.idx.msk [tilespmem:v2+s8+$0x0], $0xffff;
	[tilespmem:$0x11E90] =	vst v4  }
0x52d: {  	v25 =	vor.u32 $0x7, v9;
	v5 =	vld.idx.msk [tilespmem:v24+s8+$0x0], $0xffff;
	[tilespmem:$0x11C80] =	vst v6  }
0x52e: {  	v6 =	vld.idx.msk [tilespmem:v62+s8+$0x0], $0xffff;
	[tilespmem:$0x11D00] =	vst v8  }
0x52f: {  	v20 =	vor.u32 $0x2, v9;
	v10 =	vld.idx.msk [tilespmem:v63+s8+$0x0], $0xffff;
	[tilespmem:$0x11D80] =	vst v16  }
0x530: {  	v21 =	vor.u32 $0x3, v9;
	v11 =	vld.idx.msk [tilespmem:v17+s8+$0x0], $0xffff;
	[tilespmem:$0x11E00] =	vst v1  }
0x531: {  	v22 =	vor.u32 $0x4, v9;
	[tilespmem:$0x11F10] =	vst v2;
	v7 =	vld.idx.msk [tilespmem:v18+s8+$0x0], $0xffff  }
0x532: {  	v23 =	vor.u32 $0x5, v9;
	v31 =	vld.idx.msk [tilespmem:v25+s8+$0x0], $0xffff;
	[tilespmem:$0x11EA0] =	vst v5  }
0x533: {  	v30 =	vor.u32 $0x6, v35;
	v39 =	vld.idx.msk [tilespmem:v35+s8+$0x0], $0xffff;
	[tilespmem:$0x11C90] =	vst v6  }
0x534: {  	v0 =	vor.u32 $0x7, v35;
	v6 =	vld.idx.msk [tilespmem:v20+s8+$0x0], $0xffff;
	[tilespmem:$0x11D10] =	vst v10  }
0x535: {  	v26 =	vor.u32 $0x2, v35;
	v10 =	vld.idx.msk [tilespmem:v21+s8+$0x0], $0xffff;
	[tilespmem:$0x11D90] =	vst v11  }
0x536: {  	v27 =	vor.u32 $0x3, v35;
	v1 =	vld.idx.msk [tilespmem:v22+s8+$0x0], $0xffff;
	[tilespmem:$0x11E10] =	vst v7  }
0x537: {  	v28 =	vor.u32 $0x4, v35;
	[tilespmem:$0x11F20] =	vst v31;
	v3 =	vld.idx.msk [tilespmem:v23+s8+$0x0], $0xffff  }
0x538: {  	v29 =	vor.u32 $0x5, v35;
	v2 =	vld.idx.msk [tilespmem:v30+s8+$0x0], $0xffff;
	[tilespmem:$0x11BB0] =	vst v39  }
0x539: {  	v0 =	vld.idx.msk [tilespmem:v0+s8+$0x0], $0xffff;
	[tilespmem:$0x11CA0] =	vst v6  }
0x53a: {  	v32 =	vld.idx.msk [tilespmem:v26+s8+$0x0], $0xffff;
	[tilespmem:$0x11D20] =	vst v10  }
0x53b: {  	v33 =	vld.idx.msk [tilespmem:v27+s8+$0x0], $0xffff;
	[tilespmem:$0x11DA0] =	vst v1  }
0x53c: {  	v1 =	vld.idx.msk [tilespmem:v28+s8+$0x0], $0xffff;
	[tilespmem:$0x11E20] =	vst v3  }
0x53d: {  	[tilespmem:$0x11EB0] =	vst v2;
	v3 =	vld.idx.msk [tilespmem:v29+s8+$0x0], $0xffff  }
0x53e: {  	[tilespmem:$0x11F30] =	vst v0  }
0x53f: {  	[tilespmem:$0x11CB0] =	vst v32  }
0x540: {  	[tilespmem:$0x11D30] =	vst v33  }
0x541: {  	[tilespmem:$0x11DB0] =	vst v1  }
0x542: {  	[tilespmem:$0x11E30] =	vst v3  }
0x543: {  	v0 =	vld [tilespmem:s15+$0x300];
	_ =	sdelay $0x4  }
0x544: {  	v34 =	vshll.u32 v0, $0x3  }
0x545: {  	v35 =	vld [tilespmem:s15+$0x310]  }
0x546: {  	v36 =	vor.u32 $0x1, v34  }
0x547: {  	v3 =	vld [tilespmem:s15+$0x320]  }
0x548: {  	v37 =	vld [tilespmem:s15+$0x330]  }
0x549: {  	v6 =	vld.idx.msk [tilespmem:v34+s8+$0x0], $0xffff  }
0x54a: {  	v5 =	vld [tilespmem:s15+$0x340];
	v38 =	vshll.u32 v35, $0x3  }
0x54b: {  	v39 =	vld.idx.msk [tilespmem:v36+s8+$0x0], $0xffff  }
0x54c: {  	v40 =	vld [tilespmem:s15+$0x350];
	v41 =	vor.u32 $0x1, v38  }
0x54d: {  	v9 =	vld [tilespmem:s15+$0x360]  }
0x54e: {  	v10 =	vld [tilespmem:s15+$0x370];
	[tilespmem:$0x11F40] =	vst v6  }
0x54f: {  	v6 =	vld.idx.msk [tilespmem:v38+s8+$0x0], $0xffff  }
0x550: {  	v3 =	vshll.u32 v3, $0x3;
	[tilespmem:$0x11FC0] =	vst v39  }
0x551: {  	v0 =	vld.idx.msk [tilespmem:v41+s8+$0x0], $0xffff  }
0x552: {  	v42 =	vor.u32 $0x1, v3;
	_ =	sdelay $0x1  }
0x553: {  	[tilespmem:$0x11F50] =	vst v6  }
0x554: {  	v6 =	vld.idx.msk [tilespmem:v3+s8+$0x0], $0xffff  }
0x555: {  	v4 =	vshll.u32 v37, $0x3;
	[tilespmem:$0x11FD0] =	vst v0  }
0x556: {  	v0 =	vld.idx.msk [tilespmem:v42+s8+$0x0], $0xffff  }
0x557: {  	v43 =	vor.u32 $0x1, v4;
	_ =	sdelay $0x1  }
0x558: {  	[tilespmem:$0x11F60] =	vst v6  }
0x559: {  	v6 =	vld.idx.msk [tilespmem:v4+s8+$0x0], $0xffff  }
0x55a: {  	v5 =	vshll.u32 v5, $0x3;
	[tilespmem:$0x11FE0] =	vst v0  }
0x55b: {  	v0 =	vld.idx.msk [tilespmem:v43+s8+$0x0], $0xffff  }
0x55c: {  	v44 =	vor.u32 $0x1, v5;
	_ =	sdelay $0x1  }
0x55d: {  	[tilespmem:$0x11F70] =	vst v6  }
0x55e: {  	v6 =	vld.idx.msk [tilespmem:v5+s8+$0x0], $0xffff  }
0x55f: {  	v2 =	vshll.u32 v40, $0x3;
	[tilespmem:$0x11FF0] =	vst v0  }
0x560: {  	v0 =	vld.idx.msk [tilespmem:v44+s8+$0x0], $0xffff  }
0x561: {  	v45 =	vor.u32 $0x1, v2;
	_ =	sdelay $0x1  }
0x562: {  	v52 =	vor.u32 $0x6, v34;
	[tilespmem:$0x11F80] =	vst v6  }
0x563: {  	v48 =	vor.u32 $0x2, v34;
	v6 =	vld.idx.msk [tilespmem:v2+s8+$0x0], $0xffff  }
0x564: {  	v9 =	vshll.u32 v9, $0x3;
	[tilespmem:$0x12000] =	vst v0  }
0x565: {  	v49 =	vor.u32 $0x3, v34;
	v0 =	vld.idx.msk [tilespmem:v45+s8+$0x0], $0xffff  }
0x566: {  	v46 =	vor.u32 $0x1, v9  }
0x567: {  	v1 =	vor.u32 $0x7, v34;
	v14 =	vld.idx.msk [tilespmem:v52+s8+$0x0], $0xffff  }
0x568: {  	v57 =	vor.u32 $0x6, v38;
	v11 =	vld.idx.msk [tilespmem:v48+s8+$0x0], $0xffff;
	[tilespmem:$0x11F90] =	vst v6  }
0x569: {  	v50 =	vor.u32 $0x4, v34;
	v6 =	vld.idx.msk [tilespmem:v9+s8+$0x0], $0xffff  }
0x56a: {  	v47 =	vshll.u32 v10, $0x3;
	v12 =	vld.idx.msk [tilespmem:v49+s8+$0x0], $0xffff;
	[tilespmem:$0x12010] =	vst v0  }
0x56b: {  	v51 =	vor.u32 $0x5, v34;
	v8 =	vld.idx.msk [tilespmem:v46+s8+$0x0], $0xffff  }
0x56c: {  	v10 =	vor.u32 $0x1, v47;
	v1 =	vld.idx.msk [tilespmem:v1+s8+$0x0], $0xffff;
	[tilespmem:$0x12240] =	vst v14  }
0x56d: {  	v7 =	vor.u32 $0x7, v38;
	[tilespmem:$0x12040] =	vst v11;
	v11 =	vld.idx.msk [tilespmem:v57+s8+$0x0], $0xffff  }
0x56e: {  	v53 =	vor.u32 $0x2, v38;
	[tilespmem:$0x11FA0] =	vst v6;
	v6 =	vld.idx.msk [tilespmem:v50+s8+$0x0], $0xffff  }
0x56f: {  	v54 =	vor.u32 $0x3, v38;
	[tilespmem:$0x120C0] =	vst v12;
	v13 =	vld.idx.msk [tilespmem:v47+s8+$0x0], $0xffff  }
0x570: {  	v55 =	vor.u32 $0x4, v38;
	[tilespmem:$0x12020] =	vst v8;
	v8 =	vld.idx.msk [tilespmem:v51+s8+$0x0], $0xffff  }
0x571: {  	v56 =	vor.u32 $0x5, v38;
	[tilespmem:$0x122C0] =	vst v1;
	v10 =	vld.idx.msk [tilespmem:v10+s8+$0x0], $0xffff  }
0x572: {  	v58 =	vor.u32 $0x2, v3;
	v59 =	vor.u32 $0x3, v3;
	v62 =	vor.u32 $0x6, v3;
	v7 =	vld.idx.msk [tilespmem:v7+s8+$0x0], $0xffff;
	[tilespmem:$0x12250] =	vst v11  }
0x573: {  	v60 =	vor.u32 $0x4, v3;
	v61 =	vor.u32 $0x5, v3;
	v15 =	vld.idx.msk [tilespmem:v53+s8+$0x0], $0xffff;
	v3 =	vor.u32 $0x7, v3;
	[tilespmem:$0x12140] =	vst v6  }
0x574: {  	v16 =	vld.idx.msk [tilespmem:v54+s8+$0x0], $0xffff;
	[tilespmem:$0x11FB0] =	vst v13  }
0x575: {  	v13 =	vld.idx.msk [tilespmem:v55+s8+$0x0], $0xffff;
	[tilespmem:$0x121C0] =	vst v8  }
0x576: {  	[tilespmem:$0x12030] =	vst v10;
	v10 =	vld.idx.msk [tilespmem:v56+s8+$0x0], $0xffff  }
0x577: {  	[tilespmem:$0x122D0] =	vst v7;
	v1 =	vld.idx.msk [tilespmem:v62+s8+$0x0], $0xffff  }
0x578: {  	v63 =	vor.u32 $0x2, v4;
	v18 =	vor.u32 $0x3, v4;
	v21 =	vor.u32 $0x6, v4;
	[tilespmem:$0x12050] =	vst v15;
	v3 =	vld.idx.msk [tilespmem:v3+s8+$0x0], $0xffff  }
0x579: {  	v19 =	vor.u32 $0x4, v4;
	v20 =	vor.u32 $0x5, v4;
	[tilespmem:$0x120D0] =	vst v16;
	v12 =	vld.idx.msk [tilespmem:v58+s8+$0x0], $0xffff;
	v4 =	vor.u32 $0x7, v4  }
0x57a: {  	v6 =	vld.idx.msk [tilespmem:v59+s8+$0x0], $0xffff;
	[tilespmem:$0x12150] =	vst v13  }
0x57b: {  	v8 =	vld.idx.msk [tilespmem:v60+s8+$0x0], $0xffff;
	[tilespmem:$0x121D0] =	vst v10  }
0x57c: {  	[tilespmem:$0x12260] =	vst v1;
	v14 =	vld.idx.msk [tilespmem:v61+s8+$0x0], $0xffff  }
0x57d: {  	v7 =	vld.idx.msk [tilespmem:v21+s8+$0x0], $0xffff;
	[tilespmem:$0x122E0] =	vst v3  }
0x57e: {  	v22 =	vor.u32 $0x2, v5;
	v23 =	vor.u32 $0x3, v5;
	v26 =	vor.u32 $0x6, v5;
	[tilespmem:$0x12060] =	vst v12;
	v4 =	vld.idx.msk [tilespmem:v4+s8+$0x0], $0xffff  }
0x57f: {  	v24 =	vor.u32 $0x4, v5;
	v25 =	vor.u32 $0x5, v5;
	v12 =	vld.idx.msk [tilespmem:v63+s8+$0x0], $0xffff;
	v5 =	vor.u32 $0x7, v5;
	[tilespmem:$0x120E0] =	vst v6  }
0x580: {  	v13 =	vld.idx.msk [tilespmem:v18+s8+$0x0], $0xffff;
	[tilespmem:$0x12160] =	vst v8  }
0x581: {  	v10 =	vld.idx.msk [tilespmem:v19+s8+$0x0], $0xffff;
	[tilespmem:$0x121E0] =	vst v14  }
0x582: {  	[tilespmem:$0x12270] =	vst v7;
	v11 =	vld.idx.msk [tilespmem:v20+s8+$0x0], $0xffff  }
0x583: {  	v3 =	vld.idx.msk [tilespmem:v26+s8+$0x0], $0xffff;
	[tilespmem:$0x122F0] =	vst v4  }
0x584: {  	v27 =	vor.u32 $0x2, v2;
	v28 =	vor.u32 $0x3, v2;
	v32 =	vor.u32 $0x6, v2;
	[tilespmem:$0x12070] =	vst v12;
	v5 =	vld.idx.msk [tilespmem:v5+s8+$0x0], $0xffff  }
0x585: {  	v30 =	vor.u32 $0x4, v2;
	v31 =	vor.u32 $0x5, v2;
	v2 =	vor.u32 $0x7, v2;
	v6 =	vld.idx.msk [tilespmem:v22+s8+$0x0], $0xffff;
	[tilespmem:$0x120F0] =	vst v13  }
0x586: {  	v8 =	vld.idx.msk [tilespmem:v23+s8+$0x0], $0xffff;
	[tilespmem:$0x12170] =	vst v10  }
0x587: {  	v29 =	vld.idx.msk [tilespmem:v24+s8+$0x0], $0xffff;
	[tilespmem:$0x121F0] =	vst v11  }
0x588: {  	[tilespmem:$0x12280] =	vst v3;
	v1 =	vld.idx.msk [tilespmem:v25+s8+$0x0], $0xffff  }
0x589: {  	v4 =	vld.idx.msk [tilespmem:v32+s8+$0x0], $0xffff;
	[tilespmem:$0x12300] =	vst v5  }
0x58a: {  	v37 =	vor.u32 $0x6, v9;
	v2 =	vld.idx.msk [tilespmem:v2+s8+$0x0], $0xffff;
	[tilespmem:$0x12080] =	vst v6  }
0x58b: {  	v38 =	vor.u32 $0x7, v9;
	v6 =	vld.idx.msk [tilespmem:v27+s8+$0x0], $0xffff;
	[tilespmem:$0x12100] =	vst v8  }
0x58c: {  	v33 =	vor.u32 $0x2, v9;
	v10 =	vld.idx.msk [tilespmem:v28+s8+$0x0], $0xffff;
	[tilespmem:$0x12180] =	vst v29  }
0x58d: {  	v34 =	vor.u32 $0x3, v9;
	v11 =	vld.idx.msk [tilespmem:v30+s8+$0x0], $0xffff;
	[tilespmem:$0x12200] =	vst v1  }
0x58e: {  	v35 =	vor.u32 $0x4, v9;
	[tilespmem:$0x12290] =	vst v4;
	v7 =	vld.idx.msk [tilespmem:v31+s8+$0x0], $0xffff  }
0x58f: {  	v36 =	vor.u32 $0x5, v9;
	v5 =	vld.idx.msk [tilespmem:v37+s8+$0x0], $0xffff;
	[tilespmem:$0x12310] =	vst v2  }
0x590: {  	v43 =	vor.u32 $0x6, v47;
	v44 =	vld.idx.msk [tilespmem:v38+s8+$0x0], $0xffff;
	[tilespmem:$0x12090] =	vst v6  }
0x591: {  	v0 =	vor.u32 $0x7, v47;
	v6 =	vld.idx.msk [tilespmem:v33+s8+$0x0], $0xffff;
	[tilespmem:$0x12110] =	vst v10  }
0x592: {  	v39 =	vor.u32 $0x2, v47;
	v10 =	vld.idx.msk [tilespmem:v34+s8+$0x0], $0xffff;
	[tilespmem:$0x12190] =	vst v11  }
0x593: {  	v40 =	vor.u32 $0x3, v47;
	v1 =	vld.idx.msk [tilespmem:v35+s8+$0x0], $0xffff;
	[tilespmem:$0x12210] =	vst v7  }
0x594: {  	v41 =	vor.u32 $0x4, v47;
	[tilespmem:$0x122A0] =	vst v5;
	v3 =	vld.idx.msk [tilespmem:v36+s8+$0x0], $0xffff  }
0x595: {  	v42 =	vor.u32 $0x5, v47;
	v2 =	vld.idx.msk [tilespmem:v43+s8+$0x0], $0xffff;
	[tilespmem:$0x12320] =	vst v44  }
0x596: {  	v0 =	vld.idx.msk [tilespmem:v0+s8+$0x0], $0xffff;
	[tilespmem:$0x120A0] =	vst v6  }
0x597: {  	v45 =	vld.idx.msk [tilespmem:v39+s8+$0x0], $0xffff;
	[tilespmem:$0x12120] =	vst v10  }
0x598: {  	v46 =	vld.idx.msk [tilespmem:v40+s8+$0x0], $0xffff;
	[tilespmem:$0x121A0] =	vst v1  }
0x599: {  	v1 =	vld.idx.msk [tilespmem:v41+s8+$0x0], $0xffff;
	[tilespmem:$0x12220] =	vst v3  }
0x59a: {  	[tilespmem:$0x122B0] =	vst v2;
	v3 =	vld.idx.msk [tilespmem:v42+s8+$0x0], $0xffff  }
0x59b: {  	[tilespmem:$0x12330] =	vst v0  }
0x59c: {  	[tilespmem:$0x120B0] =	vst v45  }
0x59d: {  	[tilespmem:$0x12130] =	vst v46  }
0x59e: {  	[tilespmem:$0x121B0] =	vst v1  }
0x59f: {  	[tilespmem:$0x12230] =	vst v3  }
0x5a0: {  	v0 =	vld [tilespmem:s15+$0x380];
	_ =	sdelay $0x4  }
0x5a1: {  	v47 =	vshll.u32 v0, $0x3  }
0x5a2: {  	v48 =	vld [tilespmem:s15+$0x390]  }
0x5a3: {  	v49 =	vor.u32 $0x1, v47  }
0x5a4: {  	v3 =	vld [tilespmem:s15+$0x3A0]  }
0x5a5: {  	v50 =	vld [tilespmem:s15+$0x3B0]  }
0x5a6: {  	v6 =	vld.idx.msk [tilespmem:v47+s8+$0x0], $0xffff  }
0x5a7: {  	v5 =	vld [tilespmem:s15+$0x3C0];
	v51 =	vshll.u32 v48, $0x3  }
0x5a8: {  	v52 =	vld.idx.msk [tilespmem:v49+s8+$0x0], $0xffff  }
0x5a9: {  	v53 =	vld [tilespmem:s15+$0x3D0];
	v54 =	vor.u32 $0x1, v51  }
0x5aa: {  	v9 =	vld [tilespmem:s15+$0x3E0]  }
0x5ab: {  	v10 =	vld [tilespmem:s15+$0x3F0];
	[tilespmem:$0x12340] =	vst v6  }
0x5ac: {  	v6 =	vld.idx.msk [tilespmem:v51+s8+$0x0], $0xffff  }
0x5ad: {  	v3 =	vshll.u32 v3, $0x3;
	[tilespmem:$0x123C0] =	vst v52  }
0x5ae: {  	v0 =	vld.idx.msk [tilespmem:v54+s8+$0x0], $0xffff  }
0x5af: {  	v55 =	vor.u32 $0x1, v3;
	_ =	sdelay $0x1  }
0x5b0: {  	[tilespmem:$0x12350] =	vst v6  }
0x5b1: {  	v6 =	vld.idx.msk [tilespmem:v3+s8+$0x0], $0xffff  }
0x5b2: {  	v4 =	vshll.u32 v50, $0x3;
	[tilespmem:$0x123D0] =	vst v0  }
0x5b3: {  	v0 =	vld.idx.msk [tilespmem:v55+s8+$0x0], $0xffff  }
0x5b4: {  	v56 =	vor.u32 $0x1, v4;
	_ =	sdelay $0x1  }
0x5b5: {  	[tilespmem:$0x12360] =	vst v6  }
0x5b6: {  	v6 =	vld.idx.msk [tilespmem:v4+s8+$0x0], $0xffff  }
0x5b7: {  	v5 =	vshll.u32 v5, $0x3;
	[tilespmem:$0x123E0] =	vst v0  }
0x5b8: {  	v0 =	vld.idx.msk [tilespmem:v56+s8+$0x0], $0xffff  }
0x5b9: {  	v57 =	vor.u32 $0x1, v5;
	_ =	sdelay $0x1  }
0x5ba: {  	[tilespmem:$0x12370] =	vst v6  }
0x5bb: {  	v6 =	vld.idx.msk [tilespmem:v5+s8+$0x0], $0xffff  }
0x5bc: {  	v2 =	vshll.u32 v53, $0x3;
	[tilespmem:$0x123F0] =	vst v0  }
0x5bd: {  	v0 =	vld.idx.msk [tilespmem:v57+s8+$0x0], $0xffff  }
0x5be: {  	v58 =	vor.u32 $0x1, v2;
	_ =	sdelay $0x1  }
0x5bf: {  	v1 =	vor.u32 $0x7, v47;
	[tilespmem:$0x12380] =	vst v6  }
0x5c0: {  	v60 =	vor.u32 $0x2, v47;
	v6 =	vld.idx.msk [tilespmem:v2+s8+$0x0], $0xffff  }
0x5c1: {  	v9 =	vshll.u32 v9, $0x3;
	[tilespmem:$0x12400] =	vst v0  }
0x5c2: {  	v61 =	vor.u32 $0x3, v47;
	v0 =	vld.idx.msk [tilespmem:v58+s8+$0x0], $0xffff  }
0x5c3: {  	v59 =	vor.u32 $0x1, v9  }
0x5c4: {  	v20 =	vor.u32 $0x6, v47;
	v1 =	vld.idx.msk [tilespmem:v1+s8+$0x0], $0xffff  }
0x5c5: {  	v7 =	vor.u32 $0x7, v51;
	v11 =	vld.idx.msk [tilespmem:v60+s8+$0x0], $0xffff;
	[tilespmem:$0x12390] =	vst v6  }
0x5c6: {  	v62 =	vor.u32 $0x4, v47;
	v6 =	vld.idx.msk [tilespmem:v9+s8+$0x0], $0xffff  }
0x5c7: {  	v12 =	vld.idx.msk [tilespmem:v61+s8+$0x0], $0xffff;
	[tilespmem:$0x12410] =	vst v0;
	v0 =	vshll.u32 v10, $0x3  }
0x5c8: {  	v63 =	vor.u32 $0x5, v47;
	v8 =	vld.idx.msk [tilespmem:v59+s8+$0x0], $0xffff  }
0x5c9: {  	v14 =	vld.idx.msk [tilespmem:v20+s8+$0x0], $0xffff;
	[tilespmem:$0x126C0] =	vst v1;
	v10 =	vor.u32 $0x1, v0  }
0x5ca: {  	v25 =	vor.u32 $0x6, v51;
	[tilespmem:$0x12440] =	vst v11;
	v7 =	vld.idx.msk [tilespmem:v7+s8+$0x0], $0xffff  }
0x5cb: {  	v21 =	vor.u32 $0x2, v51;
	[tilespmem:$0x123A0] =	vst v6;
	v6 =	vld.idx.msk [tilespmem:v62+s8+$0x0], $0xffff  }
0x5cc: {  	v22 =	vor.u32 $0x3, v51;
	[tilespmem:$0x124C0] =	vst v12;
	v13 =	vld.idx.msk [tilespmem:v0+s8+$0x0], $0xffff  }
0x5cd: {  	v23 =	vor.u32 $0x4, v51;
	v24 =	vor.u32 $0x5, v51;
	[tilespmem:$0x12420] =	vst v8;
	v8 =	vld.idx.msk [tilespmem:v63+s8+$0x0], $0xffff  }
0x5ce: {  	v27 =	vor.u32 $0x2, v3;
	v29 =	vor.u32 $0x3, v3;
	v30 =	vor.u32 $0x4, v3;
	[tilespmem:$0x12640] =	vst v14;
	v10 =	vld.idx.msk [tilespmem:v10+s8+$0x0], $0xffff  }
0x5cf: {  	v31 =	vor.u32 $0x5, v3;
	v32 =	vor.u32 $0x6, v3;
	v11 =	vld.idx.msk [tilespmem:v25+s8+$0x0], $0xffff;
	v3 =	vor.u32 $0x7, v3;
	[tilespmem:$0x126D0] =	vst v7  }
0x5d0: {  	v26 =	vld.idx.msk [tilespmem:v21+s8+$0x0], $0xffff;
	[tilespmem:$0x12540] =	vst v6  }
0x5d1: {  	v28 =	vld.idx.msk [tilespmem:v22+s8+$0x0], $0xffff;
	[tilespmem:$0x123B0] =	vst v13  }
0x5d2: {  	[tilespmem:$0x125C0] =	vst v8;
	v13 =	vld.idx.msk [tilespmem:v23+s8+$0x0], $0xffff  }
0x5d3: {  	[tilespmem:$0x12430] =	vst v10;
	v10 =	vld.idx.msk [tilespmem:v24+s8+$0x0], $0xffff  }
0x5d4: {  	v33 =	vor.u32 $0x2, v4;
	v34 =	vor.u32 $0x3, v4;
	v35 =	vor.u32 $0x4, v4;
	[tilespmem:$0x12650] =	vst v11;
	v3 =	vld.idx.msk [tilespmem:v3+s8+$0x0], $0xffff  }
0x5d5: {  	v36 =	vor.u32 $0x5, v4;
	v37 =	vor.u32 $0x6, v4;
	[tilespmem:$0x12450] =	vst v26;
	v12 =	vld.idx.msk [tilespmem:v32+s8+$0x0], $0xffff;
	v4 =	vor.u32 $0x7, v4  }
0x5d6: {  	[tilespmem:$0x124D0] =	vst v28;
	v6 =	vld.idx.msk [tilespmem:v27+s8+$0x0], $0xffff  }
0x5d7: {  	v8 =	vld.idx.msk [tilespmem:v29+s8+$0x0], $0xffff;
	[tilespmem:$0x12550] =	vst v13  }
0x5d8: {  	[tilespmem:$0x125D0] =	vst v10;
	v14 =	vld.idx.msk [tilespmem:v30+s8+$0x0], $0xffff  }
0x5d9: {  	[tilespmem:$0x126E0] =	vst v3;
	v1 =	vld.idx.msk [tilespmem:v31+s8+$0x0], $0xffff  }
0x5da: {  	v39 =	vor.u32 $0x2, v5;
	v40 =	vor.u32 $0x3, v5;
	v41 =	vor.u32 $0x4, v5;
	[tilespmem:$0x12660] =	vst v12;
	v4 =	vld.idx.msk [tilespmem:v4+s8+$0x0], $0xffff  }
0x5db: {  	v42 =	vor.u32 $0x5, v5;
	v43 =	vor.u32 $0x6, v5;
	v5 =	vor.u32 $0x7, v5;
	[tilespmem:$0x12460] =	vst v6;
	v6 =	vld.idx.msk [tilespmem:v37+s8+$0x0], $0xffff  }
0x5dc: {  	[tilespmem:$0x124E0] =	vst v8;
	v38 =	vld.idx.msk [tilespmem:v33+s8+$0x0], $0xffff  }
0x5dd: {  	v10 =	vld.idx.msk [tilespmem:v34+s8+$0x0], $0xffff;
	[tilespmem:$0x12560] =	vst v14  }
0x5de: {  	[tilespmem:$0x125E0] =	vst v1;
	v11 =	vld.idx.msk [tilespmem:v35+s8+$0x0], $0xffff  }
0x5df: {  	[tilespmem:$0x126F0] =	vst v4;
	v7 =	vld.idx.msk [tilespmem:v36+s8+$0x0], $0xffff  }
0x5e0: {  	v45 =	vor.u32 $0x2, v2;
	v46 =	vor.u32 $0x3, v2;
	v48 =	vor.u32 $0x5, v2;
	v5 =	vld.idx.msk [tilespmem:v5+s8+$0x0], $0xffff;
	[tilespmem:$0x12670] =	vst v6  }
0x5e1: {  	v47 =	vor.u32 $0x4, v2;
	v49 =	vor.u32 $0x6, v2;
	v2 =	vor.u32 $0x7, v2;
	[tilespmem:$0x12470] =	vst v38;
	v8 =	vld.idx.msk [tilespmem:v43+s8+$0x0], $0xffff  }
0x5e2: {  	[tilespmem:$0x124F0] =	vst v10;
	v44 =	vld.idx.msk [tilespmem:v39+s8+$0x0], $0xffff  }
0x5e3: {  	v1 =	vld.idx.msk [tilespmem:v40+s8+$0x0], $0xffff;
	[tilespmem:$0x12570] =	vst v11  }
0x5e4: {  	[tilespmem:$0x125F0] =	vst v7;
	v12 =	vld.idx.msk [tilespmem:v41+s8+$0x0], $0xffff  }
0x5e5: {  	[tilespmem:$0x12700] =	vst v5;
	v3 =	vld.idx.msk [tilespmem:v42+s8+$0x0], $0xffff  }
0x5e6: {  	v53 =	vor.u32 $0x4, v9;
	v51 =	vor.u32 $0x2, v9;
	v52 =	vor.u32 $0x3, v9;
	v2 =	vld.idx.msk [tilespmem:v2+s8+$0x0], $0xffff;
	[tilespmem:$0x12680] =	vst v8  }
0x5e7: {  	v54 =	vor.u32 $0x5, v9;
	v55 =	vor.u32 $0x6, v9;
	v9 =	vor.u32 $0x7, v9;
	[tilespmem:$0x12480] =	vst v44;
	v10 =	vld.idx.msk [tilespmem:v49+s8+$0x0], $0xffff  }
0x5e8: {  	[tilespmem:$0x12500] =	vst v1;
	v50 =	vld.idx.msk [tilespmem:v45+s8+$0x0], $0xffff  }
0x5e9: {  	v7 =	vld.idx.msk [tilespmem:v46+s8+$0x0], $0xffff;
	[tilespmem:$0x12580] =	vst v12  }
0x5ea: {  	[tilespmem:$0x12600] =	vst v3;
	v6 =	vld.idx.msk [tilespmem:v47+s8+$0x0], $0xffff  }
0x5eb: {  	[tilespmem:$0x12710] =	vst v2;
	v4 =	vld.idx.msk [tilespmem:v48+s8+$0x0], $0xffff  }
0x5ec: {  	v57 =	vor.u32 $0x2, v0;
	v58 =	vor.u32 $0x3, v0;
	v59 =	vor.u32 $0x4, v0;
	v9 =	vld.idx.msk [tilespmem:v9+s8+$0x0], $0xffff;
	[tilespmem:$0x12690] =	vst v10  }
0x5ed: {  	v60 =	vor.u32 $0x5, v0;
	v61 =	vor.u32 $0x6, v0;
	v0 =	vor.u32 $0x7, v0;
	[tilespmem:$0x12490] =	vst v50;
	v1 =	vld.idx.msk [tilespmem:v55+s8+$0x0], $0xffff  }
0x5ee: {  	[tilespmem:$0x12510] =	vst v7;
	v56 =	vld.idx.msk [tilespmem:v51+s8+$0x0], $0xffff  }
0x5ef: {  	v3 =	vld.idx.msk [tilespmem:v52+s8+$0x0], $0xffff;
	[tilespmem:$0x12590] =	vst v6  }
0x5f0: {  	[tilespmem:$0x12610] =	vst v4;
	v8 =	vld.idx.msk [tilespmem:v53+s8+$0x0], $0xffff  }
0x5f1: {  	[tilespmem:$0x12720] =	vst v9;
	v5 =	vld.idx.msk [tilespmem:v54+s8+$0x0], $0xffff  }
0x5f2: {  	v0 =	vld.idx.msk [tilespmem:v0+s8+$0x0], $0xffff;
	[tilespmem:$0x126A0] =	vst v1  }
0x5f3: {  	[tilespmem:$0x124A0] =	vst v56;
	v1 =	vld.idx.msk [tilespmem:v61+s8+$0x0], $0xffff  }
0x5f4: {  	[tilespmem:$0x12520] =	vst v3;
	v62 =	vld.idx.msk [tilespmem:v57+s8+$0x0], $0xffff  }
0x5f5: {  	v4 =	vld.idx.msk [tilespmem:v58+s8+$0x0], $0xffff;
	[tilespmem:$0x125A0] =	vst v8  }
0x5f6: {  	v63 =	vld.idx.msk [tilespmem:v59+s8+$0x0], $0xffff;
	[tilespmem:$0x12620] =	vst v5  }
0x5f7: {  	s12 =	sadd.s32 $0x2, s12;
	[tilespmem:$0x12730] =	vst v0;
	v2 =	vld.idx.msk [tilespmem:v60+s8+$0x0], $0xffff  }
0x5f8: {  	p0 =	sne.s32 s12, $0xC4;
	s14 =	smul.u32 $0xFA000, s14;
	[tilespmem:$0x126B0] =	vst v1  }
.Ltmp0:
0x5f9: {  	s30 =	sshll.u32 s13, $0xD;
	[tilespmem:$0x124B0] =	vst v62;
	(pc) =	sbr.rel @p0 .LBB2_2-.Ltmp0, $4  }
0x5fa: {  	s14 =	sadd.s32 s30, s14;
	[tilespmem:$0x12530] =	vst v4  }
0x5fb: {  	s14 =	sshrl.u32 s14, $0x3;
	[tilespmem:$0x125B0] =	vst v63  }
0x5fc: {  	s14 =	sadd.s32 s2, s14;
	s31 =	rddreg [dreg:$0x5];
	[tilespmem:$0x12630] =	vst v2  }
0x5fd: {  	[hbm4b:s14+s3] =	stream.linear.scatter [tilespmem:s31], [sflag:$0x2], $0x2000, $0x38;
	[tilespmem:$0x12740] =	vst v63  }
0x5fe: {  	s11 =	sadd.s32 $0x1, s11  }
0x5ff: {  	_ =	swait.ge [sflag:s9], $0x2000;
	p0 =	sne.s32 s11, s6  }
.Ltmp1:
0x600: {  	[sflag:s9] =	ssyncset.done $0x0;
	(pc) =	sbr.rel @p0 .LBB2_1-.Ltmp1, $4  }
0x601: {  	[sflag:s9] =	ssyncadd.s32 $0xFFFFE000  }
0x602: {  	_ =	swait.ge [sflag:s10], $0x2000  }
0x603: {  	[sflag:s10] =	ssyncset.done $0x0  }
0x604: {  	[sflag:s10] =	ssyncadd.s32 $0xFFFFE000  }
0x605: {  	_ =	sfence.sel $0x180000  }
0x606: {  	[bflag:$0x0] =	sbarrier.arrive $0xFFFF  }
0x607: {  	p0 =	sne.s32 s1, $0x0;
	_ =	strace $0x90000047  }
0x608: {  	s0 =	sadd.s32 @!p0 $0x100000, s0;
	[bflag:$0x2] =	sbarrier.arrive $0xFFFF  }
0x609: {  	[sflag:s0] =	ssyncadd.tile.s32 @!p0 $0x1;
	_ =	shalt  }
.Lfunc_end2:
_tile_overlayer_lowered:
.L_overlay_start_2:
0x60a: {  	(tag) =	ssettag $0x2  }
0x60b: {  	s0 =	rddreg [dreg:$0x0];
	s2 =	stileid.u32  }
0x60c: {  	s1 =	rddreg [dreg:$0x1];
	p0 =	sne.s32 s2, $0x0  }
0x60d: {  	s3 =	rddreg [dreg:$0x2];
	[bflag:$0x3] =	sbarrier.arrive $0xFFFF;
	s2 =	simm.s32 @!p0 $0x1C03  }
0x60e: {  	[timem:s3], [sflag:s2] =	dma.local @!p0 [hbm:s0], s1  }
0x60f: {  	s0 =	simm.s32 @!p0 $0x3  }
0x610: {  	_ =	swait.ge @!p0 [sflag:s0], s1  }
0x611: {  	s1 =	ssub.s32 @!p0 $0x0, s1;
	[sflag:s0] =	ssyncset.done @!p0 $0x0  }
0x612: {  	[sflag:s0] =	ssyncadd.s32 @!p0 s1  }
0x613: {  	[bflag:$0x3] =	sbarrier.arrive $0xFFFF  }
0x614: {  	_ =	shalt  }

</sc_bundles>
